<compile_context>
chip_gen: v7x
topology: tpu7x:2x2x1
jax: 0.10.2.dev20260603
libtpu: 0.0.44.dev20260713+nightly
codegen_flags: <defaults>
</compile_context>

<pallas_src>
import functools

import jax
import jax.numpy as jnp
from jax import lax
from jax.experimental import pallas as pl
from jax.experimental.pallas import tpu as pltpu
from jax.experimental.pallas import tpu_sc as plsc

_D = 64
_CHUNK = 100
_NBUF = 8
_LANES = 16


def _sc_body(idx_hbm, table_hbm, out_hbm, idx_v, rows_v, out_v,
             *sems, nc, cpw, rpw):
    wid = lax.axis_index("s") * nc + lax.axis_index("c")

    pltpu.sync_copy(idx_hbm.at[pl.ds(wid * cpw, cpw)], idx_v)

    def fire(j, slot):
        pltpu.async_copy(table_hbm.at[idx_v.at[j]], rows_v.at[slot], sems[slot])

    for slot in range(_NBUF):
        fire(slot, slot)

    zero = jnp.zeros((_LANES,), jnp.float32)
    ngrp = _D // _LANES

    def reduce_chunk(slot, accs):
        def step(s, a):
            a0, a1, a2, a3 = a
            w0 = rows_v[slot, s, pl.ds(0, _LANES)]
            w1 = rows_v[slot, s, pl.ds(_LANES, _LANES)]
            u0 = lax.bitcast_convert_type(w0, jnp.uint32)
            u1 = lax.bitcast_convert_type(w1, jnp.uint32)
            msk = jnp.uint32(0xFFFF0000)
            a0 = a0 + lax.bitcast_convert_type(u0 << 16, jnp.float32)
            a2 = a2 + lax.bitcast_convert_type(u0 & msk, jnp.float32)
            a1 = a1 + lax.bitcast_convert_type(u1 << 16, jnp.float32)
            a3 = a3 + lax.bitcast_convert_type(u1 & msk, jnp.float32)
            return (a0, a1, a2, a3)
        return lax.fori_loop(0, _CHUNK, step, accs, unroll=10)

    rows_per_group = _NBUF // 2

    def group_body(g, carry):
        for r2 in range(rows_per_group):
            accs = (zero,) * ngrp
            for h in range(2):
                slot = 2 * r2 + h
                j = _NBUF * g + slot
                pltpu.make_async_copy(table_hbm.at[idx_v.at[j]],
                                      rows_v.at[slot], sems[slot]).wait()
                accs = reduce_chunk(slot, accs)
                nj = j + _NBUF

                @pl.when(nj < cpw)
                def _(nj=nj, slot=slot):
                    fire(nj, slot)

            row = rows_per_group * g + r2
            for c in range(ngrp):
                out_v[row, pl.ds(_LANES * c, _LANES)] = accs[c]
        return carry

    lax.fori_loop(0, rpw // rows_per_group, group_body, 0)
    pltpu.sync_copy(out_v, out_hbm.at[pl.ds(wid * rpw, rpw)])


def _sc_pool(idx2, table):
    info = plsc.get_sparse_core_info()
    nc, ns = info.num_cores, info.num_subcores
    nw = nc * ns
    nch = idx2.shape[0]
    bsz = nch * _CHUNK // 200
    cpw = nch // nw
    rpw = bsz // nw
    mesh = plsc.VectorSubcoreMesh(core_axis_name="c", subcore_axis_name="s")
    kfn = pl.kernel(
        functools.partial(_sc_body, nc=nc, cpw=cpw, rpw=rpw),
        mesh=mesh,
        out_type=jax.ShapeDtypeStruct((bsz, _D), jnp.float32),
        scratch_types=[
            pltpu.VMEM((cpw, _CHUNK), jnp.int32),
            pltpu.VMEM((_NBUF, _CHUNK, _D // 2), jnp.float32),
            pltpu.VMEM((rpw, _D), jnp.float32),
        ] + [pltpu.SemaphoreType.DMA] * _NBUF,
        compiler_params=pltpu.CompilerParams(use_tc_tiling_on_sc=False),
    )
    return kfn(idx2, table)


_TBK = 32768


def _tc_linearize(tt, enc_t):
    v = tt.shape[1]
    grid = (v + _TBK - 1) // _TBK
    q = _TBK // 4

    def body(in_ref, enc_ref, out_ref, idx_ref):
        @pl.when(pl.program_id(0) == 0)
        def _():
            idx_ref[...] = _remap_idx(enc_ref[...])

        x = in_ref[...]
        u = lax.bitcast_convert_type(x, jnp.uint32)
        b = (u + 0x7FFF + ((u >> 16) & 1)) >> 16
        parts = []
        for g in range(4):
            bg = b[:, g * q:(g + 1) * q]
            parts.append((bg[32:64, :] << 16) | bg[0:32, :])
        stack = jnp.concatenate(parts, axis=0)
        out_ref[...] = lax.bitcast_convert_type(stack, jnp.float32).T

    seq, bsz = enc_t.shape
    return pl.pallas_call(
        body,
        grid=(grid,),
        in_specs=[pl.BlockSpec((64, _TBK), lambda i: (0, i)),
                  pl.BlockSpec((seq, bsz), lambda i: (0, 0))],
        out_specs=[pl.BlockSpec((q, 128), lambda i: (i, 0)),
                   pl.BlockSpec((seq, bsz), lambda i: (0, 0))],
        out_shape=[jax.ShapeDtypeStruct((grid * q, 128), jnp.float32),
                   jax.ShapeDtypeStruct((seq, bsz), jnp.int32)],
    )(tt, enc_t)


def _remap_idx(enc):
    q = _TBK // 4
    i = enc // _TBK
    j = enc % _TBK
    return (i * q + j % q) * 4 + j // q


def _tc_head(pooled, mask_t, catv_t, c0, c1, c2, w, b):
    bsz = pooled.shape[0]
    ncls = w.shape[1]

    def body(pooled_ref, mask_ref, catv_ref, c0_ref, c1_ref, c2_ref,
             w_ref, b_ref, out_ref):
        denom = jnp.clip(jnp.sum(mask_ref[...], axis=0, keepdims=True),
                         1.0, None)
        xt = pooled_ref[...].T / denom
        cv = catv_ref[...]
        for col, cref in ((0, c0_ref), (1, c1_ref), (2, c2_ref)):
            n = cref.shape[0]
            oh = (lax.broadcasted_iota(jnp.int32, (n, bsz), 0)
                  == cv[col:col + 1, :]).astype(jnp.float32)
            xt = xt + jnp.dot(cref[...].T, oh,
                              preferred_element_type=jnp.float32)
        out_ref[...] = (jnp.dot(w_ref[...].T, xt,
                                preferred_element_type=jnp.float32)
                        + b_ref[...].T)

    return pl.pallas_call(
        body,
        out_shape=jax.ShapeDtypeStruct((ncls, bsz), jnp.float32),
    )(pooled, mask_t, catv_t, c0, c1, c2, w, b.reshape(1, ncls))


def kernel(encoded_text, attention_mask, categorical_vars, emb_table,
           cat_emb0, cat_emb1, cat_emb2, W, b):
    bsz, seq = encoded_text.shape
    tlin2, idxt = _tc_linearize(emb_table.T, encoded_text.astype(jnp.int32).T)
    tlin = tlin2.reshape(tlin2.shape[0] * 4, 32)
    idx2 = idxt.T.reshape(bsz * seq // _CHUNK, _CHUNK)
    pooled = _sc_pool(idx2, tlin)
    logits_t = _tc_head(pooled, attention_mask.T, categorical_vars.T,
                        cat_emb0, cat_emb1, cat_emb2, W, b)
    return logits_t.T

# --- scband reference (transcript-rebuilt; emitter-appended) ---
"""Pipeline reference for scband-text-classification-model-56968446214394 (READ-ONLY COPY).

The authoritative reference and input builder live on the scoring server;
editing this copy changes nothing except your own understanding.
"""

import jax, jax.numpy as jnp
import numpy as np

VOCAB = 1000000
EMB_DIM = 64
BATCH = 4096
SEQ = 200
NUM_CLASSES = 732
CAT_VOCABS = [10, 50, 100]
PADDING_IDX = 0


def setup_inputs(seed: int = 0) -> dict:
    key = jax.random.key(seed)
    k1, k2, k3, k4, k5, k6, k7, k8 = jax.random.split(key, 8)
    encoded_text = jax.random.randint(k1, (BATCH, SEQ), 0, VOCAB, dtype=jnp.int64 if jax.config.jax_enable_x64 else jnp.int32)
    attention_mask = jnp.ones((BATCH, SEQ), dtype=jnp.float32)
    categorical_vars = jax.random.randint(k2, (BATCH, 3), 0, 10, dtype=jnp.int32)
    emb_table = jax.random.normal(k3, (VOCAB, EMB_DIM), dtype=jnp.float32) * 0.02
    emb_table = emb_table.at[PADDING_IDX].set(0.0)
    cat_emb0 = jax.random.normal(k4, (CAT_VOCABS[0], EMB_DIM), dtype=jnp.float32) * 0.02
    cat_emb1 = jax.random.normal(k5, (CAT_VOCABS[1], EMB_DIM), dtype=jnp.float32) * 0.02
    cat_emb2 = jax.random.normal(k6, (CAT_VOCABS[2], EMB_DIM), dtype=jnp.float32) * 0.02
    W = jax.random.normal(k7, (EMB_DIM, NUM_CLASSES), dtype=jnp.float32) * (1.0 / np.sqrt(EMB_DIM))
    b = jnp.zeros((NUM_CLASSES,), dtype=jnp.float32)
    return {
        "encoded_text": encoded_text,
        "attention_mask": attention_mask,
        "categorical_vars": categorical_vars,
        "emb_table": emb_table,
        "cat_emb0": cat_emb0,
        "cat_emb1": cat_emb1,
        "cat_emb2": cat_emb2,
        "W": W,
        "b": b,
    }


def reference(encoded_text, attention_mask, categorical_vars, emb_table, cat_emb0, cat_emb1, cat_emb2, W, b):
    # nn.Embedding with padding_idx=0: row 0 is zero
    table = emb_table.at[PADDING_IDX].set(0.0)
    token_embeddings = jnp.take(table, encoded_text, axis=0)  # [B, S, D]
    denom = jnp.clip(jnp.sum(attention_mask, axis=1, keepdims=True), 1.0, None)
    sentence_embedding = jnp.sum(token_embeddings, axis=1) / denom
    x_text = jnp.nan_to_num(sentence_embedding, nan=0.0)
    # CategoricalVariableNet, SUM_TO_TEXT: sum per-field embeddings, add to text embedding
    x_cat = (
        jnp.take(cat_emb0, categorical_vars[:, 0], axis=0)
        + jnp.take(cat_emb1, categorical_vars[:, 1], axis=0)
        + jnp.take(cat_emb2, categorical_vars[:, 2], axis=0)
    )
    x_combined = x_text + x_cat
    logits = x_combined @ W + b
    return logits

if __name__ == "__main__":
    import jax
    _d = setup_inputs()
    print(jax.jit(kernel)(*tuple(_d.values())))

</pallas_src>

<mosaic_0001>
#map = affine_map<(d0, d1) -> (0, 0)>
module attributes {stable_mosaic.version = 14 : i64} {
  func.func @_sc_body(%arg0: i32, %arg1: i32, %arg2: memref<8192x100xi32, #tpu.memory_space<hbm>>, %arg3: memref<1015808x32xf32, #tpu.memory_space<hbm>>, %arg4: memref<4096x64xf32, #tpu.memory_space<hbm>>, %arg5: memref<256x100xi32, #tpu.memory_space<vmem>>, %arg6: memref<8x100x32xf32, #tpu.memory_space<vmem>>, %arg7: memref<128x64xf32, #tpu.memory_space<vmem>>, %arg8: memref<!tpu.dma_semaphore, #tpu.memory_space<semaphore_mem>>, %arg9: memref<!tpu.dma_semaphore, #tpu.memory_space<semaphore_mem>>, %arg10: memref<!tpu.dma_semaphore, #tpu.memory_space<semaphore_mem>>, %arg11: memref<!tpu.dma_semaphore, #tpu.memory_space<semaphore_mem>>, %arg12: memref<!tpu.dma_semaphore, #tpu.memory_space<semaphore_mem>>, %arg13: memref<!tpu.dma_semaphore, #tpu.memory_space<semaphore_mem>>, %arg14: memref<!tpu.dma_semaphore, #tpu.memory_space<semaphore_mem>>, %arg15: memref<!tpu.dma_semaphore, #tpu.memory_space<semaphore_mem>>) attributes {dimension_semantics = [#tpu.dimension_semantics<core_parallel>, #tpu.dimension_semantics<subcore_parallel>], iteration_bounds = array<i64: 2, 16>, scalar_prefetch = 0 : i64, scratch_operands = 11 : i64, tpu.core_type = #tpu.core_type<sc_vector_subcore>, window_params = [{transform_indices = #map}, {transform_indices = #map}, {transform_indices = #map}]} {
    %mul3A = arith.constant 2 : i32
    %mul3A_0 = arith.muli %arg1, %mul3A : i32
    %add3A = arith.addi %mul3A_0, %arg0 : i32
    %mul3A_1 = arith.constant 256 : i32
    %mul3A_2 = arith.muli %add3A, %mul3A_1 : i32
    "tpu.region"() ({
      %run_scoped3A = tpu.sem_alloc : memref<!tpu.dma_semaphore, #tpu.memory_space<semaphore_mem>>
      %dma_start3A_106 = arith.constant 0 : i32
      %dma_start3A_107 = tpu.memref_slice %arg2[%mul3A_2, %dma_start3A_106] : memref<8192x100xi32, #tpu.memory_space<hbm>> -> memref<256x100xi32, #tpu.memory_space<hbm>>
      %dma_start3A_108 = arith.constant 0 : i32
      %dma_start3A_109 = tpu.memref_slice %arg2[%mul3A_2, %dma_start3A_108] : memref<8192x100xi32, #tpu.memory_space<hbm>> -> memref<256x100xi32, #tpu.memory_space<hbm>>
      tpu.enqueue_dma source(%dma_start3A_109 : memref<256x100xi32, #tpu.memory_space<hbm>>) target(%arg5 : memref<256x100xi32, #tpu.memory_space<vmem>>) target_semaphore(%run_scoped3A : memref<!tpu.dma_semaphore, #tpu.memory_space<semaphore_mem>>)
      %dma_wait3A = arith.constant 0 : i32
      %dma_wait3A_110 = tpu.memref_slice %arg2[%mul3A_2, %dma_wait3A] : memref<8192x100xi32, #tpu.memory_space<hbm>> -> memref<256x100xi32, #tpu.memory_space<hbm>>
      %dma_wait3A_111 = arith.constant 0 : i32
      %dma_wait3A_112 = tpu.memref_slice %arg2[%mul3A_2, %dma_wait3A_111] : memref<8192x100xi32, #tpu.memory_space<hbm>> -> memref<256x100xi32, #tpu.memory_space<hbm>>
      tpu.wait_dma2 semaphore(%run_scoped3A : memref<!tpu.dma_semaphore, #tpu.memory_space<semaphore_mem>>) src(%dma_wait3A_112 : memref<256x100xi32, #tpu.memory_space<hbm>>) dst(%arg5 : memref<256x100xi32, #tpu.memory_space<vmem>>)
      tpu.yield
    }) : () -> ()
    %dma_start3A = arith.constant 0 : i32
    %dma_start3A_3 = arith.constant 0 : i32
    %dma_start3A_4 = arith.constant 0 : i32
    %dma_start3A_5 = arith.constant 0 : i32
    %dma_start3A_6 = tpu.memref_slice %arg6[%dma_start3A_3, %dma_start3A_4, %dma_start3A_5] : memref<8x100x32xf32, #tpu.memory_space<vmem>> -> memref<1x100x32xf32, #tpu.memory_space<vmem>>
    %dma_start3A_7 = tpu.memref_squeeze %dma_start3A_6 : memref<1x100x32xf32, #tpu.memory_space<vmem>> -> memref<100x32xf32, #tpu.memory_space<vmem>>
    %dma_start3A_8 = arith.constant 0 : i32
    %dma_start3A_9 = tpu.memref_slice %arg5[%dma_start3A, %dma_start3A_8] : memref<256x100xi32, #tpu.memory_space<vmem>> -> memref<1x100xi32, #tpu.memory_space<vmem>>
    %dma_start3A_10 = tpu.memref_squeeze %dma_start3A_9 : memref<1x100xi32, #tpu.memory_space<vmem>> -> memref<100xi32, #tpu.memory_space<vmem>>
    %dma_start3A_11 = arith.constant 0 : i32
    %dma_start3A_12 = arith.constant 0 : i32
    %dma_start3A_13 = tpu.memref_slice %arg3[%dma_start3A_11, %dma_start3A_12] : memref<1015808x32xf32, #tpu.memory_space<hbm>> -> memref<1015808x32xf32, #tpu.memory_space<hbm>>
    tpu.enqueue_indirect_dma source(%dma_start3A_13 : memref<1015808x32xf32, #tpu.memory_space<hbm>>) target(%dma_start3A_7 : memref<100x32xf32, #tpu.memory_space<vmem>>) offsets(%dma_start3A_10 : memref<100xi32, #tpu.memory_space<vmem>>) semaphore(%arg8 : memref<!tpu.dma_semaphore, #tpu.memory_space<semaphore_mem>>)
    %dma_start3A_14 = arith.constant 1 : i32
    %dma_start3A_15 = arith.constant 1 : i32
    %dma_start3A_16 = arith.constant 0 : i32
    %dma_start3A_17 = arith.constant 0 : i32
    %dma_start3A_18 = tpu.memref_slice %arg6[%dma_start3A_15, %dma_start3A_16, %dma_start3A_17] : memref<8x100x32xf32, #tpu.memory_space<vmem>> -> memref<1x100x32xf32, #tpu.memory_space<vmem>>
    %dma_start3A_19 = tpu.memref_squeeze %dma_start3A_18 : memref<1x100x32xf32, #tpu.memory_space<vmem>> -> memref<100x32xf32, #tpu.memory_space<vmem>>
    %dma_start3A_20 = arith.constant 0 : i32
    %dma_start3A_21 = tpu.memref_slice %arg5[%dma_start3A_14, %dma_start3A_20] : memref<256x100xi32, #tpu.memory_space<vmem>> -> memref<1x100xi32, #tpu.memory_space<vmem>>
    %dma_start3A_22 = tpu.memref_squeeze %dma_start3A_21 : memref<1x100xi32, #tpu.memory_space<vmem>> -> memref<100xi32, #tpu.memory_space<vmem>>
    %dma_start3A_23 = arith.constant 0 : i32
    %dma_start3A_24 = arith.constant 0 : i32
    %dma_start3A_25 = tpu.memref_slice %arg3[%dma_start3A_23, %dma_start3A_24] : memref<1015808x32xf32, #tpu.memory_space<hbm>> -> memref<1015808x32xf32, #tpu.memory_space<hbm>>
    tpu.enqueue_indirect_dma source(%dma_start3A_25 : memref<1015808x32xf32, #tpu.memory_space<hbm>>) target(%dma_start3A_19 : memref<100x32xf32, #tpu.memory_space<vmem>>) offsets(%dma_start3A_22 : memref<100xi32, #tpu.memory_space<vmem>>) semaphore(%arg9 : memref<!tpu.dma_semaphore, #tpu.memory_space<semaphore_mem>>)
    %dma_start3A_26 = arith.constant 2 : i32
    %dma_start3A_27 = arith.constant 2 : i32
    %dma_start3A_28 = arith.constant 0 : i32
    %dma_start3A_29 = arith.constant 0 : i32
    %dma_start3A_30 = tpu.memref_slice %arg6[%dma_start3A_27, %dma_start3A_28, %dma_start3A_29] : memref<8x100x32xf32, #tpu.memory_space<vmem>> -> memref<1x100x32xf32, #tpu.memory_space<vmem>>
    %dma_start3A_31 = tpu.memref_squeeze %dma_start3A_30 : memref<1x100x32xf32, #tpu.memory_space<vmem>> -> memref<100x32xf32, #tpu.memory_space<vmem>>
    %dma_start3A_32 = arith.constant 0 : i32
    %dma_start3A_33 = tpu.memref_slice %arg5[%dma_start3A_26, %dma_start3A_32] : memref<256x100xi32, #tpu.memory_space<vmem>> -> memref<1x100xi32, #tpu.memory_space<vmem>>
    %dma_start3A_34 = tpu.memref_squeeze %dma_start3A_33 : memref<1x100xi32, #tpu.memory_space<vmem>> -> memref<100xi32, #tpu.memory_space<vmem>>
    %dma_start3A_35 = arith.constant 0 : i32
    %dma_start3A_36 = arith.constant 0 : i32
    %dma_start3A_37 = tpu.memref_slice %arg3[%dma_start3A_35, %dma_start3A_36] : memref<1015808x32xf32, #tpu.memory_space<hbm>> -> memref<1015808x32xf32, #tpu.memory_space<hbm>>
    tpu.enqueue_indirect_dma source(%dma_start3A_37 : memref<1015808x32xf32, #tpu.memory_space<hbm>>) target(%dma_start3A_31 : memref<100x32xf32, #tpu.memory_space<vmem>>) offsets(%dma_start3A_34 : memref<100xi32, #tpu.memory_space<vmem>>) semaphore(%arg10 : memref<!tpu.dma_semaphore, #tpu.memory_space<semaphore_mem>>)
    %dma_start3A_38 = arith.constant 3 : i32
    %dma_start3A_39 = arith.constant 3 : i32
    %dma_start3A_40 = arith.constant 0 : i32
    %dma_start3A_41 = arith.constant 0 : i32
    %dma_start3A_42 = tpu.memref_slice %arg6[%dma_start3A_39, %dma_start3A_40, %dma_start3A_41] : memref<8x100x32xf32, #tpu.memory_space<vmem>> -> memref<1x100x32xf32, #tpu.memory_space<vmem>>
    %dma_start3A_43 = tpu.memref_squeeze %dma_start3A_42 : memref<1x100x32xf32, #tpu.memory_space<vmem>> -> memref<100x32xf32, #tpu.memory_space<vmem>>
    %dma_start3A_44 = arith.constant 0 : i32
    %dma_start3A_45 = tpu.memref_slice %arg5[%dma_start3A_38, %dma_start3A_44] : memref<256x100xi32, #tpu.memory_space<vmem>> -> memref<1x100xi32, #tpu.memory_space<vmem>>
    %dma_start3A_46 = tpu.memref_squeeze %dma_start3A_45 : memref<1x100xi32, #tpu.memory_space<vmem>> -> memref<100xi32, #tpu.memory_space<vmem>>
    %dma_start3A_47 = arith.constant 0 : i32
    %dma_start3A_48 = arith.constant 0 : i32
    %dma_start3A_49 = tpu.memref_slice %arg3[%dma_start3A_47, %dma_start3A_48] : memref<1015808x32xf32, #tpu.memory_space<hbm>> -> memref<1015808x32xf32, #tpu.memory_space<hbm>>
    tpu.enqueue_indirect_dma source(%dma_start3A_49 : memref<1015808x32xf32, #tpu.memory_space<hbm>>) target(%dma_start3A_43 : memref<100x32xf32, #tpu.memory_space<vmem>>) offsets(%dma_start3A_46 : memref<100xi32, #tpu.memory_space<vmem>>) semaphore(%arg11 : memref<!tpu.dma_semaphore, #tpu.memory_space<semaphore_mem>>)
    %dma_start3A_50 = arith.constant 4 : i32
    %dma_start3A_51 = arith.constant 4 : i32
    %dma_start3A_52 = arith.constant 0 : i32
    %dma_start3A_53 = arith.constant 0 : i32
    %dma_start3A_54 = tpu.memref_slice %arg6[%dma_start3A_51, %dma_start3A_52, %dma_start3A_53] : memref<8x100x32xf32, #tpu.memory_space<vmem>> -> memref<1x100x32xf32, #tpu.memory_space<vmem>>
    %dma_start3A_55 = tpu.memref_squeeze %dma_start3A_54 : memref<1x100x32xf32, #tpu.memory_space<vmem>> -> memref<100x32xf32, #tpu.memory_space<vmem>>
    %dma_start3A_56 = arith.constant 0 : i32
    %dma_start3A_57 = tpu.memref_slice %arg5[%dma_start3A_50, %dma_start3A_56] : memref<256x100xi32, #tpu.memory_space<vmem>> -> memref<1x100xi32, #tpu.memory_space<vmem>>
    %dma_start3A_58 = tpu.memref_squeeze %dma_start3A_57 : memref<1x100xi32, #tpu.memory_space<vmem>> -> memref<100xi32, #tpu.memory_space<vmem>>
    %dma_start3A_59 = arith.constant 0 : i32
    %dma_start3A_60 = arith.constant 0 : i32
    %dma_start3A_61 = tpu.memref_slice %arg3[%dma_start3A_59, %dma_start3A_60] : memref<1015808x32xf32, #tpu.memory_space<hbm>> -> memref<1015808x32xf32, #tpu.memory_space<hbm>>
    tpu.enqueue_indirect_dma source(%dma_start3A_61 : memref<1015808x32xf32, #tpu.memory_space<hbm>>) target(%dma_start3A_55 : memref<100x32xf32, #tpu.memory_space<vmem>>) offsets(%dma_start3A_58 : memref<100xi32, #tpu.memory_space<vmem>>) semaphore(%arg12 : memref<!tpu.dma_semaphore, #tpu.memory_space<semaphore_mem>>)
    %dma_start3A_62 = arith.constant 5 : i32
    %dma_start3A_63 = arith.constant 5 : i32
    %dma_start3A_64 = arith.constant 0 : i32
    %dma_start3A_65 = arith.constant 0 : i32
    %dma_start3A_66 = tpu.memref_slice %arg6[%dma_start3A_63, %dma_start3A_64, %dma_start3A_65] : memref<8x100x32xf32, #tpu.memory_space<vmem>> -> memref<1x100x32xf32, #tpu.memory_space<vmem>>
    %dma_start3A_67 = tpu.memref_squeeze %dma_start3A_66 : memref<1x100x32xf32, #tpu.memory_space<vmem>> -> memref<100x32xf32, #tpu.memory_space<vmem>>
    %dma_start3A_68 = arith.constant 0 : i32
    %dma_start3A_69 = tpu.memref_slice %arg5[%dma_start3A_62, %dma_start3A_68] : memref<256x100xi32, #tpu.memory_space<vmem>> -> memref<1x100xi32, #tpu.memory_space<vmem>>
    %dma_start3A_70 = tpu.memref_squeeze %dma_start3A_69 : memref<1x100xi32, #tpu.memory_space<vmem>> -> memref<100xi32, #tpu.memory_space<vmem>>
    %dma_start3A_71 = arith.constant 0 : i32
    %dma_start3A_72 = arith.constant 0 : i32
    %dma_start3A_73 = tpu.memref_slice %arg3[%dma_start3A_71, %dma_start3A_72] : memref<1015808x32xf32, #tpu.memory_space<hbm>> -> memref<1015808x32xf32, #tpu.memory_space<hbm>>
    tpu.enqueue_indirect_dma source(%dma_start3A_73 : memref<1015808x32xf32, #tpu.memory_space<hbm>>) target(%dma_start3A_67 : memref<100x32xf32, #tpu.memory_space<vmem>>) offsets(%dma_start3A_70 : memref<100xi32, #tpu.memory_space<vmem>>) semaphore(%arg13 : memref<!tpu.dma_semaphore, #tpu.memory_space<semaphore_mem>>)
    %dma_start3A_74 = arith.constant 6 : i32
    %dma_start3A_75 = arith.constant 6 : i32
    %dma_start3A_76 = arith.constant 0 : i32
    %dma_start3A_77 = arith.constant 0 : i32
    %dma_start3A_78 = tpu.memref_slice %arg6[%dma_start3A_75, %dma_start3A_76, %dma_start3A_77] : memref<8x100x32xf32, #tpu.memory_space<vmem>> -> memref<1x100x32xf32, #tpu.memory_space<vmem>>
    %dma_start3A_79 = tpu.memref_squeeze %dma_start3A_78 : memref<1x100x32xf32, #tpu.memory_space<vmem>> -> memref<100x32xf32, #tpu.memory_space<vmem>>
    %dma_start3A_80 = arith.constant 0 : i32
    %dma_start3A_81 = tpu.memref_slice %arg5[%dma_start3A_74, %dma_start3A_80] : memref<256x100xi32, #tpu.memory_space<vmem>> -> memref<1x100xi32, #tpu.memory_space<vmem>>
    %dma_start3A_82 = tpu.memref_squeeze %dma_start3A_81 : memref<1x100xi32, #tpu.memory_space<vmem>> -> memref<100xi32, #tpu.memory_space<vmem>>
    %dma_start3A_83 = arith.constant 0 : i32
    %dma_start3A_84 = arith.constant 0 : i32
    %dma_start3A_85 = tpu.memref_slice %arg3[%dma_start3A_83, %dma_start3A_84] : memref<1015808x32xf32, #tpu.memory_space<hbm>> -> memref<1015808x32xf32, #tpu.memory_space<hbm>>
    tpu.enqueue_indirect_dma source(%dma_start3A_85 : memref<1015808x32xf32, #tpu.memory_space<hbm>>) target(%dma_start3A_79 : memref<100x32xf32, #tpu.memory_space<vmem>>) offsets(%dma_start3A_82 : memref<100xi32, #tpu.memory_space<vmem>>) semaphore(%arg14 : memref<!tpu.dma_semaphore, #tpu.memory_space<semaphore_mem>>)
    %dma_start3A_86 = arith.constant 7 : i32
    %dma_start3A_87 = arith.constant 7 : i32
    %dma_start3A_88 = arith.constant 0 : i32
    %dma_start3A_89 = arith.constant 0 : i32
    %dma_start3A_90 = tpu.memref_slice %arg6[%dma_start3A_87, %dma_start3A_88, %dma_start3A_89] : memref<8x100x32xf32, #tpu.memory_space<vmem>> -> memref<1x100x32xf32, #tpu.memory_space<vmem>>
    %dma_start3A_91 = tpu.memref_squeeze %dma_start3A_90 : memref<1x100x32xf32, #tpu.memory_space<vmem>> -> memref<100x32xf32, #tpu.memory_space<vmem>>
    %dma_start3A_92 = arith.constant 0 : i32
    %dma_start3A_93 = tpu.memref_slice %arg5[%dma_start3A_86, %dma_start3A_92] : memref<256x100xi32, #tpu.memory_space<vmem>> -> memref<1x100xi32, #tpu.memory_space<vmem>>
    %dma_start3A_94 = tpu.memref_squeeze %dma_start3A_93 : memref<1x100xi32, #tpu.memory_space<vmem>> -> memref<100xi32, #tpu.memory_space<vmem>>
    %dma_start3A_95 = arith.constant 0 : i32
    %dma_start3A_96 = arith.constant 0 : i32
    %dma_start3A_97 = tpu.memref_slice %arg3[%dma_start3A_95, %dma_start3A_96] : memref<1015808x32xf32, #tpu.memory_space<hbm>> -> memref<1015808x32xf32, #tpu.memory_space<hbm>>
    tpu.enqueue_indirect_dma source(%dma_start3A_97 : memref<1015808x32xf32, #tpu.memory_space<hbm>>) target(%dma_start3A_91 : memref<100x32xf32, #tpu.memory_space<vmem>>) offsets(%dma_start3A_94 : memref<100xi32, #tpu.memory_space<vmem>>) semaphore(%arg15 : memref<!tpu.dma_semaphore, #tpu.memory_space<semaphore_mem>>)
    %broadcast_in_dim3A = arith.constant 0.000000e+00 : f32
    %broadcast_in_dim3A_98 = vector.broadcast %broadcast_in_dim3A : f32 to vector<16xf32>
    %scan3A = arith.constant 0 : i32
    %scan3A_99 = arith.constant 0 : i32
    %scan3A_100 = arith.constant 32 : i32
    %scan3A_101 = arith.addi %scan3A_99, %scan3A_100 : i32
    %scan3A_102 = arith.constant 1 : i32
    scf.for %scan3A_106 = %scan3A_99 to %scan3A_101 step %scan3A_102  : i32 {
      %mul3A_107 = arith.constant 8 : i32
      %mul3A_108 = arith.muli %mul3A_107, %scan3A_106 : i32
      %add3A_109 = arith.constant 0 : i32
      %add3A_110 = arith.addi %mul3A_108, %add3A_109 : i32
      %dma_wait3A = arith.constant 0 : i32
      %dma_wait3A_111 = arith.constant 0 : i32
      %dma_wait3A_112 = arith.constant 0 : i32
      %dma_wait3A_113 = tpu.memref_slice %arg6[%dma_wait3A, %dma_wait3A_111, %dma_wait3A_112] : memref<8x100x32xf32, #tpu.memory_space<vmem>> -> memref<1x100x32xf32, #tpu.memory_space<vmem>>
      %dma_wait3A_114 = tpu.memref_squeeze %dma_wait3A_113 : memref<1x100x32xf32, #tpu.memory_space<vmem>> -> memref<100x32xf32, #tpu.memory_space<vmem>>
      %dma_wait3A_115 = arith.constant 0 : i32
      %dma_wait3A_116 = tpu.memref_slice %arg5[%add3A_110, %dma_wait3A_115] : memref<256x100xi32, #tpu.memory_space<vmem>> -> memref<1x100xi32, #tpu.memory_space<vmem>>
      %dma_wait3A_117 = tpu.memref_squeeze %dma_wait3A_116 : memref<1x100xi32, #tpu.memory_space<vmem>> -> memref<100xi32, #tpu.memory_space<vmem>>
      %dma_wait3A_118 = arith.constant 0 : i32
      %dma_wait3A_119 = arith.constant 0 : i32
      %dma_wait3A_120 = tpu.memref_slice %arg3[%dma_wait3A_118, %dma_wait3A_119] : memref<1015808x32xf32, #tpu.memory_space<hbm>> -> memref<1015808x32xf32, #tpu.memory_space<hbm>>
      tpu.wait_indirect_dma semaphore(%arg8 : memref<!tpu.dma_semaphore, #tpu.memory_space<semaphore_mem>>) src(%dma_wait3A_120 : memref<1015808x32xf32, #tpu.memory_space<hbm>>) dst(%dma_wait3A_114 : memref<100x32xf32, #tpu.memory_space<vmem>>)
      %scan3A_121 = arith.constant 0 : i32
      %scan3A_122 = arith.constant 100 : i32
      %scan3A_123 = arith.addi %scan3A_121, %scan3A_122 : i32
      %scan3A_124 = arith.constant 10 : i32
      %scan3A_125:4 = scf.for %scan3A_422 = %scan3A_121 to %scan3A_123 step %scan3A_124 iter_args(%scan3A_423 = %broadcast_in_dim3A_98, %scan3A_424 = %broadcast_in_dim3A_98, %scan3A_425 = %broadcast_in_dim3A_98, %scan3A_426 = %broadcast_in_dim3A_98) -> (vector<16xf32>, vector<16xf32>, vector<16xf32>, vector<16xf32>)  : i32 {
        %get3A = arith.constant 0 : i32
        %get3A_427 = arith.index_cast %get3A : i32 to index
        %get3A_428 = arith.index_cast %scan3A_422 : i32 to index
        %get3A_429 = arith.constant 0 : index
        %get3A_430 = tpu.vector_load %arg6[%get3A_427, %get3A_428, %get3A_429] {strides = array<i32>} : memref<8x100x32xf32, #tpu.memory_space<vmem>>, vector<1x1x16xf32>,
        %get3A_431 = vector.shape_cast %get3A_430 : vector<1x1x16xf32> to vector<16xf32>
        %get3A_432 = arith.constant 0 : i32
        %get3A_433 = arith.index_cast %get3A_432 : i32 to index
        %get3A_434 = arith.index_cast %scan3A_422 : i32 to index
        %get3A_435 = arith.constant 16 : index
        %get3A_436 = tpu.vector_load %arg6[%get3A_433, %get3A_434, %get3A_435] {strides = array<i32>} : memref<8x100x32xf32, #tpu.memory_space<vmem>>, vector<1x1x16xf32>,
        %get3A_437 = vector.shape_cast %get3A_436 : vector<1x1x16xf32> to vector<16xf32>
        %bitcast_convert_type3A = tpu.bitcast %get3A_431 : vector<16xf32> -> vector<16xi32>
        %bitcast_convert_type3A_438 = tpu.bitcast %get3A_437 : vector<16xf32> -> vector<16xi32>
        %shift_left3A = arith.constant 16 : i32
        %shift_left3A_439 = vector.broadcast %shift_left3A : i32 to vector<16xi32>
        %shift_left3A_440 = arith.shli %bitcast_convert_type3A, %shift_left3A_439 : vector<16xi32>
        %bitcast_convert_type3A_441 = tpu.bitcast %shift_left3A_440 : vector<16xi32> -> vector<16xf32>
        %add3A_442 = arith.addf %scan3A_423, %bitcast_convert_type3A_441 : vector<16xf32>
        %and3A = arith.constant -65536 : i32
        %and3A_443 = vector.broadcast %and3A : i32 to vector<16xi32>
        %and3A_444 = arith.andi %bitcast_convert_type3A, %and3A_443 : vector<16xi32>
        %bitcast_convert_type3A_445 = tpu.bitcast %and3A_444 : vector<16xi32> -> vector<16xf32>
        %add3A_446 = arith.addf %scan3A_425, %bitcast_convert_type3A_445 : vector<16xf32>
        %shift_left3A_447 = arith.constant 16 : i32
        %shift_left3A_448 = vector.broadcast %shift_left3A_447 : i32 to vector<16xi32>
        %shift_left3A_449 = arith.shli %bitcast_convert_type3A_438, %shift_left3A_448 : vector<16xi32>
        %bitcast_convert_type3A_450 = tpu.bitcast %shift_left3A_449 : vector<16xi32> -> vector<16xf32>
        %add3A_451 = arith.addf %scan3A_424, %bitcast_convert_type3A_450 : vector<16xf32>
        %and3A_452 = arith.constant -65536 : i32
        %and3A_453 = vector.broadcast %and3A_452 : i32 to vector<16xi32>
        %and3A_454 = arith.andi %bitcast_convert_type3A_438, %and3A_453 : vector<16xi32>
        %bitcast_convert_type3A_455 = tpu.bitcast %and3A_454 : vector<16xi32> -> vector<16xf32>
        %add3A_456 = arith.addf %scan3A_426, %bitcast_convert_type3A_455 : vector<16xf32>
        %scan3A_457 = arith.constant 1 : i32
        %scan3A_458 = arith.addi %scan3A_422, %scan3A_457 : i32
        %get3A_459 = arith.constant 0 : i32
        %get3A_460 = arith.index_cast %get3A_459 : i32 to index
        %get3A_461 = arith.index_cast %scan3A_458 : i32 to index
        %get3A_462 = arith.constant 0 : index
        %get3A_463 = tpu.vector_load %arg6[%get3A_460, %get3A_461, %get3A_462] {strides = array<i32>} : memref<8x100x32xf32, #tpu.memory_space<vmem>>, vector<1x1x16xf32>,
        %get3A_464 = vector.shape_cast %get3A_463 : vector<1x1x16xf32> to vector<16xf32>
        %get3A_465 = arith.constant 0 : i32
        %get3A_466 = arith.index_cast %get3A_465 : i32 to index
        %get3A_467 = arith.index_cast %scan3A_458 : i32 to index
        %get3A_468 = arith.constant 16 : index
        %get3A_469 = tpu.vector_load %arg6[%get3A_466, %get3A_467, %get3A_468] {strides = array<i32>} : memref<8x100x32xf32, #tpu.memory_space<vmem>>, vector<1x1x16xf32>,
        %get3A_470 = vector.shape_cast %get3A_469 : vector<1x1x16xf32> to vector<16xf32>
        %bitcast_convert_type3A_471 = tpu.bitcast %get3A_464 : vector<16xf32> -> vector<16xi32>
        %bitcast_convert_type3A_472 = tpu.bitcast %get3A_470 : vector<16xf32> -> vector<16xi32>
        %shift_left3A_473 = arith.constant 16 : i32
        %shift_left3A_474 = vector.broadcast %shift_left3A_473 : i32 to vector<16xi32>
        %shift_left3A_475 = arith.shli %bitcast_convert_type3A_471, %shift_left3A_474 : vector<16xi32>
        %bitcast_convert_type3A_476 = tpu.bitcast %shift_left3A_475 : vector<16xi32> -> vector<16xf32>
        %add3A_477 = arith.addf %add3A_442, %bitcast_convert_type3A_476 : vector<16xf32>
        %and3A_478 = arith.constant -65536 : i32
        %and3A_479 = vector.broadcast %and3A_478 : i32 to vector<16xi32>
        %and3A_480 = arith.andi %bitcast_convert_type3A_471, %and3A_479 : vector<16xi32>
        %bitcast_convert_type3A_481 = tpu.bitcast %and3A_480 : vector<16xi32> -> vector<16xf32>
        %add3A_482 = arith.addf %add3A_446, %bitcast_convert_type3A_481 : vector<16xf32>
        %shift_left3A_483 = arith.constant 16 : i32
        %shift_left3A_484 = vector.broadcast %shift_left3A_483 : i32 to vector<16xi32>
        %shift_left3A_485 = arith.shli %bitcast_convert_type3A_472, %shift_left3A_484 : vector<16xi32>
        %bitcast_convert_type3A_486 = tpu.bitcast %shift_left3A_485 : vector<16xi32> -> vector<16xf32>
        %add3A_487 = arith.addf %add3A_451, %bitcast_convert_type3A_486 : vector<16xf32>
        %and3A_488 = arith.constant -65536 : i32
        %and3A_489 = vector.broadcast %and3A_488 : i32 to vector<16xi32>
        %and3A_490 = arith.andi %bitcast_convert_type3A_472, %and3A_489 : vector<16xi32>
        %bitcast_convert_type3A_491 = tpu.bitcast %and3A_490 : vector<16xi32> -> vector<16xf32>
        %add3A_492 = arith.addf %add3A_456, %bitcast_convert_type3A_491 : vector<16xf32>
        %scan3A_493 = arith.constant 2 : i32
        %scan3A_494 = arith.addi %scan3A_422, %scan3A_493 : i32
        %get3A_495 = arith.constant 0 : i32
        %get3A_496 = arith.index_cast %get3A_495 : i32 to index
        %get3A_497 = arith.index_cast %scan3A_494 : i32 to index
        %get3A_498 = arith.constant 0 : index
        %get3A_499 = tpu.vector_load %arg6[%get3A_496, %get3A_497, %get3A_498] {strides = array<i32>} : memref<8x100x32xf32, #tpu.memory_space<vmem>>, vector<1x1x16xf32>,
        %get3A_500 = vector.shape_cast %get3A_499 : vector<1x1x16xf32> to vector<16xf32>
        %get3A_501 = arith.constant 0 : i32
        %get3A_502 = arith.index_cast %get3A_501 : i32 to index
        %get3A_503 = arith.index_cast %scan3A_494 : i32 to index
        %get3A_504 = arith.constant 16 : index
        %get3A_505 = tpu.vector_load %arg6[%get3A_502, %get3A_503, %get3A_504] {strides = array<i32>} : memref<8x100x32xf32, #tpu.memory_space<vmem>>, vector<1x1x16xf32>,
        %get3A_506 = vector.shape_cast %get3A_505 : vector<1x1x16xf32> to vector<16xf32>
        %bitcast_convert_type3A_507 = tpu.bitcast %get3A_500 : vector<16xf32> -> vector<16xi32>
        %bitcast_convert_type3A_508 = tpu.bitcast %get3A_506 : vector<16xf32> -> vector<16xi32>
        %shift_left3A_509 = arith.constant 16 : i32
        %shift_left3A_510 = vector.broadcast %shift_left3A_509 : i32 to vector<16xi32>
        %shift_left3A_511 = arith.shli %bitcast_convert_type3A_507, %shift_left3A_510 : vector<16xi32>
        %bitcast_convert_type3A_512 = tpu.bitcast %shift_left3A_511 : vector<16xi32> -> vector<16xf32>
        %add3A_513 = arith.addf %add3A_477, %bitcast_convert_type3A_512 : vector<16xf32>
        %and3A_514 = arith.constant -65536 : i32
        %and3A_515 = vector.broadcast %and3A_514 : i32 to vector<16xi32>
        %and3A_516 = arith.andi %bitcast_convert_type3A_507, %and3A_515 : vector<16xi32>
        %bitcast_convert_type3A_517 = tpu.bitcast %and3A_516 : vector<16xi32> -> vector<16xf32>
        %add3A_518 = arith.addf %add3A_482, %bitcast_convert_type3A_517 : vector<16xf32>
        %shift_left3A_519 = arith.constant 16 : i32
        %shift_left3A_520 = vector.broadcast %shift_left3A_519 : i32 to vector<16xi32>
        %shift_left3A_521 = arith.shli %bitcast_convert_type3A_508, %shift_left3A_520 : vector<16xi32>
        %bitcast_convert_type3A_522 = tpu.bitcast %shift_left3A_521 : vector<16xi32> -> vector<16xf32>
        %add3A_523 = arith.addf %add3A_487, %bitcast_convert_type3A_522 : vector<16xf32>
        %and3A_524 = arith.constant -65536 : i32
        %and3A_525 = vector.broadcast %and3A_524 : i32 to vector<16xi32>
        %and3A_526 = arith.andi %bitcast_convert_type3A_508, %and3A_525 : vector<16xi32>
        %bitcast_convert_type3A_527 = tpu.bitcast %and3A_526 : vector<16xi32> -> vector<16xf32>
        %add3A_528 = arith.addf %add3A_492, %bitcast_convert_type3A_527 : vector<16xf32>
        %scan3A_529 = arith.constant 3 : i32
        %scan3A_530 = arith.addi %scan3A_422, %scan3A_529 : i32
        %get3A_531 = arith.constant 0 : i32
        %get3A_532 = arith.index_cast %get3A_531 : i32 to index
        %get3A_533 = arith.index_cast %scan3A_530 : i32 to index
        %get3A_534 = arith.constant 0 : index
        %get3A_535 = tpu.vector_load %arg6[%get3A_532, %get3A_533, %get3A_534] {strides = array<i32>} : memref<8x100x32xf32, #tpu.memory_space<vmem>>, vector<1x1x16xf32>,
        %get3A_536 = vector.shape_cast %get3A_535 : vector<1x1x16xf32> to vector<16xf32>
        %get3A_537 = arith.constant 0 : i32
        %get3A_538 = arith.index_cast %get3A_537 : i32 to index
        %get3A_539 = arith.index_cast %scan3A_530 : i32 to index
        %get3A_540 = arith.constant 16 : index
        %get3A_541 = tpu.vector_load %arg6[%get3A_538, %get3A_539, %get3A_540] {strides = array<i32>} : memref<8x100x32xf32, #tpu.memory_space<vmem>>, vector<1x1x16xf32>,
        %get3A_542 = vector.shape_cast %get3A_541 : vector<1x1x16xf32> to vector<16xf32>
        %bitcast_convert_type3A_543 = tpu.bitcast %get3A_536 : vector<16xf32> -> vector<16xi32>
        %bitcast_convert_type3A_544 = tpu.bitcast %get3A_542 : vector<16xf32> -> vector<16xi32>
        %shift_left3A_545 = arith.constant 16 : i32
        %shift_left3A_546 = vector.broadcast %shift_left3A_545 : i32 to vector<16xi32>
        %shift_left3A_547 = arith.shli %bitcast_convert_type3A_543, %shift_left3A_546 : vector<16xi32>
        %bitcast_convert_type3A_548 = tpu.bitcast %shift_left3A_547 : vector<16xi32> -> vector<16xf32>
        %add3A_549 = arith.addf %add3A_513, %bitcast_convert_type3A_548 : vector<16xf32>
        %and3A_550 = arith.constant -65536 : i32
        %and3A_551 = vector.broadcast %and3A_550 : i32 to vector<16xi32>
        %and3A_552 = arith.andi %bitcast_convert_type3A_543, %and3A_551 : vector<16xi32>
        %bitcast_convert_type3A_553 = tpu.bitcast %and3A_552 : vector<16xi32> -> vector<16xf32>
        %add3A_554 = arith.addf %add3A_518, %bitcast_convert_type3A_553 : vector<16xf32>
        %shift_left3A_555 = arith.constant 16 : i32
        %shift_left3A_556 = vector.broadcast %shift_left3A_555 : i32 to vector<16xi32>
        %shift_left3A_557 = arith.shli %bitcast_convert_type3A_544, %shift_left3A_556 : vector<16xi32>
        %bitcast_convert_type3A_558 = tpu.bitcast %shift_left3A_557 : vector<16xi32> -> vector<16xf32>
        %add3A_559 = arith.addf %add3A_523, %bitcast_convert_type3A_558 : vector<16xf32>
        %and3A_560 = arith.constant -65536 : i32
        %and3A_561 = vector.broadcast %and3A_560 : i32 to vector<16xi32>
        %and3A_562 = arith.andi %bitcast_convert_type3A_544, %and3A_561 : vector<16xi32>
        %bitcast_convert_type3A_563 = tpu.bitcast %and3A_562 : vector<16xi32> -> vector<16xf32>
        %add3A_564 = arith.addf %add3A_528, %bitcast_convert_type3A_563 : vector<16xf32>
        %scan3A_565 = arith.constant 4 : i32
        %scan3A_566 = arith.addi %scan3A_422, %scan3A_565 : i32
        %get3A_567 = arith.constant 0 : i32
        %get3A_568 = arith.index_cast %get3A_567 : i32 to index
        %get3A_569 = arith.index_cast %scan3A_566 : i32 to index
        %get3A_570 = arith.constant 0 : index
        %get3A_571 = tpu.vector_load %arg6[%get3A_568, %get3A_569, %get3A_570] {strides = array<i32>} : memref<8x100x32xf32, #tpu.memory_space<vmem>>, vector<1x1x16xf32>,
        %get3A_572 = vector.shape_cast %get3A_571 : vector<1x1x16xf32> to vector<16xf32>
        %get3A_573 = arith.constant 0 : i32
        %get3A_574 = arith.index_cast %get3A_573 : i32 to index
        %get3A_575 = arith.index_cast %scan3A_566 : i32 to index
        %get3A_576 = arith.constant 16 : index
        %get3A_577 = tpu.vector_load %arg6[%get3A_574, %get3A_575, %get3A_576] {strides = array<i32>} : memref<8x100x32xf32, #tpu.memory_space<vmem>>, vector<1x1x16xf32>,
        %get3A_578 = vector.shape_cast %get3A_577 : vector<1x1x16xf32> to vector<16xf32>
        %bitcast_convert_type3A_579 = tpu.bitcast %get3A_572 : vector<16xf32> -> vector<16xi32>
        %bitcast_convert_type3A_580 = tpu.bitcast %get3A_578 : vector<16xf32> -> vector<16xi32>
        %shift_left3A_581 = arith.constant 16 : i32
        %shift_left3A_582 = vector.broadcast %shift_left3A_581 : i32 to vector<16xi32>
        %shift_left3A_583 = arith.shli %bitcast_convert_type3A_579, %shift_left3A_582 : vector<16xi32>
        %bitcast_convert_type3A_584 = tpu.bitcast %shift_left3A_583 : vector<16xi32> -> vector<16xf32>
        %add3A_585 = arith.addf %add3A_549, %bitcast_convert_type3A_584 : vector<16xf32>
        %and3A_586 = arith.constant -65536 : i32
        %and3A_587 = vector.broadcast %and3A_586 : i32 to vector<16xi32>
        %and3A_588 = arith.andi %bitcast_convert_type3A_579, %and3A_587 : vector<16xi32>
        %bitcast_convert_type3A_589 = tpu.bitcast %and3A_588 : vector<16xi32> -> vector<16xf32>
        %add3A_590 = arith.addf %add3A_554, %bitcast_convert_type3A_589 : vector<16xf32>
        %shift_left3A_591 = arith.constant 16 : i32
        %shift_left3A_592 = vector.broadcast %shift_left3A_591 : i32 to vector<16xi32>
        %shift_left3A_593 = arith.shli %bitcast_convert_type3A_580, %shift_left3A_592 : vector<16xi32>
        %bitcast_convert_type3A_594 = tpu.bitcast %shift_left3A_593 : vector<16xi32> -> vector<16xf32>
        %add3A_595 = arith.addf %add3A_559, %bitcast_convert_type3A_594 : vector<16xf32>
        %and3A_596 = arith.constant -65536 : i32
        %and3A_597 = vector.broadcast %and3A_596 : i32 to vector<16xi32>
        %and3A_598 = arith.andi %bitcast_convert_type3A_580, %and3A_597 : vector<16xi32>
        %bitcast_convert_type3A_599 = tpu.bitcast %and3A_598 : vector<16xi32> -> vector<16xf32>
        %add3A_600 = arith.addf %add3A_564, %bitcast_convert_type3A_599 : vector<16xf32>
        %scan3A_601 = arith.constant 5 : i32
        %scan3A_602 = arith.addi %scan3A_422, %scan3A_601 : i32
        %get3A_603 = arith.constant 0 : i32
        %get3A_604 = arith.index_cast %get3A_603 : i32 to index
        %get3A_605 = arith.index_cast %scan3A_602 : i32 to index
        %get3A_606 = arith.constant 0 : index
        %get3A_607 = tpu.vector_load %arg6[%get3A_604, %get3A_605, %get3A_606] {strides = array<i32>} : memref<8x100x32xf32, #tpu.memory_space<vmem>>, vector<1x1x16xf32>,
        %get3A_608 = vector.shape_cast %get3A_607 : vector<1x1x16xf32> to vector<16xf32>
        %get3A_609 = arith.constant 0 : i32
        %get3A_610 = arith.index_cast %get3A_609 : i32 to index
        %get3A_611 = arith.index_cast %scan3A_602 : i32 to index
        %get3A_612 = arith.constant 16 : index
        %get3A_613 = tpu.vector_load %arg6[%get3A_610, %get3A_611, %get3A_612] {strides = array<i32>} : memref<8x100x32xf32, #tpu.memory_space<vmem>>, vector<1x1x16xf32>,
        %get3A_614 = vector.shape_cast %get3A_613 : vector<1x1x16xf32> to vector<16xf32>
        %bitcast_convert_type3A_615 = tpu.bitcast %get3A_608 : vector<16xf32> -> vector<16xi32>
        %bitcast_convert_type3A_616 = tpu.bitcast %get3A_614 : vector<16xf32> -> vector<16xi32>
        %shift_left3A_617 = arith.constant 16 : i32
        %shift_left3A_618 = vector.broadcast %shift_left3A_617 : i32 to vector<16xi32>
        %shift_left3A_619 = arith.shli %bitcast_convert_type3A_615, %shift_left3A_618 : vector<16xi32>
        %bitcast_convert_type3A_620 = tpu.bitcast %shift_left3A_619 : vector<16xi32> -> vector<16xf32>
        %add3A_621 = arith.addf %add3A_585, %bitcast_convert_type3A_620 : vector<16xf32>
        %and3A_622 = arith.constant -65536 : i32
        %and3A_623 = vector.broadcast %and3A_622 : i32 to vector<16xi32>
        %and3A_624 = arith.andi %bitcast_convert_type3A_615, %and3A_623 : vector<16xi32>
        %bitcast_convert_type3A_625 = tpu.bitcast %and3A_624 : vector<16xi32> -> vector<16xf32>
        %add3A_626 = arith.addf %add3A_590, %bitcast_convert_type3A_625 : vector<16xf32>
        %shift_left3A_627 = arith.constant 16 : i32
        %shift_left3A_628 = vector.broadcast %shift_left3A_627 : i32 to vector<16xi32>
        %shift_left3A_629 = arith.shli %bitcast_convert_type3A_616, %shift_left3A_628 : vector<16xi32>
        %bitcast_convert_type3A_630 = tpu.bitcast %shift_left3A_629 : vector<16xi32> -> vector<16xf32>
        %add3A_631 = arith.addf %add3A_595, %bitcast_convert_type3A_630 : vector<16xf32>
        %and3A_632 = arith.constant -65536 : i32
        %and3A_633 = vector.broadcast %and3A_632 : i32 to vector<16xi32>
        %and3A_634 = arith.andi %bitcast_convert_type3A_616, %and3A_633 : vector<16xi32>
        %bitcast_convert_type3A_635 = tpu.bitcast %and3A_634 : vector<16xi32> -> vector<16xf32>
        %add3A_636 = arith.addf %add3A_600, %bitcast_convert_type3A_635 : vector<16xf32>
        %scan3A_637 = arith.constant 6 : i32
        %scan3A_638 = arith.addi %scan3A_422, %scan3A_637 : i32
        %get3A_639 = arith.constant 0 : i32
        %get3A_640 = arith.index_cast %get3A_639 : i32 to index
        %get3A_641 = arith.index_cast %scan3A_638 : i32 to index
        %get3A_642 = arith.constant 0 : index
        %get3A_643 = tpu.vector_load %arg6[%get3A_640, %get3A_641, %get3A_642] {strides = array<i32>} : memref<8x100x32xf32, #tpu.memory_space<vmem>>, vector<1x1x16xf32>,
        %get3A_644 = vector.shape_cast %get3A_643 : vector<1x1x16xf32> to vector<16xf32>
        %get3A_645 = arith.constant 0 : i32
        %get3A_646 = arith.index_cast %get3A_645 : i32 to index
        %get3A_647 = arith.index_cast %scan3A_638 : i32 to index
        %get3A_648 = arith.constant 16 : index
        %get3A_649 = tpu.vector_load %arg6[%get3A_646, %get3A_647, %get3A_648] {strides = array<i32>} : memref<8x100x32xf32, #tpu.memory_space<vmem>>, vector<1x1x16xf32>,
        %get3A_650 = vector.shape_cast %get3A_649 : vector<1x1x16xf32> to vector<16xf32>
        %bitcast_convert_type3A_651 = tpu.bitcast %get3A_644 : vector<16xf32> -> vector<16xi32>
        %bitcast_convert_type3A_652 = tpu.bitcast %get3A_650 : vector<16xf32> -> vector<16xi32>
        %shift_left3A_653 = arith.constant 16 : i32
        %shift_left3A_654 = vector.broadcast %shift_left3A_653 : i32 to vector<16xi32>
        %shift_left3A_655 = arith.shli %bitcast_convert_type3A_651, %shift_left3A_654 : vector<16xi32>
        %bitcast_convert_type3A_656 = tpu.bitcast %shift_left3A_655 : vector<16xi32> -> vector<16xf32>
        %add3A_657 = arith.addf %add3A_621, %bitcast_convert_type3A_656 : vector<16xf32>
        %and3A_658 = arith.constant -65536 : i32
        %and3A_659 = vector.broadcast %and3A_658 : i32 to vector<16xi32>
        %and3A_660 = arith.andi %bitcast_convert_type3A_651, %and3A_659 : vector<16xi32>
        %bitcast_convert_type3A_661 = tpu.bitcast %and3A_660 : vector<16xi32> -> vector<16xf32>
        %add3A_662 = arith.addf %add3A_626, %bitcast_convert_type3A_661 : vector<16xf32>
        %shift_left3A_663 = arith.constant 16 : i32
        %shift_left3A_664 = vector.broadcast %shift_left3A_663 : i32 to vector<16xi32>
        %shift_left3A_665 = arith.shli %bitcast_convert_type3A_652, %shift_left3A_664 : vector<16xi32>
        %bitcast_convert_type3A_666 = tpu.bitcast %shift_left3A_665 : vector<16xi32> -> vector<16xf32>
        %add3A_667 = arith.addf %add3A_631, %bitcast_convert_type3A_666 : vector<16xf32>
        %and3A_668 = arith.constant -65536 : i32
        %and3A_669 = vector.broadcast %and3A_668 : i32 to vector<16xi32>
        %and3A_670 = arith.andi %bitcast_convert_type3A_652, %and3A_669 : vector<16xi32>
        %bitcast_convert_type3A_671 = tpu.bitcast %and3A_670 : vector<16xi32> -> vector<16xf32>
        %add3A_672 = arith.addf %add3A_636, %bitcast_convert_type3A_671 : vector<16xf32>
        %scan3A_673 = arith.constant 7 : i32
        %scan3A_674 = arith.addi %scan3A_422, %scan3A_673 : i32
        %get3A_675 = arith.constant 0 : i32
        %get3A_676 = arith.index_cast %get3A_675 : i32 to index
        %get3A_677 = arith.index_cast %scan3A_674 : i32 to index
        %get3A_678 = arith.constant 0 : index
        %get3A_679 = tpu.vector_load %arg6[%get3A_676, %get3A_677, %get3A_678] {strides = array<i32>} : memref<8x100x32xf32, #tpu.memory_space<vmem>>, vector<1x1x16xf32>,
        %get3A_680 = vector.shape_cast %get3A_679 : vector<1x1x16xf32> to vector<16xf32>
        %get3A_681 = arith.constant 0 : i32
        %get3A_682 = arith.index_cast %get3A_681 : i32 to index
        %get3A_683 = arith.index_cast %scan3A_674 : i32 to index
        %get3A_684 = arith.constant 16 : index
        %get3A_685 = tpu.vector_load %arg6[%get3A_682, %get3A_683, %get3A_684] {strides = array<i32>} : memref<8x100x32xf32, #tpu.memory_space<vmem>>, vector<1x1x16xf32>,
        %get3A_686 = vector.shape_cast %get3A_685 : vector<1x1x16xf32> to vector<16xf32>
        %bitcast_convert_type3A_687 = tpu.bitcast %get3A_680 : vector<16xf32> -> vector<16xi32>
        %bitcast_convert_type3A_688 = tpu.bitcast %get3A_686 : vector<16xf32> -> vector<16xi32>
        %shift_left3A_689 = arith.constant 16 : i32
        %shift_left3A_690 = vector.broadcast %shift_left3A_689 : i32 to vector<16xi32>
        %shift_left3A_691 = arith.shli %bitcast_convert_type3A_687, %shift_left3A_690 : vector<16xi32>
        %bitcast_convert_type3A_692 = tpu.bitcast %shift_left3A_691 : vector<16xi32> -> vector<16xf32>
        %add3A_693 = arith.addf %add3A_657, %bitcast_convert_type3A_692 : vector<16xf32>
        %and3A_694 = arith.constant -65536 : i32
        %and3A_695 = vector.broadcast %and3A_694 : i32 to vector<16xi32>
        %and3A_696 = arith.andi %bitcast_convert_type3A_687, %and3A_695 : vector<16xi32>
        %bitcast_convert_type3A_697 = tpu.bitcast %and3A_696 : vector<16xi32> -> vector<16xf32>
        %add3A_698 = arith.addf %add3A_662, %bitcast_convert_type3A_697 : vector<16xf32>
        %shift_left3A_699 = arith.constant 16 : i32
        %shift_left3A_700 = vector.broadcast %shift_left3A_699 : i32 to vector<16xi32>
        %shift_left3A_701 = arith.shli %bitcast_convert_type3A_688, %shift_left3A_700 : vector<16xi32>
        %bitcast_convert_type3A_702 = tpu.bitcast %shift_left3A_701 : vector<16xi32> -> vector<16xf32>
        %add3A_703 = arith.addf %add3A_667, %bitcast_convert_type3A_702 : vector<16xf32>
        %and3A_704 = arith.constant -65536 : i32
        %and3A_705 = vector.broadcast %and3A_704 : i32 to vector<16xi32>
        %and3A_706 = arith.andi %bitcast_convert_type3A_688, %and3A_705 : vector<16xi32>
        %bitcast_convert_type3A_707 = tpu.bitcast %and3A_706 : vector<16xi32> -> vector<16xf32>
        %add3A_708 = arith.addf %add3A_672, %bitcast_convert_type3A_707 : vector<16xf32>
        %scan3A_709 = arith.constant 8 : i32
        %scan3A_710 = arith.addi %scan3A_422, %scan3A_709 : i32
        %get3A_711 = arith.constant 0 : i32
        %get3A_712 = arith.index_cast %get3A_711 : i32 to index
        %get3A_713 = arith.index_cast %scan3A_710 : i32 to index
        %get3A_714 = arith.constant 0 : index
        %get3A_715 = tpu.vector_load %arg6[%get3A_712, %get3A_713, %get3A_714] {strides = array<i32>} : memref<8x100x32xf32, #tpu.memory_space<vmem>>, vector<1x1x16xf32>,
        %get3A_716 = vector.shape_cast %get3A_715 : vector<1x1x16xf32> to vector<16xf32>
        %get3A_717 = arith.constant 0 : i32
        %get3A_718 = arith.index_cast %get3A_717 : i32 to index
        %get3A_719 = arith.index_cast %scan3A_710 : i32 to index
        %get3A_720 = arith.constant 16 : index
        %get3A_721 = tpu.vector_load %arg6[%get3A_718, %get3A_719, %get3A_720] {strides = array<i32>} : memref<8x100x32xf32, #tpu.memory_space<vmem>>, vector<1x1x16xf32>,
        %get3A_722 = vector.shape_cast %get3A_721 : vector<1x1x16xf32> to vector<16xf32>
        %bitcast_convert_type3A_723 = tpu.bitcast %get3A_716 : vector<16xf32> -> vector<16xi32>
        %bitcast_convert_type3A_724 = tpu.bitcast %get3A_722 : vector<16xf32> -> vector<16xi32>
        %shift_left3A_725 = arith.constant 16 : i32
        %shift_left3A_726 = vector.broadcast %shift_left3A_725 : i32 to vector<16xi32>
        %shift_left3A_727 = arith.shli %bitcast_convert_type3A_723, %shift_left3A_726 : vector<16xi32>
        %bitcast_convert_type3A_728 = tpu.bitcast %shift_left3A_727 : vector<16xi32> -> vector<16xf32>
        %add3A_729 = arith.addf %add3A_693, %bitcast_convert_type3A_728 : vector<16xf32>
        %and3A_730 = arith.constant -65536 : i32
        %and3A_731 = vector.broadcast %and3A_730 : i32 to vector<16xi32>
        %and3A_732 = arith.andi %bitcast_convert_type3A_723, %and3A_731 : vector<16xi32>
        %bitcast_convert_type3A_733 = tpu.bitcast %and3A_732 : vector<16xi32> -> vector<16xf32>
        %add3A_734 = arith.addf %add3A_698, %bitcast_convert_type3A_733 : vector<16xf32>
        %shift_left3A_735 = arith.constant 16 : i32
        %shift_left3A_736 = vector.broadcast %shift_left3A_735 : i32 to vector<16xi32>
        %shift_left3A_737 = arith.shli %bitcast_convert_type3A_724, %shift_left3A_736 : vector<16xi32>
        %bitcast_convert_type3A_738 = tpu.bitcast %shift_left3A_737 : vector<16xi32> -> vector<16xf32>
        %add3A_739 = arith.addf %add3A_703, %bitcast_convert_type3A_738 : vector<16xf32>
        %and3A_740 = arith.constant -65536 : i32
        %and3A_741 = vector.broadcast %and3A_740 : i32 to vector<16xi32>
        %and3A_742 = arith.andi %bitcast_convert_type3A_724, %and3A_741 : vector<16xi32>
        %bitcast_convert_type3A_743 = tpu.bitcast %and3A_742 : vector<16xi32> -> vector<16xf32>
        %add3A_744 = arith.addf %add3A_708, %bitcast_convert_type3A_743 : vector<16xf32>
        %scan3A_745 = arith.constant 9 : i32
        %scan3A_746 = arith.addi %scan3A_422, %scan3A_745 : i32
        %get3A_747 = arith.constant 0 : i32
        %get3A_748 = arith.index_cast %get3A_747 : i32 to index
        %get3A_749 = arith.index_cast %scan3A_746 : i32 to index
        %get3A_750 = arith.constant 0 : index
        %get3A_751 = tpu.vector_load %arg6[%get3A_748, %get3A_749, %get3A_750] {strides = array<i32>} : memref<8x100x32xf32, #tpu.memory_space<vmem>>, vector<1x1x16xf32>,
        %get3A_752 = vector.shape_cast %get3A_751 : vector<1x1x16xf32> to vector<16xf32>
        %get3A_753 = arith.constant 0 : i32
        %get3A_754 = arith.index_cast %get3A_753 : i32 to index
        %get3A_755 = arith.index_cast %scan3A_746 : i32 to index
        %get3A_756 = arith.constant 16 : index
        %get3A_757 = tpu.vector_load %arg6[%get3A_754, %get3A_755, %get3A_756] {strides = array<i32>} : memref<8x100x32xf32, #tpu.memory_space<vmem>>, vector<1x1x16xf32>,
        %get3A_758 = vector.shape_cast %get3A_757 : vector<1x1x16xf32> to vector<16xf32>
        %bitcast_convert_type3A_759 = tpu.bitcast %get3A_752 : vector<16xf32> -> vector<16xi32>
        %bitcast_convert_type3A_760 = tpu.bitcast %get3A_758 : vector<16xf32> -> vector<16xi32>
        %shift_left3A_761 = arith.constant 16 : i32
        %shift_left3A_762 = vector.broadcast %shift_left3A_761 : i32 to vector<16xi32>
        %shift_left3A_763 = arith.shli %bitcast_convert_type3A_759, %shift_left3A_762 : vector<16xi32>
        %bitcast_convert_type3A_764 = tpu.bitcast %shift_left3A_763 : vector<16xi32> -> vector<16xf32>
        %add3A_765 = arith.addf %add3A_729, %bitcast_convert_type3A_764 : vector<16xf32>
        %and3A_766 = arith.constant -65536 : i32
        %and3A_767 = vector.broadcast %and3A_766 : i32 to vector<16xi32>
        %and3A_768 = arith.andi %bitcast_convert_type3A_759, %and3A_767 : vector<16xi32>
        %bitcast_convert_type3A_769 = tpu.bitcast %and3A_768 : vector<16xi32> -> vector<16xf32>
        %add3A_770 = arith.addf %add3A_734, %bitcast_convert_type3A_769 : vector<16xf32>
        %shift_left3A_771 = arith.constant 16 : i32
        %shift_left3A_772 = vector.broadcast %shift_left3A_771 : i32 to vector<16xi32>
        %shift_left3A_773 = arith.shli %bitcast_convert_type3A_760, %shift_left3A_772 : vector<16xi32>
        %bitcast_convert_type3A_774 = tpu.bitcast %shift_left3A_773 : vector<16xi32> -> vector<16xf32>
        %add3A_775 = arith.addf %add3A_739, %bitcast_convert_type3A_774 : vector<16xf32>
        %and3A_776 = arith.constant -65536 : i32
        %and3A_777 = vector.broadcast %and3A_776 : i32 to vector<16xi32>
        %and3A_778 = arith.andi %bitcast_convert_type3A_760, %and3A_777 : vector<16xi32>
        %bitcast_convert_type3A_779 = tpu.bitcast %and3A_778 : vector<16xi32> -> vector<16xf32>
        %add3A_780 = arith.addf %add3A_744, %bitcast_convert_type3A_779 : vector<16xf32>
        scf.yield %add3A_765, %add3A_775, %add3A_770, %add3A_780 : vector<16xf32>, vector<16xf32>, vector<16xf32>, vector<16xf32>
      }
      %scan3A_126 = arith.constant 100 : i32
      %add3A_127 = arith.constant 8 : i32
      %add3A_128 = arith.addi %add3A_110, %add3A_127 : i32
      %lt3A = arith.constant 256 : i32
      %lt3A_129 = arith.cmpi slt, %add3A_128, %lt3A : i32
      %convert_element_type3A = arith.extui %lt3A_129 : i1 to i32
      %cond3A = arith.constant 0 : i32
      %cond3A_130 = arith.cmpi ne, %convert_element_type3A, %cond3A : i32
      scf.if %cond3A_130 {
        %dma_start3A_422 = arith.constant 0 : i32
        %dma_start3A_423 = arith.constant 0 : i32
        %dma_start3A_424 = arith.constant 0 : i32
        %dma_start3A_425 = tpu.memref_slice %arg6[%dma_start3A_422, %dma_start3A_423, %dma_start3A_424] : memref<8x100x32xf32, #tpu.memory_space<vmem>> -> memref<1x100x32xf32, #tpu.memory_space<vmem>>
        %dma_start3A_426 = tpu.memref_squeeze %dma_start3A_425 : memref<1x100x32xf32, #tpu.memory_space<vmem>> -> memref<100x32xf32, #tpu.memory_space<vmem>>
        %dma_start3A_427 = arith.constant 0 : i32
        %dma_start3A_428 = tpu.memref_slice %arg5[%add3A_128, %dma_start3A_427] : memref<256x100xi32, #tpu.memory_space<vmem>> -> memref<1x100xi32, #tpu.memory_space<vmem>>
        %dma_start3A_429 = tpu.memref_squeeze %dma_start3A_428 : memref<1x100xi32, #tpu.memory_space<vmem>> -> memref<100xi32, #tpu.memory_space<vmem>>
        %dma_start3A_430 = arith.constant 0 : i32
        %dma_start3A_431 = arith.constant 0 : i32
        %dma_start3A_432 = tpu.memref_slice %arg3[%dma_start3A_430, %dma_start3A_431] : memref<1015808x32xf32, #tpu.memory_space<hbm>> -> memref<1015808x32xf32, #tpu.memory_space<hbm>>
        tpu.enqueue_indirect_dma source(%dma_start3A_432 : memref<1015808x32xf32, #tpu.memory_space<hbm>>) target(%dma_start3A_426 : memref<100x32xf32, #tpu.memory_space<vmem>>) offsets(%dma_start3A_429 : memref<100xi32, #tpu.memory_space<vmem>>) semaphore(%arg8 : memref<!tpu.dma_semaphore, #tpu.memory_space<semaphore_mem>>)
      } else {
      }
      %mul3A_131 = arith.constant 8 : i32
      %mul3A_132 = arith.muli %mul3A_131, %scan3A_106 : i32
      %add3A_133 = arith.constant 1 : i32
      %add3A_134 = arith.addi %mul3A_132, %add3A_133 : i32
      %dma_wait3A_135 = arith.constant 1 : i32
      %dma_wait3A_136 = arith.constant 0 : i32
      %dma_wait3A_137 = arith.constant 0 : i32
      %dma_wait3A_138 = tpu.memref_slice %arg6[%dma_wait3A_135, %dma_wait3A_136, %dma_wait3A_137] : memref<8x100x32xf32, #tpu.memory_space<vmem>> -> memref<1x100x32xf32, #tpu.memory_space<vmem>>
      %dma_wait3A_139 = tpu.memref_squeeze %dma_wait3A_138 : memref<1x100x32xf32, #tpu.memory_space<vmem>> -> memref<100x32xf32, #tpu.memory_space<vmem>>
      %dma_wait3A_140 = arith.constant 0 : i32
      %dma_wait3A_141 = tpu.memref_slice %arg5[%add3A_134, %dma_wait3A_140] : memref<256x100xi32, #tpu.memory_space<vmem>> -> memref<1x100xi32, #tpu.memory_space<vmem>>
      %dma_wait3A_142 = tpu.memref_squeeze %dma_wait3A_141 : memref<1x100xi32, #tpu.memory_space<vmem>> -> memref<100xi32, #tpu.memory_space<vmem>>
      %dma_wait3A_143 = arith.constant 0 : i32
      %dma_wait3A_144 = arith.constant 0 : i32
      %dma_wait3A_145 = tpu.memref_slice %arg3[%dma_wait3A_143, %dma_wait3A_144] : memref<1015808x32xf32, #tpu.memory_space<hbm>> -> memref<1015808x32xf32, #tpu.memory_space<hbm>>
      tpu.wait_indirect_dma semaphore(%arg9 : memref<!tpu.dma_semaphore, #tpu.memory_space<semaphore_mem>>) src(%dma_wait3A_145 : memref<1015808x32xf32, #tpu.memory_space<hbm>>) dst(%dma_wait3A_139 : memref<100x32xf32, #tpu.memory_space<vmem>>)
      %scan3A_146 = arith.constant 0 : i32
      %scan3A_147 = arith.constant 100 : i32
      %scan3A_148 = arith.addi %scan3A_146, %scan3A_147 : i32
      %scan3A_149 = arith.constant 10 : i32
      %scan3A_150:4 = scf.for %scan3A_422 = %scan3A_146 to %scan3A_148 step %scan3A_149 iter_args(%scan3A_423 = %scan3A_125#0, %scan3A_424 = %scan3A_125#1, %scan3A_425 = %scan3A_125#2, %scan3A_426 = %scan3A_125#3) -> (vector<16xf32>, vector<16xf32>, vector<16xf32>, vector<16xf32>)  : i32 {
        %get3A = arith.constant 1 : i32
        %get3A_427 = arith.index_cast %get3A : i32 to index
        %get3A_428 = arith.index_cast %scan3A_422 : i32 to index
        %get3A_429 = arith.constant 0 : index
        %get3A_430 = tpu.vector_load %arg6[%get3A_427, %get3A_428, %get3A_429] {strides = array<i32>} : memref<8x100x32xf32, #tpu.memory_space<vmem>>, vector<1x1x16xf32>,
        %get3A_431 = vector.shape_cast %get3A_430 : vector<1x1x16xf32> to vector<16xf32>
        %get3A_432 = arith.constant 1 : i32
        %get3A_433 = arith.index_cast %get3A_432 : i32 to index
        %get3A_434 = arith.index_cast %scan3A_422 : i32 to index
        %get3A_435 = arith.constant 16 : index
        %get3A_436 = tpu.vector_load %arg6[%get3A_433, %get3A_434, %get3A_435] {strides = array<i32>} : memref<8x100x32xf32, #tpu.memory_space<vmem>>, vector<1x1x16xf32>,
        %get3A_437 = vector.shape_cast %get3A_436 : vector<1x1x16xf32> to vector<16xf32>
        %bitcast_convert_type3A = tpu.bitcast %get3A_431 : vector<16xf32> -> vector<16xi32>
        %bitcast_convert_type3A_438 = tpu.bitcast %get3A_437 : vector<16xf32> -> vector<16xi32>
        %shift_left3A = arith.constant 16 : i32
        %shift_left3A_439 = vector.broadcast %shift_left3A : i32 to vector<16xi32>
        %shift_left3A_440 = arith.shli %bitcast_convert_type3A, %shift_left3A_439 : vector<16xi32>
        %bitcast_convert_type3A_441 = tpu.bitcast %shift_left3A_440 : vector<16xi32> -> vector<16xf32>
        %add3A_442 = arith.addf %scan3A_423, %bitcast_convert_type3A_441 : vector<16xf32>
        %and3A = arith.constant -65536 : i32
        %and3A_443 = vector.broadcast %and3A : i32 to vector<16xi32>
        %and3A_444 = arith.andi %bitcast_convert_type3A, %and3A_443 : vector<16xi32>
        %bitcast_convert_type3A_445 = tpu.bitcast %and3A_444 : vector<16xi32> -> vector<16xf32>
        %add3A_446 = arith.addf %scan3A_425, %bitcast_convert_type3A_445 : vector<16xf32>
        %shift_left3A_447 = arith.constant 16 : i32
        %shift_left3A_448 = vector.broadcast %shift_left3A_447 : i32 to vector<16xi32>
        %shift_left3A_449 = arith.shli %bitcast_convert_type3A_438, %shift_left3A_448 : vector<16xi32>
        %bitcast_convert_type3A_450 = tpu.bitcast %shift_left3A_449 : vector<16xi32> -> vector<16xf32>
        %add3A_451 = arith.addf %scan3A_424, %bitcast_convert_type3A_450 : vector<16xf32>
        %and3A_452 = arith.constant -65536 : i32
        %and3A_453 = vector.broadcast %and3A_452 : i32 to vector<16xi32>
        %and3A_454 = arith.andi %bitcast_convert_type3A_438, %and3A_453 : vector<16xi32>
        %bitcast_convert_type3A_455 = tpu.bitcast %and3A_454 : vector<16xi32> -> vector<16xf32>
        %add3A_456 = arith.addf %scan3A_426, %bitcast_convert_type3A_455 : vector<16xf32>
        %scan3A_457 = arith.constant 1 : i32
        %scan3A_458 = arith.addi %scan3A_422, %scan3A_457 : i32
        %get3A_459 = arith.constant 1 : i32
        %get3A_460 = arith.index_cast %get3A_459 : i32 to index
        %get3A_461 = arith.index_cast %scan3A_458 : i32 to index
        %get3A_462 = arith.constant 0 : index
        %get3A_463 = tpu.vector_load %arg6[%get3A_460, %get3A_461, %get3A_462] {strides = array<i32>} : memref<8x100x32xf32, #tpu.memory_space<vmem>>, vector<1x1x16xf32>,
        %get3A_464 = vector.shape_cast %get3A_463 : vector<1x1x16xf32> to vector<16xf32>
        %get3A_465 = arith.constant 1 : i32
        %get3A_466 = arith.index_cast %get3A_465 : i32 to index
        %get3A_467 = arith.index_cast %scan3A_458 : i32 to index
        %get3A_468 = arith.constant 16 : index
        %get3A_469 = tpu.vector_load %arg6[%get3A_466, %get3A_467, %get3A_468] {strides = array<i32>} : memref<8x100x32xf32, #tpu.memory_space<vmem>>, vector<1x1x16xf32>,
        %get3A_470 = vector.shape_cast %get3A_469 : vector<1x1x16xf32> to vector<16xf32>
        %bitcast_convert_type3A_471 = tpu.bitcast %get3A_464 : vector<16xf32> -> vector<16xi32>
        %bitcast_convert_type3A_472 = tpu.bitcast %get3A_470 : vector<16xf32> -> vector<16xi32>
        %shift_left3A_473 = arith.constant 16 : i32
        %shift_left3A_474 = vector.broadcast %shift_left3A_473 : i32 to vector<16xi32>
        %shift_left3A_475 = arith.shli %bitcast_convert_type3A_471, %shift_left3A_474 : vector<16xi32>
        %bitcast_convert_type3A_476 = tpu.bitcast %shift_left3A_475 : vector<16xi32> -> vector<16xf32>
        %add3A_477 = arith.addf %add3A_442, %bitcast_convert_type3A_476 : vector<16xf32>
        %and3A_478 = arith.constant -65536 : i32
        %and3A_479 = vector.broadcast %and3A_478 : i32 to vector<16xi32>
        %and3A_480 = arith.andi %bitcast_convert_type3A_471, %and3A_479 : vector<16xi32>
        %bitcast_convert_type3A_481 = tpu.bitcast %and3A_480 : vector<16xi32> -> vector<16xf32>
        %add3A_482 = arith.addf %add3A_446, %bitcast_convert_type3A_481 : vector<16xf32>
        %shift_left3A_483 = arith.constant 16 : i32
        %shift_left3A_484 = vector.broadcast %shift_left3A_483 : i32 to vector<16xi32>
        %shift_left3A_485 = arith.shli %bitcast_convert_type3A_472, %shift_left3A_484 : vector<16xi32>
        %bitcast_convert_type3A_486 = tpu.bitcast %shift_left3A_485 : vector<16xi32> -> vector<16xf32>
        %add3A_487 = arith.addf %add3A_451, %bitcast_convert_type3A_486 : vector<16xf32>
        %and3A_488 = arith.constant -65536 : i32
        %and3A_489 = vector.broadcast %and3A_488 : i32 to vector<16xi32>
        %and3A_490 = arith.andi %bitcast_convert_type3A_472, %and3A_489 : vector<16xi32>
        %bitcast_convert_type3A_491 = tpu.bitcast %and3A_490 : vector<16xi32> -> vector<16xf32>
        %add3A_492 = arith.addf %add3A_456, %bitcast_convert_type3A_491 : vector<16xf32>
        %scan3A_493 = arith.constant 2 : i32
        %scan3A_494 = arith.addi %scan3A_422, %scan3A_493 : i32
        %get3A_495 = arith.constant 1 : i32
        %get3A_496 = arith.index_cast %get3A_495 : i32 to index
        %get3A_497 = arith.index_cast %scan3A_494 : i32 to index
        %get3A_498 = arith.constant 0 : index
        %get3A_499 = tpu.vector_load %arg6[%get3A_496, %get3A_497, %get3A_498] {strides = array<i32>} : memref<8x100x32xf32, #tpu.memory_space<vmem>>, vector<1x1x16xf32>,
        %get3A_500 = vector.shape_cast %get3A_499 : vector<1x1x16xf32> to vector<16xf32>
        %get3A_501 = arith.constant 1 : i32
        %get3A_502 = arith.index_cast %get3A_501 : i32 to index
        %get3A_503 = arith.index_cast %scan3A_494 : i32 to index
        %get3A_504 = arith.constant 16 : index
        %get3A_505 = tpu.vector_load %arg6[%get3A_502, %get3A_503, %get3A_504] {strides = array<i32>} : memref<8x100x32xf32, #tpu.memory_space<vmem>>, vector<1x1x16xf32>,
        %get3A_506 = vector.shape_cast %get3A_505 : vector<1x1x16xf32> to vector<16xf32>
        %bitcast_convert_type3A_507 = tpu.bitcast %get3A_500 : vector<16xf32> -> vector<16xi32>
        %bitcast_convert_type3A_508 = tpu.bitcast %get3A_506 : vector<16xf32> -> vector<16xi32>
        %shift_left3A_509 = arith.constant 16 : i32
        %shift_left3A_510 = vector.broadcast %shift_left3A_509 : i32 to vector<16xi32>
        %shift_left3A_511 = arith.shli %bitcast_convert_type3A_507, %shift_left3A_510 : vector<16xi32>
        %bitcast_convert_type3A_512 = tpu.bitcast %shift_left3A_511 : vector<16xi32> -> vector<16xf32>
        %add3A_513 = arith.addf %add3A_477, %bitcast_convert_type3A_512 : vector<16xf32>
        %and3A_514 = arith.constant -65536 : i32
        %and3A_515 = vector.broadcast %and3A_514 : i32 to vector<16xi32>
        %and3A_516 = arith.andi %bitcast_convert_type3A_507, %and3A_515 : vector<16xi32>
        %bitcast_convert_type3A_517 = tpu.bitcast %and3A_516 : vector<16xi32> -> vector<16xf32>
        %add3A_518 = arith.addf %add3A_482, %bitcast_convert_type3A_517 : vector<16xf32>
        %shift_left3A_519 = arith.constant 16 : i32
        %shift_left3A_520 = vector.broadcast %shift_left3A_519 : i32 to vector<16xi32>
        %shift_left3A_521 = arith.shli %bitcast_convert_type3A_508, %shift_left3A_520 : vector<16xi32>
        %bitcast_convert_type3A_522 = tpu.bitcast %shift_left3A_521 : vector<16xi32> -> vector<16xf32>
        %add3A_523 = arith.addf %add3A_487, %bitcast_convert_type3A_522 : vector<16xf32>
        %and3A_524 = arith.constant -65536 : i32
        %and3A_525 = vector.broadcast %and3A_524 : i32 to vector<16xi32>
        %and3A_526 = arith.andi %bitcast_convert_type3A_508, %and3A_525 : vector<16xi32>
        %bitcast_convert_type3A_527 = tpu.bitcast %and3A_526 : vector<16xi32> -> vector<16xf32>
        %add3A_528 = arith.addf %add3A_492, %bitcast_convert_type3A_527 : vector<16xf32>
        %scan3A_529 = arith.constant 3 : i32
        %scan3A_530 = arith.addi %scan3A_422, %scan3A_529 : i32
        %get3A_531 = arith.constant 1 : i32
        %get3A_532 = arith.index_cast %get3A_531 : i32 to index
        %get3A_533 = arith.index_cast %scan3A_530 : i32 to index
        %get3A_534 = arith.constant 0 : index
        %get3A_535 = tpu.vector_load %arg6[%get3A_532, %get3A_533, %get3A_534] {strides = array<i32>} : memref<8x100x32xf32, #tpu.memory_space<vmem>>, vector<1x1x16xf32>,
        %get3A_536 = vector.shape_cast %get3A_535 : vector<1x1x16xf32> to vector<16xf32>
        %get3A_537 = arith.constant 1 : i32
        %get3A_538 = arith.index_cast %get3A_537 : i32 to index
        %get3A_539 = arith.index_cast %scan3A_530 : i32 to index
        %get3A_540 = arith.constant 16 : index
        %get3A_541 = tpu.vector_load %arg6[%get3A_538, %get3A_539, %get3A_540] {strides = array<i32>} : memref<8x100x32xf32, #tpu.memory_space<vmem>>, vector<1x1x16xf32>,
        %get3A_542 = vector.shape_cast %get3A_541 : vector<1x1x16xf32> to vector<16xf32>
        %bitcast_convert_type3A_543 = tpu.bitcast %get3A_536 : vector<16xf32> -> vector<16xi32>
        %bitcast_convert_type3A_544 = tpu.bitcast %get3A_542 : vector<16xf32> -> vector<16xi32>
        %shift_left3A_545 = arith.constant 16 : i32
        %shift_left3A_546 = vector.broadcast %shift_left3A_545 : i32 to vector<16xi32>
        %shift_left3A_547 = arith.shli %bitcast_convert_type3A_543, %shift_left3A_546 : vector<16xi32>
        %bitcast_convert_type3A_548 = tpu.bitcast %shift_left3A_547 : vector<16xi32> -> vector<16xf32>
        %add3A_549 = arith.addf %add3A_513, %bitcast_convert_type3A_548 : vector<16xf32>
        %and3A_550 = arith.constant -65536 : i32
        %and3A_551 = vector.broadcast %and3A_550 : i32 to vector<16xi32>
        %and3A_552 = arith.andi %bitcast_convert_type3A_543, %and3A_551 : vector<16xi32>
        %bitcast_convert_type3A_553 = tpu.bitcast %and3A_552 : vector<16xi32> -> vector<16xf32>
        %add3A_554 = arith.addf %add3A_518, %bitcast_convert_type3A_553 : vector<16xf32>
        %shift_left3A_555 = arith.constant 16 : i32
        %shift_left3A_556 = vector.broadcast %shift_left3A_555 : i32 to vector<16xi32>
        %shift_left3A_557 = arith.shli %bitcast_convert_type3A_544, %shift_left3A_556 : vector<16xi32>
        %bitcast_convert_type3A_558 = tpu.bitcast %shift_left3A_557 : vector<16xi32> -> vector<16xf32>
        %add3A_559 = arith.addf %add3A_523, %bitcast_convert_type3A_558 : vector<16xf32>
        %and3A_560 = arith.constant -65536 : i32
        %and3A_561 = vector.broadcast %and3A_560 : i32 to vector<16xi32>
        %and3A_562 = arith.andi %bitcast_convert_type3A_544, %and3A_561 : vector<16xi32>
        %bitcast_convert_type3A_563 = tpu.bitcast %and3A_562 : vector<16xi32> -> vector<16xf32>
        %add3A_564 = arith.addf %add3A_528, %bitcast_convert_type3A_563 : vector<16xf32>
        %scan3A_565 = arith.constant 4 : i32
        %scan3A_566 = arith.addi %scan3A_422, %scan3A_565 : i32
        %get3A_567 = arith.constant 1 : i32
        %get3A_568 = arith.index_cast %get3A_567 : i32 to index
        %get3A_569 = arith.index_cast %scan3A_566 : i32 to index
        %get3A_570 = arith.constant 0 : index
        %get3A_571 = tpu.vector_load %arg6[%get3A_568, %get3A_569, %get3A_570] {strides = array<i32>} : memref<8x100x32xf32, #tpu.memory_space<vmem>>, vector<1x1x16xf32>,
        %get3A_572 = vector.shape_cast %get3A_571 : vector<1x1x16xf32> to vector<16xf32>
        %get3A_573 = arith.constant 1 : i32
        %get3A_574 = arith.index_cast %get3A_573 : i32 to index
        %get3A_575 = arith.index_cast %scan3A_566 : i32 to index
        %get3A_576 = arith.constant 16 : index
        %get3A_577 = tpu.vector_load %arg6[%get3A_574, %get3A_575, %get3A_576] {strides = array<i32>} : memref<8x100x32xf32, #tpu.memory_space<vmem>>, vector<1x1x16xf32>,
        %get3A_578 = vector.shape_cast %get3A_577 : vector<1x1x16xf32> to vector<16xf32>
        %bitcast_convert_type3A_579 = tpu.bitcast %get3A_572 : vector<16xf32> -> vector<16xi32>
        %bitcast_convert_type3A_580 = tpu.bitcast %get3A_578 : vector<16xf32> -> vector<16xi32>
        %shift_left3A_581 = arith.constant 16 : i32
        %shift_left3A_582 = vector.broadcast %shift_left3A_581 : i32 to vector<16xi32>
        %shift_left3A_583 = arith.shli %bitcast_convert_type3A_579, %shift_left3A_582 : vector<16xi32>
        %bitcast_convert_type3A_584 = tpu.bitcast %shift_left3A_583 : vector<16xi32> -> vector<16xf32>
        %add3A_585 = arith.addf %add3A_549, %bitcast_convert_type3A_584 : vector<16xf32>
        %and3A_586 = arith.constant -65536 : i32
        %and3A_587 = vector.broadcast %and3A_586 : i32 to vector<16xi32>
        %and3A_588 = arith.andi %bitcast_convert_type3A_579, %and3A_587 : vector<16xi32>
        %bitcast_convert_type3A_589 = tpu.bitcast %and3A_588 : vector<16xi32> -> vector<16xf32>
        %add3A_590 = arith.addf %add3A_554, %bitcast_convert_type3A_589 : vector<16xf32>
        %shift_left3A_591 = arith.constant 16 : i32
        %shift_left3A_592 = vector.broadcast %shift_left3A_591 : i32 to vector<16xi32>
        %shift_left3A_593 = arith.shli %bitcast_convert_type3A_580, %shift_left3A_592 : vector<16xi32>
        %bitcast_convert_type3A_594 = tpu.bitcast %shift_left3A_593 : vector<16xi32> -> vector<16xf32>
        %add3A_595 = arith.addf %add3A_559, %bitcast_convert_type3A_594 : vector<16xf32>
        %and3A_596 = arith.constant -65536 : i32
        %and3A_597 = vector.broadcast %and3A_596 : i32 to vector<16xi32>
        %and3A_598 = arith.andi %bitcast_convert_type3A_580, %and3A_597 : vector<16xi32>
        %bitcast_convert_type3A_599 = tpu.bitcast %and3A_598 : vector<16xi32> -> vector<16xf32>
        %add3A_600 = arith.addf %add3A_564, %bitcast_convert_type3A_599 : vector<16xf32>
        %scan3A_601 = arith.constant 5 : i32
        %scan3A_602 = arith.addi %scan3A_422, %scan3A_601 : i32
        %get3A_603 = arith.constant 1 : i32
        %get3A_604 = arith.index_cast %get3A_603 : i32 to index
        %get3A_605 = arith.index_cast %scan3A_602 : i32 to index
        %get3A_606 = arith.constant 0 : index
        %get3A_607 = tpu.vector_load %arg6[%get3A_604, %get3A_605, %get3A_606] {strides = array<i32>} : memref<8x100x32xf32, #tpu.memory_space<vmem>>, vector<1x1x16xf32>,
        %get3A_608 = vector.shape_cast %get3A_607 : vector<1x1x16xf32> to vector<16xf32>
        %get3A_609 = arith.constant 1 : i32
        %get3A_610 = arith.index_cast %get3A_609 : i32 to index
        %get3A_611 = arith.index_cast %scan3A_602 : i32 to index
        %get3A_612 = arith.constant 16 : index
        %get3A_613 = tpu.vector_load %arg6[%get3A_610, %get3A_611, %get3A_612] {strides = array<i32>} : memref<8x100x32xf32, #tpu.memory_space<vmem>>, vector<1x1x16xf32>,
        %get3A_614 = vector.shape_cast %get3A_613 : vector<1x1x16xf32> to vector<16xf32>
        %bitcast_convert_type3A_615 = tpu.bitcast %get3A_608 : vector<16xf32> -> vector<16xi32>
        %bitcast_convert_type3A_616 = tpu.bitcast %get3A_614 : vector<16xf32> -> vector<16xi32>
        %shift_left3A_617 = arith.constant 16 : i32
        %shift_left3A_618 = vector.broadcast %shift_left3A_617 : i32 to vector<16xi32>
        %shift_left3A_619 = arith.shli %bitcast_convert_type3A_615, %shift_left3A_618 : vector<16xi32>
        %bitcast_convert_type3A_620 = tpu.bitcast %shift_left3A_619 : vector<16xi32> -> vector<16xf32>
        %add3A_621 = arith.addf %add3A_585, %bitcast_convert_type3A_620 : vector<16xf32>
        %and3A_622 = arith.constant -65536 : i32
        %and3A_623 = vector.broadcast %and3A_622 : i32 to vector<16xi32>
        %and3A_624 = arith.andi %bitcast_convert_type3A_615, %and3A_623 : vector<16xi32>
        %bitcast_convert_type3A_625 = tpu.bitcast %and3A_624 : vector<16xi32> -> vector<16xf32>
        %add3A_626 = arith.addf %add3A_590, %bitcast_convert_type3A_625 : vector<16xf32>
        %shift_left3A_627 = arith.constant 16 : i32
        %shift_left3A_628 = vector.broadcast %shift_left3A_627 : i32 to vector<16xi32>
        %shift_left3A_629 = arith.shli %bitcast_convert_type3A_616, %shift_left3A_628 : vector<16xi32>
        %bitcast_convert_type3A_630 = tpu.bitcast %shift_left3A_629 : vector<16xi32> -> vector<16xf32>
        %add3A_631 = arith.addf %add3A_595, %bitcast_convert_type3A_630 : vector<16xf32>
        %and3A_632 = arith.constant -65536 : i32
        %and3A_633 = vector.broadcast %and3A_632 : i32 to vector<16xi32>
        %and3A_634 = arith.andi %bitcast_convert_type3A_616, %and3A_633 : vector<16xi32>
        %bitcast_convert_type3A_635 = tpu.bitcast %and3A_634 : vector<16xi32> -> vector<16xf32>
        %add3A_636 = arith.addf %add3A_600, %bitcast_convert_type3A_635 : vector<16xf32>
        %scan3A_637 = arith.constant 6 : i32
        %scan3A_638 = arith.addi %scan3A_422, %scan3A_637 : i32
        %get3A_639 = arith.constant 1 : i32
        %get3A_640 = arith.index_cast %get3A_639 : i32 to index
        %get3A_641 = arith.index_cast %scan3A_638 : i32 to index
        %get3A_642 = arith.constant 0 : index
        %get3A_643 = tpu.vector_load %arg6[%get3A_640, %get3A_641, %get3A_642] {strides = array<i32>} : memref<8x100x32xf32, #tpu.memory_space<vmem>>, vector<1x1x16xf32>,
        %get3A_644 = vector.shape_cast %get3A_643 : vector<1x1x16xf32> to vector<16xf32>
        %get3A_645 = arith.constant 1 : i32
        %get3A_646 = arith.index_cast %get3A_645 : i32 to index
        %get3A_647 = arith.index_cast %scan3A_638 : i32 to index
        %get3A_648 = arith.constant 16 : index
        %get3A_649 = tpu.vector_load %arg6[%get3A_646, %get3A_647, %get3A_648] {strides = array<i32>} : memref<8x100x32xf32, #tpu.memory_space<vmem>>, vector<1x1x16xf32>,
        %get3A_650 = vector.shape_cast %get3A_649 : vector<1x1x16xf32> to vector<16xf32>
        %bitcast_convert_type3A_651 = tpu.bitcast %get3A_644 : vector<16xf32> -> vector<16xi32>
        %bitcast_convert_type3A_652 = tpu.bitcast %get3A_650 : vector<16xf32> -> vector<16xi32>
        %shift_left3A_653 = arith.constant 16 : i32
        %shift_left3A_654 = vector.broadcast %shift_left3A_653 : i32 to vector<16xi32>
        %shift_left3A_655 = arith.shli %bitcast_convert_type3A_651, %shift_left3A_654 : vector<16xi32>
        %bitcast_convert_type3A_656 = tpu.bitcast %shift_left3A_655 : vector<16xi32> -> vector<16xf32>
        %add3A_657 = arith.addf %add3A_621, %bitcast_convert_type3A_656 : vector<16xf32>
        %and3A_658 = arith.constant -65536 : i32
        %and3A_659 = vector.broadcast %and3A_658 : i32 to vector<16xi32>
        %and3A_660 = arith.andi %bitcast_convert_type3A_651, %and3A_659 : vector<16xi32>
        %bitcast_convert_type3A_661 = tpu.bitcast %and3A_660 : vector<16xi32> -> vector<16xf32>
        %add3A_662 = arith.addf %add3A_626, %bitcast_convert_type3A_661 : vector<16xf32>
        %shift_left3A_663 = arith.constant 16 : i32
        %shift_left3A_664 = vector.broadcast %shift_left3A_663 : i32 to vector<16xi32>
        %shift_left3A_665 = arith.shli %bitcast_convert_type3A_652, %shift_left3A_664 : vector<16xi32>
        %bitcast_convert_type3A_666 = tpu.bitcast %shift_left3A_665 : vector<16xi32> -> vector<16xf32>
        %add3A_667 = arith.addf %add3A_631, %bitcast_convert_type3A_666 : vector<16xf32>
        %and3A_668 = arith.constant -65536 : i32
        %and3A_669 = vector.broadcast %and3A_668 : i32 to vector<16xi32>
        %and3A_670 = arith.andi %bitcast_convert_type3A_652, %and3A_669 : vector<16xi32>
        %bitcast_convert_type3A_671 = tpu.bitcast %and3A_670 : vector<16xi32> -> vector<16xf32>
        %add3A_672 = arith.addf %add3A_636, %bitcast_convert_type3A_671 : vector<16xf32>
        %scan3A_673 = arith.constant 7 : i32
        %scan3A_674 = arith.addi %scan3A_422, %scan3A_673 : i32
        %get3A_675 = arith.constant 1 : i32
        %get3A_676 = arith.index_cast %get3A_675 : i32 to index
        %get3A_677 = arith.index_cast %scan3A_674 : i32 to index
        %get3A_678 = arith.constant 0 : index
        %get3A_679 = tpu.vector_load %arg6[%get3A_676, %get3A_677, %get3A_678] {strides = array<i32>} : memref<8x100x32xf32, #tpu.memory_space<vmem>>, vector<1x1x16xf32>,
        %get3A_680 = vector.shape_cast %get3A_679 : vector<1x1x16xf32> to vector<16xf32>
        %get3A_681 = arith.constant 1 : i32
        %get3A_682 = arith.index_cast %get3A_681 : i32 to index
        %get3A_683 = arith.index_cast %scan3A_674 : i32 to index
        %get3A_684 = arith.constant 16 : index
        %get3A_685 = tpu.vector_load %arg6[%get3A_682, %get3A_683, %get3A_684] {strides = array<i32>} : memref<8x100x32xf32, #tpu.memory_space<vmem>>, vector<1x1x16xf32>,
        %get3A_686 = vector.shape_cast %get3A_685 : vector<1x1x16xf32> to vector<16xf32>
        %bitcast_convert_type3A_687 = tpu.bitcast %get3A_680 : vector<16xf32> -> vector<16xi32>
        %bitcast_convert_type3A_688 = tpu.bitcast %get3A_686 : vector<16xf32> -> vector<16xi32>
        %shift_left3A_689 = arith.constant 16 : i32
        %shift_left3A_690 = vector.broadcast %shift_left3A_689 : i32 to vector<16xi32>
        %shift_left3A_691 = arith.shli %bitcast_convert_type3A_687, %shift_left3A_690 : vector<16xi32>
        %bitcast_convert_type3A_692 = tpu.bitcast %shift_left3A_691 : vector<16xi32> -> vector<16xf32>
        %add3A_693 = arith.addf %add3A_657, %bitcast_convert_type3A_692 : vector<16xf32>
        %and3A_694 = arith.constant -65536 : i32
        %and3A_695 = vector.broadcast %and3A_694 : i32 to vector<16xi32>
        %and3A_696 = arith.andi %bitcast_convert_type3A_687, %and3A_695 : vector<16xi32>
        %bitcast_convert_type3A_697 = tpu.bitcast %and3A_696 : vector<16xi32> -> vector<16xf32>
        %add3A_698 = arith.addf %add3A_662, %bitcast_convert_type3A_697 : vector<16xf32>
        %shift_left3A_699 = arith.constant 16 : i32
        %shift_left3A_700 = vector.broadcast %shift_left3A_699 : i32 to vector<16xi32>
        %shift_left3A_701 = arith.shli %bitcast_convert_type3A_688, %shift_left3A_700 : vector<16xi32>
        %bitcast_convert_type3A_702 = tpu.bitcast %shift_left3A_701 : vector<16xi32> -> vector<16xf32>
        %add3A_703 = arith.addf %add3A_667, %bitcast_convert_type3A_702 : vector<16xf32>
        %and3A_704 = arith.constant -65536 : i32
        %and3A_705 = vector.broadcast %and3A_704 : i32 to vector<16xi32>
        %and3A_706 = arith.andi %bitcast_convert_type3A_688, %and3A_705 : vector<16xi32>
        %bitcast_convert_type3A_707 = tpu.bitcast %and3A_706 : vector<16xi32> -> vector<16xf32>
        %add3A_708 = arith.addf %add3A_672, %bitcast_convert_type3A_707 : vector<16xf32>
        %scan3A_709 = arith.constant 8 : i32
        %scan3A_710 = arith.addi %scan3A_422, %scan3A_709 : i32
        %get3A_711 = arith.constant 1 : i32
        %get3A_712 = arith.index_cast %get3A_711 : i32 to index
        %get3A_713 = arith.index_cast %scan3A_710 : i32 to index
        %get3A_714 = arith.constant 0 : index
        %get3A_715 = tpu.vector_load %arg6[%get3A_712, %get3A_713, %get3A_714] {strides = array<i32>} : memref<8x100x32xf32, #tpu.memory_space<vmem>>, vector<1x1x16xf32>,
        %get3A_716 = vector.shape_cast %get3A_715 : vector<1x1x16xf32> to vector<16xf32>
        %get3A_717 = arith.constant 1 : i32
        %get3A_718 = arith.index_cast %get3A_717 : i32 to index
        %get3A_719 = arith.index_cast %scan3A_710 : i32 to index
        %get3A_720 = arith.constant 16 : index
        %get3A_721 = tpu.vector_load %arg6[%get3A_718, %get3A_719, %get3A_720] {strides = array<i32>} : memref<8x100x32xf32, #tpu.memory_space<vmem>>, vector<1x1x16xf32>,
        %get3A_722 = vector.shape_cast %get3A_721 : vector<1x1x16xf32> to vector<16xf32>
        %bitcast_convert_type3A_723 = tpu.bitcast %get3A_716 : vector<16xf32> -> vector<16xi32>
        %bitcast_convert_type3A_724 = tpu.bitcast %get3A_722 : vector<16xf32> -> vector<16xi32>
        %shift_left3A_725 = arith.constant 16 : i32
        %shift_left3A_726 = vector.broadcast %shift_left3A_725 : i32 to vector<16xi32>
        %shift_left3A_727 = arith.shli %bitcast_convert_type3A_723, %shift_left3A_726 : vector<16xi32>
        %bitcast_convert_type3A_728 = tpu.bitcast %shift_left3A_727 : vector<16xi32> -> vector<16xf32>
        %add3A_729 = arith.addf %add3A_693, %bitcast_convert_type3A_728 : vector<16xf32>
        %and3A_730 = arith.constant -65536 : i32
        %and3A_731 = vector.broadcast %and3A_730 : i32 to vector<16xi32>
        %and3A_732 = arith.andi %bitcast_convert_type3A_723, %and3A_731 : vector<16xi32>
        %bitcast_convert_type3A_733 = tpu.bitcast %and3A_732 : vector<16xi32> -> vector<16xf32>
        %add3A_734 = arith.addf %add3A_698, %bitcast_convert_type3A_733 : vector<16xf32>
        %shift_left3A_735 = arith.constant 16 : i32
        %shift_left3A_736 = vector.broadcast %shift_left3A_735 : i32 to vector<16xi32>
        %shift_left3A_737 = arith.shli %bitcast_convert_type3A_724, %shift_left3A_736 : vector<16xi32>
        %bitcast_convert_type3A_738 = tpu.bitcast %shift_left3A_737 : vector<16xi32> -> vector<16xf32>
        %add3A_739 = arith.addf %add3A_703, %bitcast_convert_type3A_738 : vector<16xf32>
        %and3A_740 = arith.constant -65536 : i32
        %and3A_741 = vector.broadcast %and3A_740 : i32 to vector<16xi32>
        %and3A_742 = arith.andi %bitcast_convert_type3A_724, %and3A_741 : vector<16xi32>
        %bitcast_convert_type3A_743 = tpu.bitcast %and3A_742 : vector<16xi32> -> vector<16xf32>
        %add3A_744 = arith.addf %add3A_708, %bitcast_convert_type3A_743 : vector<16xf32>
        %scan3A_745 = arith.constant 9 : i32
        %scan3A_746 = arith.addi %scan3A_422, %scan3A_745 : i32
        %get3A_747 = arith.constant 1 : i32
        %get3A_748 = arith.index_cast %get3A_747 : i32 to index
        %get3A_749 = arith.index_cast %scan3A_746 : i32 to index
        %get3A_750 = arith.constant 0 : index
        %get3A_751 = tpu.vector_load %arg6[%get3A_748, %get3A_749, %get3A_750] {strides = array<i32>} : memref<8x100x32xf32, #tpu.memory_space<vmem>>, vector<1x1x16xf32>,
        %get3A_752 = vector.shape_cast %get3A_751 : vector<1x1x16xf32> to vector<16xf32>
        %get3A_753 = arith.constant 1 : i32
        %get3A_754 = arith.index_cast %get3A_753 : i32 to index
        %get3A_755 = arith.index_cast %scan3A_746 : i32 to index
        %get3A_756 = arith.constant 16 : index
        %get3A_757 = tpu.vector_load %arg6[%get3A_754, %get3A_755, %get3A_756] {strides = array<i32>} : memref<8x100x32xf32, #tpu.memory_space<vmem>>, vector<1x1x16xf32>,
        %get3A_758 = vector.shape_cast %get3A_757 : vector<1x1x16xf32> to vector<16xf32>
        %bitcast_convert_type3A_759 = tpu.bitcast %get3A_752 : vector<16xf32> -> vector<16xi32>
        %bitcast_convert_type3A_760 = tpu.bitcast %get3A_758 : vector<16xf32> -> vector<16xi32>
        %shift_left3A_761 = arith.constant 16 : i32
        %shift_left3A_762 = vector.broadcast %shift_left3A_761 : i32 to vector<16xi32>
        %shift_left3A_763 = arith.shli %bitcast_convert_type3A_759, %shift_left3A_762 : vector<16xi32>
        %bitcast_convert_type3A_764 = tpu.bitcast %shift_left3A_763 : vector<16xi32> -> vector<16xf32>
        %add3A_765 = arith.addf %add3A_729, %bitcast_convert_type3A_764 : vector<16xf32>
        %and3A_766 = arith.constant -65536 : i32
        %and3A_767 = vector.broadcast %and3A_766 : i32 to vector<16xi32>
        %and3A_768 = arith.andi %bitcast_convert_type3A_759, %and3A_767 : vector<16xi32>
        %bitcast_convert_type3A_769 = tpu.bitcast %and3A_768 : vector<16xi32> -> vector<16xf32>
        %add3A_770 = arith.addf %add3A_734, %bitcast_convert_type3A_769 : vector<16xf32>
        %shift_left3A_771 = arith.constant 16 : i32
        %shift_left3A_772 = vector.broadcast %shift_left3A_771 : i32 to vector<16xi32>
        %shift_left3A_773 = arith.shli %bitcast_convert_type3A_760, %shift_left3A_772 : vector<16xi32>
        %bitcast_convert_type3A_774 = tpu.bitcast %shift_left3A_773 : vector<16xi32> -> vector<16xf32>
        %add3A_775 = arith.addf %add3A_739, %bitcast_convert_type3A_774 : vector<16xf32>
        %and3A_776 = arith.constant -65536 : i32
        %and3A_777 = vector.broadcast %and3A_776 : i32 to vector<16xi32>
        %and3A_778 = arith.andi %bitcast_convert_type3A_760, %and3A_777 : vector<16xi32>
        %bitcast_convert_type3A_779 = tpu.bitcast %and3A_778 : vector<16xi32> -> vector<16xf32>
        %add3A_780 = arith.addf %add3A_744, %bitcast_convert_type3A_779 : vector<16xf32>
        scf.yield %add3A_765, %add3A_775, %add3A_770, %add3A_780 : vector<16xf32>, vector<16xf32>, vector<16xf32>, vector<16xf32>
      }
      %scan3A_151 = arith.constant 100 : i32
      %add3A_152 = arith.constant 8 : i32
      %add3A_153 = arith.addi %add3A_134, %add3A_152 : i32
      %lt3A_154 = arith.constant 256 : i32
      %lt3A_155 = arith.cmpi slt, %add3A_153, %lt3A_154 : i32
      %convert_element_type3A_156 = arith.extui %lt3A_155 : i1 to i32
      %cond3A_157 = arith.constant 0 : i32
      %cond3A_158 = arith.cmpi ne, %convert_element_type3A_156, %cond3A_157 : i32
      scf.if %cond3A_158 {
        %dma_start3A_422 = arith.constant 1 : i32
        %dma_start3A_423 = arith.constant 0 : i32
        %dma_start3A_424 = arith.constant 0 : i32
        %dma_start3A_425 = tpu.memref_slice %arg6[%dma_start3A_422, %dma_start3A_423, %dma_start3A_424] : memref<8x100x32xf32, #tpu.memory_space<vmem>> -> memref<1x100x32xf32, #tpu.memory_space<vmem>>
        %dma_start3A_426 = tpu.memref_squeeze %dma_start3A_425 : memref<1x100x32xf32, #tpu.memory_space<vmem>> -> memref<100x32xf32, #tpu.memory_space<vmem>>
        %dma_start3A_427 = arith.constant 0 : i32
        %dma_start3A_428 = tpu.memref_slice %arg5[%add3A_153, %dma_start3A_427] : memref<256x100xi32, #tpu.memory_space<vmem>> -> memref<1x100xi32, #tpu.memory_space<vmem>>
        %dma_start3A_429 = tpu.memref_squeeze %dma_start3A_428 : memref<1x100xi32, #tpu.memory_space<vmem>> -> memref<100xi32, #tpu.memory_space<vmem>>
        %dma_start3A_430 = arith.constant 0 : i32
        %dma_start3A_431 = arith.constant 0 : i32
        %dma_start3A_432 = tpu.memref_slice %arg3[%dma_start3A_430, %dma_start3A_431] : memref<1015808x32xf32, #tpu.memory_space<hbm>> -> memref<1015808x32xf32, #tpu.memory_space<hbm>>
        tpu.enqueue_indirect_dma source(%dma_start3A_432 : memref<1015808x32xf32, #tpu.memory_space<hbm>>) target(%dma_start3A_426 : memref<100x32xf32, #tpu.memory_space<vmem>>) offsets(%dma_start3A_429 : memref<100xi32, #tpu.memory_space<vmem>>) semaphore(%arg9 : memref<!tpu.dma_semaphore, #tpu.memory_space<semaphore_mem>>)
      } else {
      }
      %mul3A_159 = arith.constant 4 : i32
      %mul3A_160 = arith.muli %mul3A_159, %scan3A_106 : i32
      %add3A_161 = arith.constant 0 : i32
      %add3A_162 = arith.addi %mul3A_160, %add3A_161 : i32
      %swap3A = arith.index_cast %add3A_162 : i32 to index
      %swap3A_163 = arith.constant 0 : index
      %swap3A_164 = tpu.vector_load %arg7[%swap3A, %swap3A_163] {strides = array<i32>} : memref<128x64xf32, #tpu.memory_space<vmem>>, vector<1x16xf32>,
      %swap3A_165 = vector.shape_cast %swap3A_164 : vector<1x16xf32> to vector<16xf32>
      %swap3A_166 = vector.shape_cast %scan3A_150#0 : vector<16xf32> to vector<1x16xf32>
      tpu.vector_store %arg7[%swap3A, %swap3A_163], %swap3A_166 {strides = array<i32>} : memref<128x64xf32, #tpu.memory_space<vmem>>, vector<1x16xf32>,
      %swap3A_167 = arith.index_cast %add3A_162 : i32 to index
      %swap3A_168 = arith.constant 16 : index
      %swap3A_169 = tpu.vector_load %arg7[%swap3A_167, %swap3A_168] {strides = array<i32>} : memref<128x64xf32, #tpu.memory_space<vmem>>, vector<1x16xf32>,
      %swap3A_170 = vector.shape_cast %swap3A_169 : vector<1x16xf32> to vector<16xf32>
      %swap3A_171 = vector.shape_cast %scan3A_150#1 : vector<16xf32> to vector<1x16xf32>
      tpu.vector_store %arg7[%swap3A_167, %swap3A_168], %swap3A_171 {strides = array<i32>} : memref<128x64xf32, #tpu.memory_space<vmem>>, vector<1x16xf32>,
      %swap3A_172 = arith.index_cast %add3A_162 : i32 to index
      %swap3A_173 = arith.constant 32 : index
      %swap3A_174 = tpu.vector_load %arg7[%swap3A_172, %swap3A_173] {strides = array<i32>} : memref<128x64xf32, #tpu.memory_space<vmem>>, vector<1x16xf32>,
      %swap3A_175 = vector.shape_cast %swap3A_174 : vector<1x16xf32> to vector<16xf32>
      %swap3A_176 = vector.shape_cast %scan3A_150#2 : vector<16xf32> to vector<1x16xf32>
      tpu.vector_store %arg7[%swap3A_172, %swap3A_173], %swap3A_176 {strides = array<i32>} : memref<128x64xf32, #tpu.memory_space<vmem>>, vector<1x16xf32>,
      %swap3A_177 = arith.index_cast %add3A_162 : i32 to index
      %swap3A_178 = arith.constant 48 : index
      %swap3A_179 = tpu.vector_load %arg7[%swap3A_177, %swap3A_178] {strides = array<i32>} : memref<128x64xf32, #tpu.memory_space<vmem>>, vector<1x16xf32>,
      %swap3A_180 = vector.shape_cast %swap3A_179 : vector<1x16xf32> to vector<16xf32>
      %swap3A_181 = vector.shape_cast %scan3A_150#3 : vector<16xf32> to vector<1x16xf32>
      tpu.vector_store %arg7[%swap3A_177, %swap3A_178], %swap3A_181 {strides = array<i32>} : memref<128x64xf32, #tpu.memory_space<vmem>>, vector<1x16xf32>,
      %mul3A_182 = arith.constant 8 : i32
      %mul3A_183 = arith.muli %mul3A_182, %scan3A_106 : i32
      %add3A_184 = arith.constant 2 : i32
      %add3A_185 = arith.addi %mul3A_183, %add3A_184 : i32
      %dma_wait3A_186 = arith.constant 2 : i32
      %dma_wait3A_187 = arith.constant 0 : i32
      %dma_wait3A_188 = arith.constant 0 : i32
      %dma_wait3A_189 = tpu.memref_slice %arg6[%dma_wait3A_186, %dma_wait3A_187, %dma_wait3A_188] : memref<8x100x32xf32, #tpu.memory_space<vmem>> -> memref<1x100x32xf32, #tpu.memory_space<vmem>>
      %dma_wait3A_190 = tpu.memref_squeeze %dma_wait3A_189 : memref<1x100x32xf32, #tpu.memory_space<vmem>> -> memref<100x32xf32, #tpu.memory_space<vmem>>
      %dma_wait3A_191 = arith.constant 0 : i32
      %dma_wait3A_192 = tpu.memref_slice %arg5[%add3A_185, %dma_wait3A_191] : memref<256x100xi32, #tpu.memory_space<vmem>> -> memref<1x100xi32, #tpu.memory_space<vmem>>
      %dma_wait3A_193 = tpu.memref_squeeze %dma_wait3A_192 : memref<1x100xi32, #tpu.memory_space<vmem>> -> memref<100xi32, #tpu.memory_space<vmem>>
      %dma_wait3A_194 = arith.constant 0 : i32
      %dma_wait3A_195 = arith.constant 0 : i32
      %dma_wait3A_196 = tpu.memref_slice %arg3[%dma_wait3A_194, %dma_wait3A_195] : memref<1015808x32xf32, #tpu.memory_space<hbm>> -> memref<1015808x32xf32, #tpu.memory_space<hbm>>
      tpu.wait_indirect_dma semaphore(%arg10 : memref<!tpu.dma_semaphore, #tpu.memory_space<semaphore_mem>>) src(%dma_wait3A_196 : memref<1015808x32xf32, #tpu.memory_space<hbm>>) dst(%dma_wait3A_190 : memref<100x32xf32, #tpu.memory_space<vmem>>)
      %scan3A_197 = arith.constant 0 : i32
      %scan3A_198 = arith.constant 100 : i32
      %scan3A_199 = arith.addi %scan3A_197, %scan3A_198 : i32
      %scan3A_200 = arith.constant 10 : i32
      %scan3A_201:4 = scf.for %scan3A_422 = %scan3A_197 to %scan3A_199 step %scan3A_200 iter_args(%scan3A_423 = %broadcast_in_dim3A_98, %scan3A_424 = %broadcast_in_dim3A_98, %scan3A_425 = %broadcast_in_dim3A_98, %scan3A_426 = %broadcast_in_dim3A_98) -> (vector<16xf32>, vector<16xf32>, vector<16xf32>, vector<16xf32>)  : i32 {
        %get3A = arith.constant 2 : i32
        %get3A_427 = arith.index_cast %get3A : i32 to index
        %get3A_428 = arith.index_cast %scan3A_422 : i32 to index
        %get3A_429 = arith.constant 0 : index
        %get3A_430 = tpu.vector_load %arg6[%get3A_427, %get3A_428, %get3A_429] {strides = array<i32>} : memref<8x100x32xf32, #tpu.memory_space<vmem>>, vector<1x1x16xf32>,
        %get3A_431 = vector.shape_cast %get3A_430 : vector<1x1x16xf32> to vector<16xf32>
        %get3A_432 = arith.constant 2 : i32
        %get3A_433 = arith.index_cast %get3A_432 : i32 to index
        %get3A_434 = arith.index_cast %scan3A_422 : i32 to index
        %get3A_435 = arith.constant 16 : index
        %get3A_436 = tpu.vector_load %arg6[%get3A_433, %get3A_434, %get3A_435] {strides = array<i32>} : memref<8x100x32xf32, #tpu.memory_space<vmem>>, vector<1x1x16xf32>,
        %get3A_437 = vector.shape_cast %get3A_436 : vector<1x1x16xf32> to vector<16xf32>
        %bitcast_convert_type3A = tpu.bitcast %get3A_431 : vector<16xf32> -> vector<16xi32>
        %bitcast_convert_type3A_438 = tpu.bitcast %get3A_437 : vector<16xf32> -> vector<16xi32>
        %shift_left3A = arith.constant 16 : i32
        %shift_left3A_439 = vector.broadcast %shift_left3A : i32 to vector<16xi32>
        %shift_left3A_440 = arith.shli %bitcast_convert_type3A, %shift_left3A_439 : vector<16xi32>
        %bitcast_convert_type3A_441 = tpu.bitcast %shift_left3A_440 : vector<16xi32> -> vector<16xf32>
        %add3A_442 = arith.addf %scan3A_423, %bitcast_convert_type3A_441 : vector<16xf32>
        %and3A = arith.constant -65536 : i32
        %and3A_443 = vector.broadcast %and3A : i32 to vector<16xi32>
        %and3A_444 = arith.andi %bitcast_convert_type3A, %and3A_443 : vector<16xi32>
        %bitcast_convert_type3A_445 = tpu.bitcast %and3A_444 : vector<16xi32> -> vector<16xf32>
        %add3A_446 = arith.addf %scan3A_425, %bitcast_convert_type3A_445 : vector<16xf32>
        %shift_left3A_447 = arith.constant 16 : i32
        %shift_left3A_448 = vector.broadcast %shift_left3A_447 : i32 to vector<16xi32>
        %shift_left3A_449 = arith.shli %bitcast_convert_type3A_438, %shift_left3A_448 : vector<16xi32>
        %bitcast_convert_type3A_450 = tpu.bitcast %shift_left3A_449 : vector<16xi32> -> vector<16xf32>
        %add3A_451 = arith.addf %scan3A_424, %bitcast_convert_type3A_450 : vector<16xf32>
        %and3A_452 = arith.constant -65536 : i32
        %and3A_453 = vector.broadcast %and3A_452 : i32 to vector<16xi32>
        %and3A_454 = arith.andi %bitcast_convert_type3A_438, %and3A_453 : vector<16xi32>
        %bitcast_convert_type3A_455 = tpu.bitcast %and3A_454 : vector<16xi32> -> vector<16xf32>
        %add3A_456 = arith.addf %scan3A_426, %bitcast_convert_type3A_455 : vector<16xf32>
        %scan3A_457 = arith.constant 1 : i32
        %scan3A_458 = arith.addi %scan3A_422, %scan3A_457 : i32
        %get3A_459 = arith.constant 2 : i32
        %get3A_460 = arith.index_cast %get3A_459 : i32 to index
        %get3A_461 = arith.index_cast %scan3A_458 : i32 to index
        %get3A_462 = arith.constant 0 : index
        %get3A_463 = tpu.vector_load %arg6[%get3A_460, %get3A_461, %get3A_462] {strides = array<i32>} : memref<8x100x32xf32, #tpu.memory_space<vmem>>, vector<1x1x16xf32>,
        %get3A_464 = vector.shape_cast %get3A_463 : vector<1x1x16xf32> to vector<16xf32>
        %get3A_465 = arith.constant 2 : i32
        %get3A_466 = arith.index_cast %get3A_465 : i32 to index
        %get3A_467 = arith.index_cast %scan3A_458 : i32 to index
        %get3A_468 = arith.constant 16 : index
        %get3A_469 = tpu.vector_load %arg6[%get3A_466, %get3A_467, %get3A_468] {strides = array<i32>} : memref<8x100x32xf32, #tpu.memory_space<vmem>>, vector<1x1x16xf32>,
        %get3A_470 = vector.shape_cast %get3A_469 : vector<1x1x16xf32> to vector<16xf32>
        %bitcast_convert_type3A_471 = tpu.bitcast %get3A_464 : vector<16xf32> -> vector<16xi32>
        %bitcast_convert_type3A_472 = tpu.bitcast %get3A_470 : vector<16xf32> -> vector<16xi32>
        %shift_left3A_473 = arith.constant 16 : i32
        %shift_left3A_474 = vector.broadcast %shift_left3A_473 : i32 to vector<16xi32>
        %shift_left3A_475 = arith.shli %bitcast_convert_type3A_471, %shift_left3A_474 : vector<16xi32>
        %bitcast_convert_type3A_476 = tpu.bitcast %shift_left3A_475 : vector<16xi32> -> vector<16xf32>
        %add3A_477 = arith.addf %add3A_442, %bitcast_convert_type3A_476 : vector<16xf32>
        %and3A_478 = arith.constant -65536 : i32
        %and3A_479 = vector.broadcast %and3A_478 : i32 to vector<16xi32>
        %and3A_480 = arith.andi %bitcast_convert_type3A_471, %and3A_479 : vector<16xi32>
        %bitcast_convert_type3A_481 = tpu.bitcast %and3A_480 : vector<16xi32> -> vector<16xf32>
        %add3A_482 = arith.addf %add3A_446, %bitcast_convert_type3A_481 : vector<16xf32>
        %shift_left3A_483 = arith.constant 16 : i32
        %shift_left3A_484 = vector.broadcast %shift_left3A_483 : i32 to vector<16xi32>
        %shift_left3A_485 = arith.shli %bitcast_convert_type3A_472, %shift_left3A_484 : vector<16xi32>
        %bitcast_convert_type3A_486 = tpu.bitcast %shift_left3A_485 : vector<16xi32> -> vector<16xf32>
        %add3A_487 = arith.addf %add3A_451, %bitcast_convert_type3A_486 : vector<16xf32>
        %and3A_488 = arith.constant -65536 : i32
        %and3A_489 = vector.broadcast %and3A_488 : i32 to vector<16xi32>
        %and3A_490 = arith.andi %bitcast_convert_type3A_472, %and3A_489 : vector<16xi32>
        %bitcast_convert_type3A_491 = tpu.bitcast %and3A_490 : vector<16xi32> -> vector<16xf32>
        %add3A_492 = arith.addf %add3A_456, %bitcast_convert_type3A_491 : vector<16xf32>
        %scan3A_493 = arith.constant 2 : i32
        %scan3A_494 = arith.addi %scan3A_422, %scan3A_493 : i32
        %get3A_495 = arith.constant 2 : i32
        %get3A_496 = arith.index_cast %get3A_495 : i32 to index
        %get3A_497 = arith.index_cast %scan3A_494 : i32 to index
        %get3A_498 = arith.constant 0 : index
        %get3A_499 = tpu.vector_load %arg6[%get3A_496, %get3A_497, %get3A_498] {strides = array<i32>} : memref<8x100x32xf32, #tpu.memory_space<vmem>>, vector<1x1x16xf32>,
        %get3A_500 = vector.shape_cast %get3A_499 : vector<1x1x16xf32> to vector<16xf32>
        %get3A_501 = arith.constant 2 : i32
        %get3A_502 = arith.index_cast %get3A_501 : i32 to index
        %get3A_503 = arith.index_cast %scan3A_494 : i32 to index
        %get3A_504 = arith.constant 16 : index
        %get3A_505 = tpu.vector_load %arg6[%get3A_502, %get3A_503, %get3A_504] {strides = array<i32>} : memref<8x100x32xf32, #tpu.memory_space<vmem>>, vector<1x1x16xf32>,
        %get3A_506 = vector.shape_cast %get3A_505 : vector<1x1x16xf32> to vector<16xf32>
        %bitcast_convert_type3A_507 = tpu.bitcast %get3A_500 : vector<16xf32> -> vector<16xi32>
        %bitcast_convert_type3A_508 = tpu.bitcast %get3A_506 : vector<16xf32> -> vector<16xi32>
        %shift_left3A_509 = arith.constant 16 : i32
        %shift_left3A_510 = vector.broadcast %shift_left3A_509 : i32 to vector<16xi32>
        %shift_left3A_511 = arith.shli %bitcast_convert_type3A_507, %shift_left3A_510 : vector<16xi32>
        %bitcast_convert_type3A_512 = tpu.bitcast %shift_left3A_511 : vector<16xi32> -> vector<16xf32>
        %add3A_513 = arith.addf %add3A_477, %bitcast_convert_type3A_512 : vector<16xf32>
        %and3A_514 = arith.constant -65536 : i32
        %and3A_515 = vector.broadcast %and3A_514 : i32 to vector<16xi32>
        %and3A_516 = arith.andi %bitcast_convert_type3A_507, %and3A_515 : vector<16xi32>
        %bitcast_convert_type3A_517 = tpu.bitcast %and3A_516 : vector<16xi32> -> vector<16xf32>
        %add3A_518 = arith.addf %add3A_482, %bitcast_convert_type3A_517 : vector<16xf32>
        %shift_left3A_519 = arith.constant 16 : i32
        %shift_left3A_520 = vector.broadcast %shift_left3A_519 : i32 to vector<16xi32>
        %shift_left3A_521 = arith.shli %bitcast_convert_type3A_508, %shift_left3A_520 : vector<16xi32>
        %bitcast_convert_type3A_522 = tpu.bitcast %shift_left3A_521 : vector<16xi32> -> vector<16xf32>
        %add3A_523 = arith.addf %add3A_487, %bitcast_convert_type3A_522 : vector<16xf32>
        %and3A_524 = arith.constant -65536 : i32
        %and3A_525 = vector.broadcast %and3A_524 : i32 to vector<16xi32>
        %and3A_526 = arith.andi %bitcast_convert_type3A_508, %and3A_525 : vector<16xi32>
        %bitcast_convert_type3A_527 = tpu.bitcast %and3A_526 : vector<16xi32> -> vector<16xf32>
        %add3A_528 = arith.addf %add3A_492, %bitcast_convert_type3A_527 : vector<16xf32>
        %scan3A_529 = arith.constant 3 : i32
        %scan3A_530 = arith.addi %scan3A_422, %scan3A_529 : i32
        %get3A_531 = arith.constant 2 : i32
        %get3A_532 = arith.index_cast %get3A_531 : i32 to index
        %get3A_533 = arith.index_cast %scan3A_530 : i32 to index
        %get3A_534 = arith.constant 0 : index
        %get3A_535 = tpu.vector_load %arg6[%get3A_532, %get3A_533, %get3A_534] {strides = array<i32>} : memref<8x100x32xf32, #tpu.memory_space<vmem>>, vector<1x1x16xf32>,
        %get3A_536 = vector.shape_cast %get3A_535 : vector<1x1x16xf32> to vector<16xf32>
        %get3A_537 = arith.constant 2 : i32
        %get3A_538 = arith.index_cast %get3A_537 : i32 to index
        %get3A_539 = arith.index_cast %scan3A_530 : i32 to index
        %get3A_540 = arith.constant 16 : index
        %get3A_541 = tpu.vector_load %arg6[%get3A_538, %get3A_539, %get3A_540] {strides = array<i32>} : memref<8x100x32xf32, #tpu.memory_space<vmem>>, vector<1x1x16xf32>,
        %get3A_542 = vector.shape_cast %get3A_541 : vector<1x1x16xf32> to vector<16xf32>
        %bitcast_convert_type3A_543 = tpu.bitcast %get3A_536 : vector<16xf32> -> vector<16xi32>
        %bitcast_convert_type3A_544 = tpu.bitcast %get3A_542 : vector<16xf32> -> vector<16xi32>
        %shift_left3A_545 = arith.constant 16 : i32
        %shift_left3A_546 = vector.broadcast %shift_left3A_545 : i32 to vector<16xi32>
        %shift_left3A_547 = arith.shli %bitcast_convert_type3A_543, %shift_left3A_546 : vector<16xi32>
        %bitcast_convert_type3A_548 = tpu.bitcast %shift_left3A_547 : vector<16xi32> -> vector<16xf32>
        %add3A_549 = arith.addf %add3A_513, %bitcast_convert_type3A_548 : vector<16xf32>
        %and3A_550 = arith.constant -65536 : i32
        %and3A_551 = vector.broadcast %and3A_550 : i32 to vector<16xi32>
        %and3A_552 = arith.andi %bitcast_convert_type3A_543, %and3A_551 : vector<16xi32>
        %bitcast_convert_type3A_553 = tpu.bitcast %and3A_552 : vector<16xi32> -> vector<16xf32>
        %add3A_554 = arith.addf %add3A_518, %bitcast_convert_type3A_553 : vector<16xf32>
        %shift_left3A_555 = arith.constant 16 : i32
        %shift_left3A_556 = vector.broadcast %shift_left3A_555 : i32 to vector<16xi32>
        %shift_left3A_557 = arith.shli %bitcast_convert_type3A_544, %shift_left3A_556 : vector<16xi32>
        %bitcast_convert_type3A_558 = tpu.bitcast %shift_left3A_557 : vector<16xi32> -> vector<16xf32>
        %add3A_559 = arith.addf %add3A_523, %bitcast_convert_type3A_558 : vector<16xf32>
        %and3A_560 = arith.constant -65536 : i32
        %and3A_561 = vector.broadcast %and3A_560 : i32 to vector<16xi32>
        %and3A_562 = arith.andi %bitcast_convert_type3A_544, %and3A_561 : vector<16xi32>
        %bitcast_convert_type3A_563 = tpu.bitcast %and3A_562 : vector<16xi32> -> vector<16xf32>
        %add3A_564 = arith.addf %add3A_528, %bitcast_convert_type3A_563 : vector<16xf32>
        %scan3A_565 = arith.constant 4 : i32
        %scan3A_566 = arith.addi %scan3A_422, %scan3A_565 : i32
        %get3A_567 = arith.constant 2 : i32
        %get3A_568 = arith.index_cast %get3A_567 : i32 to index
        %get3A_569 = arith.index_cast %scan3A_566 : i32 to index
        %get3A_570 = arith.constant 0 : index
        %get3A_571 = tpu.vector_load %arg6[%get3A_568, %get3A_569, %get3A_570] {strides = array<i32>} : memref<8x100x32xf32, #tpu.memory_space<vmem>>, vector<1x1x16xf32>,
        %get3A_572 = vector.shape_cast %get3A_571 : vector<1x1x16xf32> to vector<16xf32>
        %get3A_573 = arith.constant 2 : i32
        %get3A_574 = arith.index_cast %get3A_573 : i32 to index
        %get3A_575 = arith.index_cast %scan3A_566 : i32 to index
        %get3A_576 = arith.constant 16 : index
        %get3A_577 = tpu.vector_load %arg6[%get3A_574, %get3A_575, %get3A_576] {strides = array<i32>} : memref<8x100x32xf32, #tpu.memory_space<vmem>>, vector<1x1x16xf32>,
        %get3A_578 = vector.shape_cast %get3A_577 : vector<1x1x16xf32> to vector<16xf32>
        %bitcast_convert_type3A_579 = tpu.bitcast %get3A_572 : vector<16xf32> -> vector<16xi32>
        %bitcast_convert_type3A_580 = tpu.bitcast %get3A_578 : vector<16xf32> -> vector<16xi32>
        %shift_left3A_581 = arith.constant 16 : i32
        %shift_left3A_582 = vector.broadcast %shift_left3A_581 : i32 to vector<16xi32>
        %shift_left3A_583 = arith.shli %bitcast_convert_type3A_579, %shift_left3A_582 : vector<16xi32>
        %bitcast_convert_type3A_584 = tpu.bitcast %shift_left3A_583 : vector<16xi32> -> vector<16xf32>
        %add3A_585 = arith.addf %add3A_549, %bitcast_convert_type3A_584 : vector<16xf32>
        %and3A_586 = arith.constant -65536 : i32
        %and3A_587 = vector.broadcast %and3A_586 : i32 to vector<16xi32>
        %and3A_588 = arith.andi %bitcast_convert_type3A_579, %and3A_587 : vector<16xi32>
        %bitcast_convert_type3A_589 = tpu.bitcast %and3A_588 : vector<16xi32> -> vector<16xf32>
        %add3A_590 = arith.addf %add3A_554, %bitcast_convert_type3A_589 : vector<16xf32>
        %shift_left3A_591 = arith.constant 16 : i32
        %shift_left3A_592 = vector.broadcast %shift_left3A_591 : i32 to vector<16xi32>
        %shift_left3A_593 = arith.shli %bitcast_convert_type3A_580, %shift_left3A_592 : vector<16xi32>
        %bitcast_convert_type3A_594 = tpu.bitcast %shift_left3A_593 : vector<16xi32> -> vector<16xf32>
        %add3A_595 = arith.addf %add3A_559, %bitcast_convert_type3A_594 : vector<16xf32>
        %and3A_596 = arith.constant -65536 : i32
        %and3A_597 = vector.broadcast %and3A_596 : i32 to vector<16xi32>
        %and3A_598 = arith.andi %bitcast_convert_type3A_580, %and3A_597 : vector<16xi32>
        %bitcast_convert_type3A_599 = tpu.bitcast %and3A_598 : vector<16xi32> -> vector<16xf32>
        %add3A_600 = arith.addf %add3A_564, %bitcast_convert_type3A_599 : vector<16xf32>
        %scan3A_601 = arith.constant 5 : i32
        %scan3A_602 = arith.addi %scan3A_422, %scan3A_601 : i32
        %get3A_603 = arith.constant 2 : i32
        %get3A_604 = arith.index_cast %get3A_603 : i32 to index
        %get3A_605 = arith.index_cast %scan3A_602 : i32 to index
        %get3A_606 = arith.constant 0 : index
        %get3A_607 = tpu.vector_load %arg6[%get3A_604, %get3A_605, %get3A_606] {strides = array<i32>} : memref<8x100x32xf32, #tpu.memory_space<vmem>>, vector<1x1x16xf32>,
        %get3A_608 = vector.shape_cast %get3A_607 : vector<1x1x16xf32> to vector<16xf32>
        %get3A_609 = arith.constant 2 : i32
        %get3A_610 = arith.index_cast %get3A_609 : i32 to index
        %get3A_611 = arith.index_cast %scan3A_602 : i32 to index
        %get3A_612 = arith.constant 16 : index
        %get3A_613 = tpu.vector_load %arg6[%get3A_610, %get3A_611, %get3A_612] {strides = array<i32>} : memref<8x100x32xf32, #tpu.memory_space<vmem>>, vector<1x1x16xf32>,
        %get3A_614 = vector.shape_cast %get3A_613 : vector<1x1x16xf32> to vector<16xf32>
        %bitcast_convert_type3A_615 = tpu.bitcast %get3A_608 : vector<16xf32> -> vector<16xi32>
        %bitcast_convert_type3A_616 = tpu.bitcast %get3A_614 : vector<16xf32> -> vector<16xi32>
        %shift_left3A_617 = arith.constant 16 : i32
        %shift_left3A_618 = vector.broadcast %shift_left3A_617 : i32 to vector<16xi32>
        %shift_left3A_619 = arith.shli %bitcast_convert_type3A_615, %shift_left3A_618 : vector<16xi32>
        %bitcast_convert_type3A_620 = tpu.bitcast %shift_left3A_619 : vector<16xi32> -> vector<16xf32>
        %add3A_621 = arith.addf %add3A_585, %bitcast_convert_type3A_620 : vector<16xf32>
        %and3A_622 = arith.constant -65536 : i32
        %and3A_623 = vector.broadcast %and3A_622 : i32 to vector<16xi32>
        %and3A_624 = arith.andi %bitcast_convert_type3A_615, %and3A_623 : vector<16xi32>
        %bitcast_convert_type3A_625 = tpu.bitcast %and3A_624 : vector<16xi32> -> vector<16xf32>
        %add3A_626 = arith.addf %add3A_590, %bitcast_convert_type3A_625 : vector<16xf32>
        %shift_left3A_627 = arith.constant 16 : i32
        %shift_left3A_628 = vector.broadcast %shift_left3A_627 : i32 to vector<16xi32>
        %shift_left3A_629 = arith.shli %bitcast_convert_type3A_616, %shift_left3A_628 : vector<16xi32>
        %bitcast_convert_type3A_630 = tpu.bitcast %shift_left3A_629 : vector<16xi32> -> vector<16xf32>
        %add3A_631 = arith.addf %add3A_595, %bitcast_convert_type3A_630 : vector<16xf32>
        %and3A_632 = arith.constant -65536 : i32
        %and3A_633 = vector.broadcast %and3A_632 : i32 to vector<16xi32>
        %and3A_634 = arith.andi %bitcast_convert_type3A_616, %and3A_633 : vector<16xi32>
        %bitcast_convert_type3A_635 = tpu.bitcast %and3A_634 : vector<16xi32> -> vector<16xf32>
        %add3A_636 = arith.addf %add3A_600, %bitcast_convert_type3A_635 : vector<16xf32>
        %scan3A_637 = arith.constant 6 : i32
        %scan3A_638 = arith.addi %scan3A_422, %scan3A_637 : i32
        %get3A_639 = arith.constant 2 : i32
        %get3A_640 = arith.index_cast %get3A_639 : i32 to index
        %get3A_641 = arith.index_cast %scan3A_638 : i32 to index
        %get3A_642 = arith.constant 0 : index
        %get3A_643 = tpu.vector_load %arg6[%get3A_640, %get3A_641, %get3A_642] {strides = array<i32>} : memref<8x100x32xf32, #tpu.memory_space<vmem>>, vector<1x1x16xf32>,
        %get3A_644 = vector.shape_cast %get3A_643 : vector<1x1x16xf32> to vector<16xf32>
        %get3A_645 = arith.constant 2 : i32
        %get3A_646 = arith.index_cast %get3A_645 : i32 to index
        %get3A_647 = arith.index_cast %scan3A_638 : i32 to index
        %get3A_648 = arith.constant 16 : index
        %get3A_649 = tpu.vector_load %arg6[%get3A_646, %get3A_647, %get3A_648] {strides = array<i32>} : memref<8x100x32xf32, #tpu.memory_space<vmem>>, vector<1x1x16xf32>,
        %get3A_650 = vector.shape_cast %get3A_649 : vector<1x1x16xf32> to vector<16xf32>
        %bitcast_convert_type3A_651 = tpu.bitcast %get3A_644 : vector<16xf32> -> vector<16xi32>
        %bitcast_convert_type3A_652 = tpu.bitcast %get3A_650 : vector<16xf32> -> vector<16xi32>
        %shift_left3A_653 = arith.constant 16 : i32
        %shift_left3A_654 = vector.broadcast %shift_left3A_653 : i32 to vector<16xi32>
        %shift_left3A_655 = arith.shli %bitcast_convert_type3A_651, %shift_left3A_654 : vector<16xi32>
        %bitcast_convert_type3A_656 = tpu.bitcast %shift_left3A_655 : vector<16xi32> -> vector<16xf32>
        %add3A_657 = arith.addf %add3A_621, %bitcast_convert_type3A_656 : vector<16xf32>
        %and3A_658 = arith.constant -65536 : i32
        %and3A_659 = vector.broadcast %and3A_658 : i32 to vector<16xi32>
        %and3A_660 = arith.andi %bitcast_convert_type3A_651, %and3A_659 : vector<16xi32>
        %bitcast_convert_type3A_661 = tpu.bitcast %and3A_660 : vector<16xi32> -> vector<16xf32>
        %add3A_662 = arith.addf %add3A_626, %bitcast_convert_type3A_661 : vector<16xf32>
        %shift_left3A_663 = arith.constant 16 : i32
        %shift_left3A_664 = vector.broadcast %shift_left3A_663 : i32 to vector<16xi32>
        %shift_left3A_665 = arith.shli %bitcast_convert_type3A_652, %shift_left3A_664 : vector<16xi32>
        %bitcast_convert_type3A_666 = tpu.bitcast %shift_left3A_665 : vector<16xi32> -> vector<16xf32>
        %add3A_667 = arith.addf %add3A_631, %bitcast_convert_type3A_666 : vector<16xf32>
        %and3A_668 = arith.constant -65536 : i32
        %and3A_669 = vector.broadcast %and3A_668 : i32 to vector<16xi32>
        %and3A_670 = arith.andi %bitcast_convert_type3A_652, %and3A_669 : vector<16xi32>
        %bitcast_convert_type3A_671 = tpu.bitcast %and3A_670 : vector<16xi32> -> vector<16xf32>
        %add3A_672 = arith.addf %add3A_636, %bitcast_convert_type3A_671 : vector<16xf32>
        %scan3A_673 = arith.constant 7 : i32
        %scan3A_674 = arith.addi %scan3A_422, %scan3A_673 : i32
        %get3A_675 = arith.constant 2 : i32
        %get3A_676 = arith.index_cast %get3A_675 : i32 to index
        %get3A_677 = arith.index_cast %scan3A_674 : i32 to index
        %get3A_678 = arith.constant 0 : index
        %get3A_679 = tpu.vector_load %arg6[%get3A_676, %get3A_677, %get3A_678] {strides = array<i32>} : memref<8x100x32xf32, #tpu.memory_space<vmem>>, vector<1x1x16xf32>,
        %get3A_680 = vector.shape_cast %get3A_679 : vector<1x1x16xf32> to vector<16xf32>
        %get3A_681 = arith.constant 2 : i32
        %get3A_682 = arith.index_cast %get3A_681 : i32 to index
        %get3A_683 = arith.index_cast %scan3A_674 : i32 to index
        %get3A_684 = arith.constant 16 : index
        %get3A_685 = tpu.vector_load %arg6[%get3A_682, %get3A_683, %get3A_684] {strides = array<i32>} : memref<8x100x32xf32, #tpu.memory_space<vmem>>, vector<1x1x16xf32>,
        %get3A_686 = vector.shape_cast %get3A_685 : vector<1x1x16xf32> to vector<16xf32>
        %bitcast_convert_type3A_687 = tpu.bitcast %get3A_680 : vector<16xf32> -> vector<16xi32>
        %bitcast_convert_type3A_688 = tpu.bitcast %get3A_686 : vector<16xf32> -> vector<16xi32>
        %shift_left3A_689 = arith.constant 16 : i32
        %shift_left3A_690 = vector.broadcast %shift_left3A_689 : i32 to vector<16xi32>
        %shift_left3A_691 = arith.shli %bitcast_convert_type3A_687, %shift_left3A_690 : vector<16xi32>
        %bitcast_convert_type3A_692 = tpu.bitcast %shift_left3A_691 : vector<16xi32> -> vector<16xf32>
        %add3A_693 = arith.addf %add3A_657, %bitcast_convert_type3A_692 : vector<16xf32>
        %and3A_694 = arith.constant -65536 : i32
        %and3A_695 = vector.broadcast %and3A_694 : i32 to vector<16xi32>
        %and3A_696 = arith.andi %bitcast_convert_type3A_687, %and3A_695 : vector<16xi32>
        %bitcast_convert_type3A_697 = tpu.bitcast %and3A_696 : vector<16xi32> -> vector<16xf32>
        %add3A_698 = arith.addf %add3A_662, %bitcast_convert_type3A_697 : vector<16xf32>
        %shift_left3A_699 = arith.constant 16 : i32
        %shift_left3A_700 = vector.broadcast %shift_left3A_699 : i32 to vector<16xi32>
        %shift_left3A_701 = arith.shli %bitcast_convert_type3A_688, %shift_left3A_700 : vector<16xi32>
        %bitcast_convert_type3A_702 = tpu.bitcast %shift_left3A_701 : vector<16xi32> -> vector<16xf32>
        %add3A_703 = arith.addf %add3A_667, %bitcast_convert_type3A_702 : vector<16xf32>
        %and3A_704 = arith.constant -65536 : i32
        %and3A_705 = vector.broadcast %and3A_704 : i32 to vector<16xi32>
        %and3A_706 = arith.andi %bitcast_convert_type3A_688, %and3A_705 : vector<16xi32>
        %bitcast_convert_type3A_707 = tpu.bitcast %and3A_706 : vector<16xi32> -> vector<16xf32>
        %add3A_708 = arith.addf %add3A_672, %bitcast_convert_type3A_707 : vector<16xf32>
        %scan3A_709 = arith.constant 8 : i32
        %scan3A_710 = arith.addi %scan3A_422, %scan3A_709 : i32
        %get3A_711 = arith.constant 2 : i32
        %get3A_712 = arith.index_cast %get3A_711 : i32 to index
        %get3A_713 = arith.index_cast %scan3A_710 : i32 to index
        %get3A_714 = arith.constant 0 : index
        %get3A_715 = tpu.vector_load %arg6[%get3A_712, %get3A_713, %get3A_714] {strides = array<i32>} : memref<8x100x32xf32, #tpu.memory_space<vmem>>, vector<1x1x16xf32>,
        %get3A_716 = vector.shape_cast %get3A_715 : vector<1x1x16xf32> to vector<16xf32>
        %get3A_717 = arith.constant 2 : i32
        %get3A_718 = arith.index_cast %get3A_717 : i32 to index
        %get3A_719 = arith.index_cast %scan3A_710 : i32 to index
        %get3A_720 = arith.constant 16 : index
        %get3A_721 = tpu.vector_load %arg6[%get3A_718, %get3A_719, %get3A_720] {strides = array<i32>} : memref<8x100x32xf32, #tpu.memory_space<vmem>>, vector<1x1x16xf32>,
        %get3A_722 = vector.shape_cast %get3A_721 : vector<1x1x16xf32> to vector<16xf32>
        %bitcast_convert_type3A_723 = tpu.bitcast %get3A_716 : vector<16xf32> -> vector<16xi32>
        %bitcast_convert_type3A_724 = tpu.bitcast %get3A_722 : vector<16xf32> -> vector<16xi32>
        %shift_left3A_725 = arith.constant 16 : i32
        %shift_left3A_726 = vector.broadcast %shift_left3A_725 : i32 to vector<16xi32>
        %shift_left3A_727 = arith.shli %bitcast_convert_type3A_723, %shift_left3A_726 : vector<16xi32>
        %bitcast_convert_type3A_728 = tpu.bitcast %shift_left3A_727 : vector<16xi32> -> vector<16xf32>
        %add3A_729 = arith.addf %add3A_693, %bitcast_convert_type3A_728 : vector<16xf32>
        %and3A_730 = arith.constant -65536 : i32
        %and3A_731 = vector.broadcast %and3A_730 : i32 to vector<16xi32>
        %and3A_732 = arith.andi %bitcast_convert_type3A_723, %and3A_731 : vector<16xi32>
        %bitcast_convert_type3A_733 = tpu.bitcast %and3A_732 : vector<16xi32> -> vector<16xf32>
        %add3A_734 = arith.addf %add3A_698, %bitcast_convert_type3A_733 : vector<16xf32>
        %shift_left3A_735 = arith.constant 16 : i32
        %shift_left3A_736 = vector.broadcast %shift_left3A_735 : i32 to vector<16xi32>
        %shift_left3A_737 = arith.shli %bitcast_convert_type3A_724, %shift_left3A_736 : vector<16xi32>
        %bitcast_convert_type3A_738 = tpu.bitcast %shift_left3A_737 : vector<16xi32> -> vector<16xf32>
        %add3A_739 = arith.addf %add3A_703, %bitcast_convert_type3A_738 : vector<16xf32>
        %and3A_740 = arith.constant -65536 : i32
        %and3A_741 = vector.broadcast %and3A_740 : i32 to vector<16xi32>
        %and3A_742 = arith.andi %bitcast_convert_type3A_724, %and3A_741 : vector<16xi32>
        %bitcast_convert_type3A_743 = tpu.bitcast %and3A_742 : vector<16xi32> -> vector<16xf32>
        %add3A_744 = arith.addf %add3A_708, %bitcast_convert_type3A_743 : vector<16xf32>
        %scan3A_745 = arith.constant 9 : i32
        %scan3A_746 = arith.addi %scan3A_422, %scan3A_745 : i32
        %get3A_747 = arith.constant 2 : i32
        %get3A_748 = arith.index_cast %get3A_747 : i32 to index
        %get3A_749 = arith.index_cast %scan3A_746 : i32 to index
        %get3A_750 = arith.constant 0 : index
        %get3A_751 = tpu.vector_load %arg6[%get3A_748, %get3A_749, %get3A_750] {strides = array<i32>} : memref<8x100x32xf32, #tpu.memory_space<vmem>>, vector<1x1x16xf32>,
        %get3A_752 = vector.shape_cast %get3A_751 : vector<1x1x16xf32> to vector<16xf32>
        %get3A_753 = arith.constant 2 : i32
        %get3A_754 = arith.index_cast %get3A_753 : i32 to index
        %get3A_755 = arith.index_cast %scan3A_746 : i32 to index
        %get3A_756 = arith.constant 16 : index
        %get3A_757 = tpu.vector_load %arg6[%get3A_754, %get3A_755, %get3A_756] {strides = array<i32>} : memref<8x100x32xf32, #tpu.memory_space<vmem>>, vector<1x1x16xf32>,
        %get3A_758 = vector.shape_cast %get3A_757 : vector<1x1x16xf32> to vector<16xf32>
        %bitcast_convert_type3A_759 = tpu.bitcast %get3A_752 : vector<16xf32> -> vector<16xi32>
        %bitcast_convert_type3A_760 = tpu.bitcast %get3A_758 : vector<16xf32> -> vector<16xi32>
        %shift_left3A_761 = arith.constant 16 : i32
        %shift_left3A_762 = vector.broadcast %shift_left3A_761 : i32 to vector<16xi32>
        %shift_left3A_763 = arith.shli %bitcast_convert_type3A_759, %shift_left3A_762 : vector<16xi32>
        %bitcast_convert_type3A_764 = tpu.bitcast %shift_left3A_763 : vector<16xi32> -> vector<16xf32>
        %add3A_765 = arith.addf %add3A_729, %bitcast_convert_type3A_764 : vector<16xf32>
        %and3A_766 = arith.constant -65536 : i32
        %and3A_767 = vector.broadcast %and3A_766 : i32 to vector<16xi32>
        %and3A_768 = arith.andi %bitcast_convert_type3A_759, %and3A_767 : vector<16xi32>
        %bitcast_convert_type3A_769 = tpu.bitcast %and3A_768 : vector<16xi32> -> vector<16xf32>
        %add3A_770 = arith.addf %add3A_734, %bitcast_convert_type3A_769 : vector<16xf32>
        %shift_left3A_771 = arith.constant 16 : i32
        %shift_left3A_772 = vector.broadcast %shift_left3A_771 : i32 to vector<16xi32>
        %shift_left3A_773 = arith.shli %bitcast_convert_type3A_760, %shift_left3A_772 : vector<16xi32>
        %bitcast_convert_type3A_774 = tpu.bitcast %shift_left3A_773 : vector<16xi32> -> vector<16xf32>
        %add3A_775 = arith.addf %add3A_739, %bitcast_convert_type3A_774 : vector<16xf32>
        %and3A_776 = arith.constant -65536 : i32
        %and3A_777 = vector.broadcast %and3A_776 : i32 to vector<16xi32>
        %and3A_778 = arith.andi %bitcast_convert_type3A_760, %and3A_777 : vector<16xi32>
        %bitcast_convert_type3A_779 = tpu.bitcast %and3A_778 : vector<16xi32> -> vector<16xf32>
        %add3A_780 = arith.addf %add3A_744, %bitcast_convert_type3A_779 : vector<16xf32>
        scf.yield %add3A_765, %add3A_775, %add3A_770, %add3A_780 : vector<16xf32>, vector<16xf32>, vector<16xf32>, vector<16xf32>
      }
      %scan3A_202 = arith.constant 100 : i32
      %add3A_203 = arith.constant 8 : i32
      %add3A_204 = arith.addi %add3A_185, %add3A_203 : i32
      %lt3A_205 = arith.constant 256 : i32
      %lt3A_206 = arith.cmpi slt, %add3A_204, %lt3A_205 : i32
      %convert_element_type3A_207 = arith.extui %lt3A_206 : i1 to i32
      %cond3A_208 = arith.constant 0 : i32
      %cond3A_209 = arith.cmpi ne, %convert_element_type3A_207, %cond3A_208 : i32
      scf.if %cond3A_209 {
        %dma_start3A_422 = arith.constant 2 : i32
        %dma_start3A_423 = arith.constant 0 : i32
        %dma_start3A_424 = arith.constant 0 : i32
        %dma_start3A_425 = tpu.memref_slice %arg6[%dma_start3A_422, %dma_start3A_423, %dma_start3A_424] : memref<8x100x32xf32, #tpu.memory_space<vmem>> -> memref<1x100x32xf32, #tpu.memory_space<vmem>>
        %dma_start3A_426 = tpu.memref_squeeze %dma_start3A_425 : memref<1x100x32xf32, #tpu.memory_space<vmem>> -> memref<100x32xf32, #tpu.memory_space<vmem>>
        %dma_start3A_427 = arith.constant 0 : i32
        %dma_start3A_428 = tpu.memref_slice %arg5[%add3A_204, %dma_start3A_427] : memref<256x100xi32, #tpu.memory_space<vmem>> -> memref<1x100xi32, #tpu.memory_space<vmem>>
        %dma_start3A_429 = tpu.memref_squeeze %dma_start3A_428 : memref<1x100xi32, #tpu.memory_space<vmem>> -> memref<100xi32, #tpu.memory_space<vmem>>
        %dma_start3A_430 = arith.constant 0 : i32
        %dma_start3A_431 = arith.constant 0 : i32
        %dma_start3A_432 = tpu.memref_slice %arg3[%dma_start3A_430, %dma_start3A_431] : memref<1015808x32xf32, #tpu.memory_space<hbm>> -> memref<1015808x32xf32, #tpu.memory_space<hbm>>
        tpu.enqueue_indirect_dma source(%dma_start3A_432 : memref<1015808x32xf32, #tpu.memory_space<hbm>>) target(%dma_start3A_426 : memref<100x32xf32, #tpu.memory_space<vmem>>) offsets(%dma_start3A_429 : memref<100xi32, #tpu.memory_space<vmem>>) semaphore(%arg10 : memref<!tpu.dma_semaphore, #tpu.memory_space<semaphore_mem>>)
      } else {
      }
      %mul3A_210 = arith.constant 8 : i32
      %mul3A_211 = arith.muli %mul3A_210, %scan3A_106 : i32
      %add3A_212 = arith.constant 3 : i32
      %add3A_213 = arith.addi %mul3A_211, %add3A_212 : i32
      %dma_wait3A_214 = arith.constant 3 : i32
      %dma_wait3A_215 = arith.constant 0 : i32
      %dma_wait3A_216 = arith.constant 0 : i32
      %dma_wait3A_217 = tpu.memref_slice %arg6[%dma_wait3A_214, %dma_wait3A_215, %dma_wait3A_216] : memref<8x100x32xf32, #tpu.memory_space<vmem>> -> memref<1x100x32xf32, #tpu.memory_space<vmem>>
      %dma_wait3A_218 = tpu.memref_squeeze %dma_wait3A_217 : memref<1x100x32xf32, #tpu.memory_space<vmem>> -> memref<100x32xf32, #tpu.memory_space<vmem>>
      %dma_wait3A_219 = arith.constant 0 : i32
      %dma_wait3A_220 = tpu.memref_slice %arg5[%add3A_213, %dma_wait3A_219] : memref<256x100xi32, #tpu.memory_space<vmem>> -> memref<1x100xi32, #tpu.memory_space<vmem>>
      %dma_wait3A_221 = tpu.memref_squeeze %dma_wait3A_220 : memref<1x100xi32, #tpu.memory_space<vmem>> -> memref<100xi32, #tpu.memory_space<vmem>>
      %dma_wait3A_222 = arith.constant 0 : i32
      %dma_wait3A_223 = arith.constant 0 : i32
      %dma_wait3A_224 = tpu.memref_slice %arg3[%dma_wait3A_222, %dma_wait3A_223] : memref<1015808x32xf32, #tpu.memory_space<hbm>> -> memref<1015808x32xf32, #tpu.memory_space<hbm>>
      tpu.wait_indirect_dma semaphore(%arg11 : memref<!tpu.dma_semaphore, #tpu.memory_space<semaphore_mem>>) src(%dma_wait3A_224 : memref<1015808x32xf32, #tpu.memory_space<hbm>>) dst(%dma_wait3A_218 : memref<100x32xf32, #tpu.memory_space<vmem>>)
      %scan3A_225 = arith.constant 0 : i32
      %scan3A_226 = arith.constant 100 : i32
      %scan3A_227 = arith.addi %scan3A_225, %scan3A_226 : i32
      %scan3A_228 = arith.constant 10 : i32
      %scan3A_229:4 = scf.for %scan3A_422 = %scan3A_225 to %scan3A_227 step %scan3A_228 iter_args(%scan3A_423 = %scan3A_201#0, %scan3A_424 = %scan3A_201#1, %scan3A_425 = %scan3A_201#2, %scan3A_426 = %scan3A_201#3) -> (vector<16xf32>, vector<16xf32>, vector<16xf32>, vector<16xf32>)  : i32 {
        %get3A = arith.constant 3 : i32
        %get3A_427 = arith.index_cast %get3A : i32 to index
        %get3A_428 = arith.index_cast %scan3A_422 : i32 to index
        %get3A_429 = arith.constant 0 : index
        %get3A_430 = tpu.vector_load %arg6[%get3A_427, %get3A_428, %get3A_429] {strides = array<i32>} : memref<8x100x32xf32, #tpu.memory_space<vmem>>, vector<1x1x16xf32>,
        %get3A_431 = vector.shape_cast %get3A_430 : vector<1x1x16xf32> to vector<16xf32>
        %get3A_432 = arith.constant 3 : i32
        %get3A_433 = arith.index_cast %get3A_432 : i32 to index
        %get3A_434 = arith.index_cast %scan3A_422 : i32 to index
        %get3A_435 = arith.constant 16 : index
        %get3A_436 = tpu.vector_load %arg6[%get3A_433, %get3A_434, %get3A_435] {strides = array<i32>} : memref<8x100x32xf32, #tpu.memory_space<vmem>>, vector<1x1x16xf32>,
        %get3A_437 = vector.shape_cast %get3A_436 : vector<1x1x16xf32> to vector<16xf32>
        %bitcast_convert_type3A = tpu.bitcast %get3A_431 : vector<16xf32> -> vector<16xi32>
        %bitcast_convert_type3A_438 = tpu.bitcast %get3A_437 : vector<16xf32> -> vector<16xi32>
        %shift_left3A = arith.constant 16 : i32
        %shift_left3A_439 = vector.broadcast %shift_left3A : i32 to vector<16xi32>
        %shift_left3A_440 = arith.shli %bitcast_convert_type3A, %shift_left3A_439 : vector<16xi32>
        %bitcast_convert_type3A_441 = tpu.bitcast %shift_left3A_440 : vector<16xi32> -> vector<16xf32>
        %add3A_442 = arith.addf %scan3A_423, %bitcast_convert_type3A_441 : vector<16xf32>
        %and3A = arith.constant -65536 : i32
        %and3A_443 = vector.broadcast %and3A : i32 to vector<16xi32>
        %and3A_444 = arith.andi %bitcast_convert_type3A, %and3A_443 : vector<16xi32>
        %bitcast_convert_type3A_445 = tpu.bitcast %and3A_444 : vector<16xi32> -> vector<16xf32>
        %add3A_446 = arith.addf %scan3A_425, %bitcast_convert_type3A_445 : vector<16xf32>
        %shift_left3A_447 = arith.constant 16 : i32
        %shift_left3A_448 = vector.broadcast %shift_left3A_447 : i32 to vector<16xi32>
        %shift_left3A_449 = arith.shli %bitcast_convert_type3A_438, %shift_left3A_448 : vector<16xi32>
        %bitcast_convert_type3A_450 = tpu.bitcast %shift_left3A_449 : vector<16xi32> -> vector<16xf32>
        %add3A_451 = arith.addf %scan3A_424, %bitcast_convert_type3A_450 : vector<16xf32>
        %and3A_452 = arith.constant -65536 : i32
        %and3A_453 = vector.broadcast %and3A_452 : i32 to vector<16xi32>
        %and3A_454 = arith.andi %bitcast_convert_type3A_438, %and3A_453 : vector<16xi32>
        %bitcast_convert_type3A_455 = tpu.bitcast %and3A_454 : vector<16xi32> -> vector<16xf32>
        %add3A_456 = arith.addf %scan3A_426, %bitcast_convert_type3A_455 : vector<16xf32>
        %scan3A_457 = arith.constant 1 : i32
        %scan3A_458 = arith.addi %scan3A_422, %scan3A_457 : i32
        %get3A_459 = arith.constant 3 : i32
        %get3A_460 = arith.index_cast %get3A_459 : i32 to index
        %get3A_461 = arith.index_cast %scan3A_458 : i32 to index
        %get3A_462 = arith.constant 0 : index
        %get3A_463 = tpu.vector_load %arg6[%get3A_460, %get3A_461, %get3A_462] {strides = array<i32>} : memref<8x100x32xf32, #tpu.memory_space<vmem>>, vector<1x1x16xf32>,
        %get3A_464 = vector.shape_cast %get3A_463 : vector<1x1x16xf32> to vector<16xf32>
        %get3A_465 = arith.constant 3 : i32
        %get3A_466 = arith.index_cast %get3A_465 : i32 to index
        %get3A_467 = arith.index_cast %scan3A_458 : i32 to index
        %get3A_468 = arith.constant 16 : index
        %get3A_469 = tpu.vector_load %arg6[%get3A_466, %get3A_467, %get3A_468] {strides = array<i32>} : memref<8x100x32xf32, #tpu.memory_space<vmem>>, vector<1x1x16xf32>,
        %get3A_470 = vector.shape_cast %get3A_469 : vector<1x1x16xf32> to vector<16xf32>
        %bitcast_convert_type3A_471 = tpu.bitcast %get3A_464 : vector<16xf32> -> vector<16xi32>
        %bitcast_convert_type3A_472 = tpu.bitcast %get3A_470 : vector<16xf32> -> vector<16xi32>
        %shift_left3A_473 = arith.constant 16 : i32
        %shift_left3A_474 = vector.broadcast %shift_left3A_473 : i32 to vector<16xi32>
        %shift_left3A_475 = arith.shli %bitcast_convert_type3A_471, %shift_left3A_474 : vector<16xi32>
        %bitcast_convert_type3A_476 = tpu.bitcast %shift_left3A_475 : vector<16xi32> -> vector<16xf32>
        %add3A_477 = arith.addf %add3A_442, %bitcast_convert_type3A_476 : vector<16xf32>
        %and3A_478 = arith.constant -65536 : i32
        %and3A_479 = vector.broadcast %and3A_478 : i32 to vector<16xi32>
        %and3A_480 = arith.andi %bitcast_convert_type3A_471, %and3A_479 : vector<16xi32>
        %bitcast_convert_type3A_481 = tpu.bitcast %and3A_480 : vector<16xi32> -> vector<16xf32>
        %add3A_482 = arith.addf %add3A_446, %bitcast_convert_type3A_481 : vector<16xf32>
        %shift_left3A_483 = arith.constant 16 : i32
        %shift_left3A_484 = vector.broadcast %shift_left3A_483 : i32 to vector<16xi32>
        %shift_left3A_485 = arith.shli %bitcast_convert_type3A_472, %shift_left3A_484 : vector<16xi32>
        %bitcast_convert_type3A_486 = tpu.bitcast %shift_left3A_485 : vector<16xi32> -> vector<16xf32>
        %add3A_487 = arith.addf %add3A_451, %bitcast_convert_type3A_486 : vector<16xf32>
        %and3A_488 = arith.constant -65536 : i32
        %and3A_489 = vector.broadcast %and3A_488 : i32 to vector<16xi32>
        %and3A_490 = arith.andi %bitcast_convert_type3A_472, %and3A_489 : vector<16xi32>
        %bitcast_convert_type3A_491 = tpu.bitcast %and3A_490 : vector<16xi32> -> vector<16xf32>
        %add3A_492 = arith.addf %add3A_456, %bitcast_convert_type3A_491 : vector<16xf32>
        %scan3A_493 = arith.constant 2 : i32
        %scan3A_494 = arith.addi %scan3A_422, %scan3A_493 : i32
        %get3A_495 = arith.constant 3 : i32
        %get3A_496 = arith.index_cast %get3A_495 : i32 to index
        %get3A_497 = arith.index_cast %scan3A_494 : i32 to index
        %get3A_498 = arith.constant 0 : index
        %get3A_499 = tpu.vector_load %arg6[%get3A_496, %get3A_497, %get3A_498] {strides = array<i32>} : memref<8x100x32xf32, #tpu.memory_space<vmem>>, vector<1x1x16xf32>,
        %get3A_500 = vector.shape_cast %get3A_499 : vector<1x1x16xf32> to vector<16xf32>
        %get3A_501 = arith.constant 3 : i32
        %get3A_502 = arith.index_cast %get3A_501 : i32 to index
        %get3A_503 = arith.index_cast %scan3A_494 : i32 to index
        %get3A_504 = arith.constant 16 : index
        %get3A_505 = tpu.vector_load %arg6[%get3A_502, %get3A_503, %get3A_504] {strides = array<i32>} : memref<8x100x32xf32, #tpu.memory_space<vmem>>, vector<1x1x16xf32>,
        %get3A_506 = vector.shape_cast %get3A_505 : vector<1x1x16xf32> to vector<16xf32>
        %bitcast_convert_type3A_507 = tpu.bitcast %get3A_500 : vector<16xf32> -> vector<16xi32>
        %bitcast_convert_type3A_508 = tpu.bitcast %get3A_506 : vector<16xf32> -> vector<16xi32>
        %shift_left3A_509 = arith.constant 16 : i32
        %shift_left3A_510 = vector.broadcast %shift_left3A_509 : i32 to vector<16xi32>
        %shift_left3A_511 = arith.shli %bitcast_convert_type3A_507, %shift_left3A_510 : vector<16xi32>
        %bitcast_convert_type3A_512 = tpu.bitcast %shift_left3A_511 : vector<16xi32> -> vector<16xf32>
        %add3A_513 = arith.addf %add3A_477, %bitcast_convert_type3A_512 : vector<16xf32>
        %and3A_514 = arith.constant -65536 : i32
        %and3A_515 = vector.broadcast %and3A_514 : i32 to vector<16xi32>
        %and3A_516 = arith.andi %bitcast_convert_type3A_507, %and3A_515 : vector<16xi32>
        %bitcast_convert_type3A_517 = tpu.bitcast %and3A_516 : vector<16xi32> -> vector<16xf32>
        %add3A_518 = arith.addf %add3A_482, %bitcast_convert_type3A_517 : vector<16xf32>
        %shift_left3A_519 = arith.constant 16 : i32
        %shift_left3A_520 = vector.broadcast %shift_left3A_519 : i32 to vector<16xi32>
        %shift_left3A_521 = arith.shli %bitcast_convert_type3A_508, %shift_left3A_520 : vector<16xi32>
        %bitcast_convert_type3A_522 = tpu.bitcast %shift_left3A_521 : vector<16xi32> -> vector<16xf32>
        %add3A_523 = arith.addf %add3A_487, %bitcast_convert_type3A_522 : vector<16xf32>
        %and3A_524 = arith.constant -65536 : i32
        %and3A_525 = vector.broadcast %and3A_524 : i32 to vector<16xi32>
        %and3A_526 = arith.andi %bitcast_convert_type3A_508, %and3A_525 : vector<16xi32>
        %bitcast_convert_type3A_527 = tpu.bitcast %and3A_526 : vector<16xi32> -> vector<16xf32>
        %add3A_528 = arith.addf %add3A_492, %bitcast_convert_type3A_527 : vector<16xf32>
        %scan3A_529 = arith.constant 3 : i32
        %scan3A_530 = arith.addi %scan3A_422, %scan3A_529 : i32
        %get3A_531 = arith.constant 3 : i32
        %get3A_532 = arith.index_cast %get3A_531 : i32 to index
        %get3A_533 = arith.index_cast %scan3A_530 : i32 to index
        %get3A_534 = arith.constant 0 : index
        %get3A_535 = tpu.vector_load %arg6[%get3A_532, %get3A_533, %get3A_534] {strides = array<i32>} : memref<8x100x32xf32, #tpu.memory_space<vmem>>, vector<1x1x16xf32>,
        %get3A_536 = vector.shape_cast %get3A_535 : vector<1x1x16xf32> to vector<16xf32>
        %get3A_537 = arith.constant 3 : i32
        %get3A_538 = arith.index_cast %get3A_537 : i32 to index
        %get3A_539 = arith.index_cast %scan3A_530 : i32 to index
        %get3A_540 = arith.constant 16 : index
        %get3A_541 = tpu.vector_load %arg6[%get3A_538, %get3A_539, %get3A_540] {strides = array<i32>} : memref<8x100x32xf32, #tpu.memory_space<vmem>>, vector<1x1x16xf32>,
        %get3A_542 = vector.shape_cast %get3A_541 : vector<1x1x16xf32> to vector<16xf32>
        %bitcast_convert_type3A_543 = tpu.bitcast %get3A_536 : vector<16xf32> -> vector<16xi32>
        %bitcast_convert_type3A_544 = tpu.bitcast %get3A_542 : vector<16xf32> -> vector<16xi32>
        %shift_left3A_545 = arith.constant 16 : i32
        %shift_left3A_546 = vector.broadcast %shift_left3A_545 : i32 to vector<16xi32>
        %shift_left3A_547 = arith.shli %bitcast_convert_type3A_543, %shift_left3A_546 : vector<16xi32>
        %bitcast_convert_type3A_548 = tpu.bitcast %shift_left3A_547 : vector<16xi32> -> vector<16xf32>
        %add3A_549 = arith.addf %add3A_513, %bitcast_convert_type3A_548 : vector<16xf32>
        %and3A_550 = arith.constant -65536 : i32
        %and3A_551 = vector.broadcast %and3A_550 : i32 to vector<16xi32>
        %and3A_552 = arith.andi %bitcast_convert_type3A_543, %and3A_551 : vector<16xi32>
        %bitcast_convert_type3A_553 = tpu.bitcast %and3A_552 : vector<16xi32> -> vector<16xf32>
        %add3A_554 = arith.addf %add3A_518, %bitcast_convert_type3A_553 : vector<16xf32>
        %shift_left3A_555 = arith.constant 16 : i32
        %shift_left3A_556 = vector.broadcast %shift_left3A_555 : i32 to vector<16xi32>
        %shift_left3A_557 = arith.shli %bitcast_convert_type3A_544, %shift_left3A_556 : vector<16xi32>
        %bitcast_convert_type3A_558 = tpu.bitcast %shift_left3A_557 : vector<16xi32> -> vector<16xf32>
        %add3A_559 = arith.addf %add3A_523, %bitcast_convert_type3A_558 : vector<16xf32>
        %and3A_560 = arith.constant -65536 : i32
        %and3A_561 = vector.broadcast %and3A_560 : i32 to vector<16xi32>
        %and3A_562 = arith.andi %bitcast_convert_type3A_544, %and3A_561 : vector<16xi32>
        %bitcast_convert_type3A_563 = tpu.bitcast %and3A_562 : vector<16xi32> -> vector<16xf32>
        %add3A_564 = arith.addf %add3A_528, %bitcast_convert_type3A_563 : vector<16xf32>
        %scan3A_565 = arith.constant 4 : i32
        %scan3A_566 = arith.addi %scan3A_422, %scan3A_565 : i32
        %get3A_567 = arith.constant 3 : i32
        %get3A_568 = arith.index_cast %get3A_567 : i32 to index
        %get3A_569 = arith.index_cast %scan3A_566 : i32 to index
        %get3A_570 = arith.constant 0 : index
        %get3A_571 = tpu.vector_load %arg6[%get3A_568, %get3A_569, %get3A_570] {strides = array<i32>} : memref<8x100x32xf32, #tpu.memory_space<vmem>>, vector<1x1x16xf32>,
        %get3A_572 = vector.shape_cast %get3A_571 : vector<1x1x16xf32> to vector<16xf32>
        %get3A_573 = arith.constant 3 : i32
        %get3A_574 = arith.index_cast %get3A_573 : i32 to index
        %get3A_575 = arith.index_cast %scan3A_566 : i32 to index
        %get3A_576 = arith.constant 16 : index
        %get3A_577 = tpu.vector_load %arg6[%get3A_574, %get3A_575, %get3A_576] {strides = array<i32>} : memref<8x100x32xf32, #tpu.memory_space<vmem>>, vector<1x1x16xf32>,
        %get3A_578 = vector.shape_cast %get3A_577 : vector<1x1x16xf32> to vector<16xf32>
        %bitcast_convert_type3A_579 = tpu.bitcast %get3A_572 : vector<16xf32> -> vector<16xi32>
        %bitcast_convert_type3A_580 = tpu.bitcast %get3A_578 : vector<16xf32> -> vector<16xi32>
        %shift_left3A_581 = arith.constant 16 : i32
        %shift_left3A_582 = vector.broadcast %shift_left3A_581 : i32 to vector<16xi32>
        %shift_left3A_583 = arith.shli %bitcast_convert_type3A_579, %shift_left3A_582 : vector<16xi32>
        %bitcast_convert_type3A_584 = tpu.bitcast %shift_left3A_583 : vector<16xi32> -> vector<16xf32>
        %add3A_585 = arith.addf %add3A_549, %bitcast_convert_type3A_584 : vector<16xf32>
        %and3A_586 = arith.constant -65536 : i32
        %and3A_587 = vector.broadcast %and3A_586 : i32 to vector<16xi32>
        %and3A_588 = arith.andi %bitcast_convert_type3A_579, %and3A_587 : vector<16xi32>
        %bitcast_convert_type3A_589 = tpu.bitcast %and3A_588 : vector<16xi32> -> vector<16xf32>
        %add3A_590 = arith.addf %add3A_554, %bitcast_convert_type3A_589 : vector<16xf32>
        %shift_left3A_591 = arith.constant 16 : i32
        %shift_left3A_592 = vector.broadcast %shift_left3A_591 : i32 to vector<16xi32>
        %shift_left3A_593 = arith.shli %bitcast_convert_type3A_580, %shift_left3A_592 : vector<16xi32>
        %bitcast_convert_type3A_594 = tpu.bitcast %shift_left3A_593 : vector<16xi32> -> vector<16xf32>
        %add3A_595 = arith.addf %add3A_559, %bitcast_convert_type3A_594 : vector<16xf32>
        %and3A_596 = arith.constant -65536 : i32
        %and3A_597 = vector.broadcast %and3A_596 : i32 to vector<16xi32>
        %and3A_598 = arith.andi %bitcast_convert_type3A_580, %and3A_597 : vector<16xi32>
        %bitcast_convert_type3A_599 = tpu.bitcast %and3A_598 : vector<16xi32> -> vector<16xf32>
        %add3A_600 = arith.addf %add3A_564, %bitcast_convert_type3A_599 : vector<16xf32>
        %scan3A_601 = arith.constant 5 : i32
        %scan3A_602 = arith.addi %scan3A_422, %scan3A_601 : i32
        %get3A_603 = arith.constant 3 : i32
        %get3A_604 = arith.index_cast %get3A_603 : i32 to index
        %get3A_605 = arith.index_cast %scan3A_602 : i32 to index
        %get3A_606 = arith.constant 0 : index
        %get3A_607 = tpu.vector_load %arg6[%get3A_604, %get3A_605, %get3A_606] {strides = array<i32>} : memref<8x100x32xf32, #tpu.memory_space<vmem>>, vector<1x1x16xf32>,
        %get3A_608 = vector.shape_cast %get3A_607 : vector<1x1x16xf32> to vector<16xf32>
        %get3A_609 = arith.constant 3 : i32
        %get3A_610 = arith.index_cast %get3A_609 : i32 to index
        %get3A_611 = arith.index_cast %scan3A_602 : i32 to index
        %get3A_612 = arith.constant 16 : index
        %get3A_613 = tpu.vector_load %arg6[%get3A_610, %get3A_611, %get3A_612] {strides = array<i32>} : memref<8x100x32xf32, #tpu.memory_space<vmem>>, vector<1x1x16xf32>,
        %get3A_614 = vector.shape_cast %get3A_613 : vector<1x1x16xf32> to vector<16xf32>
        %bitcast_convert_type3A_615 = tpu.bitcast %get3A_608 : vector<16xf32> -> vector<16xi32>
        %bitcast_convert_type3A_616 = tpu.bitcast %get3A_614 : vector<16xf32> -> vector<16xi32>
        %shift_left3A_617 = arith.constant 16 : i32
        %shift_left3A_618 = vector.broadcast %shift_left3A_617 : i32 to vector<16xi32>
        %shift_left3A_619 = arith.shli %bitcast_convert_type3A_615, %shift_left3A_618 : vector<16xi32>
        %bitcast_convert_type3A_620 = tpu.bitcast %shift_left3A_619 : vector<16xi32> -> vector<16xf32>
        %add3A_621 = arith.addf %add3A_585, %bitcast_convert_type3A_620 : vector<16xf32>
        %and3A_622 = arith.constant -65536 : i32
        %and3A_623 = vector.broadcast %and3A_622 : i32 to vector<16xi32>
        %and3A_624 = arith.andi %bitcast_convert_type3A_615, %and3A_623 : vector<16xi32>
        %bitcast_convert_type3A_625 = tpu.bitcast %and3A_624 : vector<16xi32> -> vector<16xf32>
        %add3A_626 = arith.addf %add3A_590, %bitcast_convert_type3A_625 : vector<16xf32>
        %shift_left3A_627 = arith.constant 16 : i32
        %shift_left3A_628 = vector.broadcast %shift_left3A_627 : i32 to vector<16xi32>
        %shift_left3A_629 = arith.shli %bitcast_convert_type3A_616, %shift_left3A_628 : vector<16xi32>
        %bitcast_convert_type3A_630 = tpu.bitcast %shift_left3A_629 : vector<16xi32> -> vector<16xf32>
        %add3A_631 = arith.addf %add3A_595, %bitcast_convert_type3A_630 : vector<16xf32>
        %and3A_632 = arith.constant -65536 : i32
        %and3A_633 = vector.broadcast %and3A_632 : i32 to vector<16xi32>
        %and3A_634 = arith.andi %bitcast_convert_type3A_616, %and3A_633 : vector<16xi32>
        %bitcast_convert_type3A_635 = tpu.bitcast %and3A_634 : vector<16xi32> -> vector<16xf32>
        %add3A_636 = arith.addf %add3A_600, %bitcast_convert_type3A_635 : vector<16xf32>
        %scan3A_637 = arith.constant 6 : i32
        %scan3A_638 = arith.addi %scan3A_422, %scan3A_637 : i32
        %get3A_639 = arith.constant 3 : i32
        %get3A_640 = arith.index_cast %get3A_639 : i32 to index
        %get3A_641 = arith.index_cast %scan3A_638 : i32 to index
        %get3A_642 = arith.constant 0 : index
        %get3A_643 = tpu.vector_load %arg6[%get3A_640, %get3A_641, %get3A_642] {strides = array<i32>} : memref<8x100x32xf32, #tpu.memory_space<vmem>>, vector<1x1x16xf32>,
        %get3A_644 = vector.shape_cast %get3A_643 : vector<1x1x16xf32> to vector<16xf32>
        %get3A_645 = arith.constant 3 : i32
        %get3A_646 = arith.index_cast %get3A_645 : i32 to index
        %get3A_647 = arith.index_cast %scan3A_638 : i32 to index
        %get3A_648 = arith.constant 16 : index
        %get3A_649 = tpu.vector_load %arg6[%get3A_646, %get3A_647, %get3A_648] {strides = array<i32>} : memref<8x100x32xf32, #tpu.memory_space<vmem>>, vector<1x1x16xf32>,
        %get3A_650 = vector.shape_cast %get3A_649 : vector<1x1x16xf32> to vector<16xf32>
        %bitcast_convert_type3A_651 = tpu.bitcast %get3A_644 : vector<16xf32> -> vector<16xi32>
        %bitcast_convert_type3A_652 = tpu.bitcast %get3A_650 : vector<16xf32> -> vector<16xi32>
        %shift_left3A_653 = arith.constant 16 : i32
        %shift_left3A_654 = vector.broadcast %shift_left3A_653 : i32 to vector<16xi32>
        %shift_left3A_655 = arith.shli %bitcast_convert_type3A_651, %shift_left3A_654 : vector<16xi32>
        %bitcast_convert_type3A_656 = tpu.bitcast %shift_left3A_655 : vector<16xi32> -> vector<16xf32>
        %add3A_657 = arith.addf %add3A_621, %bitcast_convert_type3A_656 : vector<16xf32>
        %and3A_658 = arith.constant -65536 : i32
        %and3A_659 = vector.broadcast %and3A_658 : i32 to vector<16xi32>
        %and3A_660 = arith.andi %bitcast_convert_type3A_651, %and3A_659 : vector<16xi32>
        %bitcast_convert_type3A_661 = tpu.bitcast %and3A_660 : vector<16xi32> -> vector<16xf32>
        %add3A_662 = arith.addf %add3A_626, %bitcast_convert_type3A_661 : vector<16xf32>
        %shift_left3A_663 = arith.constant 16 : i32
        %shift_left3A_664 = vector.broadcast %shift_left3A_663 : i32 to vector<16xi32>
        %shift_left3A_665 = arith.shli %bitcast_convert_type3A_652, %shift_left3A_664 : vector<16xi32>
        %bitcast_convert_type3A_666 = tpu.bitcast %shift_left3A_665 : vector<16xi32> -> vector<16xf32>
        %add3A_667 = arith.addf %add3A_631, %bitcast_convert_type3A_666 : vector<16xf32>
        %and3A_668 = arith.constant -65536 : i32
        %and3A_669 = vector.broadcast %and3A_668 : i32 to vector<16xi32>
        %and3A_670 = arith.andi %bitcast_convert_type3A_652, %and3A_669 : vector<16xi32>
        %bitcast_convert_type3A_671 = tpu.bitcast %and3A_670 : vector<16xi32> -> vector<16xf32>
        %add3A_672 = arith.addf %add3A_636, %bitcast_convert_type3A_671 : vector<16xf32>
        %scan3A_673 = arith.constant 7 : i32
        %scan3A_674 = arith.addi %scan3A_422, %scan3A_673 : i32
        %get3A_675 = arith.constant 3 : i32
        %get3A_676 = arith.index_cast %get3A_675 : i32 to index
        %get3A_677 = arith.index_cast %scan3A_674 : i32 to index
        %get3A_678 = arith.constant 0 : index
        %get3A_679 = tpu.vector_load %arg6[%get3A_676, %get3A_677, %get3A_678] {strides = array<i32>} : memref<8x100x32xf32, #tpu.memory_space<vmem>>, vector<1x1x16xf32>,
        %get3A_680 = vector.shape_cast %get3A_679 : vector<1x1x16xf32> to vector<16xf32>
        %get3A_681 = arith.constant 3 : i32
        %get3A_682 = arith.index_cast %get3A_681 : i32 to index
        %get3A_683 = arith.index_cast %scan3A_674 : i32 to index
        %get3A_684 = arith.constant 16 : index
        %get3A_685 = tpu.vector_load %arg6[%get3A_682, %get3A_683, %get3A_684] {strides = array<i32>} : memref<8x100x32xf32, #tpu.memory_space<vmem>>, vector<1x1x16xf32>,
        %get3A_686 = vector.shape_cast %get3A_685 : vector<1x1x16xf32> to vector<16xf32>
        %bitcast_convert_type3A_687 = tpu.bitcast %get3A_680 : vector<16xf32> -> vector<16xi32>
        %bitcast_convert_type3A_688 = tpu.bitcast %get3A_686 : vector<16xf32> -> vector<16xi32>
        %shift_left3A_689 = arith.constant 16 : i32
        %shift_left3A_690 = vector.broadcast %shift_left3A_689 : i32 to vector<16xi32>
        %shift_left3A_691 = arith.shli %bitcast_convert_type3A_687, %shift_left3A_690 : vector<16xi32>
        %bitcast_convert_type3A_692 = tpu.bitcast %shift_left3A_691 : vector<16xi32> -> vector<16xf32>
        %add3A_693 = arith.addf %add3A_657, %bitcast_convert_type3A_692 : vector<16xf32>
        %and3A_694 = arith.constant -65536 : i32
        %and3A_695 = vector.broadcast %and3A_694 : i32 to vector<16xi32>
        %and3A_696 = arith.andi %bitcast_convert_type3A_687, %and3A_695 : vector<16xi32>
        %bitcast_convert_type3A_697 = tpu.bitcast %and3A_696 : vector<16xi32> -> vector<16xf32>
        %add3A_698 = arith.addf %add3A_662, %bitcast_convert_type3A_697 : vector<16xf32>
        %shift_left3A_699 = arith.constant 16 : i32
        %shift_left3A_700 = vector.broadcast %shift_left3A_699 : i32 to vector<16xi32>
        %shift_left3A_701 = arith.shli %bitcast_convert_type3A_688, %shift_left3A_700 : vector<16xi32>
        %bitcast_convert_type3A_702 = tpu.bitcast %shift_left3A_701 : vector<16xi32> -> vector<16xf32>
        %add3A_703 = arith.addf %add3A_667, %bitcast_convert_type3A_702 : vector<16xf32>
        %and3A_704 = arith.constant -65536 : i32
        %and3A_705 = vector.broadcast %and3A_704 : i32 to vector<16xi32>
        %and3A_706 = arith.andi %bitcast_convert_type3A_688, %and3A_705 : vector<16xi32>
        %bitcast_convert_type3A_707 = tpu.bitcast %and3A_706 : vector<16xi32> -> vector<16xf32>
        %add3A_708 = arith.addf %add3A_672, %bitcast_convert_type3A_707 : vector<16xf32>
        %scan3A_709 = arith.constant 8 : i32
        %scan3A_710 = arith.addi %scan3A_422, %scan3A_709 : i32
        %get3A_711 = arith.constant 3 : i32
        %get3A_712 = arith.index_cast %get3A_711 : i32 to index
        %get3A_713 = arith.index_cast %scan3A_710 : i32 to index
        %get3A_714 = arith.constant 0 : index
        %get3A_715 = tpu.vector_load %arg6[%get3A_712, %get3A_713, %get3A_714] {strides = array<i32>} : memref<8x100x32xf32, #tpu.memory_space<vmem>>, vector<1x1x16xf32>,
        %get3A_716 = vector.shape_cast %get3A_715 : vector<1x1x16xf32> to vector<16xf32>
        %get3A_717 = arith.constant 3 : i32
        %get3A_718 = arith.index_cast %get3A_717 : i32 to index
        %get3A_719 = arith.index_cast %scan3A_710 : i32 to index
        %get3A_720 = arith.constant 16 : index
        %get3A_721 = tpu.vector_load %arg6[%get3A_718, %get3A_719, %get3A_720] {strides = array<i32>} : memref<8x100x32xf32, #tpu.memory_space<vmem>>, vector<1x1x16xf32>,
        %get3A_722 = vector.shape_cast %get3A_721 : vector<1x1x16xf32> to vector<16xf32>
        %bitcast_convert_type3A_723 = tpu.bitcast %get3A_716 : vector<16xf32> -> vector<16xi32>
        %bitcast_convert_type3A_724 = tpu.bitcast %get3A_722 : vector<16xf32> -> vector<16xi32>
        %shift_left3A_725 = arith.constant 16 : i32
        %shift_left3A_726 = vector.broadcast %shift_left3A_725 : i32 to vector<16xi32>
        %shift_left3A_727 = arith.shli %bitcast_convert_type3A_723, %shift_left3A_726 : vector<16xi32>
        %bitcast_convert_type3A_728 = tpu.bitcast %shift_left3A_727 : vector<16xi32> -> vector<16xf32>
        %add3A_729 = arith.addf %add3A_693, %bitcast_convert_type3A_728 : vector<16xf32>
        %and3A_730 = arith.constant -65536 : i32
        %and3A_731 = vector.broadcast %and3A_730 : i32 to vector<16xi32>
        %and3A_732 = arith.andi %bitcast_convert_type3A_723, %and3A_731 : vector<16xi32>
        %bitcast_convert_type3A_733 = tpu.bitcast %and3A_732 : vector<16xi32> -> vector<16xf32>
        %add3A_734 = arith.addf %add3A_698, %bitcast_convert_type3A_733 : vector<16xf32>
        %shift_left3A_735 = arith.constant 16 : i32
        %shift_left3A_736 = vector.broadcast %shift_left3A_735 : i32 to vector<16xi32>
        %shift_left3A_737 = arith.shli %bitcast_convert_type3A_724, %shift_left3A_736 : vector<16xi32>
        %bitcast_convert_type3A_738 = tpu.bitcast %shift_left3A_737 : vector<16xi32> -> vector<16xf32>
        %add3A_739 = arith.addf %add3A_703, %bitcast_convert_type3A_738 : vector<16xf32>
        %and3A_740 = arith.constant -65536 : i32
        %and3A_741 = vector.broadcast %and3A_740 : i32 to vector<16xi32>
        %and3A_742 = arith.andi %bitcast_convert_type3A_724, %and3A_741 : vector<16xi32>
        %bitcast_convert_type3A_743 = tpu.bitcast %and3A_742 : vector<16xi32> -> vector<16xf32>
        %add3A_744 = arith.addf %add3A_708, %bitcast_convert_type3A_743 : vector<16xf32>
        %scan3A_745 = arith.constant 9 : i32
        %scan3A_746 = arith.addi %scan3A_422, %scan3A_745 : i32
        %get3A_747 = arith.constant 3 : i32
        %get3A_748 = arith.index_cast %get3A_747 : i32 to index
        %get3A_749 = arith.index_cast %scan3A_746 : i32 to index
        %get3A_750 = arith.constant 0 : index
        %get3A_751 = tpu.vector_load %arg6[%get3A_748, %get3A_749, %get3A_750] {strides = array<i32>} : memref<8x100x32xf32, #tpu.memory_space<vmem>>, vector<1x1x16xf32>,
        %get3A_752 = vector.shape_cast %get3A_751 : vector<1x1x16xf32> to vector<16xf32>
        %get3A_753 = arith.constant 3 : i32
        %get3A_754 = arith.index_cast %get3A_753 : i32 to index
        %get3A_755 = arith.index_cast %scan3A_746 : i32 to index
        %get3A_756 = arith.constant 16 : index
        %get3A_757 = tpu.vector_load %arg6[%get3A_754, %get3A_755, %get3A_756] {strides = array<i32>} : memref<8x100x32xf32, #tpu.memory_space<vmem>>, vector<1x1x16xf32>,
        %get3A_758 = vector.shape_cast %get3A_757 : vector<1x1x16xf32> to vector<16xf32>
        %bitcast_convert_type3A_759 = tpu.bitcast %get3A_752 : vector<16xf32> -> vector<16xi32>
        %bitcast_convert_type3A_760 = tpu.bitcast %get3A_758 : vector<16xf32> -> vector<16xi32>
        %shift_left3A_761 = arith.constant 16 : i32
        %shift_left3A_762 = vector.broadcast %shift_left3A_761 : i32 to vector<16xi32>
        %shift_left3A_763 = arith.shli %bitcast_convert_type3A_759, %shift_left3A_762 : vector<16xi32>
        %bitcast_convert_type3A_764 = tpu.bitcast %shift_left3A_763 : vector<16xi32> -> vector<16xf32>
        %add3A_765 = arith.addf %add3A_729, %bitcast_convert_type3A_764 : vector<16xf32>
        %and3A_766 = arith.constant -65536 : i32
        %and3A_767 = vector.broadcast %and3A_766 : i32 to vector<16xi32>
        %and3A_768 = arith.andi %bitcast_convert_type3A_759, %and3A_767 : vector<16xi32>
        %bitcast_convert_type3A_769 = tpu.bitcast %and3A_768 : vector<16xi32> -> vector<16xf32>
        %add3A_770 = arith.addf %add3A_734, %bitcast_convert_type3A_769 : vector<16xf32>
        %shift_left3A_771 = arith.constant 16 : i32
        %shift_left3A_772 = vector.broadcast %shift_left3A_771 : i32 to vector<16xi32>
        %shift_left3A_773 = arith.shli %bitcast_convert_type3A_760, %shift_left3A_772 : vector<16xi32>
        %bitcast_convert_type3A_774 = tpu.bitcast %shift_left3A_773 : vector<16xi32> -> vector<16xf32>
        %add3A_775 = arith.addf %add3A_739, %bitcast_convert_type3A_774 : vector<16xf32>
        %and3A_776 = arith.constant -65536 : i32
        %and3A_777 = vector.broadcast %and3A_776 : i32 to vector<16xi32>
        %and3A_778 = arith.andi %bitcast_convert_type3A_760, %and3A_777 : vector<16xi32>
        %bitcast_convert_type3A_779 = tpu.bitcast %and3A_778 : vector<16xi32> -> vector<16xf32>
        %add3A_780 = arith.addf %add3A_744, %bitcast_convert_type3A_779 : vector<16xf32>
        scf.yield %add3A_765, %add3A_775, %add3A_770, %add3A_780 : vector<16xf32>, vector<16xf32>, vector<16xf32>, vector<16xf32>
      }
      %scan3A_230 = arith.constant 100 : i32
      %add3A_231 = arith.constant 8 : i32
      %add3A_232 = arith.addi %add3A_213, %add3A_231 : i32
      %lt3A_233 = arith.constant 256 : i32
      %lt3A_234 = arith.cmpi slt, %add3A_232, %lt3A_233 : i32
      %convert_element_type3A_235 = arith.extui %lt3A_234 : i1 to i32
      %cond3A_236 = arith.constant 0 : i32
      %cond3A_237 = arith.cmpi ne, %convert_element_type3A_235, %cond3A_236 : i32
      scf.if %cond3A_237 {
        %dma_start3A_422 = arith.constant 3 : i32
        %dma_start3A_423 = arith.constant 0 : i32
        %dma_start3A_424 = arith.constant 0 : i32
        %dma_start3A_425 = tpu.memref_slice %arg6[%dma_start3A_422, %dma_start3A_423, %dma_start3A_424] : memref<8x100x32xf32, #tpu.memory_space<vmem>> -> memref<1x100x32xf32, #tpu.memory_space<vmem>>
        %dma_start3A_426 = tpu.memref_squeeze %dma_start3A_425 : memref<1x100x32xf32, #tpu.memory_space<vmem>> -> memref<100x32xf32, #tpu.memory_space<vmem>>
        %dma_start3A_427 = arith.constant 0 : i32
        %dma_start3A_428 = tpu.memref_slice %arg5[%add3A_232, %dma_start3A_427] : memref<256x100xi32, #tpu.memory_space<vmem>> -> memref<1x100xi32, #tpu.memory_space<vmem>>
        %dma_start3A_429 = tpu.memref_squeeze %dma_start3A_428 : memref<1x100xi32, #tpu.memory_space<vmem>> -> memref<100xi32, #tpu.memory_space<vmem>>
        %dma_start3A_430 = arith.constant 0 : i32
        %dma_start3A_431 = arith.constant 0 : i32
        %dma_start3A_432 = tpu.memref_slice %arg3[%dma_start3A_430, %dma_start3A_431] : memref<1015808x32xf32, #tpu.memory_space<hbm>> -> memref<1015808x32xf32, #tpu.memory_space<hbm>>
        tpu.enqueue_indirect_dma source(%dma_start3A_432 : memref<1015808x32xf32, #tpu.memory_space<hbm>>) target(%dma_start3A_426 : memref<100x32xf32, #tpu.memory_space<vmem>>) offsets(%dma_start3A_429 : memref<100xi32, #tpu.memory_space<vmem>>) semaphore(%arg11 : memref<!tpu.dma_semaphore, #tpu.memory_space<semaphore_mem>>)
      } else {
      }
      %mul3A_238 = arith.constant 4 : i32
      %mul3A_239 = arith.muli %mul3A_238, %scan3A_106 : i32
      %add3A_240 = arith.constant 1 : i32
      %add3A_241 = arith.addi %mul3A_239, %add3A_240 : i32
      %swap3A_242 = arith.index_cast %add3A_241 : i32 to index
      %swap3A_243 = arith.constant 0 : index
      %swap3A_244 = tpu.vector_load %arg7[%swap3A_242, %swap3A_243] {strides = array<i32>} : memref<128x64xf32, #tpu.memory_space<vmem>>, vector<1x16xf32>,
      %swap3A_245 = vector.shape_cast %swap3A_244 : vector<1x16xf32> to vector<16xf32>
      %swap3A_246 = vector.shape_cast %scan3A_229#0 : vector<16xf32> to vector<1x16xf32>
      tpu.vector_store %arg7[%swap3A_242, %swap3A_243], %swap3A_246 {strides = array<i32>} : memref<128x64xf32, #tpu.memory_space<vmem>>, vector<1x16xf32>,
      %swap3A_247 = arith.index_cast %add3A_241 : i32 to index
      %swap3A_248 = arith.constant 16 : index
      %swap3A_249 = tpu.vector_load %arg7[%swap3A_247, %swap3A_248] {strides = array<i32>} : memref<128x64xf32, #tpu.memory_space<vmem>>, vector<1x16xf32>,
      %swap3A_250 = vector.shape_cast %swap3A_249 : vector<1x16xf32> to vector<16xf32>
      %swap3A_251 = vector.shape_cast %scan3A_229#1 : vector<16xf32> to vector<1x16xf32>
      tpu.vector_store %arg7[%swap3A_247, %swap3A_248], %swap3A_251 {strides = array<i32>} : memref<128x64xf32, #tpu.memory_space<vmem>>, vector<1x16xf32>,
      %swap3A_252 = arith.index_cast %add3A_241 : i32 to index
      %swap3A_253 = arith.constant 32 : index
      %swap3A_254 = tpu.vector_load %arg7[%swap3A_252, %swap3A_253] {strides = array<i32>} : memref<128x64xf32, #tpu.memory_space<vmem>>, vector<1x16xf32>,
      %swap3A_255 = vector.shape_cast %swap3A_254 : vector<1x16xf32> to vector<16xf32>
      %swap3A_256 = vector.shape_cast %scan3A_229#2 : vector<16xf32> to vector<1x16xf32>
      tpu.vector_store %arg7[%swap3A_252, %swap3A_253], %swap3A_256 {strides = array<i32>} : memref<128x64xf32, #tpu.memory_space<vmem>>, vector<1x16xf32>,
      %swap3A_257 = arith.index_cast %add3A_241 : i32 to index
      %swap3A_258 = arith.constant 48 : index
      %swap3A_259 = tpu.vector_load %arg7[%swap3A_257, %swap3A_258] {strides = array<i32>} : memref<128x64xf32, #tpu.memory_space<vmem>>, vector<1x16xf32>,
      %swap3A_260 = vector.shape_cast %swap3A_259 : vector<1x16xf32> to vector<16xf32>
      %swap3A_261 = vector.shape_cast %scan3A_229#3 : vector<16xf32> to vector<1x16xf32>
      tpu.vector_store %arg7[%swap3A_257, %swap3A_258], %swap3A_261 {strides = array<i32>} : memref<128x64xf32, #tpu.memory_space<vmem>>, vector<1x16xf32>,
      %mul3A_262 = arith.constant 8 : i32
      %mul3A_263 = arith.muli %mul3A_262, %scan3A_106 : i32
      %add3A_264 = arith.constant 4 : i32
      %add3A_265 = arith.addi %mul3A_263, %add3A_264 : i32
      %dma_wait3A_266 = arith.constant 4 : i32
      %dma_wait3A_267 = arith.constant 0 : i32
      %dma_wait3A_268 = arith.constant 0 : i32
      %dma_wait3A_269 = tpu.memref_slice %arg6[%dma_wait3A_266, %dma_wait3A_267, %dma_wait3A_268] : memref<8x100x32xf32, #tpu.memory_space<vmem>> -> memref<1x100x32xf32, #tpu.memory_space<vmem>>
      %dma_wait3A_270 = tpu.memref_squeeze %dma_wait3A_269 : memref<1x100x32xf32, #tpu.memory_space<vmem>> -> memref<100x32xf32, #tpu.memory_space<vmem>>
      %dma_wait3A_271 = arith.constant 0 : i32
      %dma_wait3A_272 = tpu.memref_slice %arg5[%add3A_265, %dma_wait3A_271] : memref<256x100xi32, #tpu.memory_space<vmem>> -> memref<1x100xi32, #tpu.memory_space<vmem>>
      %dma_wait3A_273 = tpu.memref_squeeze %dma_wait3A_272 : memref<1x100xi32, #tpu.memory_space<vmem>> -> memref<100xi32, #tpu.memory_space<vmem>>
      %dma_wait3A_274 = arith.constant 0 : i32
      %dma_wait3A_275 = arith.constant 0 : i32
      %dma_wait3A_276 = tpu.memref_slice %arg3[%dma_wait3A_274, %dma_wait3A_275] : memref<1015808x32xf32, #tpu.memory_space<hbm>> -> memref<1015808x32xf32, #tpu.memory_space<hbm>>
      tpu.wait_indirect_dma semaphore(%arg12 : memref<!tpu.dma_semaphore, #tpu.memory_space<semaphore_mem>>) src(%dma_wait3A_276 : memref<1015808x32xf32, #tpu.memory_space<hbm>>) dst(%dma_wait3A_270 : memref<100x32xf32, #tpu.memory_space<vmem>>)
      %scan3A_277 = arith.constant 0 : i32
      %scan3A_278 = arith.constant 100 : i32
      %scan3A_279 = arith.addi %scan3A_277, %scan3A_278 : i32
      %scan3A_280 = arith.constant 10 : i32
      %scan3A_281:4 = scf.for %scan3A_422 = %scan3A_277 to %scan3A_279 step %scan3A_280 iter_args(%scan3A_423 = %broadcast_in_dim3A_98, %scan3A_424 = %broadcast_in_dim3A_98, %scan3A_425 = %broadcast_in_dim3A_98, %scan3A_426 = %broadcast_in_dim3A_98) -> (vector<16xf32>, vector<16xf32>, vector<16xf32>, vector<16xf32>)  : i32 {
        %get3A = arith.constant 4 : i32
        %get3A_427 = arith.index_cast %get3A : i32 to index
        %get3A_428 = arith.index_cast %scan3A_422 : i32 to index
        %get3A_429 = arith.constant 0 : index
        %get3A_430 = tpu.vector_load %arg6[%get3A_427, %get3A_428, %get3A_429] {strides = array<i32>} : memref<8x100x32xf32, #tpu.memory_space<vmem>>, vector<1x1x16xf32>,
        %get3A_431 = vector.shape_cast %get3A_430 : vector<1x1x16xf32> to vector<16xf32>
        %get3A_432 = arith.constant 4 : i32
        %get3A_433 = arith.index_cast %get3A_432 : i32 to index
        %get3A_434 = arith.index_cast %scan3A_422 : i32 to index
        %get3A_435 = arith.constant 16 : index
        %get3A_436 = tpu.vector_load %arg6[%get3A_433, %get3A_434, %get3A_435] {strides = array<i32>} : memref<8x100x32xf32, #tpu.memory_space<vmem>>, vector<1x1x16xf32>,
        %get3A_437 = vector.shape_cast %get3A_436 : vector<1x1x16xf32> to vector<16xf32>
        %bitcast_convert_type3A = tpu.bitcast %get3A_431 : vector<16xf32> -> vector<16xi32>
        %bitcast_convert_type3A_438 = tpu.bitcast %get3A_437 : vector<16xf32> -> vector<16xi32>
        %shift_left3A = arith.constant 16 : i32
        %shift_left3A_439 = vector.broadcast %shift_left3A : i32 to vector<16xi32>
        %shift_left3A_440 = arith.shli %bitcast_convert_type3A, %shift_left3A_439 : vector<16xi32>
        %bitcast_convert_type3A_441 = tpu.bitcast %shift_left3A_440 : vector<16xi32> -> vector<16xf32>
        %add3A_442 = arith.addf %scan3A_423, %bitcast_convert_type3A_441 : vector<16xf32>
        %and3A = arith.constant -65536 : i32
        %and3A_443 = vector.broadcast %and3A : i32 to vector<16xi32>
        %and3A_444 = arith.andi %bitcast_convert_type3A, %and3A_443 : vector<16xi32>
        %bitcast_convert_type3A_445 = tpu.bitcast %and3A_444 : vector<16xi32> -> vector<16xf32>
        %add3A_446 = arith.addf %scan3A_425, %bitcast_convert_type3A_445 : vector<16xf32>
        %shift_left3A_447 = arith.constant 16 : i32
        %shift_left3A_448 = vector.broadcast %shift_left3A_447 : i32 to vector<16xi32>
        %shift_left3A_449 = arith.shli %bitcast_convert_type3A_438, %shift_left3A_448 : vector<16xi32>
        %bitcast_convert_type3A_450 = tpu.bitcast %shift_left3A_449 : vector<16xi32> -> vector<16xf32>
        %add3A_451 = arith.addf %scan3A_424, %bitcast_convert_type3A_450 : vector<16xf32>
        %and3A_452 = arith.constant -65536 : i32
        %and3A_453 = vector.broadcast %and3A_452 : i32 to vector<16xi32>
        %and3A_454 = arith.andi %bitcast_convert_type3A_438, %and3A_453 : vector<16xi32>
        %bitcast_convert_type3A_455 = tpu.bitcast %and3A_454 : vector<16xi32> -> vector<16xf32>
        %add3A_456 = arith.addf %scan3A_426, %bitcast_convert_type3A_455 : vector<16xf32>
        %scan3A_457 = arith.constant 1 : i32
        %scan3A_458 = arith.addi %scan3A_422, %scan3A_457 : i32
        %get3A_459 = arith.constant 4 : i32
        %get3A_460 = arith.index_cast %get3A_459 : i32 to index
        %get3A_461 = arith.index_cast %scan3A_458 : i32 to index
        %get3A_462 = arith.constant 0 : index
        %get3A_463 = tpu.vector_load %arg6[%get3A_460, %get3A_461, %get3A_462] {strides = array<i32>} : memref<8x100x32xf32, #tpu.memory_space<vmem>>, vector<1x1x16xf32>,
        %get3A_464 = vector.shape_cast %get3A_463 : vector<1x1x16xf32> to vector<16xf32>
        %get3A_465 = arith.constant 4 : i32
        %get3A_466 = arith.index_cast %get3A_465 : i32 to index
        %get3A_467 = arith.index_cast %scan3A_458 : i32 to index
        %get3A_468 = arith.constant 16 : index
        %get3A_469 = tpu.vector_load %arg6[%get3A_466, %get3A_467, %get3A_468] {strides = array<i32>} : memref<8x100x32xf32, #tpu.memory_space<vmem>>, vector<1x1x16xf32>,
        %get3A_470 = vector.shape_cast %get3A_469 : vector<1x1x16xf32> to vector<16xf32>
        %bitcast_convert_type3A_471 = tpu.bitcast %get3A_464 : vector<16xf32> -> vector<16xi32>
        %bitcast_convert_type3A_472 = tpu.bitcast %get3A_470 : vector<16xf32> -> vector<16xi32>
        %shift_left3A_473 = arith.constant 16 : i32
        %shift_left3A_474 = vector.broadcast %shift_left3A_473 : i32 to vector<16xi32>
        %shift_left3A_475 = arith.shli %bitcast_convert_type3A_471, %shift_left3A_474 : vector<16xi32>
        %bitcast_convert_type3A_476 = tpu.bitcast %shift_left3A_475 : vector<16xi32> -> vector<16xf32>
        %add3A_477 = arith.addf %add3A_442, %bitcast_convert_type3A_476 : vector<16xf32>
        %and3A_478 = arith.constant -65536 : i32
        %and3A_479 = vector.broadcast %and3A_478 : i32 to vector<16xi32>
        %and3A_480 = arith.andi %bitcast_convert_type3A_471, %and3A_479 : vector<16xi32>
        %bitcast_convert_type3A_481 = tpu.bitcast %and3A_480 : vector<16xi32> -> vector<16xf32>
        %add3A_482 = arith.addf %add3A_446, %bitcast_convert_type3A_481 : vector<16xf32>
        %shift_left3A_483 = arith.constant 16 : i32
        %shift_left3A_484 = vector.broadcast %shift_left3A_483 : i32 to vector<16xi32>
        %shift_left3A_485 = arith.shli %bitcast_convert_type3A_472, %shift_left3A_484 : vector<16xi32>
        %bitcast_convert_type3A_486 = tpu.bitcast %shift_left3A_485 : vector<16xi32> -> vector<16xf32>
        %add3A_487 = arith.addf %add3A_451, %bitcast_convert_type3A_486 : vector<16xf32>
        %and3A_488 = arith.constant -65536 : i32
        %and3A_489 = vector.broadcast %and3A_488 : i32 to vector<16xi32>
        %and3A_490 = arith.andi %bitcast_convert_type3A_472, %and3A_489 : vector<16xi32>
        %bitcast_convert_type3A_491 = tpu.bitcast %and3A_490 : vector<16xi32> -> vector<16xf32>
        %add3A_492 = arith.addf %add3A_456, %bitcast_convert_type3A_491 : vector<16xf32>
        %scan3A_493 = arith.constant 2 : i32
        %scan3A_494 = arith.addi %scan3A_422, %scan3A_493 : i32
        %get3A_495 = arith.constant 4 : i32
        %get3A_496 = arith.index_cast %get3A_495 : i32 to index
        %get3A_497 = arith.index_cast %scan3A_494 : i32 to index
        %get3A_498 = arith.constant 0 : index
        %get3A_499 = tpu.vector_load %arg6[%get3A_496, %get3A_497, %get3A_498] {strides = array<i32>} : memref<8x100x32xf32, #tpu.memory_space<vmem>>, vector<1x1x16xf32>,
        %get3A_500 = vector.shape_cast %get3A_499 : vector<1x1x16xf32> to vector<16xf32>
        %get3A_501 = arith.constant 4 : i32
        %get3A_502 = arith.index_cast %get3A_501 : i32 to index
        %get3A_503 = arith.index_cast %scan3A_494 : i32 to index
        %get3A_504 = arith.constant 16 : index
        %get3A_505 = tpu.vector_load %arg6[%get3A_502, %get3A_503, %get3A_504] {strides = array<i32>} : memref<8x100x32xf32, #tpu.memory_space<vmem>>, vector<1x1x16xf32>,
        %get3A_506 = vector.shape_cast %get3A_505 : vector<1x1x16xf32> to vector<16xf32>
        %bitcast_convert_type3A_507 = tpu.bitcast %get3A_500 : vector<16xf32> -> vector<16xi32>
        %bitcast_convert_type3A_508 = tpu.bitcast %get3A_506 : vector<16xf32> -> vector<16xi32>
        %shift_left3A_509 = arith.constant 16 : i32
        %shift_left3A_510 = vector.broadcast %shift_left3A_509 : i32 to vector<16xi32>
        %shift_left3A_511 = arith.shli %bitcast_convert_type3A_507, %shift_left3A_510 : vector<16xi32>
        %bitcast_convert_type3A_512 = tpu.bitcast %shift_left3A_511 : vector<16xi32> -> vector<16xf32>
        %add3A_513 = arith.addf %add3A_477, %bitcast_convert_type3A_512 : vector<16xf32>
        %and3A_514 = arith.constant -65536 : i32
        %and3A_515 = vector.broadcast %and3A_514 : i32 to vector<16xi32>
        %and3A_516 = arith.andi %bitcast_convert_type3A_507, %and3A_515 : vector<16xi32>
        %bitcast_convert_type3A_517 = tpu.bitcast %and3A_516 : vector<16xi32> -> vector<16xf32>
        %add3A_518 = arith.addf %add3A_482, %bitcast_convert_type3A_517 : vector<16xf32>
        %shift_left3A_519 = arith.constant 16 : i32
        %shift_left3A_520 = vector.broadcast %shift_left3A_519 : i32 to vector<16xi32>
        %shift_left3A_521 = arith.shli %bitcast_convert_type3A_508, %shift_left3A_520 : vector<16xi32>
        %bitcast_convert_type3A_522 = tpu.bitcast %shift_left3A_521 : vector<16xi32> -> vector<16xf32>
        %add3A_523 = arith.addf %add3A_487, %bitcast_convert_type3A_522 : vector<16xf32>
        %and3A_524 = arith.constant -65536 : i32
        %and3A_525 = vector.broadcast %and3A_524 : i32 to vector<16xi32>
        %and3A_526 = arith.andi %bitcast_convert_type3A_508, %and3A_525 : vector<16xi32>
        %bitcast_convert_type3A_527 = tpu.bitcast %and3A_526 : vector<16xi32> -> vector<16xf32>
        %add3A_528 = arith.addf %add3A_492, %bitcast_convert_type3A_527 : vector<16xf32>
        %scan3A_529 = arith.constant 3 : i32
        %scan3A_530 = arith.addi %scan3A_422, %scan3A_529 : i32
        %get3A_531 = arith.constant 4 : i32
        %get3A_532 = arith.index_cast %get3A_531 : i32 to index
        %get3A_533 = arith.index_cast %scan3A_530 : i32 to index
        %get3A_534 = arith.constant 0 : index
        %get3A_535 = tpu.vector_load %arg6[%get3A_532, %get3A_533, %get3A_534] {strides = array<i32>} : memref<8x100x32xf32, #tpu.memory_space<vmem>>, vector<1x1x16xf32>,
        %get3A_536 = vector.shape_cast %get3A_535 : vector<1x1x16xf32> to vector<16xf32>
        %get3A_537 = arith.constant 4 : i32
        %get3A_538 = arith.index_cast %get3A_537 : i32 to index
        %get3A_539 = arith.index_cast %scan3A_530 : i32 to index
        %get3A_540 = arith.constant 16 : index
        %get3A_541 = tpu.vector_load %arg6[%get3A_538, %get3A_539, %get3A_540] {strides = array<i32>} : memref<8x100x32xf32, #tpu.memory_space<vmem>>, vector<1x1x16xf32>,
        %get3A_542 = vector.shape_cast %get3A_541 : vector<1x1x16xf32> to vector<16xf32>
        %bitcast_convert_type3A_543 = tpu.bitcast %get3A_536 : vector<16xf32> -> vector<16xi32>
        %bitcast_convert_type3A_544 = tpu.bitcast %get3A_542 : vector<16xf32> -> vector<16xi32>
        %shift_left3A_545 = arith.constant 16 : i32
        %shift_left3A_546 = vector.broadcast %shift_left3A_545 : i32 to vector<16xi32>
        %shift_left3A_547 = arith.shli %bitcast_convert_type3A_543, %shift_left3A_546 : vector<16xi32>
        %bitcast_convert_type3A_548 = tpu.bitcast %shift_left3A_547 : vector<16xi32> -> vector<16xf32>
        %add3A_549 = arith.addf %add3A_513, %bitcast_convert_type3A_548 : vector<16xf32>
        %and3A_550 = arith.constant -65536 : i32
        %and3A_551 = vector.broadcast %and3A_550 : i32 to vector<16xi32>
        %and3A_552 = arith.andi %bitcast_convert_type3A_543, %and3A_551 : vector<16xi32>
        %bitcast_convert_type3A_553 = tpu.bitcast %and3A_552 : vector<16xi32> -> vector<16xf32>
        %add3A_554 = arith.addf %add3A_518, %bitcast_convert_type3A_553 : vector<16xf32>
        %shift_left3A_555 = arith.constant 16 : i32
        %shift_left3A_556 = vector.broadcast %shift_left3A_555 : i32 to vector<16xi32>
        %shift_left3A_557 = arith.shli %bitcast_convert_type3A_544, %shift_left3A_556 : vector<16xi32>
        %bitcast_convert_type3A_558 = tpu.bitcast %shift_left3A_557 : vector<16xi32> -> vector<16xf32>
        %add3A_559 = arith.addf %add3A_523, %bitcast_convert_type3A_558 : vector<16xf32>
        %and3A_560 = arith.constant -65536 : i32
        %and3A_561 = vector.broadcast %and3A_560 : i32 to vector<16xi32>
        %and3A_562 = arith.andi %bitcast_convert_type3A_544, %and3A_561 : vector<16xi32>
        %bitcast_convert_type3A_563 = tpu.bitcast %and3A_562 : vector<16xi32> -> vector<16xf32>
        %add3A_564 = arith.addf %add3A_528, %bitcast_convert_type3A_563 : vector<16xf32>
        %scan3A_565 = arith.constant 4 : i32
        %scan3A_566 = arith.addi %scan3A_422, %scan3A_565 : i32
        %get3A_567 = arith.constant 4 : i32
        %get3A_568 = arith.index_cast %get3A_567 : i32 to index
        %get3A_569 = arith.index_cast %scan3A_566 : i32 to index
        %get3A_570 = arith.constant 0 : index
        %get3A_571 = tpu.vector_load %arg6[%get3A_568, %get3A_569, %get3A_570] {strides = array<i32>} : memref<8x100x32xf32, #tpu.memory_space<vmem>>, vector<1x1x16xf32>,
        %get3A_572 = vector.shape_cast %get3A_571 : vector<1x1x16xf32> to vector<16xf32>
        %get3A_573 = arith.constant 4 : i32
        %get3A_574 = arith.index_cast %get3A_573 : i32 to index
        %get3A_575 = arith.index_cast %scan3A_566 : i32 to index
        %get3A_576 = arith.constant 16 : index
        %get3A_577 = tpu.vector_load %arg6[%get3A_574, %get3A_575, %get3A_576] {strides = array<i32>} : memref<8x100x32xf32, #tpu.memory_space<vmem>>, vector<1x1x16xf32>,
        %get3A_578 = vector.shape_cast %get3A_577 : vector<1x1x16xf32> to vector<16xf32>
        %bitcast_convert_type3A_579 = tpu.bitcast %get3A_572 : vector<16xf32> -> vector<16xi32>
        %bitcast_convert_type3A_580 = tpu.bitcast %get3A_578 : vector<16xf32> -> vector<16xi32>
        %shift_left3A_581 = arith.constant 16 : i32
        %shift_left3A_582 = vector.broadcast %shift_left3A_581 : i32 to vector<16xi32>
        %shift_left3A_583 = arith.shli %bitcast_convert_type3A_579, %shift_left3A_582 : vector<16xi32>
        %bitcast_convert_type3A_584 = tpu.bitcast %shift_left3A_583 : vector<16xi32> -> vector<16xf32>
        %add3A_585 = arith.addf %add3A_549, %bitcast_convert_type3A_584 : vector<16xf32>
        %and3A_586 = arith.constant -65536 : i32
        %and3A_587 = vector.broadcast %and3A_586 : i32 to vector<16xi32>
        %and3A_588 = arith.andi %bitcast_convert_type3A_579, %and3A_587 : vector<16xi32>
        %bitcast_convert_type3A_589 = tpu.bitcast %and3A_588 : vector<16xi32> -> vector<16xf32>
        %add3A_590 = arith.addf %add3A_554, %bitcast_convert_type3A_589 : vector<16xf32>
        %shift_left3A_591 = arith.constant 16 : i32
        %shift_left3A_592 = vector.broadcast %shift_left3A_591 : i32 to vector<16xi32>
        %shift_left3A_593 = arith.shli %bitcast_convert_type3A_580, %shift_left3A_592 : vector<16xi32>
        %bitcast_convert_type3A_594 = tpu.bitcast %shift_left3A_593 : vector<16xi32> -> vector<16xf32>
        %add3A_595 = arith.addf %add3A_559, %bitcast_convert_type3A_594 : vector<16xf32>
        %and3A_596 = arith.constant -65536 : i32
        %and3A_597 = vector.broadcast %and3A_596 : i32 to vector<16xi32>
        %and3A_598 = arith.andi %bitcast_convert_type3A_580, %and3A_597 : vector<16xi32>
        %bitcast_convert_type3A_599 = tpu.bitcast %and3A_598 : vector<16xi32> -> vector<16xf32>
        %add3A_600 = arith.addf %add3A_564, %bitcast_convert_type3A_599 : vector<16xf32>
        %scan3A_601 = arith.constant 5 : i32
        %scan3A_602 = arith.addi %scan3A_422, %scan3A_601 : i32
        %get3A_603 = arith.constant 4 : i32
        %get3A_604 = arith.index_cast %get3A_603 : i32 to index
        %get3A_605 = arith.index_cast %scan3A_602 : i32 to index
        %get3A_606 = arith.constant 0 : index
        %get3A_607 = tpu.vector_load %arg6[%get3A_604, %get3A_605, %get3A_606] {strides = array<i32>} : memref<8x100x32xf32, #tpu.memory_space<vmem>>, vector<1x1x16xf32>,
        %get3A_608 = vector.shape_cast %get3A_607 : vector<1x1x16xf32> to vector<16xf32>
        %get3A_609 = arith.constant 4 : i32
        %get3A_610 = arith.index_cast %get3A_609 : i32 to index
        %get3A_611 = arith.index_cast %scan3A_602 : i32 to index
        %get3A_612 = arith.constant 16 : index
        %get3A_613 = tpu.vector_load %arg6[%get3A_610, %get3A_611, %get3A_612] {strides = array<i32>} : memref<8x100x32xf32, #tpu.memory_space<vmem>>, vector<1x1x16xf32>,
        %get3A_614 = vector.shape_cast %get3A_613 : vector<1x1x16xf32> to vector<16xf32>
        %bitcast_convert_type3A_615 = tpu.bitcast %get3A_608 : vector<16xf32> -> vector<16xi32>
        %bitcast_convert_type3A_616 = tpu.bitcast %get3A_614 : vector<16xf32> -> vector<16xi32>
        %shift_left3A_617 = arith.constant 16 : i32
        %shift_left3A_618 = vector.broadcast %shift_left3A_617 : i32 to vector<16xi32>
        %shift_left3A_619 = arith.shli %bitcast_convert_type3A_615, %shift_left3A_618 : vector<16xi32>
        %bitcast_convert_type3A_620 = tpu.bitcast %shift_left3A_619 : vector<16xi32> -> vector<16xf32>
        %add3A_621 = arith.addf %add3A_585, %bitcast_convert_type3A_620 : vector<16xf32>
        %and3A_622 = arith.constant -65536 : i32
        %and3A_623 = vector.broadcast %and3A_622 : i32 to vector<16xi32>
        %and3A_624 = arith.andi %bitcast_convert_type3A_615, %and3A_623 : vector<16xi32>
        %bitcast_convert_type3A_625 = tpu.bitcast %and3A_624 : vector<16xi32> -> vector<16xf32>
        %add3A_626 = arith.addf %add3A_590, %bitcast_convert_type3A_625 : vector<16xf32>
        %shift_left3A_627 = arith.constant 16 : i32
        %shift_left3A_628 = vector.broadcast %shift_left3A_627 : i32 to vector<16xi32>
        %shift_left3A_629 = arith.shli %bitcast_convert_type3A_616, %shift_left3A_628 : vector<16xi32>
        %bitcast_convert_type3A_630 = tpu.bitcast %shift_left3A_629 : vector<16xi32> -> vector<16xf32>
        %add3A_631 = arith.addf %add3A_595, %bitcast_convert_type3A_630 : vector<16xf32>
        %and3A_632 = arith.constant -65536 : i32
        %and3A_633 = vector.broadcast %and3A_632 : i32 to vector<16xi32>
        %and3A_634 = arith.andi %bitcast_convert_type3A_616, %and3A_633 : vector<16xi32>
        %bitcast_convert_type3A_635 = tpu.bitcast %and3A_634 : vector<16xi32> -> vector<16xf32>
        %add3A_636 = arith.addf %add3A_600, %bitcast_convert_type3A_635 : vector<16xf32>
        %scan3A_637 = arith.constant 6 : i32
        %scan3A_638 = arith.addi %scan3A_422, %scan3A_637 : i32
        %get3A_639 = arith.constant 4 : i32
        %get3A_640 = arith.index_cast %get3A_639 : i32 to index
        %get3A_641 = arith.index_cast %scan3A_638 : i32 to index
        %get3A_642 = arith.constant 0 : index
        %get3A_643 = tpu.vector_load %arg6[%get3A_640, %get3A_641, %get3A_642] {strides = array<i32>} : memref<8x100x32xf32, #tpu.memory_space<vmem>>, vector<1x1x16xf32>,
        %get3A_644 = vector.shape_cast %get3A_643 : vector<1x1x16xf32> to vector<16xf32>
        %get3A_645 = arith.constant 4 : i32
        %get3A_646 = arith.index_cast %get3A_645 : i32 to index
        %get3A_647 = arith.index_cast %scan3A_638 : i32 to index
        %get3A_648 = arith.constant 16 : index
        %get3A_649 = tpu.vector_load %arg6[%get3A_646, %get3A_647, %get3A_648] {strides = array<i32>} : memref<8x100x32xf32, #tpu.memory_space<vmem>>, vector<1x1x16xf32>,
        %get3A_650 = vector.shape_cast %get3A_649 : vector<1x1x16xf32> to vector<16xf32>
        %bitcast_convert_type3A_651 = tpu.bitcast %get3A_644 : vector<16xf32> -> vector<16xi32>
        %bitcast_convert_type3A_652 = tpu.bitcast %get3A_650 : vector<16xf32> -> vector<16xi32>
        %shift_left3A_653 = arith.constant 16 : i32
        %shift_left3A_654 = vector.broadcast %shift_left3A_653 : i32 to vector<16xi32>
        %shift_left3A_655 = arith.shli %bitcast_convert_type3A_651, %shift_left3A_654 : vector<16xi32>
        %bitcast_convert_type3A_656 = tpu.bitcast %shift_left3A_655 : vector<16xi32> -> vector<16xf32>
        %add3A_657 = arith.addf %add3A_621, %bitcast_convert_type3A_656 : vector<16xf32>
        %and3A_658 = arith.constant -65536 : i32
        %and3A_659 = vector.broadcast %and3A_658 : i32 to vector<16xi32>
        %and3A_660 = arith.andi %bitcast_convert_type3A_651, %and3A_659 : vector<16xi32>
        %bitcast_convert_type3A_661 = tpu.bitcast %and3A_660 : vector<16xi32> -> vector<16xf32>
        %add3A_662 = arith.addf %add3A_626, %bitcast_convert_type3A_661 : vector<16xf32>
        %shift_left3A_663 = arith.constant 16 : i32
        %shift_left3A_664 = vector.broadcast %shift_left3A_663 : i32 to vector<16xi32>
        %shift_left3A_665 = arith.shli %bitcast_convert_type3A_652, %shift_left3A_664 : vector<16xi32>
        %bitcast_convert_type3A_666 = tpu.bitcast %shift_left3A_665 : vector<16xi32> -> vector<16xf32>
        %add3A_667 = arith.addf %add3A_631, %bitcast_convert_type3A_666 : vector<16xf32>
        %and3A_668 = arith.constant -65536 : i32
        %and3A_669 = vector.broadcast %and3A_668 : i32 to vector<16xi32>
        %and3A_670 = arith.andi %bitcast_convert_type3A_652, %and3A_669 : vector<16xi32>
        %bitcast_convert_type3A_671 = tpu.bitcast %and3A_670 : vector<16xi32> -> vector<16xf32>
        %add3A_672 = arith.addf %add3A_636, %bitcast_convert_type3A_671 : vector<16xf32>
        %scan3A_673 = arith.constant 7 : i32
        %scan3A_674 = arith.addi %scan3A_422, %scan3A_673 : i32
        %get3A_675 = arith.constant 4 : i32
        %get3A_676 = arith.index_cast %get3A_675 : i32 to index
        %get3A_677 = arith.index_cast %scan3A_674 : i32 to index
        %get3A_678 = arith.constant 0 : index
        %get3A_679 = tpu.vector_load %arg6[%get3A_676, %get3A_677, %get3A_678] {strides = array<i32>} : memref<8x100x32xf32, #tpu.memory_space<vmem>>, vector<1x1x16xf32>,
        %get3A_680 = vector.shape_cast %get3A_679 : vector<1x1x16xf32> to vector<16xf32>
        %get3A_681 = arith.constant 4 : i32
        %get3A_682 = arith.index_cast %get3A_681 : i32 to index
        %get3A_683 = arith.index_cast %scan3A_674 : i32 to index
        %get3A_684 = arith.constant 16 : index
        %get3A_685 = tpu.vector_load %arg6[%get3A_682, %get3A_683, %get3A_684] {strides = array<i32>} : memref<8x100x32xf32, #tpu.memory_space<vmem>>, vector<1x1x16xf32>,
        %get3A_686 = vector.shape_cast %get3A_685 : vector<1x1x16xf32> to vector<16xf32>
        %bitcast_convert_type3A_687 = tpu.bitcast %get3A_680 : vector<16xf32> -> vector<16xi32>
        %bitcast_convert_type3A_688 = tpu.bitcast %get3A_686 : vector<16xf32> -> vector<16xi32>
        %shift_left3A_689 = arith.constant 16 : i32
        %shift_left3A_690 = vector.broadcast %shift_left3A_689 : i32 to vector<16xi32>
        %shift_left3A_691 = arith.shli %bitcast_convert_type3A_687, %shift_left3A_690 : vector<16xi32>
        %bitcast_convert_type3A_692 = tpu.bitcast %shift_left3A_691 : vector<16xi32> -> vector<16xf32>
        %add3A_693 = arith.addf %add3A_657, %bitcast_convert_type3A_692 : vector<16xf32>
        %and3A_694 = arith.constant -65536 : i32
        %and3A_695 = vector.broadcast %and3A_694 : i32 to vector<16xi32>
        %and3A_696 = arith.andi %bitcast_convert_type3A_687, %and3A_695 : vector<16xi32>
        %bitcast_convert_type3A_697 = tpu.bitcast %and3A_696 : vector<16xi32> -> vector<16xf32>
        %add3A_698 = arith.addf %add3A_662, %bitcast_convert_type3A_697 : vector<16xf32>
        %shift_left3A_699 = arith.constant 16 : i32
        %shift_left3A_700 = vector.broadcast %shift_left3A_699 : i32 to vector<16xi32>
        %shift_left3A_701 = arith.shli %bitcast_convert_type3A_688, %shift_left3A_700 : vector<16xi32>
        %bitcast_convert_type3A_702 = tpu.bitcast %shift_left3A_701 : vector<16xi32> -> vector<16xf32>
        %add3A_703 = arith.addf %add3A_667, %bitcast_convert_type3A_702 : vector<16xf32>
        %and3A_704 = arith.constant -65536 : i32
        %and3A_705 = vector.broadcast %and3A_704 : i32 to vector<16xi32>
        %and3A_706 = arith.andi %bitcast_convert_type3A_688, %and3A_705 : vector<16xi32>
        %bitcast_convert_type3A_707 = tpu.bitcast %and3A_706 : vector<16xi32> -> vector<16xf32>
        %add3A_708 = arith.addf %add3A_672, %bitcast_convert_type3A_707 : vector<16xf32>
        %scan3A_709 = arith.constant 8 : i32
        %scan3A_710 = arith.addi %scan3A_422, %scan3A_709 : i32
        %get3A_711 = arith.constant 4 : i32
        %get3A_712 = arith.index_cast %get3A_711 : i32 to index
        %get3A_713 = arith.index_cast %scan3A_710 : i32 to index
        %get3A_714 = arith.constant 0 : index
        %get3A_715 = tpu.vector_load %arg6[%get3A_712, %get3A_713, %get3A_714] {strides = array<i32>} : memref<8x100x32xf32, #tpu.memory_space<vmem>>, vector<1x1x16xf32>,
        %get3A_716 = vector.shape_cast %get3A_715 : vector<1x1x16xf32> to vector<16xf32>
        %get3A_717 = arith.constant 4 : i32
        %get3A_718 = arith.index_cast %get3A_717 : i32 to index
        %get3A_719 = arith.index_cast %scan3A_710 : i32 to index
        %get3A_720 = arith.constant 16 : index
        %get3A_721 = tpu.vector_load %arg6[%get3A_718, %get3A_719, %get3A_720] {strides = array<i32>} : memref<8x100x32xf32, #tpu.memory_space<vmem>>, vector<1x1x16xf32>,
        %get3A_722 = vector.shape_cast %get3A_721 : vector<1x1x16xf32> to vector<16xf32>
        %bitcast_convert_type3A_723 = tpu.bitcast %get3A_716 : vector<16xf32> -> vector<16xi32>
        %bitcast_convert_type3A_724 = tpu.bitcast %get3A_722 : vector<16xf32> -> vector<16xi32>
        %shift_left3A_725 = arith.constant 16 : i32
        %shift_left3A_726 = vector.broadcast %shift_left3A_725 : i32 to vector<16xi32>
        %shift_left3A_727 = arith.shli %bitcast_convert_type3A_723, %shift_left3A_726 : vector<16xi32>
        %bitcast_convert_type3A_728 = tpu.bitcast %shift_left3A_727 : vector<16xi32> -> vector<16xf32>
        %add3A_729 = arith.addf %add3A_693, %bitcast_convert_type3A_728 : vector<16xf32>
        %and3A_730 = arith.constant -65536 : i32
        %and3A_731 = vector.broadcast %and3A_730 : i32 to vector<16xi32>
        %and3A_732 = arith.andi %bitcast_convert_type3A_723, %and3A_731 : vector<16xi32>
        %bitcast_convert_type3A_733 = tpu.bitcast %and3A_732 : vector<16xi32> -> vector<16xf32>
        %add3A_734 = arith.addf %add3A_698, %bitcast_convert_type3A_733 : vector<16xf32>
        %shift_left3A_735 = arith.constant 16 : i32
        %shift_left3A_736 = vector.broadcast %shift_left3A_735 : i32 to vector<16xi32>
        %shift_left3A_737 = arith.shli %bitcast_convert_type3A_724, %shift_left3A_736 : vector<16xi32>
        %bitcast_convert_type3A_738 = tpu.bitcast %shift_left3A_737 : vector<16xi32> -> vector<16xf32>
        %add3A_739 = arith.addf %add3A_703, %bitcast_convert_type3A_738 : vector<16xf32>
        %and3A_740 = arith.constant -65536 : i32
        %and3A_741 = vector.broadcast %and3A_740 : i32 to vector<16xi32>
        %and3A_742 = arith.andi %bitcast_convert_type3A_724, %and3A_741 : vector<16xi32>
        %bitcast_convert_type3A_743 = tpu.bitcast %and3A_742 : vector<16xi32> -> vector<16xf32>
        %add3A_744 = arith.addf %add3A_708, %bitcast_convert_type3A_743 : vector<16xf32>
        %scan3A_745 = arith.constant 9 : i32
        %scan3A_746 = arith.addi %scan3A_422, %scan3A_745 : i32
        %get3A_747 = arith.constant 4 : i32
        %get3A_748 = arith.index_cast %get3A_747 : i32 to index
        %get3A_749 = arith.index_cast %scan3A_746 : i32 to index
        %get3A_750 = arith.constant 0 : index
        %get3A_751 = tpu.vector_load %arg6[%get3A_748, %get3A_749, %get3A_750] {strides = array<i32>} : memref<8x100x32xf32, #tpu.memory_space<vmem>>, vector<1x1x16xf32>,
        %get3A_752 = vector.shape_cast %get3A_751 : vector<1x1x16xf32> to vector<16xf32>
        %get3A_753 = arith.constant 4 : i32
        %get3A_754 = arith.index_cast %get3A_753 : i32 to index
        %get3A_755 = arith.index_cast %scan3A_746 : i32 to index
        %get3A_756 = arith.constant 16 : index
        %get3A_757 = tpu.vector_load %arg6[%get3A_754, %get3A_755, %get3A_756] {strides = array<i32>} : memref<8x100x32xf32, #tpu.memory_space<vmem>>, vector<1x1x16xf32>,
        %get3A_758 = vector.shape_cast %get3A_757 : vector<1x1x16xf32> to vector<16xf32>
        %bitcast_convert_type3A_759 = tpu.bitcast %get3A_752 : vector<16xf32> -> vector<16xi32>
        %bitcast_convert_type3A_760 = tpu.bitcast %get3A_758 : vector<16xf32> -> vector<16xi32>
        %shift_left3A_761 = arith.constant 16 : i32
        %shift_left3A_762 = vector.broadcast %shift_left3A_761 : i32 to vector<16xi32>
        %shift_left3A_763 = arith.shli %bitcast_convert_type3A_759, %shift_left3A_762 : vector<16xi32>
        %bitcast_convert_type3A_764 = tpu.bitcast %shift_left3A_763 : vector<16xi32> -> vector<16xf32>
        %add3A_765 = arith.addf %add3A_729, %bitcast_convert_type3A_764 : vector<16xf32>
        %and3A_766 = arith.constant -65536 : i32
        %and3A_767 = vector.broadcast %and3A_766 : i32 to vector<16xi32>
        %and3A_768 = arith.andi %bitcast_convert_type3A_759, %and3A_767 : vector<16xi32>
        %bitcast_convert_type3A_769 = tpu.bitcast %and3A_768 : vector<16xi32> -> vector<16xf32>
        %add3A_770 = arith.addf %add3A_734, %bitcast_convert_type3A_769 : vector<16xf32>
        %shift_left3A_771 = arith.constant 16 : i32
        %shift_left3A_772 = vector.broadcast %shift_left3A_771 : i32 to vector<16xi32>
        %shift_left3A_773 = arith.shli %bitcast_convert_type3A_760, %shift_left3A_772 : vector<16xi32>
        %bitcast_convert_type3A_774 = tpu.bitcast %shift_left3A_773 : vector<16xi32> -> vector<16xf32>
        %add3A_775 = arith.addf %add3A_739, %bitcast_convert_type3A_774 : vector<16xf32>
        %and3A_776 = arith.constant -65536 : i32
        %and3A_777 = vector.broadcast %and3A_776 : i32 to vector<16xi32>
        %and3A_778 = arith.andi %bitcast_convert_type3A_760, %and3A_777 : vector<16xi32>
        %bitcast_convert_type3A_779 = tpu.bitcast %and3A_778 : vector<16xi32> -> vector<16xf32>
        %add3A_780 = arith.addf %add3A_744, %bitcast_convert_type3A_779 : vector<16xf32>
        scf.yield %add3A_765, %add3A_775, %add3A_770, %add3A_780 : vector<16xf32>, vector<16xf32>, vector<16xf32>, vector<16xf32>
      }
      %scan3A_282 = arith.constant 100 : i32
      %add3A_283 = arith.constant 8 : i32
      %add3A_284 = arith.addi %add3A_265, %add3A_283 : i32
      %lt3A_285 = arith.constant 256 : i32
      %lt3A_286 = arith.cmpi slt, %add3A_284, %lt3A_285 : i32
      %convert_element_type3A_287 = arith.extui %lt3A_286 : i1 to i32
      %cond3A_288 = arith.constant 0 : i32
      %cond3A_289 = arith.cmpi ne, %convert_element_type3A_287, %cond3A_288 : i32
      scf.if %cond3A_289 {
        %dma_start3A_422 = arith.constant 4 : i32
        %dma_start3A_423 = arith.constant 0 : i32
        %dma_start3A_424 = arith.constant 0 : i32
        %dma_start3A_425 = tpu.memref_slice %arg6[%dma_start3A_422, %dma_start3A_423, %dma_start3A_424] : memref<8x100x32xf32, #tpu.memory_space<vmem>> -> memref<1x100x32xf32, #tpu.memory_space<vmem>>
        %dma_start3A_426 = tpu.memref_squeeze %dma_start3A_425 : memref<1x100x32xf32, #tpu.memory_space<vmem>> -> memref<100x32xf32, #tpu.memory_space<vmem>>
        %dma_start3A_427 = arith.constant 0 : i32
        %dma_start3A_428 = tpu.memref_slice %arg5[%add3A_284, %dma_start3A_427] : memref<256x100xi32, #tpu.memory_space<vmem>> -> memref<1x100xi32, #tpu.memory_space<vmem>>
        %dma_start3A_429 = tpu.memref_squeeze %dma_start3A_428 : memref<1x100xi32, #tpu.memory_space<vmem>> -> memref<100xi32, #tpu.memory_space<vmem>>
        %dma_start3A_430 = arith.constant 0 : i32
        %dma_start3A_431 = arith.constant 0 : i32
        %dma_start3A_432 = tpu.memref_slice %arg3[%dma_start3A_430, %dma_start3A_431] : memref<1015808x32xf32, #tpu.memory_space<hbm>> -> memref<1015808x32xf32, #tpu.memory_space<hbm>>
        tpu.enqueue_indirect_dma source(%dma_start3A_432 : memref<1015808x32xf32, #tpu.memory_space<hbm>>) target(%dma_start3A_426 : memref<100x32xf32, #tpu.memory_space<vmem>>) offsets(%dma_start3A_429 : memref<100xi32, #tpu.memory_space<vmem>>) semaphore(%arg12 : memref<!tpu.dma_semaphore, #tpu.memory_space<semaphore_mem>>)
      } else {
      }
      %mul3A_290 = arith.constant 8 : i32
      %mul3A_291 = arith.muli %mul3A_290, %scan3A_106 : i32
      %add3A_292 = arith.constant 5 : i32
      %add3A_293 = arith.addi %mul3A_291, %add3A_292 : i32
      %dma_wait3A_294 = arith.constant 5 : i32
      %dma_wait3A_295 = arith.constant 0 : i32
      %dma_wait3A_296 = arith.constant 0 : i32
      %dma_wait3A_297 = tpu.memref_slice %arg6[%dma_wait3A_294, %dma_wait3A_295, %dma_wait3A_296] : memref<8x100x32xf32, #tpu.memory_space<vmem>> -> memref<1x100x32xf32, #tpu.memory_space<vmem>>
      %dma_wait3A_298 = tpu.memref_squeeze %dma_wait3A_297 : memref<1x100x32xf32, #tpu.memory_space<vmem>> -> memref<100x32xf32, #tpu.memory_space<vmem>>
      %dma_wait3A_299 = arith.constant 0 : i32
      %dma_wait3A_300 = tpu.memref_slice %arg5[%add3A_293, %dma_wait3A_299] : memref<256x100xi32, #tpu.memory_space<vmem>> -> memref<1x100xi32, #tpu.memory_space<vmem>>
      %dma_wait3A_301 = tpu.memref_squeeze %dma_wait3A_300 : memref<1x100xi32, #tpu.memory_space<vmem>> -> memref<100xi32, #tpu.memory_space<vmem>>
      %dma_wait3A_302 = arith.constant 0 : i32
      %dma_wait3A_303 = arith.constant 0 : i32
      %dma_wait3A_304 = tpu.memref_slice %arg3[%dma_wait3A_302, %dma_wait3A_303] : memref<1015808x32xf32, #tpu.memory_space<hbm>> -> memref<1015808x32xf32, #tpu.memory_space<hbm>>
      tpu.wait_indirect_dma semaphore(%arg13 : memref<!tpu.dma_semaphore, #tpu.memory_space<semaphore_mem>>) src(%dma_wait3A_304 : memref<1015808x32xf32, #tpu.memory_space<hbm>>) dst(%dma_wait3A_298 : memref<100x32xf32, #tpu.memory_space<vmem>>)
      %scan3A_305 = arith.constant 0 : i32
      %scan3A_306 = arith.constant 100 : i32
      %scan3A_307 = arith.addi %scan3A_305, %scan3A_306 : i32
      %scan3A_308 = arith.constant 10 : i32
      %scan3A_309:4 = scf.for %scan3A_422 = %scan3A_305 to %scan3A_307 step %scan3A_308 iter_args(%scan3A_423 = %scan3A_281#0, %scan3A_424 = %scan3A_281#1, %scan3A_425 = %scan3A_281#2, %scan3A_426 = %scan3A_281#3) -> (vector<16xf32>, vector<16xf32>, vector<16xf32>, vector<16xf32>)  : i32 {
        %get3A = arith.constant 5 : i32
        %get3A_427 = arith.index_cast %get3A : i32 to index
        %get3A_428 = arith.index_cast %scan3A_422 : i32 to index
        %get3A_429 = arith.constant 0 : index
        %get3A_430 = tpu.vector_load %arg6[%get3A_427, %get3A_428, %get3A_429] {strides = array<i32>} : memref<8x100x32xf32, #tpu.memory_space<vmem>>, vector<1x1x16xf32>,
        %get3A_431 = vector.shape_cast %get3A_430 : vector<1x1x16xf32> to vector<16xf32>
        %get3A_432 = arith.constant 5 : i32
        %get3A_433 = arith.index_cast %get3A_432 : i32 to index
        %get3A_434 = arith.index_cast %scan3A_422 : i32 to index
        %get3A_435 = arith.constant 16 : index
        %get3A_436 = tpu.vector_load %arg6[%get3A_433, %get3A_434, %get3A_435] {strides = array<i32>} : memref<8x100x32xf32, #tpu.memory_space<vmem>>, vector<1x1x16xf32>,
        %get3A_437 = vector.shape_cast %get3A_436 : vector<1x1x16xf32> to vector<16xf32>
        %bitcast_convert_type3A = tpu.bitcast %get3A_431 : vector<16xf32> -> vector<16xi32>
        %bitcast_convert_type3A_438 = tpu.bitcast %get3A_437 : vector<16xf32> -> vector<16xi32>
        %shift_left3A = arith.constant 16 : i32
        %shift_left3A_439 = vector.broadcast %shift_left3A : i32 to vector<16xi32>
        %shift_left3A_440 = arith.shli %bitcast_convert_type3A, %shift_left3A_439 : vector<16xi32>
        %bitcast_convert_type3A_441 = tpu.bitcast %shift_left3A_440 : vector<16xi32> -> vector<16xf32>
        %add3A_442 = arith.addf %scan3A_423, %bitcast_convert_type3A_441 : vector<16xf32>
        %and3A = arith.constant -65536 : i32
        %and3A_443 = vector.broadcast %and3A : i32 to vector<16xi32>
        %and3A_444 = arith.andi %bitcast_convert_type3A, %and3A_443 : vector<16xi32>
        %bitcast_convert_type3A_445 = tpu.bitcast %and3A_444 : vector<16xi32> -> vector<16xf32>
        %add3A_446 = arith.addf %scan3A_425, %bitcast_convert_type3A_445 : vector<16xf32>
        %shift_left3A_447 = arith.constant 16 : i32
        %shift_left3A_448 = vector.broadcast %shift_left3A_447 : i32 to vector<16xi32>
        %shift_left3A_449 = arith.shli %bitcast_convert_type3A_438, %shift_left3A_448 : vector<16xi32>
        %bitcast_convert_type3A_450 = tpu.bitcast %shift_left3A_449 : vector<16xi32> -> vector<16xf32>
        %add3A_451 = arith.addf %scan3A_424, %bitcast_convert_type3A_450 : vector<16xf32>
        %and3A_452 = arith.constant -65536 : i32
        %and3A_453 = vector.broadcast %and3A_452 : i32 to vector<16xi32>
        %and3A_454 = arith.andi %bitcast_convert_type3A_438, %and3A_453 : vector<16xi32>
        %bitcast_convert_type3A_455 = tpu.bitcast %and3A_454 : vector<16xi32> -> vector<16xf32>
        %add3A_456 = arith.addf %scan3A_426, %bitcast_convert_type3A_455 : vector<16xf32>
        %scan3A_457 = arith.constant 1 : i32
        %scan3A_458 = arith.addi %scan3A_422, %scan3A_457 : i32
        %get3A_459 = arith.constant 5 : i32
        %get3A_460 = arith.index_cast %get3A_459 : i32 to index
        %get3A_461 = arith.index_cast %scan3A_458 : i32 to index
        %get3A_462 = arith.constant 0 : index
        %get3A_463 = tpu.vector_load %arg6[%get3A_460, %get3A_461, %get3A_462] {strides = array<i32>} : memref<8x100x32xf32, #tpu.memory_space<vmem>>, vector<1x1x16xf32>,
        %get3A_464 = vector.shape_cast %get3A_463 : vector<1x1x16xf32> to vector<16xf32>
        %get3A_465 = arith.constant 5 : i32
        %get3A_466 = arith.index_cast %get3A_465 : i32 to index
        %get3A_467 = arith.index_cast %scan3A_458 : i32 to index
        %get3A_468 = arith.constant 16 : index
        %get3A_469 = tpu.vector_load %arg6[%get3A_466, %get3A_467, %get3A_468] {strides = array<i32>} : memref<8x100x32xf32, #tpu.memory_space<vmem>>, vector<1x1x16xf32>,
        %get3A_470 = vector.shape_cast %get3A_469 : vector<1x1x16xf32> to vector<16xf32>
        %bitcast_convert_type3A_471 = tpu.bitcast %get3A_464 : vector<16xf32> -> vector<16xi32>
        %bitcast_convert_type3A_472 = tpu.bitcast %get3A_470 : vector<16xf32> -> vector<16xi32>
        %shift_left3A_473 = arith.constant 16 : i32
        %shift_left3A_474 = vector.broadcast %shift_left3A_473 : i32 to vector<16xi32>
        %shift_left3A_475 = arith.shli %bitcast_convert_type3A_471, %shift_left3A_474 : vector<16xi32>
        %bitcast_convert_type3A_476 = tpu.bitcast %shift_left3A_475 : vector<16xi32> -> vector<16xf32>
        %add3A_477 = arith.addf %add3A_442, %bitcast_convert_type3A_476 : vector<16xf32>
        %and3A_478 = arith.constant -65536 : i32
        %and3A_479 = vector.broadcast %and3A_478 : i32 to vector<16xi32>
        %and3A_480 = arith.andi %bitcast_convert_type3A_471, %and3A_479 : vector<16xi32>
        %bitcast_convert_type3A_481 = tpu.bitcast %and3A_480 : vector<16xi32> -> vector<16xf32>
        %add3A_482 = arith.addf %add3A_446, %bitcast_convert_type3A_481 : vector<16xf32>
        %shift_left3A_483 = arith.constant 16 : i32
        %shift_left3A_484 = vector.broadcast %shift_left3A_483 : i32 to vector<16xi32>
        %shift_left3A_485 = arith.shli %bitcast_convert_type3A_472, %shift_left3A_484 : vector<16xi32>
        %bitcast_convert_type3A_486 = tpu.bitcast %shift_left3A_485 : vector<16xi32> -> vector<16xf32>
        %add3A_487 = arith.addf %add3A_451, %bitcast_convert_type3A_486 : vector<16xf32>
        %and3A_488 = arith.constant -65536 : i32
        %and3A_489 = vector.broadcast %and3A_488 : i32 to vector<16xi32>
        %and3A_490 = arith.andi %bitcast_convert_type3A_472, %and3A_489 : vector<16xi32>
        %bitcast_convert_type3A_491 = tpu.bitcast %and3A_490 : vector<16xi32> -> vector<16xf32>
        %add3A_492 = arith.addf %add3A_456, %bitcast_convert_type3A_491 : vector<16xf32>
        %scan3A_493 = arith.constant 2 : i32
        %scan3A_494 = arith.addi %scan3A_422, %scan3A_493 : i32
        %get3A_495 = arith.constant 5 : i32
        %get3A_496 = arith.index_cast %get3A_495 : i32 to index
        %get3A_497 = arith.index_cast %scan3A_494 : i32 to index
        %get3A_498 = arith.constant 0 : index
        %get3A_499 = tpu.vector_load %arg6[%get3A_496, %get3A_497, %get3A_498] {strides = array<i32>} : memref<8x100x32xf32, #tpu.memory_space<vmem>>, vector<1x1x16xf32>,
        %get3A_500 = vector.shape_cast %get3A_499 : vector<1x1x16xf32> to vector<16xf32>
        %get3A_501 = arith.constant 5 : i32
        %get3A_502 = arith.index_cast %get3A_501 : i32 to index
        %get3A_503 = arith.index_cast %scan3A_494 : i32 to index
        %get3A_504 = arith.constant 16 : index
        %get3A_505 = tpu.vector_load %arg6[%get3A_502, %get3A_503, %get3A_504] {strides = array<i32>} : memref<8x100x32xf32, #tpu.memory_space<vmem>>, vector<1x1x16xf32>,
        %get3A_506 = vector.shape_cast %get3A_505 : vector<1x1x16xf32> to vector<16xf32>
        %bitcast_convert_type3A_507 = tpu.bitcast %get3A_500 : vector<16xf32> -> vector<16xi32>
        %bitcast_convert_type3A_508 = tpu.bitcast %get3A_506 : vector<16xf32> -> vector<16xi32>
        %shift_left3A_509 = arith.constant 16 : i32
        %shift_left3A_510 = vector.broadcast %shift_left3A_509 : i32 to vector<16xi32>
        %shift_left3A_511 = arith.shli %bitcast_convert_type3A_507, %shift_left3A_510 : vector<16xi32>
        %bitcast_convert_type3A_512 = tpu.bitcast %shift_left3A_511 : vector<16xi32> -> vector<16xf32>
        %add3A_513 = arith.addf %add3A_477, %bitcast_convert_type3A_512 : vector<16xf32>
        %and3A_514 = arith.constant -65536 : i32
        %and3A_515 = vector.broadcast %and3A_514 : i32 to vector<16xi32>
        %and3A_516 = arith.andi %bitcast_convert_type3A_507, %and3A_515 : vector<16xi32>
        %bitcast_convert_type3A_517 = tpu.bitcast %and3A_516 : vector<16xi32> -> vector<16xf32>
        %add3A_518 = arith.addf %add3A_482, %bitcast_convert_type3A_517 : vector<16xf32>
        %shift_left3A_519 = arith.constant 16 : i32
        %shift_left3A_520 = vector.broadcast %shift_left3A_519 : i32 to vector<16xi32>
        %shift_left3A_521 = arith.shli %bitcast_convert_type3A_508, %shift_left3A_520 : vector<16xi32>
        %bitcast_convert_type3A_522 = tpu.bitcast %shift_left3A_521 : vector<16xi32> -> vector<16xf32>
        %add3A_523 = arith.addf %add3A_487, %bitcast_convert_type3A_522 : vector<16xf32>
        %and3A_524 = arith.constant -65536 : i32
        %and3A_525 = vector.broadcast %and3A_524 : i32 to vector<16xi32>
        %and3A_526 = arith.andi %bitcast_convert_type3A_508, %and3A_525 : vector<16xi32>
        %bitcast_convert_type3A_527 = tpu.bitcast %and3A_526 : vector<16xi32> -> vector<16xf32>
        %add3A_528 = arith.addf %add3A_492, %bitcast_convert_type3A_527 : vector<16xf32>
        %scan3A_529 = arith.constant 3 : i32
        %scan3A_530 = arith.addi %scan3A_422, %scan3A_529 : i32
        %get3A_531 = arith.constant 5 : i32
        %get3A_532 = arith.index_cast %get3A_531 : i32 to index
        %get3A_533 = arith.index_cast %scan3A_530 : i32 to index
        %get3A_534 = arith.constant 0 : index
        %get3A_535 = tpu.vector_load %arg6[%get3A_532, %get3A_533, %get3A_534] {strides = array<i32>} : memref<8x100x32xf32, #tpu.memory_space<vmem>>, vector<1x1x16xf32>,
        %get3A_536 = vector.shape_cast %get3A_535 : vector<1x1x16xf32> to vector<16xf32>
        %get3A_537 = arith.constant 5 : i32
        %get3A_538 = arith.index_cast %get3A_537 : i32 to index
        %get3A_539 = arith.index_cast %scan3A_530 : i32 to index
        %get3A_540 = arith.constant 16 : index
        %get3A_541 = tpu.vector_load %arg6[%get3A_538, %get3A_539, %get3A_540] {strides = array<i32>} : memref<8x100x32xf32, #tpu.memory_space<vmem>>, vector<1x1x16xf32>,
        %get3A_542 = vector.shape_cast %get3A_541 : vector<1x1x16xf32> to vector<16xf32>
        %bitcast_convert_type3A_543 = tpu.bitcast %get3A_536 : vector<16xf32> -> vector<16xi32>
        %bitcast_convert_type3A_544 = tpu.bitcast %get3A_542 : vector<16xf32> -> vector<16xi32>
        %shift_left3A_545 = arith.constant 16 : i32
        %shift_left3A_546 = vector.broadcast %shift_left3A_545 : i32 to vector<16xi32>
        %shift_left3A_547 = arith.shli %bitcast_convert_type3A_543, %shift_left3A_546 : vector<16xi32>
        %bitcast_convert_type3A_548 = tpu.bitcast %shift_left3A_547 : vector<16xi32> -> vector<16xf32>
        %add3A_549 = arith.addf %add3A_513, %bitcast_convert_type3A_548 : vector<16xf32>
        %and3A_550 = arith.constant -65536 : i32
        %and3A_551 = vector.broadcast %and3A_550 : i32 to vector<16xi32>
        %and3A_552 = arith.andi %bitcast_convert_type3A_543, %and3A_551 : vector<16xi32>
        %bitcast_convert_type3A_553 = tpu.bitcast %and3A_552 : vector<16xi32> -> vector<16xf32>
        %add3A_554 = arith.addf %add3A_518, %bitcast_convert_type3A_553 : vector<16xf32>
        %shift_left3A_555 = arith.constant 16 : i32
        %shift_left3A_556 = vector.broadcast %shift_left3A_555 : i32 to vector<16xi32>
        %shift_left3A_557 = arith.shli %bitcast_convert_type3A_544, %shift_left3A_556 : vector<16xi32>
        %bitcast_convert_type3A_558 = tpu.bitcast %shift_left3A_557 : vector<16xi32> -> vector<16xf32>
        %add3A_559 = arith.addf %add3A_523, %bitcast_convert_type3A_558 : vector<16xf32>
        %and3A_560 = arith.constant -65536 : i32
        %and3A_561 = vector.broadcast %and3A_560 : i32 to vector<16xi32>
        %and3A_562 = arith.andi %bitcast_convert_type3A_544, %and3A_561 : vector<16xi32>
        %bitcast_convert_type3A_563 = tpu.bitcast %and3A_562 : vector<16xi32> -> vector<16xf32>
        %add3A_564 = arith.addf %add3A_528, %bitcast_convert_type3A_563 : vector<16xf32>
        %scan3A_565 = arith.constant 4 : i32
        %scan3A_566 = arith.addi %scan3A_422, %scan3A_565 : i32
        %get3A_567 = arith.constant 5 : i32
        %get3A_568 = arith.index_cast %get3A_567 : i32 to index
        %get3A_569 = arith.index_cast %scan3A_566 : i32 to index
        %get3A_570 = arith.constant 0 : index
        %get3A_571 = tpu.vector_load %arg6[%get3A_568, %get3A_569, %get3A_570] {strides = array<i32>} : memref<8x100x32xf32, #tpu.memory_space<vmem>>, vector<1x1x16xf32>,
        %get3A_572 = vector.shape_cast %get3A_571 : vector<1x1x16xf32> to vector<16xf32>
        %get3A_573 = arith.constant 5 : i32
        %get3A_574 = arith.index_cast %get3A_573 : i32 to index
        %get3A_575 = arith.index_cast %scan3A_566 : i32 to index
        %get3A_576 = arith.constant 16 : index
        %get3A_577 = tpu.vector_load %arg6[%get3A_574, %get3A_575, %get3A_576] {strides = array<i32>} : memref<8x100x32xf32, #tpu.memory_space<vmem>>, vector<1x1x16xf32>,
        %get3A_578 = vector.shape_cast %get3A_577 : vector<1x1x16xf32> to vector<16xf32>
        %bitcast_convert_type3A_579 = tpu.bitcast %get3A_572 : vector<16xf32> -> vector<16xi32>
        %bitcast_convert_type3A_580 = tpu.bitcast %get3A_578 : vector<16xf32> -> vector<16xi32>
        %shift_left3A_581 = arith.constant 16 : i32
        %shift_left3A_582 = vector.broadcast %shift_left3A_581 : i32 to vector<16xi32>
        %shift_left3A_583 = arith.shli %bitcast_convert_type3A_579, %shift_left3A_582 : vector<16xi32>
        %bitcast_convert_type3A_584 = tpu.bitcast %shift_left3A_583 : vector<16xi32> -> vector<16xf32>
        %add3A_585 = arith.addf %add3A_549, %bitcast_convert_type3A_584 : vector<16xf32>
        %and3A_586 = arith.constant -65536 : i32
        %and3A_587 = vector.broadcast %and3A_586 : i32 to vector<16xi32>
        %and3A_588 = arith.andi %bitcast_convert_type3A_579, %and3A_587 : vector<16xi32>
        %bitcast_convert_type3A_589 = tpu.bitcast %and3A_588 : vector<16xi32> -> vector<16xf32>
        %add3A_590 = arith.addf %add3A_554, %bitcast_convert_type3A_589 : vector<16xf32>
        %shift_left3A_591 = arith.constant 16 : i32
        %shift_left3A_592 = vector.broadcast %shift_left3A_591 : i32 to vector<16xi32>
        %shift_left3A_593 = arith.shli %bitcast_convert_type3A_580, %shift_left3A_592 : vector<16xi32>
        %bitcast_convert_type3A_594 = tpu.bitcast %shift_left3A_593 : vector<16xi32> -> vector<16xf32>
        %add3A_595 = arith.addf %add3A_559, %bitcast_convert_type3A_594 : vector<16xf32>
        %and3A_596 = arith.constant -65536 : i32
        %and3A_597 = vector.broadcast %and3A_596 : i32 to vector<16xi32>
        %and3A_598 = arith.andi %bitcast_convert_type3A_580, %and3A_597 : vector<16xi32>
        %bitcast_convert_type3A_599 = tpu.bitcast %and3A_598 : vector<16xi32> -> vector<16xf32>
        %add3A_600 = arith.addf %add3A_564, %bitcast_convert_type3A_599 : vector<16xf32>
        %scan3A_601 = arith.constant 5 : i32
        %scan3A_602 = arith.addi %scan3A_422, %scan3A_601 : i32
        %get3A_603 = arith.constant 5 : i32
        %get3A_604 = arith.index_cast %get3A_603 : i32 to index
        %get3A_605 = arith.index_cast %scan3A_602 : i32 to index
        %get3A_606 = arith.constant 0 : index
        %get3A_607 = tpu.vector_load %arg6[%get3A_604, %get3A_605, %get3A_606] {strides = array<i32>} : memref<8x100x32xf32, #tpu.memory_space<vmem>>, vector<1x1x16xf32>,
        %get3A_608 = vector.shape_cast %get3A_607 : vector<1x1x16xf32> to vector<16xf32>
        %get3A_609 = arith.constant 5 : i32
        %get3A_610 = arith.index_cast %get3A_609 : i32 to index
        %get3A_611 = arith.index_cast %scan3A_602 : i32 to index
        %get3A_612 = arith.constant 16 : index
        %get3A_613 = tpu.vector_load %arg6[%get3A_610, %get3A_611, %get3A_612] {strides = array<i32>} : memref<8x100x32xf32, #tpu.memory_space<vmem>>, vector<1x1x16xf32>,
        %get3A_614 = vector.shape_cast %get3A_613 : vector<1x1x16xf32> to vector<16xf32>
        %bitcast_convert_type3A_615 = tpu.bitcast %get3A_608 : vector<16xf32> -> vector<16xi32>
        %bitcast_convert_type3A_616 = tpu.bitcast %get3A_614 : vector<16xf32> -> vector<16xi32>
        %shift_left3A_617 = arith.constant 16 : i32
        %shift_left3A_618 = vector.broadcast %shift_left3A_617 : i32 to vector<16xi32>
        %shift_left3A_619 = arith.shli %bitcast_convert_type3A_615, %shift_left3A_618 : vector<16xi32>
        %bitcast_convert_type3A_620 = tpu.bitcast %shift_left3A_619 : vector<16xi32> -> vector<16xf32>
        %add3A_621 = arith.addf %add3A_585, %bitcast_convert_type3A_620 : vector<16xf32>
        %and3A_622 = arith.constant -65536 : i32
        %and3A_623 = vector.broadcast %and3A_622 : i32 to vector<16xi32>
        %and3A_624 = arith.andi %bitcast_convert_type3A_615, %and3A_623 : vector<16xi32>
        %bitcast_convert_type3A_625 = tpu.bitcast %and3A_624 : vector<16xi32> -> vector<16xf32>
        %add3A_626 = arith.addf %add3A_590, %bitcast_convert_type3A_625 : vector<16xf32>
        %shift_left3A_627 = arith.constant 16 : i32
        %shift_left3A_628 = vector.broadcast %shift_left3A_627 : i32 to vector<16xi32>
        %shift_left3A_629 = arith.shli %bitcast_convert_type3A_616, %shift_left3A_628 : vector<16xi32>
        %bitcast_convert_type3A_630 = tpu.bitcast %shift_left3A_629 : vector<16xi32> -> vector<16xf32>
        %add3A_631 = arith.addf %add3A_595, %bitcast_convert_type3A_630 : vector<16xf32>
        %and3A_632 = arith.constant -65536 : i32
        %and3A_633 = vector.broadcast %and3A_632 : i32 to vector<16xi32>
        %and3A_634 = arith.andi %bitcast_convert_type3A_616, %and3A_633 : vector<16xi32>
        %bitcast_convert_type3A_635 = tpu.bitcast %and3A_634 : vector<16xi32> -> vector<16xf32>
        %add3A_636 = arith.addf %add3A_600, %bitcast_convert_type3A_635 : vector<16xf32>
        %scan3A_637 = arith.constant 6 : i32
        %scan3A_638 = arith.addi %scan3A_422, %scan3A_637 : i32
        %get3A_639 = arith.constant 5 : i32
        %get3A_640 = arith.index_cast %get3A_639 : i32 to index
        %get3A_641 = arith.index_cast %scan3A_638 : i32 to index
        %get3A_642 = arith.constant 0 : index
        %get3A_643 = tpu.vector_load %arg6[%get3A_640, %get3A_641, %get3A_642] {strides = array<i32>} : memref<8x100x32xf32, #tpu.memory_space<vmem>>, vector<1x1x16xf32>,
        %get3A_644 = vector.shape_cast %get3A_643 : vector<1x1x16xf32> to vector<16xf32>
        %get3A_645 = arith.constant 5 : i32
        %get3A_646 = arith.index_cast %get3A_645 : i32 to index
        %get3A_647 = arith.index_cast %scan3A_638 : i32 to index
        %get3A_648 = arith.constant 16 : index
        %get3A_649 = tpu.vector_load %arg6[%get3A_646, %get3A_647, %get3A_648] {strides = array<i32>} : memref<8x100x32xf32, #tpu.memory_space<vmem>>, vector<1x1x16xf32>,
        %get3A_650 = vector.shape_cast %get3A_649 : vector<1x1x16xf32> to vector<16xf32>
        %bitcast_convert_type3A_651 = tpu.bitcast %get3A_644 : vector<16xf32> -> vector<16xi32>
        %bitcast_convert_type3A_652 = tpu.bitcast %get3A_650 : vector<16xf32> -> vector<16xi32>
        %shift_left3A_653 = arith.constant 16 : i32
        %shift_left3A_654 = vector.broadcast %shift_left3A_653 : i32 to vector<16xi32>
        %shift_left3A_655 = arith.shli %bitcast_convert_type3A_651, %shift_left3A_654 : vector<16xi32>
        %bitcast_convert_type3A_656 = tpu.bitcast %shift_left3A_655 : vector<16xi32> -> vector<16xf32>
        %add3A_657 = arith.addf %add3A_621, %bitcast_convert_type3A_656 : vector<16xf32>
        %and3A_658 = arith.constant -65536 : i32
        %and3A_659 = vector.broadcast %and3A_658 : i32 to vector<16xi32>
        %and3A_660 = arith.andi %bitcast_convert_type3A_651, %and3A_659 : vector<16xi32>
        %bitcast_convert_type3A_661 = tpu.bitcast %and3A_660 : vector<16xi32> -> vector<16xf32>
        %add3A_662 = arith.addf %add3A_626, %bitcast_convert_type3A_661 : vector<16xf32>
        %shift_left3A_663 = arith.constant 16 : i32
        %shift_left3A_664 = vector.broadcast %shift_left3A_663 : i32 to vector<16xi32>
        %shift_left3A_665 = arith.shli %bitcast_convert_type3A_652, %shift_left3A_664 : vector<16xi32>
        %bitcast_convert_type3A_666 = tpu.bitcast %shift_left3A_665 : vector<16xi32> -> vector<16xf32>
        %add3A_667 = arith.addf %add3A_631, %bitcast_convert_type3A_666 : vector<16xf32>
        %and3A_668 = arith.constant -65536 : i32
        %and3A_669 = vector.broadcast %and3A_668 : i32 to vector<16xi32>
        %and3A_670 = arith.andi %bitcast_convert_type3A_652, %and3A_669 : vector<16xi32>
        %bitcast_convert_type3A_671 = tpu.bitcast %and3A_670 : vector<16xi32> -> vector<16xf32>
        %add3A_672 = arith.addf %add3A_636, %bitcast_convert_type3A_671 : vector<16xf32>
        %scan3A_673 = arith.constant 7 : i32
        %scan3A_674 = arith.addi %scan3A_422, %scan3A_673 : i32
        %get3A_675 = arith.constant 5 : i32
        %get3A_676 = arith.index_cast %get3A_675 : i32 to index
        %get3A_677 = arith.index_cast %scan3A_674 : i32 to index
        %get3A_678 = arith.constant 0 : index
        %get3A_679 = tpu.vector_load %arg6[%get3A_676, %get3A_677, %get3A_678] {strides = array<i32>} : memref<8x100x32xf32, #tpu.memory_space<vmem>>, vector<1x1x16xf32>,
        %get3A_680 = vector.shape_cast %get3A_679 : vector<1x1x16xf32> to vector<16xf32>
        %get3A_681 = arith.constant 5 : i32
        %get3A_682 = arith.index_cast %get3A_681 : i32 to index
        %get3A_683 = arith.index_cast %scan3A_674 : i32 to index
        %get3A_684 = arith.constant 16 : index
        %get3A_685 = tpu.vector_load %arg6[%get3A_682, %get3A_683, %get3A_684] {strides = array<i32>} : memref<8x100x32xf32, #tpu.memory_space<vmem>>, vector<1x1x16xf32>,
        %get3A_686 = vector.shape_cast %get3A_685 : vector<1x1x16xf32> to vector<16xf32>
        %bitcast_convert_type3A_687 = tpu.bitcast %get3A_680 : vector<16xf32> -> vector<16xi32>
        %bitcast_convert_type3A_688 = tpu.bitcast %get3A_686 : vector<16xf32> -> vector<16xi32>
        %shift_left3A_689 = arith.constant 16 : i32
        %shift_left3A_690 = vector.broadcast %shift_left3A_689 : i32 to vector<16xi32>
        %shift_left3A_691 = arith.shli %bitcast_convert_type3A_687, %shift_left3A_690 : vector<16xi32>
        %bitcast_convert_type3A_692 = tpu.bitcast %shift_left3A_691 : vector<16xi32> -> vector<16xf32>
        %add3A_693 = arith.addf %add3A_657, %bitcast_convert_type3A_692 : vector<16xf32>
        %and3A_694 = arith.constant -65536 : i32
        %and3A_695 = vector.broadcast %and3A_694 : i32 to vector<16xi32>
        %and3A_696 = arith.andi %bitcast_convert_type3A_687, %and3A_695 : vector<16xi32>
        %bitcast_convert_type3A_697 = tpu.bitcast %and3A_696 : vector<16xi32> -> vector<16xf32>
        %add3A_698 = arith.addf %add3A_662, %bitcast_convert_type3A_697 : vector<16xf32>
        %shift_left3A_699 = arith.constant 16 : i32
        %shift_left3A_700 = vector.broadcast %shift_left3A_699 : i32 to vector<16xi32>
        %shift_left3A_701 = arith.shli %bitcast_convert_type3A_688, %shift_left3A_700 : vector<16xi32>
        %bitcast_convert_type3A_702 = tpu.bitcast %shift_left3A_701 : vector<16xi32> -> vector<16xf32>
        %add3A_703 = arith.addf %add3A_667, %bitcast_convert_type3A_702 : vector<16xf32>
        %and3A_704 = arith.constant -65536 : i32
        %and3A_705 = vector.broadcast %and3A_704 : i32 to vector<16xi32>
        %and3A_706 = arith.andi %bitcast_convert_type3A_688, %and3A_705 : vector<16xi32>
        %bitcast_convert_type3A_707 = tpu.bitcast %and3A_706 : vector<16xi32> -> vector<16xf32>
        %add3A_708 = arith.addf %add3A_672, %bitcast_convert_type3A_707 : vector<16xf32>
        %scan3A_709 = arith.constant 8 : i32
        %scan3A_710 = arith.addi %scan3A_422, %scan3A_709 : i32
        %get3A_711 = arith.constant 5 : i32
        %get3A_712 = arith.index_cast %get3A_711 : i32 to index
        %get3A_713 = arith.index_cast %scan3A_710 : i32 to index
        %get3A_714 = arith.constant 0 : index
        %get3A_715 = tpu.vector_load %arg6[%get3A_712, %get3A_713, %get3A_714] {strides = array<i32>} : memref<8x100x32xf32, #tpu.memory_space<vmem>>, vector<1x1x16xf32>,
        %get3A_716 = vector.shape_cast %get3A_715 : vector<1x1x16xf32> to vector<16xf32>
        %get3A_717 = arith.constant 5 : i32
        %get3A_718 = arith.index_cast %get3A_717 : i32 to index
        %get3A_719 = arith.index_cast %scan3A_710 : i32 to index
        %get3A_720 = arith.constant 16 : index
        %get3A_721 = tpu.vector_load %arg6[%get3A_718, %get3A_719, %get3A_720] {strides = array<i32>} : memref<8x100x32xf32, #tpu.memory_space<vmem>>, vector<1x1x16xf32>,
        %get3A_722 = vector.shape_cast %get3A_721 : vector<1x1x16xf32> to vector<16xf32>
        %bitcast_convert_type3A_723 = tpu.bitcast %get3A_716 : vector<16xf32> -> vector<16xi32>
        %bitcast_convert_type3A_724 = tpu.bitcast %get3A_722 : vector<16xf32> -> vector<16xi32>
        %shift_left3A_725 = arith.constant 16 : i32
        %shift_left3A_726 = vector.broadcast %shift_left3A_725 : i32 to vector<16xi32>
        %shift_left3A_727 = arith.shli %bitcast_convert_type3A_723, %shift_left3A_726 : vector<16xi32>
        %bitcast_convert_type3A_728 = tpu.bitcast %shift_left3A_727 : vector<16xi32> -> vector<16xf32>
        %add3A_729 = arith.addf %add3A_693, %bitcast_convert_type3A_728 : vector<16xf32>
        %and3A_730 = arith.constant -65536 : i32
        %and3A_731 = vector.broadcast %and3A_730 : i32 to vector<16xi32>
        %and3A_732 = arith.andi %bitcast_convert_type3A_723, %and3A_731 : vector<16xi32>
        %bitcast_convert_type3A_733 = tpu.bitcast %and3A_732 : vector<16xi32> -> vector<16xf32>
        %add3A_734 = arith.addf %add3A_698, %bitcast_convert_type3A_733 : vector<16xf32>
        %shift_left3A_735 = arith.constant 16 : i32
        %shift_left3A_736 = vector.broadcast %shift_left3A_735 : i32 to vector<16xi32>
        %shift_left3A_737 = arith.shli %bitcast_convert_type3A_724, %shift_left3A_736 : vector<16xi32>
        %bitcast_convert_type3A_738 = tpu.bitcast %shift_left3A_737 : vector<16xi32> -> vector<16xf32>
        %add3A_739 = arith.addf %add3A_703, %bitcast_convert_type3A_738 : vector<16xf32>
        %and3A_740 = arith.constant -65536 : i32
        %and3A_741 = vector.broadcast %and3A_740 : i32 to vector<16xi32>
        %and3A_742 = arith.andi %bitcast_convert_type3A_724, %and3A_741 : vector<16xi32>
        %bitcast_convert_type3A_743 = tpu.bitcast %and3A_742 : vector<16xi32> -> vector<16xf32>
        %add3A_744 = arith.addf %add3A_708, %bitcast_convert_type3A_743 : vector<16xf32>
        %scan3A_745 = arith.constant 9 : i32
        %scan3A_746 = arith.addi %scan3A_422, %scan3A_745 : i32
        %get3A_747 = arith.constant 5 : i32
        %get3A_748 = arith.index_cast %get3A_747 : i32 to index
        %get3A_749 = arith.index_cast %scan3A_746 : i32 to index
        %get3A_750 = arith.constant 0 : index
        %get3A_751 = tpu.vector_load %arg6[%get3A_748, %get3A_749, %get3A_750] {strides = array<i32>} : memref<8x100x32xf32, #tpu.memory_space<vmem>>, vector<1x1x16xf32>,
        %get3A_752 = vector.shape_cast %get3A_751 : vector<1x1x16xf32> to vector<16xf32>
        %get3A_753 = arith.constant 5 : i32
        %get3A_754 = arith.index_cast %get3A_753 : i32 to index
        %get3A_755 = arith.index_cast %scan3A_746 : i32 to index
        %get3A_756 = arith.constant 16 : index
        %get3A_757 = tpu.vector_load %arg6[%get3A_754, %get3A_755, %get3A_756] {strides = array<i32>} : memref<8x100x32xf32, #tpu.memory_space<vmem>>, vector<1x1x16xf32>,
        %get3A_758 = vector.shape_cast %get3A_757 : vector<1x1x16xf32> to vector<16xf32>
        %bitcast_convert_type3A_759 = tpu.bitcast %get3A_752 : vector<16xf32> -> vector<16xi32>
        %bitcast_convert_type3A_760 = tpu.bitcast %get3A_758 : vector<16xf32> -> vector<16xi32>
        %shift_left3A_761 = arith.constant 16 : i32
        %shift_left3A_762 = vector.broadcast %shift_left3A_761 : i32 to vector<16xi32>
        %shift_left3A_763 = arith.shli %bitcast_convert_type3A_759, %shift_left3A_762 : vector<16xi32>
        %bitcast_convert_type3A_764 = tpu.bitcast %shift_left3A_763 : vector<16xi32> -> vector<16xf32>
        %add3A_765 = arith.addf %add3A_729, %bitcast_convert_type3A_764 : vector<16xf32>
        %and3A_766 = arith.constant -65536 : i32
        %and3A_767 = vector.broadcast %and3A_766 : i32 to vector<16xi32>
        %and3A_768 = arith.andi %bitcast_convert_type3A_759, %and3A_767 : vector<16xi32>
        %bitcast_convert_type3A_769 = tpu.bitcast %and3A_768 : vector<16xi32> -> vector<16xf32>
        %add3A_770 = arith.addf %add3A_734, %bitcast_convert_type3A_769 : vector<16xf32>
        %shift_left3A_771 = arith.constant 16 : i32
        %shift_left3A_772 = vector.broadcast %shift_left3A_771 : i32 to vector<16xi32>
        %shift_left3A_773 = arith.shli %bitcast_convert_type3A_760, %shift_left3A_772 : vector<16xi32>
        %bitcast_convert_type3A_774 = tpu.bitcast %shift_left3A_773 : vector<16xi32> -> vector<16xf32>
        %add3A_775 = arith.addf %add3A_739, %bitcast_convert_type3A_774 : vector<16xf32>
        %and3A_776 = arith.constant -65536 : i32
        %and3A_777 = vector.broadcast %and3A_776 : i32 to vector<16xi32>
        %and3A_778 = arith.andi %bitcast_convert_type3A_760, %and3A_777 : vector<16xi32>
        %bitcast_convert_type3A_779 = tpu.bitcast %and3A_778 : vector<16xi32> -> vector<16xf32>
        %add3A_780 = arith.addf %add3A_744, %bitcast_convert_type3A_779 : vector<16xf32>
        scf.yield %add3A_765, %add3A_775, %add3A_770, %add3A_780 : vector<16xf32>, vector<16xf32>, vector<16xf32>, vector<16xf32>
      }
      %scan3A_310 = arith.constant 100 : i32
      %add3A_311 = arith.constant 8 : i32
      %add3A_312 = arith.addi %add3A_293, %add3A_311 : i32
      %lt3A_313 = arith.constant 256 : i32
      %lt3A_314 = arith.cmpi slt, %add3A_312, %lt3A_313 : i32
      %convert_element_type3A_315 = arith.extui %lt3A_314 : i1 to i32
      %cond3A_316 = arith.constant 0 : i32
      %cond3A_317 = arith.cmpi ne, %convert_element_type3A_315, %cond3A_316 : i32
      scf.if %cond3A_317 {
        %dma_start3A_422 = arith.constant 5 : i32
        %dma_start3A_423 = arith.constant 0 : i32
        %dma_start3A_424 = arith.constant 0 : i32
        %dma_start3A_425 = tpu.memref_slice %arg6[%dma_start3A_422, %dma_start3A_423, %dma_start3A_424] : memref<8x100x32xf32, #tpu.memory_space<vmem>> -> memref<1x100x32xf32, #tpu.memory_space<vmem>>
        %dma_start3A_426 = tpu.memref_squeeze %dma_start3A_425 : memref<1x100x32xf32, #tpu.memory_space<vmem>> -> memref<100x32xf32, #tpu.memory_space<vmem>>
        %dma_start3A_427 = arith.constant 0 : i32
        %dma_start3A_428 = tpu.memref_slice %arg5[%add3A_312, %dma_start3A_427] : memref<256x100xi32, #tpu.memory_space<vmem>> -> memref<1x100xi32, #tpu.memory_space<vmem>>
        %dma_start3A_429 = tpu.memref_squeeze %dma_start3A_428 : memref<1x100xi32, #tpu.memory_space<vmem>> -> memref<100xi32, #tpu.memory_space<vmem>>
        %dma_start3A_430 = arith.constant 0 : i32
        %dma_start3A_431 = arith.constant 0 : i32
        %dma_start3A_432 = tpu.memref_slice %arg3[%dma_start3A_430, %dma_start3A_431] : memref<1015808x32xf32, #tpu.memory_space<hbm>> -> memref<1015808x32xf32, #tpu.memory_space<hbm>>
        tpu.enqueue_indirect_dma source(%dma_start3A_432 : memref<1015808x32xf32, #tpu.memory_space<hbm>>) target(%dma_start3A_426 : memref<100x32xf32, #tpu.memory_space<vmem>>) offsets(%dma_start3A_429 : memref<100xi32, #tpu.memory_space<vmem>>) semaphore(%arg13 : memref<!tpu.dma_semaphore, #tpu.memory_space<semaphore_mem>>)
      } else {
      }
      %mul3A_318 = arith.constant 4 : i32
      %mul3A_319 = arith.muli %mul3A_318, %scan3A_106 : i32
      %add3A_320 = arith.constant 2 : i32
      %add3A_321 = arith.addi %mul3A_319, %add3A_320 : i32
      %swap3A_322 = arith.index_cast %add3A_321 : i32 to index
      %swap3A_323 = arith.constant 0 : index
      %swap3A_324 = tpu.vector_load %arg7[%swap3A_322, %swap3A_323] {strides = array<i32>} : memref<128x64xf32, #tpu.memory_space<vmem>>, vector<1x16xf32>,
      %swap3A_325 = vector.shape_cast %swap3A_324 : vector<1x16xf32> to vector<16xf32>
      %swap3A_326 = vector.shape_cast %scan3A_309#0 : vector<16xf32> to vector<1x16xf32>
      tpu.vector_store %arg7[%swap3A_322, %swap3A_323], %swap3A_326 {strides = array<i32>} : memref<128x64xf32, #tpu.memory_space<vmem>>, vector<1x16xf32>,
      %swap3A_327 = arith.index_cast %add3A_321 : i32 to index
      %swap3A_328 = arith.constant 16 : index
      %swap3A_329 = tpu.vector_load %arg7[%swap3A_327, %swap3A_328] {strides = array<i32>} : memref<128x64xf32, #tpu.memory_space<vmem>>, vector<1x16xf32>,
      %swap3A_330 = vector.shape_cast %swap3A_329 : vector<1x16xf32> to vector<16xf32>
      %swap3A_331 = vector.shape_cast %scan3A_309#1 : vector<16xf32> to vector<1x16xf32>
      tpu.vector_store %arg7[%swap3A_327, %swap3A_328], %swap3A_331 {strides = array<i32>} : memref<128x64xf32, #tpu.memory_space<vmem>>, vector<1x16xf32>,
      %swap3A_332 = arith.index_cast %add3A_321 : i32 to index
      %swap3A_333 = arith.constant 32 : index
      %swap3A_334 = tpu.vector_load %arg7[%swap3A_332, %swap3A_333] {strides = array<i32>} : memref<128x64xf32, #tpu.memory_space<vmem>>, vector<1x16xf32>,
      %swap3A_335 = vector.shape_cast %swap3A_334 : vector<1x16xf32> to vector<16xf32>
      %swap3A_336 = vector.shape_cast %scan3A_309#2 : vector<16xf32> to vector<1x16xf32>
      tpu.vector_store %arg7[%swap3A_332, %swap3A_333], %swap3A_336 {strides = array<i32>} : memref<128x64xf32, #tpu.memory_space<vmem>>, vector<1x16xf32>,
      %swap3A_337 = arith.index_cast %add3A_321 : i32 to index
      %swap3A_338 = arith.constant 48 : index
      %swap3A_339 = tpu.vector_load %arg7[%swap3A_337, %swap3A_338] {strides = array<i32>} : memref<128x64xf32, #tpu.memory_space<vmem>>, vector<1x16xf32>,
      %swap3A_340 = vector.shape_cast %swap3A_339 : vector<1x16xf32> to vector<16xf32>
      %swap3A_341 = vector.shape_cast %scan3A_309#3 : vector<16xf32> to vector<1x16xf32>
      tpu.vector_store %arg7[%swap3A_337, %swap3A_338], %swap3A_341 {strides = array<i32>} : memref<128x64xf32, #tpu.memory_space<vmem>>, vector<1x16xf32>,
      %mul3A_342 = arith.constant 8 : i32
      %mul3A_343 = arith.muli %mul3A_342, %scan3A_106 : i32
      %add3A_344 = arith.constant 6 : i32
      %add3A_345 = arith.addi %mul3A_343, %add3A_344 : i32
      %dma_wait3A_346 = arith.constant 6 : i32
      %dma_wait3A_347 = arith.constant 0 : i32
      %dma_wait3A_348 = arith.constant 0 : i32
      %dma_wait3A_349 = tpu.memref_slice %arg6[%dma_wait3A_346, %dma_wait3A_347, %dma_wait3A_348] : memref<8x100x32xf32, #tpu.memory_space<vmem>> -> memref<1x100x32xf32, #tpu.memory_space<vmem>>
      %dma_wait3A_350 = tpu.memref_squeeze %dma_wait3A_349 : memref<1x100x32xf32, #tpu.memory_space<vmem>> -> memref<100x32xf32, #tpu.memory_space<vmem>>
      %dma_wait3A_351 = arith.constant 0 : i32
      %dma_wait3A_352 = tpu.memref_slice %arg5[%add3A_345, %dma_wait3A_351] : memref<256x100xi32, #tpu.memory_space<vmem>> -> memref<1x100xi32, #tpu.memory_space<vmem>>
      %dma_wait3A_353 = tpu.memref_squeeze %dma_wait3A_352 : memref<1x100xi32, #tpu.memory_space<vmem>> -> memref<100xi32, #tpu.memory_space<vmem>>
      %dma_wait3A_354 = arith.constant 0 : i32
      %dma_wait3A_355 = arith.constant 0 : i32
      %dma_wait3A_356 = tpu.memref_slice %arg3[%dma_wait3A_354, %dma_wait3A_355] : memref<1015808x32xf32, #tpu.memory_space<hbm>> -> memref<1015808x32xf32, #tpu.memory_space<hbm>>
      tpu.wait_indirect_dma semaphore(%arg14 : memref<!tpu.dma_semaphore, #tpu.memory_space<semaphore_mem>>) src(%dma_wait3A_356 : memref<1015808x32xf32, #tpu.memory_space<hbm>>) dst(%dma_wait3A_350 : memref<100x32xf32, #tpu.memory_space<vmem>>)
      %scan3A_357 = arith.constant 0 : i32
      %scan3A_358 = arith.constant 100 : i32
      %scan3A_359 = arith.addi %scan3A_357, %scan3A_358 : i32
      %scan3A_360 = arith.constant 10 : i32
      %scan3A_361:4 = scf.for %scan3A_422 = %scan3A_357 to %scan3A_359 step %scan3A_360 iter_args(%scan3A_423 = %broadcast_in_dim3A_98, %scan3A_424 = %broadcast_in_dim3A_98, %scan3A_425 = %broadcast_in_dim3A_98, %scan3A_426 = %broadcast_in_dim3A_98) -> (vector<16xf32>, vector<16xf32>, vector<16xf32>, vector<16xf32>)  : i32 {
        %get3A = arith.constant 6 : i32
        %get3A_427 = arith.index_cast %get3A : i32 to index
        %get3A_428 = arith.index_cast %scan3A_422 : i32 to index
        %get3A_429 = arith.constant 0 : index
        %get3A_430 = tpu.vector_load %arg6[%get3A_427, %get3A_428, %get3A_429] {strides = array<i32>} : memref<8x100x32xf32, #tpu.memory_space<vmem>>, vector<1x1x16xf32>,
        %get3A_431 = vector.shape_cast %get3A_430 : vector<1x1x16xf32> to vector<16xf32>
        %get3A_432 = arith.constant 6 : i32
        %get3A_433 = arith.index_cast %get3A_432 : i32 to index
        %get3A_434 = arith.index_cast %scan3A_422 : i32 to index
        %get3A_435 = arith.constant 16 : index
        %get3A_436 = tpu.vector_load %arg6[%get3A_433, %get3A_434, %get3A_435] {strides = array<i32>} : memref<8x100x32xf32, #tpu.memory_space<vmem>>, vector<1x1x16xf32>,
        %get3A_437 = vector.shape_cast %get3A_436 : vector<1x1x16xf32> to vector<16xf32>
        %bitcast_convert_type3A = tpu.bitcast %get3A_431 : vector<16xf32> -> vector<16xi32>
        %bitcast_convert_type3A_438 = tpu.bitcast %get3A_437 : vector<16xf32> -> vector<16xi32>
        %shift_left3A = arith.constant 16 : i32
        %shift_left3A_439 = vector.broadcast %shift_left3A : i32 to vector<16xi32>
        %shift_left3A_440 = arith.shli %bitcast_convert_type3A, %shift_left3A_439 : vector<16xi32>
        %bitcast_convert_type3A_441 = tpu.bitcast %shift_left3A_440 : vector<16xi32> -> vector<16xf32>
        %add3A_442 = arith.addf %scan3A_423, %bitcast_convert_type3A_441 : vector<16xf32>
        %and3A = arith.constant -65536 : i32
        %and3A_443 = vector.broadcast %and3A : i32 to vector<16xi32>
        %and3A_444 = arith.andi %bitcast_convert_type3A, %and3A_443 : vector<16xi32>
        %bitcast_convert_type3A_445 = tpu.bitcast %and3A_444 : vector<16xi32> -> vector<16xf32>
        %add3A_446 = arith.addf %scan3A_425, %bitcast_convert_type3A_445 : vector<16xf32>
        %shift_left3A_447 = arith.constant 16 : i32
        %shift_left3A_448 = vector.broadcast %shift_left3A_447 : i32 to vector<16xi32>
        %shift_left3A_449 = arith.shli %bitcast_convert_type3A_438, %shift_left3A_448 : vector<16xi32>
        %bitcast_convert_type3A_450 = tpu.bitcast %shift_left3A_449 : vector<16xi32> -> vector<16xf32>
        %add3A_451 = arith.addf %scan3A_424, %bitcast_convert_type3A_450 : vector<16xf32>
        %and3A_452 = arith.constant -65536 : i32
        %and3A_453 = vector.broadcast %and3A_452 : i32 to vector<16xi32>
        %and3A_454 = arith.andi %bitcast_convert_type3A_438, %and3A_453 : vector<16xi32>
        %bitcast_convert_type3A_455 = tpu.bitcast %and3A_454 : vector<16xi32> -> vector<16xf32>
        %add3A_456 = arith.addf %scan3A_426, %bitcast_convert_type3A_455 : vector<16xf32>
        %scan3A_457 = arith.constant 1 : i32
        %scan3A_458 = arith.addi %scan3A_422, %scan3A_457 : i32
        %get3A_459 = arith.constant 6 : i32
        %get3A_460 = arith.index_cast %get3A_459 : i32 to index
        %get3A_461 = arith.index_cast %scan3A_458 : i32 to index
        %get3A_462 = arith.constant 0 : index
        %get3A_463 = tpu.vector_load %arg6[%get3A_460, %get3A_461, %get3A_462] {strides = array<i32>} : memref<8x100x32xf32, #tpu.memory_space<vmem>>, vector<1x1x16xf32>,
        %get3A_464 = vector.shape_cast %get3A_463 : vector<1x1x16xf32> to vector<16xf32>
        %get3A_465 = arith.constant 6 : i32
        %get3A_466 = arith.index_cast %get3A_465 : i32 to index
        %get3A_467 = arith.index_cast %scan3A_458 : i32 to index
        %get3A_468 = arith.constant 16 : index
        %get3A_469 = tpu.vector_load %arg6[%get3A_466, %get3A_467, %get3A_468] {strides = array<i32>} : memref<8x100x32xf32, #tpu.memory_space<vmem>>, vector<1x1x16xf32>,
        %get3A_470 = vector.shape_cast %get3A_469 : vector<1x1x16xf32> to vector<16xf32>
        %bitcast_convert_type3A_471 = tpu.bitcast %get3A_464 : vector<16xf32> -> vector<16xi32>
        %bitcast_convert_type3A_472 = tpu.bitcast %get3A_470 : vector<16xf32> -> vector<16xi32>
        %shift_left3A_473 = arith.constant 16 : i32
        %shift_left3A_474 = vector.broadcast %shift_left3A_473 : i32 to vector<16xi32>
        %shift_left3A_475 = arith.shli %bitcast_convert_type3A_471, %shift_left3A_474 : vector<16xi32>
        %bitcast_convert_type3A_476 = tpu.bitcast %shift_left3A_475 : vector<16xi32> -> vector<16xf32>
        %add3A_477 = arith.addf %add3A_442, %bitcast_convert_type3A_476 : vector<16xf32>
        %and3A_478 = arith.constant -65536 : i32
        %and3A_479 = vector.broadcast %and3A_478 : i32 to vector<16xi32>
        %and3A_480 = arith.andi %bitcast_convert_type3A_471, %and3A_479 : vector<16xi32>
        %bitcast_convert_type3A_481 = tpu.bitcast %and3A_480 : vector<16xi32> -> vector<16xf32>
        %add3A_482 = arith.addf %add3A_446, %bitcast_convert_type3A_481 : vector<16xf32>
        %shift_left3A_483 = arith.constant 16 : i32
        %shift_left3A_484 = vector.broadcast %shift_left3A_483 : i32 to vector<16xi32>
        %shift_left3A_485 = arith.shli %bitcast_convert_type3A_472, %shift_left3A_484 : vector<16xi32>
        %bitcast_convert_type3A_486 = tpu.bitcast %shift_left3A_485 : vector<16xi32> -> vector<16xf32>
        %add3A_487 = arith.addf %add3A_451, %bitcast_convert_type3A_486 : vector<16xf32>
        %and3A_488 = arith.constant -65536 : i32
        %and3A_489 = vector.broadcast %and3A_488 : i32 to vector<16xi32>
        %and3A_490 = arith.andi %bitcast_convert_type3A_472, %and3A_489 : vector<16xi32>
        %bitcast_convert_type3A_491 = tpu.bitcast %and3A_490 : vector<16xi32> -> vector<16xf32>
        %add3A_492 = arith.addf %add3A_456, %bitcast_convert_type3A_491 : vector<16xf32>
        %scan3A_493 = arith.constant 2 : i32
        %scan3A_494 = arith.addi %scan3A_422, %scan3A_493 : i32
        %get3A_495 = arith.constant 6 : i32
        %get3A_496 = arith.index_cast %get3A_495 : i32 to index
        %get3A_497 = arith.index_cast %scan3A_494 : i32 to index
        %get3A_498 = arith.constant 0 : index
        %get3A_499 = tpu.vector_load %arg6[%get3A_496, %get3A_497, %get3A_498] {strides = array<i32>} : memref<8x100x32xf32, #tpu.memory_space<vmem>>, vector<1x1x16xf32>,
        %get3A_500 = vector.shape_cast %get3A_499 : vector<1x1x16xf32> to vector<16xf32>
        %get3A_501 = arith.constant 6 : i32
        %get3A_502 = arith.index_cast %get3A_501 : i32 to index
        %get3A_503 = arith.index_cast %scan3A_494 : i32 to index
        %get3A_504 = arith.constant 16 : index
        %get3A_505 = tpu.vector_load %arg6[%get3A_502, %get3A_503, %get3A_504] {strides = array<i32>} : memref<8x100x32xf32, #tpu.memory_space<vmem>>, vector<1x1x16xf32>,
        %get3A_506 = vector.shape_cast %get3A_505 : vector<1x1x16xf32> to vector<16xf32>
        %bitcast_convert_type3A_507 = tpu.bitcast %get3A_500 : vector<16xf32> -> vector<16xi32>
        %bitcast_convert_type3A_508 = tpu.bitcast %get3A_506 : vector<16xf32> -> vector<16xi32>
        %shift_left3A_509 = arith.constant 16 : i32
        %shift_left3A_510 = vector.broadcast %shift_left3A_509 : i32 to vector<16xi32>
        %shift_left3A_511 = arith.shli %bitcast_convert_type3A_507, %shift_left3A_510 : vector<16xi32>
        %bitcast_convert_type3A_512 = tpu.bitcast %shift_left3A_511 : vector<16xi32> -> vector<16xf32>
        %add3A_513 = arith.addf %add3A_477, %bitcast_convert_type3A_512 : vector<16xf32>
        %and3A_514 = arith.constant -65536 : i32
        %and3A_515 = vector.broadcast %and3A_514 : i32 to vector<16xi32>
        %and3A_516 = arith.andi %bitcast_convert_type3A_507, %and3A_515 : vector<16xi32>
        %bitcast_convert_type3A_517 = tpu.bitcast %and3A_516 : vector<16xi32> -> vector<16xf32>
        %add3A_518 = arith.addf %add3A_482, %bitcast_convert_type3A_517 : vector<16xf32>
        %shift_left3A_519 = arith.constant 16 : i32
        %shift_left3A_520 = vector.broadcast %shift_left3A_519 : i32 to vector<16xi32>
        %shift_left3A_521 = arith.shli %bitcast_convert_type3A_508, %shift_left3A_520 : vector<16xi32>
        %bitcast_convert_type3A_522 = tpu.bitcast %shift_left3A_521 : vector<16xi32> -> vector<16xf32>
        %add3A_523 = arith.addf %add3A_487, %bitcast_convert_type3A_522 : vector<16xf32>
        %and3A_524 = arith.constant -65536 : i32
        %and3A_525 = vector.broadcast %and3A_524 : i32 to vector<16xi32>
        %and3A_526 = arith.andi %bitcast_convert_type3A_508, %and3A_525 : vector<16xi32>
        %bitcast_convert_type3A_527 = tpu.bitcast %and3A_526 : vector<16xi32> -> vector<16xf32>
        %add3A_528 = arith.addf %add3A_492, %bitcast_convert_type3A_527 : vector<16xf32>
        %scan3A_529 = arith.constant 3 : i32
        %scan3A_530 = arith.addi %scan3A_422, %scan3A_529 : i32
        %get3A_531 = arith.constant 6 : i32
        %get3A_532 = arith.index_cast %get3A_531 : i32 to index
        %get3A_533 = arith.index_cast %scan3A_530 : i32 to index
        %get3A_534 = arith.constant 0 : index
        %get3A_535 = tpu.vector_load %arg6[%get3A_532, %get3A_533, %get3A_534] {strides = array<i32>} : memref<8x100x32xf32, #tpu.memory_space<vmem>>, vector<1x1x16xf32>,
        %get3A_536 = vector.shape_cast %get3A_535 : vector<1x1x16xf32> to vector<16xf32>
        %get3A_537 = arith.constant 6 : i32
        %get3A_538 = arith.index_cast %get3A_537 : i32 to index
        %get3A_539 = arith.index_cast %scan3A_530 : i32 to index
        %get3A_540 = arith.constant 16 : index
        %get3A_541 = tpu.vector_load %arg6[%get3A_538, %get3A_539, %get3A_540] {strides = array<i32>} : memref<8x100x32xf32, #tpu.memory_space<vmem>>, vector<1x1x16xf32>,
        %get3A_542 = vector.shape_cast %get3A_541 : vector<1x1x16xf32> to vector<16xf32>
        %bitcast_convert_type3A_543 = tpu.bitcast %get3A_536 : vector<16xf32> -> vector<16xi32>
        %bitcast_convert_type3A_544 = tpu.bitcast %get3A_542 : vector<16xf32> -> vector<16xi32>
        %shift_left3A_545 = arith.constant 16 : i32
        %shift_left3A_546 = vector.broadcast %shift_left3A_545 : i32 to vector<16xi32>
        %shift_left3A_547 = arith.shli %bitcast_convert_type3A_543, %shift_left3A_546 : vector<16xi32>
        %bitcast_convert_type3A_548 = tpu.bitcast %shift_left3A_547 : vector<16xi32> -> vector<16xf32>
        %add3A_549 = arith.addf %add3A_513, %bitcast_convert_type3A_548 : vector<16xf32>
        %and3A_550 = arith.constant -65536 : i32
        %and3A_551 = vector.broadcast %and3A_550 : i32 to vector<16xi32>
        %and3A_552 = arith.andi %bitcast_convert_type3A_543, %and3A_551 : vector<16xi32>
        %bitcast_convert_type3A_553 = tpu.bitcast %and3A_552 : vector<16xi32> -> vector<16xf32>
        %add3A_554 = arith.addf %add3A_518, %bitcast_convert_type3A_553 : vector<16xf32>
        %shift_left3A_555 = arith.constant 16 : i32
        %shift_left3A_556 = vector.broadcast %shift_left3A_555 : i32 to vector<16xi32>
        %shift_left3A_557 = arith.shli %bitcast_convert_type3A_544, %shift_left3A_556 : vector<16xi32>
        %bitcast_convert_type3A_558 = tpu.bitcast %shift_left3A_557 : vector<16xi32> -> vector<16xf32>
        %add3A_559 = arith.addf %add3A_523, %bitcast_convert_type3A_558 : vector<16xf32>
        %and3A_560 = arith.constant -65536 : i32
        %and3A_561 = vector.broadcast %and3A_560 : i32 to vector<16xi32>
        %and3A_562 = arith.andi %bitcast_convert_type3A_544, %and3A_561 : vector<16xi32>
        %bitcast_convert_type3A_563 = tpu.bitcast %and3A_562 : vector<16xi32> -> vector<16xf32>
        %add3A_564 = arith.addf %add3A_528, %bitcast_convert_type3A_563 : vector<16xf32>
        %scan3A_565 = arith.constant 4 : i32
        %scan3A_566 = arith.addi %scan3A_422, %scan3A_565 : i32
        %get3A_567 = arith.constant 6 : i32
        %get3A_568 = arith.index_cast %get3A_567 : i32 to index
        %get3A_569 = arith.index_cast %scan3A_566 : i32 to index
        %get3A_570 = arith.constant 0 : index
        %get3A_571 = tpu.vector_load %arg6[%get3A_568, %get3A_569, %get3A_570] {strides = array<i32>} : memref<8x100x32xf32, #tpu.memory_space<vmem>>, vector<1x1x16xf32>,
        %get3A_572 = vector.shape_cast %get3A_571 : vector<1x1x16xf32> to vector<16xf32>
        %get3A_573 = arith.constant 6 : i32
        %get3A_574 = arith.index_cast %get3A_573 : i32 to index
        %get3A_575 = arith.index_cast %scan3A_566 : i32 to index
        %get3A_576 = arith.constant 16 : index
        %get3A_577 = tpu.vector_load %arg6[%get3A_574, %get3A_575, %get3A_576] {strides = array<i32>} : memref<8x100x32xf32, #tpu.memory_space<vmem>>, vector<1x1x16xf32>,
        %get3A_578 = vector.shape_cast %get3A_577 : vector<1x1x16xf32> to vector<16xf32>
        %bitcast_convert_type3A_579 = tpu.bitcast %get3A_572 : vector<16xf32> -> vector<16xi32>
        %bitcast_convert_type3A_580 = tpu.bitcast %get3A_578 : vector<16xf32> -> vector<16xi32>
        %shift_left3A_581 = arith.constant 16 : i32
        %shift_left3A_582 = vector.broadcast %shift_left3A_581 : i32 to vector<16xi32>
        %shift_left3A_583 = arith.shli %bitcast_convert_type3A_579, %shift_left3A_582 : vector<16xi32>
        %bitcast_convert_type3A_584 = tpu.bitcast %shift_left3A_583 : vector<16xi32> -> vector<16xf32>
        %add3A_585 = arith.addf %add3A_549, %bitcast_convert_type3A_584 : vector<16xf32>
        %and3A_586 = arith.constant -65536 : i32
        %and3A_587 = vector.broadcast %and3A_586 : i32 to vector<16xi32>
        %and3A_588 = arith.andi %bitcast_convert_type3A_579, %and3A_587 : vector<16xi32>
        %bitcast_convert_type3A_589 = tpu.bitcast %and3A_588 : vector<16xi32> -> vector<16xf32>
        %add3A_590 = arith.addf %add3A_554, %bitcast_convert_type3A_589 : vector<16xf32>
        %shift_left3A_591 = arith.constant 16 : i32
        %shift_left3A_592 = vector.broadcast %shift_left3A_591 : i32 to vector<16xi32>
        %shift_left3A_593 = arith.shli %bitcast_convert_type3A_580, %shift_left3A_592 : vector<16xi32>
        %bitcast_convert_type3A_594 = tpu.bitcast %shift_left3A_593 : vector<16xi32> -> vector<16xf32>
        %add3A_595 = arith.addf %add3A_559, %bitcast_convert_type3A_594 : vector<16xf32>
        %and3A_596 = arith.constant -65536 : i32
        %and3A_597 = vector.broadcast %and3A_596 : i32 to vector<16xi32>
        %and3A_598 = arith.andi %bitcast_convert_type3A_580, %and3A_597 : vector<16xi32>
        %bitcast_convert_type3A_599 = tpu.bitcast %and3A_598 : vector<16xi32> -> vector<16xf32>
        %add3A_600 = arith.addf %add3A_564, %bitcast_convert_type3A_599 : vector<16xf32>
        %scan3A_601 = arith.constant 5 : i32
        %scan3A_602 = arith.addi %scan3A_422, %scan3A_601 : i32
        %get3A_603 = arith.constant 6 : i32
        %get3A_604 = arith.index_cast %get3A_603 : i32 to index
        %get3A_605 = arith.index_cast %scan3A_602 : i32 to index
        %get3A_606 = arith.constant 0 : index
        %get3A_607 = tpu.vector_load %arg6[%get3A_604, %get3A_605, %get3A_606] {strides = array<i32>} : memref<8x100x32xf32, #tpu.memory_space<vmem>>, vector<1x1x16xf32>,
        %get3A_608 = vector.shape_cast %get3A_607 : vector<1x1x16xf32> to vector<16xf32>
        %get3A_609 = arith.constant 6 : i32
        %get3A_610 = arith.index_cast %get3A_609 : i32 to index
        %get3A_611 = arith.index_cast %scan3A_602 : i32 to index
        %get3A_612 = arith.constant 16 : index
        %get3A_613 = tpu.vector_load %arg6[%get3A_610, %get3A_611, %get3A_612] {strides = array<i32>} : memref<8x100x32xf32, #tpu.memory_space<vmem>>, vector<1x1x16xf32>,
        %get3A_614 = vector.shape_cast %get3A_613 : vector<1x1x16xf32> to vector<16xf32>
        %bitcast_convert_type3A_615 = tpu.bitcast %get3A_608 : vector<16xf32> -> vector<16xi32>
        %bitcast_convert_type3A_616 = tpu.bitcast %get3A_614 : vector<16xf32> -> vector<16xi32>
        %shift_left3A_617 = arith.constant 16 : i32
        %shift_left3A_618 = vector.broadcast %shift_left3A_617 : i32 to vector<16xi32>
        %shift_left3A_619 = arith.shli %bitcast_convert_type3A_615, %shift_left3A_618 : vector<16xi32>
        %bitcast_convert_type3A_620 = tpu.bitcast %shift_left3A_619 : vector<16xi32> -> vector<16xf32>
        %add3A_621 = arith.addf %add3A_585, %bitcast_convert_type3A_620 : vector<16xf32>
        %and3A_622 = arith.constant -65536 : i32
        %and3A_623 = vector.broadcast %and3A_622 : i32 to vector<16xi32>
        %and3A_624 = arith.andi %bitcast_convert_type3A_615, %and3A_623 : vector<16xi32>
        %bitcast_convert_type3A_625 = tpu.bitcast %and3A_624 : vector<16xi32> -> vector<16xf32>
        %add3A_626 = arith.addf %add3A_590, %bitcast_convert_type3A_625 : vector<16xf32>
        %shift_left3A_627 = arith.constant 16 : i32
        %shift_left3A_628 = vector.broadcast %shift_left3A_627 : i32 to vector<16xi32>
        %shift_left3A_629 = arith.shli %bitcast_convert_type3A_616, %shift_left3A_628 : vector<16xi32>
        %bitcast_convert_type3A_630 = tpu.bitcast %shift_left3A_629 : vector<16xi32> -> vector<16xf32>
        %add3A_631 = arith.addf %add3A_595, %bitcast_convert_type3A_630 : vector<16xf32>
        %and3A_632 = arith.constant -65536 : i32
        %and3A_633 = vector.broadcast %and3A_632 : i32 to vector<16xi32>
        %and3A_634 = arith.andi %bitcast_convert_type3A_616, %and3A_633 : vector<16xi32>
        %bitcast_convert_type3A_635 = tpu.bitcast %and3A_634 : vector<16xi32> -> vector<16xf32>
        %add3A_636 = arith.addf %add3A_600, %bitcast_convert_type3A_635 : vector<16xf32>
        %scan3A_637 = arith.constant 6 : i32
        %scan3A_638 = arith.addi %scan3A_422, %scan3A_637 : i32
        %get3A_639 = arith.constant 6 : i32
        %get3A_640 = arith.index_cast %get3A_639 : i32 to index
        %get3A_641 = arith.index_cast %scan3A_638 : i32 to index
        %get3A_642 = arith.constant 0 : index
        %get3A_643 = tpu.vector_load %arg6[%get3A_640, %get3A_641, %get3A_642] {strides = array<i32>} : memref<8x100x32xf32, #tpu.memory_space<vmem>>, vector<1x1x16xf32>,
        %get3A_644 = vector.shape_cast %get3A_643 : vector<1x1x16xf32> to vector<16xf32>
        %get3A_645 = arith.constant 6 : i32
        %get3A_646 = arith.index_cast %get3A_645 : i32 to index
        %get3A_647 = arith.index_cast %scan3A_638 : i32 to index
        %get3A_648 = arith.constant 16 : index
        %get3A_649 = tpu.vector_load %arg6[%get3A_646, %get3A_647, %get3A_648] {strides = array<i32>} : memref<8x100x32xf32, #tpu.memory_space<vmem>>, vector<1x1x16xf32>,
        %get3A_650 = vector.shape_cast %get3A_649 : vector<1x1x16xf32> to vector<16xf32>
        %bitcast_convert_type3A_651 = tpu.bitcast %get3A_644 : vector<16xf32> -> vector<16xi32>
        %bitcast_convert_type3A_652 = tpu.bitcast %get3A_650 : vector<16xf32> -> vector<16xi32>
        %shift_left3A_653 = arith.constant 16 : i32
        %shift_left3A_654 = vector.broadcast %shift_left3A_653 : i32 to vector<16xi32>
        %shift_left3A_655 = arith.shli %bitcast_convert_type3A_651, %shift_left3A_654 : vector<16xi32>
        %bitcast_convert_type3A_656 = tpu.bitcast %shift_left3A_655 : vector<16xi32> -> vector<16xf32>
        %add3A_657 = arith.addf %add3A_621, %bitcast_convert_type3A_656 : vector<16xf32>
        %and3A_658 = arith.constant -65536 : i32
        %and3A_659 = vector.broadcast %and3A_658 : i32 to vector<16xi32>
        %and3A_660 = arith.andi %bitcast_convert_type3A_651, %and3A_659 : vector<16xi32>
        %bitcast_convert_type3A_661 = tpu.bitcast %and3A_660 : vector<16xi32> -> vector<16xf32>
        %add3A_662 = arith.addf %add3A_626, %bitcast_convert_type3A_661 : vector<16xf32>
        %shift_left3A_663 = arith.constant 16 : i32
        %shift_left3A_664 = vector.broadcast %shift_left3A_663 : i32 to vector<16xi32>
        %shift_left3A_665 = arith.shli %bitcast_convert_type3A_652, %shift_left3A_664 : vector<16xi32>
        %bitcast_convert_type3A_666 = tpu.bitcast %shift_left3A_665 : vector<16xi32> -> vector<16xf32>
        %add3A_667 = arith.addf %add3A_631, %bitcast_convert_type3A_666 : vector<16xf32>
        %and3A_668 = arith.constant -65536 : i32
        %and3A_669 = vector.broadcast %and3A_668 : i32 to vector<16xi32>
        %and3A_670 = arith.andi %bitcast_convert_type3A_652, %and3A_669 : vector<16xi32>
        %bitcast_convert_type3A_671 = tpu.bitcast %and3A_670 : vector<16xi32> -> vector<16xf32>
        %add3A_672 = arith.addf %add3A_636, %bitcast_convert_type3A_671 : vector<16xf32>
        %scan3A_673 = arith.constant 7 : i32
        %scan3A_674 = arith.addi %scan3A_422, %scan3A_673 : i32
        %get3A_675 = arith.constant 6 : i32
        %get3A_676 = arith.index_cast %get3A_675 : i32 to index
        %get3A_677 = arith.index_cast %scan3A_674 : i32 to index
        %get3A_678 = arith.constant 0 : index
        %get3A_679 = tpu.vector_load %arg6[%get3A_676, %get3A_677, %get3A_678] {strides = array<i32>} : memref<8x100x32xf32, #tpu.memory_space<vmem>>, vector<1x1x16xf32>,
        %get3A_680 = vector.shape_cast %get3A_679 : vector<1x1x16xf32> to vector<16xf32>
        %get3A_681 = arith.constant 6 : i32
        %get3A_682 = arith.index_cast %get3A_681 : i32 to index
        %get3A_683 = arith.index_cast %scan3A_674 : i32 to index
        %get3A_684 = arith.constant 16 : index
        %get3A_685 = tpu.vector_load %arg6[%get3A_682, %get3A_683, %get3A_684] {strides = array<i32>} : memref<8x100x32xf32, #tpu.memory_space<vmem>>, vector<1x1x16xf32>,
        %get3A_686 = vector.shape_cast %get3A_685 : vector<1x1x16xf32> to vector<16xf32>
        %bitcast_convert_type3A_687 = tpu.bitcast %get3A_680 : vector<16xf32> -> vector<16xi32>
        %bitcast_convert_type3A_688 = tpu.bitcast %get3A_686 : vector<16xf32> -> vector<16xi32>
        %shift_left3A_689 = arith.constant 16 : i32
        %shift_left3A_690 = vector.broadcast %shift_left3A_689 : i32 to vector<16xi32>
        %shift_left3A_691 = arith.shli %bitcast_convert_type3A_687, %shift_left3A_690 : vector<16xi32>
        %bitcast_convert_type3A_692 = tpu.bitcast %shift_left3A_691 : vector<16xi32> -> vector<16xf32>
        %add3A_693 = arith.addf %add3A_657, %bitcast_convert_type3A_692 : vector<16xf32>
        %and3A_694 = arith.constant -65536 : i32
        %and3A_695 = vector.broadcast %and3A_694 : i32 to vector<16xi32>
        %and3A_696 = arith.andi %bitcast_convert_type3A_687, %and3A_695 : vector<16xi32>
        %bitcast_convert_type3A_697 = tpu.bitcast %and3A_696 : vector<16xi32> -> vector<16xf32>
        %add3A_698 = arith.addf %add3A_662, %bitcast_convert_type3A_697 : vector<16xf32>
        %shift_left3A_699 = arith.constant 16 : i32
        %shift_left3A_700 = vector.broadcast %shift_left3A_699 : i32 to vector<16xi32>
        %shift_left3A_701 = arith.shli %bitcast_convert_type3A_688, %shift_left3A_700 : vector<16xi32>
        %bitcast_convert_type3A_702 = tpu.bitcast %shift_left3A_701 : vector<16xi32> -> vector<16xf32>
        %add3A_703 = arith.addf %add3A_667, %bitcast_convert_type3A_702 : vector<16xf32>
        %and3A_704 = arith.constant -65536 : i32
        %and3A_705 = vector.broadcast %and3A_704 : i32 to vector<16xi32>
        %and3A_706 = arith.andi %bitcast_convert_type3A_688, %and3A_705 : vector<16xi32>
        %bitcast_convert_type3A_707 = tpu.bitcast %and3A_706 : vector<16xi32> -> vector<16xf32>
        %add3A_708 = arith.addf %add3A_672, %bitcast_convert_type3A_707 : vector<16xf32>
        %scan3A_709 = arith.constant 8 : i32
        %scan3A_710 = arith.addi %scan3A_422, %scan3A_709 : i32
        %get3A_711 = arith.constant 6 : i32
        %get3A_712 = arith.index_cast %get3A_711 : i32 to index
        %get3A_713 = arith.index_cast %scan3A_710 : i32 to index
        %get3A_714 = arith.constant 0 : index
        %get3A_715 = tpu.vector_load %arg6[%get3A_712, %get3A_713, %get3A_714] {strides = array<i32>} : memref<8x100x32xf32, #tpu.memory_space<vmem>>, vector<1x1x16xf32>,
        %get3A_716 = vector.shape_cast %get3A_715 : vector<1x1x16xf32> to vector<16xf32>
        %get3A_717 = arith.constant 6 : i32
        %get3A_718 = arith.index_cast %get3A_717 : i32 to index
        %get3A_719 = arith.index_cast %scan3A_710 : i32 to index
        %get3A_720 = arith.constant 16 : index
        %get3A_721 = tpu.vector_load %arg6[%get3A_718, %get3A_719, %get3A_720] {strides = array<i32>} : memref<8x100x32xf32, #tpu.memory_space<vmem>>, vector<1x1x16xf32>,
        %get3A_722 = vector.shape_cast %get3A_721 : vector<1x1x16xf32> to vector<16xf32>
        %bitcast_convert_type3A_723 = tpu.bitcast %get3A_716 : vector<16xf32> -> vector<16xi32>
        %bitcast_convert_type3A_724 = tpu.bitcast %get3A_722 : vector<16xf32> -> vector<16xi32>
        %shift_left3A_725 = arith.constant 16 : i32
        %shift_left3A_726 = vector.broadcast %shift_left3A_725 : i32 to vector<16xi32>
        %shift_left3A_727 = arith.shli %bitcast_convert_type3A_723, %shift_left3A_726 : vector<16xi32>
        %bitcast_convert_type3A_728 = tpu.bitcast %shift_left3A_727 : vector<16xi32> -> vector<16xf32>
        %add3A_729 = arith.addf %add3A_693, %bitcast_convert_type3A_728 : vector<16xf32>
        %and3A_730 = arith.constant -65536 : i32
        %and3A_731 = vector.broadcast %and3A_730 : i32 to vector<16xi32>
        %and3A_732 = arith.andi %bitcast_convert_type3A_723, %and3A_731 : vector<16xi32>
        %bitcast_convert_type3A_733 = tpu.bitcast %and3A_732 : vector<16xi32> -> vector<16xf32>
        %add3A_734 = arith.addf %add3A_698, %bitcast_convert_type3A_733 : vector<16xf32>
        %shift_left3A_735 = arith.constant 16 : i32
        %shift_left3A_736 = vector.broadcast %shift_left3A_735 : i32 to vector<16xi32>
        %shift_left3A_737 = arith.shli %bitcast_convert_type3A_724, %shift_left3A_736 : vector<16xi32>
        %bitcast_convert_type3A_738 = tpu.bitcast %shift_left3A_737 : vector<16xi32> -> vector<16xf32>
        %add3A_739 = arith.addf %add3A_703, %bitcast_convert_type3A_738 : vector<16xf32>
        %and3A_740 = arith.constant -65536 : i32
        %and3A_741 = vector.broadcast %and3A_740 : i32 to vector<16xi32>
        %and3A_742 = arith.andi %bitcast_convert_type3A_724, %and3A_741 : vector<16xi32>
        %bitcast_convert_type3A_743 = tpu.bitcast %and3A_742 : vector<16xi32> -> vector<16xf32>
        %add3A_744 = arith.addf %add3A_708, %bitcast_convert_type3A_743 : vector<16xf32>
        %scan3A_745 = arith.constant 9 : i32
        %scan3A_746 = arith.addi %scan3A_422, %scan3A_745 : i32
        %get3A_747 = arith.constant 6 : i32
        %get3A_748 = arith.index_cast %get3A_747 : i32 to index
        %get3A_749 = arith.index_cast %scan3A_746 : i32 to index
        %get3A_750 = arith.constant 0 : index
        %get3A_751 = tpu.vector_load %arg6[%get3A_748, %get3A_749, %get3A_750] {strides = array<i32>} : memref<8x100x32xf32, #tpu.memory_space<vmem>>, vector<1x1x16xf32>,
        %get3A_752 = vector.shape_cast %get3A_751 : vector<1x1x16xf32> to vector<16xf32>
        %get3A_753 = arith.constant 6 : i32
        %get3A_754 = arith.index_cast %get3A_753 : i32 to index
        %get3A_755 = arith.index_cast %scan3A_746 : i32 to index
        %get3A_756 = arith.constant 16 : index
        %get3A_757 = tpu.vector_load %arg6[%get3A_754, %get3A_755, %get3A_756] {strides = array<i32>} : memref<8x100x32xf32, #tpu.memory_space<vmem>>, vector<1x1x16xf32>,
        %get3A_758 = vector.shape_cast %get3A_757 : vector<1x1x16xf32> to vector<16xf32>
        %bitcast_convert_type3A_759 = tpu.bitcast %get3A_752 : vector<16xf32> -> vector<16xi32>
        %bitcast_convert_type3A_760 = tpu.bitcast %get3A_758 : vector<16xf32> -> vector<16xi32>
        %shift_left3A_761 = arith.constant 16 : i32
        %shift_left3A_762 = vector.broadcast %shift_left3A_761 : i32 to vector<16xi32>
        %shift_left3A_763 = arith.shli %bitcast_convert_type3A_759, %shift_left3A_762 : vector<16xi32>
        %bitcast_convert_type3A_764 = tpu.bitcast %shift_left3A_763 : vector<16xi32> -> vector<16xf32>
        %add3A_765 = arith.addf %add3A_729, %bitcast_convert_type3A_764 : vector<16xf32>
        %and3A_766 = arith.constant -65536 : i32
        %and3A_767 = vector.broadcast %and3A_766 : i32 to vector<16xi32>
        %and3A_768 = arith.andi %bitcast_convert_type3A_759, %and3A_767 : vector<16xi32>
        %bitcast_convert_type3A_769 = tpu.bitcast %and3A_768 : vector<16xi32> -> vector<16xf32>
        %add3A_770 = arith.addf %add3A_734, %bitcast_convert_type3A_769 : vector<16xf32>
        %shift_left3A_771 = arith.constant 16 : i32
        %shift_left3A_772 = vector.broadcast %shift_left3A_771 : i32 to vector<16xi32>
        %shift_left3A_773 = arith.shli %bitcast_convert_type3A_760, %shift_left3A_772 : vector<16xi32>
        %bitcast_convert_type3A_774 = tpu.bitcast %shift_left3A_773 : vector<16xi32> -> vector<16xf32>
        %add3A_775 = arith.addf %add3A_739, %bitcast_convert_type3A_774 : vector<16xf32>
        %and3A_776 = arith.constant -65536 : i32
        %and3A_777 = vector.broadcast %and3A_776 : i32 to vector<16xi32>
        %and3A_778 = arith.andi %bitcast_convert_type3A_760, %and3A_777 : vector<16xi32>
        %bitcast_convert_type3A_779 = tpu.bitcast %and3A_778 : vector<16xi32> -> vector<16xf32>
        %add3A_780 = arith.addf %add3A_744, %bitcast_convert_type3A_779 : vector<16xf32>
        scf.yield %add3A_765, %add3A_775, %add3A_770, %add3A_780 : vector<16xf32>, vector<16xf32>, vector<16xf32>, vector<16xf32>
      }
      %scan3A_362 = arith.constant 100 : i32
      %add3A_363 = arith.constant 8 : i32
      %add3A_364 = arith.addi %add3A_345, %add3A_363 : i32
      %lt3A_365 = arith.constant 256 : i32
      %lt3A_366 = arith.cmpi slt, %add3A_364, %lt3A_365 : i32
      %convert_element_type3A_367 = arith.extui %lt3A_366 : i1 to i32
      %cond3A_368 = arith.constant 0 : i32
      %cond3A_369 = arith.cmpi ne, %convert_element_type3A_367, %cond3A_368 : i32
      scf.if %cond3A_369 {
        %dma_start3A_422 = arith.constant 6 : i32
        %dma_start3A_423 = arith.constant 0 : i32
        %dma_start3A_424 = arith.constant 0 : i32
        %dma_start3A_425 = tpu.memref_slice %arg6[%dma_start3A_422, %dma_start3A_423, %dma_start3A_424] : memref<8x100x32xf32, #tpu.memory_space<vmem>> -> memref<1x100x32xf32, #tpu.memory_space<vmem>>
        %dma_start3A_426 = tpu.memref_squeeze %dma_start3A_425 : memref<1x100x32xf32, #tpu.memory_space<vmem>> -> memref<100x32xf32, #tpu.memory_space<vmem>>
        %dma_start3A_427 = arith.constant 0 : i32
        %dma_start3A_428 = tpu.memref_slice %arg5[%add3A_364, %dma_start3A_427] : memref<256x100xi32, #tpu.memory_space<vmem>> -> memref<1x100xi32, #tpu.memory_space<vmem>>
        %dma_start3A_429 = tpu.memref_squeeze %dma_start3A_428 : memref<1x100xi32, #tpu.memory_space<vmem>> -> memref<100xi32, #tpu.memory_space<vmem>>
        %dma_start3A_430 = arith.constant 0 : i32
        %dma_start3A_431 = arith.constant 0 : i32
        %dma_start3A_432 = tpu.memref_slice %arg3[%dma_start3A_430, %dma_start3A_431] : memref<1015808x32xf32, #tpu.memory_space<hbm>> -> memref<1015808x32xf32, #tpu.memory_space<hbm>>
        tpu.enqueue_indirect_dma source(%dma_start3A_432 : memref<1015808x32xf32, #tpu.memory_space<hbm>>) target(%dma_start3A_426 : memref<100x32xf32, #tpu.memory_space<vmem>>) offsets(%dma_start3A_429 : memref<100xi32, #tpu.memory_space<vmem>>) semaphore(%arg14 : memref<!tpu.dma_semaphore, #tpu.memory_space<semaphore_mem>>)
      } else {
      }
      %mul3A_370 = arith.constant 8 : i32
      %mul3A_371 = arith.muli %mul3A_370, %scan3A_106 : i32
      %add3A_372 = arith.constant 7 : i32
      %add3A_373 = arith.addi %mul3A_371, %add3A_372 : i32
      %dma_wait3A_374 = arith.constant 7 : i32
      %dma_wait3A_375 = arith.constant 0 : i32
      %dma_wait3A_376 = arith.constant 0 : i32
      %dma_wait3A_377 = tpu.memref_slice %arg6[%dma_wait3A_374, %dma_wait3A_375, %dma_wait3A_376] : memref<8x100x32xf32, #tpu.memory_space<vmem>> -> memref<1x100x32xf32, #tpu.memory_space<vmem>>
      %dma_wait3A_378 = tpu.memref_squeeze %dma_wait3A_377 : memref<1x100x32xf32, #tpu.memory_space<vmem>> -> memref<100x32xf32, #tpu.memory_space<vmem>>
      %dma_wait3A_379 = arith.constant 0 : i32
      %dma_wait3A_380 = tpu.memref_slice %arg5[%add3A_373, %dma_wait3A_379] : memref<256x100xi32, #tpu.memory_space<vmem>> -> memref<1x100xi32, #tpu.memory_space<vmem>>
      %dma_wait3A_381 = tpu.memref_squeeze %dma_wait3A_380 : memref<1x100xi32, #tpu.memory_space<vmem>> -> memref<100xi32, #tpu.memory_space<vmem>>
      %dma_wait3A_382 = arith.constant 0 : i32
      %dma_wait3A_383 = arith.constant 0 : i32
      %dma_wait3A_384 = tpu.memref_slice %arg3[%dma_wait3A_382, %dma_wait3A_383] : memref<1015808x32xf32, #tpu.memory_space<hbm>> -> memref<1015808x32xf32, #tpu.memory_space<hbm>>
      tpu.wait_indirect_dma semaphore(%arg15 : memref<!tpu.dma_semaphore, #tpu.memory_space<semaphore_mem>>) src(%dma_wait3A_384 : memref<1015808x32xf32, #tpu.memory_space<hbm>>) dst(%dma_wait3A_378 : memref<100x32xf32, #tpu.memory_space<vmem>>)
      %scan3A_385 = arith.constant 0 : i32
      %scan3A_386 = arith.constant 100 : i32
      %scan3A_387 = arith.addi %scan3A_385, %scan3A_386 : i32
      %scan3A_388 = arith.constant 10 : i32
      %scan3A_389:4 = scf.for %scan3A_422 = %scan3A_385 to %scan3A_387 step %scan3A_388 iter_args(%scan3A_423 = %scan3A_361#0, %scan3A_424 = %scan3A_361#1, %scan3A_425 = %scan3A_361#2, %scan3A_426 = %scan3A_361#3) -> (vector<16xf32>, vector<16xf32>, vector<16xf32>, vector<16xf32>)  : i32 {
        %get3A = arith.constant 7 : i32
        %get3A_427 = arith.index_cast %get3A : i32 to index
        %get3A_428 = arith.index_cast %scan3A_422 : i32 to index
        %get3A_429 = arith.constant 0 : index
        %get3A_430 = tpu.vector_load %arg6[%get3A_427, %get3A_428, %get3A_429] {strides = array<i32>} : memref<8x100x32xf32, #tpu.memory_space<vmem>>, vector<1x1x16xf32>,
        %get3A_431 = vector.shape_cast %get3A_430 : vector<1x1x16xf32> to vector<16xf32>
        %get3A_432 = arith.constant 7 : i32
        %get3A_433 = arith.index_cast %get3A_432 : i32 to index
        %get3A_434 = arith.index_cast %scan3A_422 : i32 to index
        %get3A_435 = arith.constant 16 : index
        %get3A_436 = tpu.vector_load %arg6[%get3A_433, %get3A_434, %get3A_435] {strides = array<i32>} : memref<8x100x32xf32, #tpu.memory_space<vmem>>, vector<1x1x16xf32>,
        %get3A_437 = vector.shape_cast %get3A_436 : vector<1x1x16xf32> to vector<16xf32>
        %bitcast_convert_type3A = tpu.bitcast %get3A_431 : vector<16xf32> -> vector<16xi32>
        %bitcast_convert_type3A_438 = tpu.bitcast %get3A_437 : vector<16xf32> -> vector<16xi32>
        %shift_left3A = arith.constant 16 : i32
        %shift_left3A_439 = vector.broadcast %shift_left3A : i32 to vector<16xi32>
        %shift_left3A_440 = arith.shli %bitcast_convert_type3A, %shift_left3A_439 : vector<16xi32>
        %bitcast_convert_type3A_441 = tpu.bitcast %shift_left3A_440 : vector<16xi32> -> vector<16xf32>
        %add3A_442 = arith.addf %scan3A_423, %bitcast_convert_type3A_441 : vector<16xf32>
        %and3A = arith.constant -65536 : i32
        %and3A_443 = vector.broadcast %and3A : i32 to vector<16xi32>
        %and3A_444 = arith.andi %bitcast_convert_type3A, %and3A_443 : vector<16xi32>
        %bitcast_convert_type3A_445 = tpu.bitcast %and3A_444 : vector<16xi32> -> vector<16xf32>
        %add3A_446 = arith.addf %scan3A_425, %bitcast_convert_type3A_445 : vector<16xf32>
        %shift_left3A_447 = arith.constant 16 : i32
        %shift_left3A_448 = vector.broadcast %shift_left3A_447 : i32 to vector<16xi32>
        %shift_left3A_449 = arith.shli %bitcast_convert_type3A_438, %shift_left3A_448 : vector<16xi32>
        %bitcast_convert_type3A_450 = tpu.bitcast %shift_left3A_449 : vector<16xi32> -> vector<16xf32>
        %add3A_451 = arith.addf %scan3A_424, %bitcast_convert_type3A_450 : vector<16xf32>
        %and3A_452 = arith.constant -65536 : i32
        %and3A_453 = vector.broadcast %and3A_452 : i32 to vector<16xi32>
        %and3A_454 = arith.andi %bitcast_convert_type3A_438, %and3A_453 : vector<16xi32>
        %bitcast_convert_type3A_455 = tpu.bitcast %and3A_454 : vector<16xi32> -> vector<16xf32>
        %add3A_456 = arith.addf %scan3A_426, %bitcast_convert_type3A_455 : vector<16xf32>
        %scan3A_457 = arith.constant 1 : i32
        %scan3A_458 = arith.addi %scan3A_422, %scan3A_457 : i32
        %get3A_459 = arith.constant 7 : i32
        %get3A_460 = arith.index_cast %get3A_459 : i32 to index
        %get3A_461 = arith.index_cast %scan3A_458 : i32 to index
        %get3A_462 = arith.constant 0 : index
        %get3A_463 = tpu.vector_load %arg6[%get3A_460, %get3A_461, %get3A_462] {strides = array<i32>} : memref<8x100x32xf32, #tpu.memory_space<vmem>>, vector<1x1x16xf32>,
        %get3A_464 = vector.shape_cast %get3A_463 : vector<1x1x16xf32> to vector<16xf32>
        %get3A_465 = arith.constant 7 : i32
        %get3A_466 = arith.index_cast %get3A_465 : i32 to index
        %get3A_467 = arith.index_cast %scan3A_458 : i32 to index
        %get3A_468 = arith.constant 16 : index
        %get3A_469 = tpu.vector_load %arg6[%get3A_466, %get3A_467, %get3A_468] {strides = array<i32>} : memref<8x100x32xf32, #tpu.memory_space<vmem>>, vector<1x1x16xf32>,
        %get3A_470 = vector.shape_cast %get3A_469 : vector<1x1x16xf32> to vector<16xf32>
        %bitcast_convert_type3A_471 = tpu.bitcast %get3A_464 : vector<16xf32> -> vector<16xi32>
        %bitcast_convert_type3A_472 = tpu.bitcast %get3A_470 : vector<16xf32> -> vector<16xi32>
        %shift_left3A_473 = arith.constant 16 : i32
        %shift_left3A_474 = vector.broadcast %shift_left3A_473 : i32 to vector<16xi32>
        %shift_left3A_475 = arith.shli %bitcast_convert_type3A_471, %shift_left3A_474 : vector<16xi32>
        %bitcast_convert_type3A_476 = tpu.bitcast %shift_left3A_475 : vector<16xi32> -> vector<16xf32>
        %add3A_477 = arith.addf %add3A_442, %bitcast_convert_type3A_476 : vector<16xf32>
        %and3A_478 = arith.constant -65536 : i32
        %and3A_479 = vector.broadcast %and3A_478 : i32 to vector<16xi32>
        %and3A_480 = arith.andi %bitcast_convert_type3A_471, %and3A_479 : vector<16xi32>
        %bitcast_convert_type3A_481 = tpu.bitcast %and3A_480 : vector<16xi32> -> vector<16xf32>
        %add3A_482 = arith.addf %add3A_446, %bitcast_convert_type3A_481 : vector<16xf32>
        %shift_left3A_483 = arith.constant 16 : i32
        %shift_left3A_484 = vector.broadcast %shift_left3A_483 : i32 to vector<16xi32>
        %shift_left3A_485 = arith.shli %bitcast_convert_type3A_472, %shift_left3A_484 : vector<16xi32>
        %bitcast_convert_type3A_486 = tpu.bitcast %shift_left3A_485 : vector<16xi32> -> vector<16xf32>
        %add3A_487 = arith.addf %add3A_451, %bitcast_convert_type3A_486 : vector<16xf32>
        %and3A_488 = arith.constant -65536 : i32
        %and3A_489 = vector.broadcast %and3A_488 : i32 to vector<16xi32>
        %and3A_490 = arith.andi %bitcast_convert_type3A_472, %and3A_489 : vector<16xi32>
        %bitcast_convert_type3A_491 = tpu.bitcast %and3A_490 : vector<16xi32> -> vector<16xf32>
        %add3A_492 = arith.addf %add3A_456, %bitcast_convert_type3A_491 : vector<16xf32>
        %scan3A_493 = arith.constant 2 : i32
        %scan3A_494 = arith.addi %scan3A_422, %scan3A_493 : i32
        %get3A_495 = arith.constant 7 : i32
        %get3A_496 = arith.index_cast %get3A_495 : i32 to index
        %get3A_497 = arith.index_cast %scan3A_494 : i32 to index
        %get3A_498 = arith.constant 0 : index
        %get3A_499 = tpu.vector_load %arg6[%get3A_496, %get3A_497, %get3A_498] {strides = array<i32>} : memref<8x100x32xf32, #tpu.memory_space<vmem>>, vector<1x1x16xf32>,
        %get3A_500 = vector.shape_cast %get3A_499 : vector<1x1x16xf32> to vector<16xf32>
        %get3A_501 = arith.constant 7 : i32
        %get3A_502 = arith.index_cast %get3A_501 : i32 to index
        %get3A_503 = arith.index_cast %scan3A_494 : i32 to index
        %get3A_504 = arith.constant 16 : index
        %get3A_505 = tpu.vector_load %arg6[%get3A_502, %get3A_503, %get3A_504] {strides = array<i32>} : memref<8x100x32xf32, #tpu.memory_space<vmem>>, vector<1x1x16xf32>,
        %get3A_506 = vector.shape_cast %get3A_505 : vector<1x1x16xf32> to vector<16xf32>
        %bitcast_convert_type3A_507 = tpu.bitcast %get3A_500 : vector<16xf32> -> vector<16xi32>
        %bitcast_convert_type3A_508 = tpu.bitcast %get3A_506 : vector<16xf32> -> vector<16xi32>
        %shift_left3A_509 = arith.constant 16 : i32
        %shift_left3A_510 = vector.broadcast %shift_left3A_509 : i32 to vector<16xi32>
        %shift_left3A_511 = arith.shli %bitcast_convert_type3A_507, %shift_left3A_510 : vector<16xi32>
        %bitcast_convert_type3A_512 = tpu.bitcast %shift_left3A_511 : vector<16xi32> -> vector<16xf32>
        %add3A_513 = arith.addf %add3A_477, %bitcast_convert_type3A_512 : vector<16xf32>
        %and3A_514 = arith.constant -65536 : i32
        %and3A_515 = vector.broadcast %and3A_514 : i32 to vector<16xi32>
        %and3A_516 = arith.andi %bitcast_convert_type3A_507, %and3A_515 : vector<16xi32>
        %bitcast_convert_type3A_517 = tpu.bitcast %and3A_516 : vector<16xi32> -> vector<16xf32>
        %add3A_518 = arith.addf %add3A_482, %bitcast_convert_type3A_517 : vector<16xf32>
        %shift_left3A_519 = arith.constant 16 : i32
        %shift_left3A_520 = vector.broadcast %shift_left3A_519 : i32 to vector<16xi32>
        %shift_left3A_521 = arith.shli %bitcast_convert_type3A_508, %shift_left3A_520 : vector<16xi32>
        %bitcast_convert_type3A_522 = tpu.bitcast %shift_left3A_521 : vector<16xi32> -> vector<16xf32>
        %add3A_523 = arith.addf %add3A_487, %bitcast_convert_type3A_522 : vector<16xf32>
        %and3A_524 = arith.constant -65536 : i32
        %and3A_525 = vector.broadcast %and3A_524 : i32 to vector<16xi32>
        %and3A_526 = arith.andi %bitcast_convert_type3A_508, %and3A_525 : vector<16xi32>
        %bitcast_convert_type3A_527 = tpu.bitcast %and3A_526 : vector<16xi32> -> vector<16xf32>
        %add3A_528 = arith.addf %add3A_492, %bitcast_convert_type3A_527 : vector<16xf32>
        %scan3A_529 = arith.constant 3 : i32
        %scan3A_530 = arith.addi %scan3A_422, %scan3A_529 : i32
        %get3A_531 = arith.constant 7 : i32
        %get3A_532 = arith.index_cast %get3A_531 : i32 to index
        %get3A_533 = arith.index_cast %scan3A_530 : i32 to index
        %get3A_534 = arith.constant 0 : index
        %get3A_535 = tpu.vector_load %arg6[%get3A_532, %get3A_533, %get3A_534] {strides = array<i32>} : memref<8x100x32xf32, #tpu.memory_space<vmem>>, vector<1x1x16xf32>,
        %get3A_536 = vector.shape_cast %get3A_535 : vector<1x1x16xf32> to vector<16xf32>
        %get3A_537 = arith.constant 7 : i32
        %get3A_538 = arith.index_cast %get3A_537 : i32 to index
        %get3A_539 = arith.index_cast %scan3A_530 : i32 to index
        %get3A_540 = arith.constant 16 : index
        %get3A_541 = tpu.vector_load %arg6[%get3A_538, %get3A_539, %get3A_540] {strides = array<i32>} : memref<8x100x32xf32, #tpu.memory_space<vmem>>, vector<1x1x16xf32>,
        %get3A_542 = vector.shape_cast %get3A_541 : vector<1x1x16xf32> to vector<16xf32>
        %bitcast_convert_type3A_543 = tpu.bitcast %get3A_536 : vector<16xf32> -> vector<16xi32>
        %bitcast_convert_type3A_544 = tpu.bitcast %get3A_542 : vector<16xf32> -> vector<16xi32>
        %shift_left3A_545 = arith.constant 16 : i32
        %shift_left3A_546 = vector.broadcast %shift_left3A_545 : i32 to vector<16xi32>
        %shift_left3A_547 = arith.shli %bitcast_convert_type3A_543, %shift_left3A_546 : vector<16xi32>
        %bitcast_convert_type3A_548 = tpu.bitcast %shift_left3A_547 : vector<16xi32> -> vector<16xf32>
        %add3A_549 = arith.addf %add3A_513, %bitcast_convert_type3A_548 : vector<16xf32>
        %and3A_550 = arith.constant -65536 : i32
        %and3A_551 = vector.broadcast %and3A_550 : i32 to vector<16xi32>
        %and3A_552 = arith.andi %bitcast_convert_type3A_543, %and3A_551 : vector<16xi32>
        %bitcast_convert_type3A_553 = tpu.bitcast %and3A_552 : vector<16xi32> -> vector<16xf32>
        %add3A_554 = arith.addf %add3A_518, %bitcast_convert_type3A_553 : vector<16xf32>
        %shift_left3A_555 = arith.constant 16 : i32
        %shift_left3A_556 = vector.broadcast %shift_left3A_555 : i32 to vector<16xi32>
        %shift_left3A_557 = arith.shli %bitcast_convert_type3A_544, %shift_left3A_556 : vector<16xi32>
        %bitcast_convert_type3A_558 = tpu.bitcast %shift_left3A_557 : vector<16xi32> -> vector<16xf32>
        %add3A_559 = arith.addf %add3A_523, %bitcast_convert_type3A_558 : vector<16xf32>
        %and3A_560 = arith.constant -65536 : i32
        %and3A_561 = vector.broadcast %and3A_560 : i32 to vector<16xi32>
        %and3A_562 = arith.andi %bitcast_convert_type3A_544, %and3A_561 : vector<16xi32>
        %bitcast_convert_type3A_563 = tpu.bitcast %and3A_562 : vector<16xi32> -> vector<16xf32>
        %add3A_564 = arith.addf %add3A_528, %bitcast_convert_type3A_563 : vector<16xf32>
        %scan3A_565 = arith.constant 4 : i32
        %scan3A_566 = arith.addi %scan3A_422, %scan3A_565 : i32
        %get3A_567 = arith.constant 7 : i32
        %get3A_568 = arith.index_cast %get3A_567 : i32 to index
        %get3A_569 = arith.index_cast %scan3A_566 : i32 to index
        %get3A_570 = arith.constant 0 : index
        %get3A_571 = tpu.vector_load %arg6[%get3A_568, %get3A_569, %get3A_570] {strides = array<i32>} : memref<8x100x32xf32, #tpu.memory_space<vmem>>, vector<1x1x16xf32>,
        %get3A_572 = vector.shape_cast %get3A_571 : vector<1x1x16xf32> to vector<16xf32>
        %get3A_573 = arith.constant 7 : i32
        %get3A_574 = arith.index_cast %get3A_573 : i32 to index
        %get3A_575 = arith.index_cast %scan3A_566 : i32 to index
        %get3A_576 = arith.constant 16 : index
        %get3A_577 = tpu.vector_load %arg6[%get3A_574, %get3A_575, %get3A_576] {strides = array<i32>} : memref<8x100x32xf32, #tpu.memory_space<vmem>>, vector<1x1x16xf32>,
        %get3A_578 = vector.shape_cast %get3A_577 : vector<1x1x16xf32> to vector<16xf32>
        %bitcast_convert_type3A_579 = tpu.bitcast %get3A_572 : vector<16xf32> -> vector<16xi32>
        %bitcast_convert_type3A_580 = tpu.bitcast %get3A_578 : vector<16xf32> -> vector<16xi32>
        %shift_left3A_581 = arith.constant 16 : i32
        %shift_left3A_582 = vector.broadcast %shift_left3A_581 : i32 to vector<16xi32>
        %shift_left3A_583 = arith.shli %bitcast_convert_type3A_579, %shift_left3A_582 : vector<16xi32>
        %bitcast_convert_type3A_584 = tpu.bitcast %shift_left3A_583 : vector<16xi32> -> vector<16xf32>
        %add3A_585 = arith.addf %add3A_549, %bitcast_convert_type3A_584 : vector<16xf32>
        %and3A_586 = arith.constant -65536 : i32
        %and3A_587 = vector.broadcast %and3A_586 : i32 to vector<16xi32>
        %and3A_588 = arith.andi %bitcast_convert_type3A_579, %and3A_587 : vector<16xi32>
        %bitcast_convert_type3A_589 = tpu.bitcast %and3A_588 : vector<16xi32> -> vector<16xf32>
        %add3A_590 = arith.addf %add3A_554, %bitcast_convert_type3A_589 : vector<16xf32>
        %shift_left3A_591 = arith.constant 16 : i32
        %shift_left3A_592 = vector.broadcast %shift_left3A_591 : i32 to vector<16xi32>
        %shift_left3A_593 = arith.shli %bitcast_convert_type3A_580, %shift_left3A_592 : vector<16xi32>
        %bitcast_convert_type3A_594 = tpu.bitcast %shift_left3A_593 : vector<16xi32> -> vector<16xf32>
        %add3A_595 = arith.addf %add3A_559, %bitcast_convert_type3A_594 : vector<16xf32>
        %and3A_596 = arith.constant -65536 : i32
        %and3A_597 = vector.broadcast %and3A_596 : i32 to vector<16xi32>
        %and3A_598 = arith.andi %bitcast_convert_type3A_580, %and3A_597 : vector<16xi32>
        %bitcast_convert_type3A_599 = tpu.bitcast %and3A_598 : vector<16xi32> -> vector<16xf32>
        %add3A_600 = arith.addf %add3A_564, %bitcast_convert_type3A_599 : vector<16xf32>
        %scan3A_601 = arith.constant 5 : i32
        %scan3A_602 = arith.addi %scan3A_422, %scan3A_601 : i32
        %get3A_603 = arith.constant 7 : i32
        %get3A_604 = arith.index_cast %get3A_603 : i32 to index
        %get3A_605 = arith.index_cast %scan3A_602 : i32 to index
        %get3A_606 = arith.constant 0 : index
        %get3A_607 = tpu.vector_load %arg6[%get3A_604, %get3A_605, %get3A_606] {strides = array<i32>} : memref<8x100x32xf32, #tpu.memory_space<vmem>>, vector<1x1x16xf32>,
        %get3A_608 = vector.shape_cast %get3A_607 : vector<1x1x16xf32> to vector<16xf32>
        %get3A_609 = arith.constant 7 : i32
        %get3A_610 = arith.index_cast %get3A_609 : i32 to index
        %get3A_611 = arith.index_cast %scan3A_602 : i32 to index
        %get3A_612 = arith.constant 16 : index
        %get3A_613 = tpu.vector_load %arg6[%get3A_610, %get3A_611, %get3A_612] {strides = array<i32>} : memref<8x100x32xf32, #tpu.memory_space<vmem>>, vector<1x1x16xf32>,
        %get3A_614 = vector.shape_cast %get3A_613 : vector<1x1x16xf32> to vector<16xf32>
        %bitcast_convert_type3A_615 = tpu.bitcast %get3A_608 : vector<16xf32> -> vector<16xi32>
        %bitcast_convert_type3A_616 = tpu.bitcast %get3A_614 : vector<16xf32> -> vector<16xi32>
        %shift_left3A_617 = arith.constant 16 : i32
        %shift_left3A_618 = vector.broadcast %shift_left3A_617 : i32 to vector<16xi32>
        %shift_left3A_619 = arith.shli %bitcast_convert_type3A_615, %shift_left3A_618 : vector<16xi32>
        %bitcast_convert_type3A_620 = tpu.bitcast %shift_left3A_619 : vector<16xi32> -> vector<16xf32>
        %add3A_621 = arith.addf %add3A_585, %bitcast_convert_type3A_620 : vector<16xf32>
        %and3A_622 = arith.constant -65536 : i32
        %and3A_623 = vector.broadcast %and3A_622 : i32 to vector<16xi32>
        %and3A_624 = arith.andi %bitcast_convert_type3A_615, %and3A_623 : vector<16xi32>
        %bitcast_convert_type3A_625 = tpu.bitcast %and3A_624 : vector<16xi32> -> vector<16xf32>
        %add3A_626 = arith.addf %add3A_590, %bitcast_convert_type3A_625 : vector<16xf32>
        %shift_left3A_627 = arith.constant 16 : i32
        %shift_left3A_628 = vector.broadcast %shift_left3A_627 : i32 to vector<16xi32>
        %shift_left3A_629 = arith.shli %bitcast_convert_type3A_616, %shift_left3A_628 : vector<16xi32>
        %bitcast_convert_type3A_630 = tpu.bitcast %shift_left3A_629 : vector<16xi32> -> vector<16xf32>
        %add3A_631 = arith.addf %add3A_595, %bitcast_convert_type3A_630 : vector<16xf32>
        %and3A_632 = arith.constant -65536 : i32
        %and3A_633 = vector.broadcast %and3A_632 : i32 to vector<16xi32>
        %and3A_634 = arith.andi %bitcast_convert_type3A_616, %and3A_633 : vector<16xi32>
        %bitcast_convert_type3A_635 = tpu.bitcast %and3A_634 : vector<16xi32> -> vector<16xf32>
        %add3A_636 = arith.addf %add3A_600, %bitcast_convert_type3A_635 : vector<16xf32>
        %scan3A_637 = arith.constant 6 : i32
        %scan3A_638 = arith.addi %scan3A_422, %scan3A_637 : i32
        %get3A_639 = arith.constant 7 : i32
        %get3A_640 = arith.index_cast %get3A_639 : i32 to index
        %get3A_641 = arith.index_cast %scan3A_638 : i32 to index
        %get3A_642 = arith.constant 0 : index
        %get3A_643 = tpu.vector_load %arg6[%get3A_640, %get3A_641, %get3A_642] {strides = array<i32>} : memref<8x100x32xf32, #tpu.memory_space<vmem>>, vector<1x1x16xf32>,
        %get3A_644 = vector.shape_cast %get3A_643 : vector<1x1x16xf32> to vector<16xf32>
        %get3A_645 = arith.constant 7 : i32
        %get3A_646 = arith.index_cast %get3A_645 : i32 to index
        %get3A_647 = arith.index_cast %scan3A_638 : i32 to index
        %get3A_648 = arith.constant 16 : index
        %get3A_649 = tpu.vector_load %arg6[%get3A_646, %get3A_647, %get3A_648] {strides = array<i32>} : memref<8x100x32xf32, #tpu.memory_space<vmem>>, vector<1x1x16xf32>,
        %get3A_650 = vector.shape_cast %get3A_649 : vector<1x1x16xf32> to vector<16xf32>
        %bitcast_convert_type3A_651 = tpu.bitcast %get3A_644 : vector<16xf32> -> vector<16xi32>
        %bitcast_convert_type3A_652 = tpu.bitcast %get3A_650 : vector<16xf32> -> vector<16xi32>
        %shift_left3A_653 = arith.constant 16 : i32
        %shift_left3A_654 = vector.broadcast %shift_left3A_653 : i32 to vector<16xi32>
        %shift_left3A_655 = arith.shli %bitcast_convert_type3A_651, %shift_left3A_654 : vector<16xi32>
        %bitcast_convert_type3A_656 = tpu.bitcast %shift_left3A_655 : vector<16xi32> -> vector<16xf32>
        %add3A_657 = arith.addf %add3A_621, %bitcast_convert_type3A_656 : vector<16xf32>
        %and3A_658 = arith.constant -65536 : i32
        %and3A_659 = vector.broadcast %and3A_658 : i32 to vector<16xi32>
        %and3A_660 = arith.andi %bitcast_convert_type3A_651, %and3A_659 : vector<16xi32>
        %bitcast_convert_type3A_661 = tpu.bitcast %and3A_660 : vector<16xi32> -> vector<16xf32>
        %add3A_662 = arith.addf %add3A_626, %bitcast_convert_type3A_661 : vector<16xf32>
        %shift_left3A_663 = arith.constant 16 : i32
        %shift_left3A_664 = vector.broadcast %shift_left3A_663 : i32 to vector<16xi32>
        %shift_left3A_665 = arith.shli %bitcast_convert_type3A_652, %shift_left3A_664 : vector<16xi32>
        %bitcast_convert_type3A_666 = tpu.bitcast %shift_left3A_665 : vector<16xi32> -> vector<16xf32>
        %add3A_667 = arith.addf %add3A_631, %bitcast_convert_type3A_666 : vector<16xf32>
        %and3A_668 = arith.constant -65536 : i32
        %and3A_669 = vector.broadcast %and3A_668 : i32 to vector<16xi32>
        %and3A_670 = arith.andi %bitcast_convert_type3A_652, %and3A_669 : vector<16xi32>
        %bitcast_convert_type3A_671 = tpu.bitcast %and3A_670 : vector<16xi32> -> vector<16xf32>
        %add3A_672 = arith.addf %add3A_636, %bitcast_convert_type3A_671 : vector<16xf32>
        %scan3A_673 = arith.constant 7 : i32
        %scan3A_674 = arith.addi %scan3A_422, %scan3A_673 : i32
        %get3A_675 = arith.constant 7 : i32
        %get3A_676 = arith.index_cast %get3A_675 : i32 to index
        %get3A_677 = arith.index_cast %scan3A_674 : i32 to index
        %get3A_678 = arith.constant 0 : index
        %get3A_679 = tpu.vector_load %arg6[%get3A_676, %get3A_677, %get3A_678] {strides = array<i32>} : memref<8x100x32xf32, #tpu.memory_space<vmem>>, vector<1x1x16xf32>,
        %get3A_680 = vector.shape_cast %get3A_679 : vector<1x1x16xf32> to vector<16xf32>
        %get3A_681 = arith.constant 7 : i32
        %get3A_682 = arith.index_cast %get3A_681 : i32 to index
        %get3A_683 = arith.index_cast %scan3A_674 : i32 to index
        %get3A_684 = arith.constant 16 : index
        %get3A_685 = tpu.vector_load %arg6[%get3A_682, %get3A_683, %get3A_684] {strides = array<i32>} : memref<8x100x32xf32, #tpu.memory_space<vmem>>, vector<1x1x16xf32>,
        %get3A_686 = vector.shape_cast %get3A_685 : vector<1x1x16xf32> to vector<16xf32>
        %bitcast_convert_type3A_687 = tpu.bitcast %get3A_680 : vector<16xf32> -> vector<16xi32>
        %bitcast_convert_type3A_688 = tpu.bitcast %get3A_686 : vector<16xf32> -> vector<16xi32>
        %shift_left3A_689 = arith.constant 16 : i32
        %shift_left3A_690 = vector.broadcast %shift_left3A_689 : i32 to vector<16xi32>
        %shift_left3A_691 = arith.shli %bitcast_convert_type3A_687, %shift_left3A_690 : vector<16xi32>
        %bitcast_convert_type3A_692 = tpu.bitcast %shift_left3A_691 : vector<16xi32> -> vector<16xf32>
        %add3A_693 = arith.addf %add3A_657, %bitcast_convert_type3A_692 : vector<16xf32>
        %and3A_694 = arith.constant -65536 : i32
        %and3A_695 = vector.broadcast %and3A_694 : i32 to vector<16xi32>
        %and3A_696 = arith.andi %bitcast_convert_type3A_687, %and3A_695 : vector<16xi32>
        %bitcast_convert_type3A_697 = tpu.bitcast %and3A_696 : vector<16xi32> -> vector<16xf32>
        %add3A_698 = arith.addf %add3A_662, %bitcast_convert_type3A_697 : vector<16xf32>
        %shift_left3A_699 = arith.constant 16 : i32
        %shift_left3A_700 = vector.broadcast %shift_left3A_699 : i32 to vector<16xi32>
        %shift_left3A_701 = arith.shli %bitcast_convert_type3A_688, %shift_left3A_700 : vector<16xi32>
        %bitcast_convert_type3A_702 = tpu.bitcast %shift_left3A_701 : vector<16xi32> -> vector<16xf32>
        %add3A_703 = arith.addf %add3A_667, %bitcast_convert_type3A_702 : vector<16xf32>
        %and3A_704 = arith.constant -65536 : i32
        %and3A_705 = vector.broadcast %and3A_704 : i32 to vector<16xi32>
        %and3A_706 = arith.andi %bitcast_convert_type3A_688, %and3A_705 : vector<16xi32>
        %bitcast_convert_type3A_707 = tpu.bitcast %and3A_706 : vector<16xi32> -> vector<16xf32>
        %add3A_708 = arith.addf %add3A_672, %bitcast_convert_type3A_707 : vector<16xf32>
        %scan3A_709 = arith.constant 8 : i32
        %scan3A_710 = arith.addi %scan3A_422, %scan3A_709 : i32
        %get3A_711 = arith.constant 7 : i32
        %get3A_712 = arith.index_cast %get3A_711 : i32 to index
        %get3A_713 = arith.index_cast %scan3A_710 : i32 to index
        %get3A_714 = arith.constant 0 : index
        %get3A_715 = tpu.vector_load %arg6[%get3A_712, %get3A_713, %get3A_714] {strides = array<i32>} : memref<8x100x32xf32, #tpu.memory_space<vmem>>, vector<1x1x16xf32>,
        %get3A_716 = vector.shape_cast %get3A_715 : vector<1x1x16xf32> to vector<16xf32>
        %get3A_717 = arith.constant 7 : i32
        %get3A_718 = arith.index_cast %get3A_717 : i32 to index
        %get3A_719 = arith.index_cast %scan3A_710 : i32 to index
        %get3A_720 = arith.constant 16 : index
        %get3A_721 = tpu.vector_load %arg6[%get3A_718, %get3A_719, %get3A_720] {strides = array<i32>} : memref<8x100x32xf32, #tpu.memory_space<vmem>>, vector<1x1x16xf32>,
        %get3A_722 = vector.shape_cast %get3A_721 : vector<1x1x16xf32> to vector<16xf32>
        %bitcast_convert_type3A_723 = tpu.bitcast %get3A_716 : vector<16xf32> -> vector<16xi32>
        %bitcast_convert_type3A_724 = tpu.bitcast %get3A_722 : vector<16xf32> -> vector<16xi32>
        %shift_left3A_725 = arith.constant 16 : i32
        %shift_left3A_726 = vector.broadcast %shift_left3A_725 : i32 to vector<16xi32>
        %shift_left3A_727 = arith.shli %bitcast_convert_type3A_723, %shift_left3A_726 : vector<16xi32>
        %bitcast_convert_type3A_728 = tpu.bitcast %shift_left3A_727 : vector<16xi32> -> vector<16xf32>
        %add3A_729 = arith.addf %add3A_693, %bitcast_convert_type3A_728 : vector<16xf32>
        %and3A_730 = arith.constant -65536 : i32
        %and3A_731 = vector.broadcast %and3A_730 : i32 to vector<16xi32>
        %and3A_732 = arith.andi %bitcast_convert_type3A_723, %and3A_731 : vector<16xi32>
        %bitcast_convert_type3A_733 = tpu.bitcast %and3A_732 : vector<16xi32> -> vector<16xf32>
        %add3A_734 = arith.addf %add3A_698, %bitcast_convert_type3A_733 : vector<16xf32>
        %shift_left3A_735 = arith.constant 16 : i32
        %shift_left3A_736 = vector.broadcast %shift_left3A_735 : i32 to vector<16xi32>
        %shift_left3A_737 = arith.shli %bitcast_convert_type3A_724, %shift_left3A_736 : vector<16xi32>
        %bitcast_convert_type3A_738 = tpu.bitcast %shift_left3A_737 : vector<16xi32> -> vector<16xf32>
        %add3A_739 = arith.addf %add3A_703, %bitcast_convert_type3A_738 : vector<16xf32>
        %and3A_740 = arith.constant -65536 : i32
        %and3A_741 = vector.broadcast %and3A_740 : i32 to vector<16xi32>
        %and3A_742 = arith.andi %bitcast_convert_type3A_724, %and3A_741 : vector<16xi32>
        %bitcast_convert_type3A_743 = tpu.bitcast %and3A_742 : vector<16xi32> -> vector<16xf32>
        %add3A_744 = arith.addf %add3A_708, %bitcast_convert_type3A_743 : vector<16xf32>
        %scan3A_745 = arith.constant 9 : i32
        %scan3A_746 = arith.addi %scan3A_422, %scan3A_745 : i32
        %get3A_747 = arith.constant 7 : i32
        %get3A_748 = arith.index_cast %get3A_747 : i32 to index
        %get3A_749 = arith.index_cast %scan3A_746 : i32 to index
        %get3A_750 = arith.constant 0 : index
        %get3A_751 = tpu.vector_load %arg6[%get3A_748, %get3A_749, %get3A_750] {strides = array<i32>} : memref<8x100x32xf32, #tpu.memory_space<vmem>>, vector<1x1x16xf32>,
        %get3A_752 = vector.shape_cast %get3A_751 : vector<1x1x16xf32> to vector<16xf32>
        %get3A_753 = arith.constant 7 : i32
        %get3A_754 = arith.index_cast %get3A_753 : i32 to index
        %get3A_755 = arith.index_cast %scan3A_746 : i32 to index
        %get3A_756 = arith.constant 16 : index
        %get3A_757 = tpu.vector_load %arg6[%get3A_754, %get3A_755, %get3A_756] {strides = array<i32>} : memref<8x100x32xf32, #tpu.memory_space<vmem>>, vector<1x1x16xf32>,
        %get3A_758 = vector.shape_cast %get3A_757 : vector<1x1x16xf32> to vector<16xf32>
        %bitcast_convert_type3A_759 = tpu.bitcast %get3A_752 : vector<16xf32> -> vector<16xi32>
        %bitcast_convert_type3A_760 = tpu.bitcast %get3A_758 : vector<16xf32> -> vector<16xi32>
        %shift_left3A_761 = arith.constant 16 : i32
        %shift_left3A_762 = vector.broadcast %shift_left3A_761 : i32 to vector<16xi32>
        %shift_left3A_763 = arith.shli %bitcast_convert_type3A_759, %shift_left3A_762 : vector<16xi32>
        %bitcast_convert_type3A_764 = tpu.bitcast %shift_left3A_763 : vector<16xi32> -> vector<16xf32>
        %add3A_765 = arith.addf %add3A_729, %bitcast_convert_type3A_764 : vector<16xf32>
        %and3A_766 = arith.constant -65536 : i32
        %and3A_767 = vector.broadcast %and3A_766 : i32 to vector<16xi32>
        %and3A_768 = arith.andi %bitcast_convert_type3A_759, %and3A_767 : vector<16xi32>
        %bitcast_convert_type3A_769 = tpu.bitcast %and3A_768 : vector<16xi32> -> vector<16xf32>
        %add3A_770 = arith.addf %add3A_734, %bitcast_convert_type3A_769 : vector<16xf32>
        %shift_left3A_771 = arith.constant 16 : i32
        %shift_left3A_772 = vector.broadcast %shift_left3A_771 : i32 to vector<16xi32>
        %shift_left3A_773 = arith.shli %bitcast_convert_type3A_760, %shift_left3A_772 : vector<16xi32>
        %bitcast_convert_type3A_774 = tpu.bitcast %shift_left3A_773 : vector<16xi32> -> vector<16xf32>
        %add3A_775 = arith.addf %add3A_739, %bitcast_convert_type3A_774 : vector<16xf32>
        %and3A_776 = arith.constant -65536 : i32
        %and3A_777 = vector.broadcast %and3A_776 : i32 to vector<16xi32>
        %and3A_778 = arith.andi %bitcast_convert_type3A_760, %and3A_777 : vector<16xi32>
        %bitcast_convert_type3A_779 = tpu.bitcast %and3A_778 : vector<16xi32> -> vector<16xf32>
        %add3A_780 = arith.addf %add3A_744, %bitcast_convert_type3A_779 : vector<16xf32>
        scf.yield %add3A_765, %add3A_775, %add3A_770, %add3A_780 : vector<16xf32>, vector<16xf32>, vector<16xf32>, vector<16xf32>
      }
      %scan3A_390 = arith.constant 100 : i32
      %add3A_391 = arith.constant 8 : i32
      %add3A_392 = arith.addi %add3A_373, %add3A_391 : i32
      %lt3A_393 = arith.constant 256 : i32
      %lt3A_394 = arith.cmpi slt, %add3A_392, %lt3A_393 : i32
      %convert_element_type3A_395 = arith.extui %lt3A_394 : i1 to i32
      %cond3A_396 = arith.constant 0 : i32
      %cond3A_397 = arith.cmpi ne, %convert_element_type3A_395, %cond3A_396 : i32
      scf.if %cond3A_397 {
        %dma_start3A_422 = arith.constant 7 : i32
        %dma_start3A_423 = arith.constant 0 : i32
        %dma_start3A_424 = arith.constant 0 : i32
        %dma_start3A_425 = tpu.memref_slice %arg6[%dma_start3A_422, %dma_start3A_423, %dma_start3A_424] : memref<8x100x32xf32, #tpu.memory_space<vmem>> -> memref<1x100x32xf32, #tpu.memory_space<vmem>>
        %dma_start3A_426 = tpu.memref_squeeze %dma_start3A_425 : memref<1x100x32xf32, #tpu.memory_space<vmem>> -> memref<100x32xf32, #tpu.memory_space<vmem>>
        %dma_start3A_427 = arith.constant 0 : i32
        %dma_start3A_428 = tpu.memref_slice %arg5[%add3A_392, %dma_start3A_427] : memref<256x100xi32, #tpu.memory_space<vmem>> -> memref<1x100xi32, #tpu.memory_space<vmem>>
        %dma_start3A_429 = tpu.memref_squeeze %dma_start3A_428 : memref<1x100xi32, #tpu.memory_space<vmem>> -> memref<100xi32, #tpu.memory_space<vmem>>
        %dma_start3A_430 = arith.constant 0 : i32
        %dma_start3A_431 = arith.constant 0 : i32
        %dma_start3A_432 = tpu.memref_slice %arg3[%dma_start3A_430, %dma_start3A_431] : memref<1015808x32xf32, #tpu.memory_space<hbm>> -> memref<1015808x32xf32, #tpu.memory_space<hbm>>
        tpu.enqueue_indirect_dma source(%dma_start3A_432 : memref<1015808x32xf32, #tpu.memory_space<hbm>>) target(%dma_start3A_426 : memref<100x32xf32, #tpu.memory_space<vmem>>) offsets(%dma_start3A_429 : memref<100xi32, #tpu.memory_space<vmem>>) semaphore(%arg15 : memref<!tpu.dma_semaphore, #tpu.memory_space<semaphore_mem>>)
      } else {
      }
      %mul3A_398 = arith.constant 4 : i32
      %mul3A_399 = arith.muli %mul3A_398, %scan3A_106 : i32
      %add3A_400 = arith.constant 3 : i32
      %add3A_401 = arith.addi %mul3A_399, %add3A_400 : i32
      %swap3A_402 = arith.index_cast %add3A_401 : i32 to index
      %swap3A_403 = arith.constant 0 : index
      %swap3A_404 = tpu.vector_load %arg7[%swap3A_402, %swap3A_403] {strides = array<i32>} : memref<128x64xf32, #tpu.memory_space<vmem>>, vector<1x16xf32>,
      %swap3A_405 = vector.shape_cast %swap3A_404 : vector<1x16xf32> to vector<16xf32>
      %swap3A_406 = vector.shape_cast %scan3A_389#0 : vector<16xf32> to vector<1x16xf32>
      tpu.vector_store %arg7[%swap3A_402, %swap3A_403], %swap3A_406 {strides = array<i32>} : memref<128x64xf32, #tpu.memory_space<vmem>>, vector<1x16xf32>,
      %swap3A_407 = arith.index_cast %add3A_401 : i32 to index
      %swap3A_408 = arith.constant 16 : index
      %swap3A_409 = tpu.vector_load %arg7[%swap3A_407, %swap3A_408] {strides = array<i32>} : memref<128x64xf32, #tpu.memory_space<vmem>>, vector<1x16xf32>,
      %swap3A_410 = vector.shape_cast %swap3A_409 : vector<1x16xf32> to vector<16xf32>
      %swap3A_411 = vector.shape_cast %scan3A_389#1 : vector<16xf32> to vector<1x16xf32>
      tpu.vector_store %arg7[%swap3A_407, %swap3A_408], %swap3A_411 {strides = array<i32>} : memref<128x64xf32, #tpu.memory_space<vmem>>, vector<1x16xf32>,
      %swap3A_412 = arith.index_cast %add3A_401 : i32 to index
      %swap3A_413 = arith.constant 32 : index
      %swap3A_414 = tpu.vector_load %arg7[%swap3A_412, %swap3A_413] {strides = array<i32>} : memref<128x64xf32, #tpu.memory_space<vmem>>, vector<1x16xf32>,
      %swap3A_415 = vector.shape_cast %swap3A_414 : vector<1x16xf32> to vector<16xf32>
      %swap3A_416 = vector.shape_cast %scan3A_389#2 : vector<16xf32> to vector<1x16xf32>
      tpu.vector_store %arg7[%swap3A_412, %swap3A_413], %swap3A_416 {strides = array<i32>} : memref<128x64xf32, #tpu.memory_space<vmem>>, vector<1x16xf32>,
      %swap3A_417 = arith.index_cast %add3A_401 : i32 to index
      %swap3A_418 = arith.constant 48 : index
      %swap3A_419 = tpu.vector_load %arg7[%swap3A_417, %swap3A_418] {strides = array<i32>} : memref<128x64xf32, #tpu.memory_space<vmem>>, vector<1x16xf32>,
      %swap3A_420 = vector.shape_cast %swap3A_419 : vector<1x16xf32> to vector<16xf32>
      %swap3A_421 = vector.shape_cast %scan3A_389#3 : vector<16xf32> to vector<1x16xf32>
      tpu.vector_store %arg7[%swap3A_417, %swap3A_418], %swap3A_421 {strides = array<i32>} : memref<128x64xf32, #tpu.memory_space<vmem>>, vector<1x16xf32>,
    }
    %scan3A_103 = arith.constant 32 : i32
    %mul3A_104 = arith.constant 128 : i32
    %mul3A_105 = arith.muli %add3A, %mul3A_104 : i32
    "tpu.region"() ({
      %run_scoped3A = tpu.sem_alloc : memref<!tpu.dma_semaphore, #tpu.memory_space<semaphore_mem>>
      %dma_start3A_106 = arith.constant 0 : i32
      %dma_start3A_107 = tpu.memref_slice %arg4[%mul3A_105, %dma_start3A_106] : memref<4096x64xf32, #tpu.memory_space<hbm>> -> memref<128x64xf32, #tpu.memory_space<hbm>>
      %dma_start3A_108 = arith.constant 0 : i32
      %dma_start3A_109 = tpu.memref_slice %arg4[%mul3A_105, %dma_start3A_108] : memref<4096x64xf32, #tpu.memory_space<hbm>> -> memref<128x64xf32, #tpu.memory_space<hbm>>
      tpu.enqueue_dma source(%arg7 : memref<128x64xf32, #tpu.memory_space<vmem>>) target(%dma_start3A_109 : memref<128x64xf32, #tpu.memory_space<hbm>>) target_semaphore(%run_scoped3A : memref<!tpu.dma_semaphore, #tpu.memory_space<semaphore_mem>>)
      %dma_wait3A = arith.constant 0 : i32
      %dma_wait3A_110 = tpu.memref_slice %arg4[%mul3A_105, %dma_wait3A] : memref<4096x64xf32, #tpu.memory_space<hbm>> -> memref<128x64xf32, #tpu.memory_space<hbm>>
      %dma_wait3A_111 = arith.constant 0 : i32
      %dma_wait3A_112 = tpu.memref_slice %arg4[%mul3A_105, %dma_wait3A_111] : memref<4096x64xf32, #tpu.memory_space<hbm>> -> memref<128x64xf32, #tpu.memory_space<hbm>>
      tpu.wait_dma2 semaphore(%run_scoped3A : memref<!tpu.dma_semaphore, #tpu.memory_space<semaphore_mem>>) src(%arg7 : memref<128x64xf32, #tpu.memory_space<vmem>>) dst(%dma_wait3A_112 : memref<128x64xf32, #tpu.memory_space<hbm>>)
      tpu.yield
    }) : () -> ()
    return
  }
}

module attributes {stable_mosaic.version = 14 : i64} {
  func.func @body(%arg0: i32, %arg1: memref<64x32768xf32, #tpu.memory_space<vmem>>, %arg2: memref<200x4096xi32, #tpu.memory_space<vmem>>, %arg3: memref<8192x128xf32, #tpu.memory_space<vmem>>, %arg4: memref<200x4096xi32, #tpu.memory_space<vmem>>) attributes {dimension_semantics = [#tpu.dimension_semantics<arbitrary>], iteration_bounds = array<i64: 31>, scalar_prefetch = 0 : i64, scratch_operands = 0 : i64, tpu.core_type = #tpu.core_type<tc>, window_params = [{transform_indices = @transform_0, window_bounds = array<i64: 64, 32768>}, {pipeline_mode = #tpu.pipeline_mode<synchronous>, transform_indices = @transform_1, window_bounds = array<i64: 200, 4096>}, {transform_indices = @transform_2, window_bounds = array<i64: 8192, 128>}, {pipeline_mode = #tpu.pipeline_mode<synchronous>, transform_indices = @transform_3, window_bounds = array<i64: 200, 4096>}]} {
    %eq3A = arith.constant 0 : i32
    %eq3A_0 = arith.cmpi eq, %arg0, %eq3A : i32
    %convert_element_type3A = arith.extui %eq3A_0 : i1 to i32
    %cond3A = arith.constant 0 : i32
    %cond3A_1 = arith.cmpi ne, %convert_element_type3A, %cond3A : i32
    scf.if %cond3A_1 {
      %get3A_42 = arith.constant 0 : index
      %get3A_43 = arith.constant 0 : index
      %get3A_44 = vector.load %arg2[%get3A_42, %get3A_43] : memref<200x4096xi32, #tpu.memory_space<vmem>>, vector<200x4096xi32>
      %jit3A = arith.constant 32768 : i32
      %div3A = vector.broadcast %jit3A : i32 to vector<200x4096xi32>
      %div3A_45 = arith.divsi %get3A_44, %div3A : vector<200x4096xi32>
      %sign3A = arith.constant 0 : i32
      %sign3A_46 = vector.broadcast %sign3A : i32 to vector<200x4096xi32>
      %sign3A_47 = arith.cmpi sgt, %get3A_44, %sign3A_46 : vector<200x4096xi32>
      %sign3A_48 = arith.extui %sign3A_47 : vector<200x4096xi1> to vector<200x4096xi32>
      %sign3A_49 = arith.constant 0 : i32
      %sign3A_50 = vector.broadcast %sign3A_49 : i32 to vector<200x4096xi32>
      %sign3A_51 = arith.cmpi slt, %get3A_44, %sign3A_50 : vector<200x4096xi32>
      %sign3A_52 = arith.extui %sign3A_51 : vector<200x4096xi1> to vector<200x4096xi32>
      %sign3A_53 = arith.subi %sign3A_48, %sign3A_52 : vector<200x4096xi32>
      %sign3A_54 = arith.constant 0 : i32
      %sign3A_55 = arith.cmpi sgt, %jit3A, %sign3A_54 : i32
      %sign3A_56 = arith.extui %sign3A_55 : i1 to i32
      %sign3A_57 = arith.constant 0 : i32
      %sign3A_58 = arith.cmpi slt, %jit3A, %sign3A_57 : i32
      %sign3A_59 = arith.extui %sign3A_58 : i1 to i32
      %sign3A_60 = arith.subi %sign3A_56, %sign3A_59 : i32
      %ne3A = vector.broadcast %sign3A_60 : i32 to vector<200x4096xi32>
      %ne3A_61 = arith.cmpi ne, %sign3A_53, %ne3A : vector<200x4096xi32>
      %rem3A = vector.broadcast %jit3A : i32 to vector<200x4096xi32>
      %rem3A_62 = arith.remsi %get3A_44, %rem3A : vector<200x4096xi32>
      %ne3A_63 = arith.constant 0 : i32
      %ne3A_64 = vector.broadcast %ne3A_63 : i32 to vector<200x4096xi32>
      %ne3A_65 = arith.cmpi ne, %rem3A_62, %ne3A_64 : vector<200x4096xi32>
      %and3A_66 = arith.andi %ne3A_61, %ne3A_65 : vector<200x4096xi1>
      %sub3A = arith.constant 1 : i32
      %sub3A_67 = vector.broadcast %sub3A : i32 to vector<200x4096xi32>
      %sub3A_68 = arith.subi %div3A_45, %sub3A_67 : vector<200x4096xi32>
      %select_n3A = arith.select %and3A_66, %sub3A_68, %div3A_45 : vector<200x4096xi1>, vector<200x4096xi32>
      %jit3A_69 = arith.constant 32768 : i32
      %eq3A_70 = arith.constant 0 : i32
      %eq3A_71 = arith.cmpi eq, %jit3A_69, %eq3A_70 : i32
      %jit3A_72 = arith.constant 1 : i32
      %select_n3A_73 = arith.select %eq3A_71, %jit3A_72, %jit3A_69 : i32
      %rem3A_74 = vector.broadcast %select_n3A_73 : i32 to vector<200x4096xi32>
      %rem3A_75 = arith.remsi %get3A_44, %rem3A_74 : vector<200x4096xi32>
      %ne3A_76 = arith.constant 0 : i32
      %ne3A_77 = vector.broadcast %ne3A_76 : i32 to vector<200x4096xi32>
      %ne3A_78 = arith.cmpi ne, %rem3A_75, %ne3A_77 : vector<200x4096xi32>
      %lt3A = arith.constant 0 : i32
      %lt3A_79 = vector.broadcast %lt3A : i32 to vector<200x4096xi32>
      %lt3A_80 = arith.cmpi slt, %rem3A_75, %lt3A_79 : vector<200x4096xi32>
      %lt3A_81 = arith.constant 0 : i32
      %lt3A_82 = arith.cmpi slt, %select_n3A_73, %lt3A_81 : i32
      %ne3A_83 = vector.broadcast %lt3A_82 : i1 to vector<200x4096xi1>
      %ne3A_84 = vector.broadcast %ne3A_83 : vector<200x4096xi1> to vector<200x4096xi1>
      %ne3A_85 = arith.xori %lt3A_80, %ne3A_84 : vector<200x4096xi1>
      %and3A_86 = arith.andi %ne3A_85, %ne3A_78 : vector<200x4096xi1>
      %add3A_87 = vector.broadcast %select_n3A_73 : i32 to vector<200x4096xi32>
      %add3A_88 = arith.addi %rem3A_75, %add3A_87 : vector<200x4096xi32>
      %select_n3A_89 = arith.select %and3A_86, %add3A_88, %rem3A_75 : vector<200x4096xi1>, vector<200x4096xi32>
      %mul3A = arith.constant 8192 : i32
      %mul3A_90 = vector.broadcast %mul3A : i32 to vector<200x4096xi32>
      %mul3A_91 = arith.muli %select_n3A, %mul3A_90 : vector<200x4096xi32>
      %jit3A_92 = arith.constant 8192 : i32
      %eq3A_93 = arith.constant 0 : i32
      %eq3A_94 = arith.cmpi eq, %jit3A_92, %eq3A_93 : i32
      %jit3A_95 = arith.constant 1 : i32
      %select_n3A_96 = arith.select %eq3A_94, %jit3A_95, %jit3A_92 : i32
      %rem3A_97 = vector.broadcast %select_n3A_96 : i32 to vector<200x4096xi32>
      %rem3A_98 = arith.remsi %select_n3A_89, %rem3A_97 : vector<200x4096xi32>
      %ne3A_99 = arith.constant 0 : i32
      %ne3A_100 = vector.broadcast %ne3A_99 : i32 to vector<200x4096xi32>
      %ne3A_101 = arith.cmpi ne, %rem3A_98, %ne3A_100 : vector<200x4096xi32>
      %lt3A_102 = arith.constant 0 : i32
      %lt3A_103 = vector.broadcast %lt3A_102 : i32 to vector<200x4096xi32>
      %lt3A_104 = arith.cmpi slt, %rem3A_98, %lt3A_103 : vector<200x4096xi32>
      %lt3A_105 = arith.constant 0 : i32
      %lt3A_106 = arith.cmpi slt, %select_n3A_96, %lt3A_105 : i32
      %ne3A_107 = vector.broadcast %lt3A_106 : i1 to vector<200x4096xi1>
      %ne3A_108 = vector.broadcast %ne3A_107 : vector<200x4096xi1> to vector<200x4096xi1>
      %ne3A_109 = arith.xori %lt3A_104, %ne3A_108 : vector<200x4096xi1>
      %and3A_110 = arith.andi %ne3A_109, %ne3A_101 : vector<200x4096xi1>
      %add3A_111 = vector.broadcast %select_n3A_96 : i32 to vector<200x4096xi32>
      %add3A_112 = arith.addi %rem3A_98, %add3A_111 : vector<200x4096xi32>
      %select_n3A_113 = arith.select %and3A_110, %add3A_112, %rem3A_98 : vector<200x4096xi1>, vector<200x4096xi32>
      %add3A_114 = arith.addi %mul3A_91, %select_n3A_113 : vector<200x4096xi32>
      %mul3A_115 = arith.constant 4 : i32
      %mul3A_116 = vector.broadcast %mul3A_115 : i32 to vector<200x4096xi32>
      %mul3A_117 = arith.muli %add3A_114, %mul3A_116 : vector<200x4096xi32>
      %jit3A_118 = arith.constant 8192 : i32
      %div3A_119 = vector.broadcast %jit3A_118 : i32 to vector<200x4096xi32>
      %div3A_120 = arith.divsi %select_n3A_89, %div3A_119 : vector<200x4096xi32>
      %sign3A_121 = arith.constant 0 : i32
      %sign3A_122 = vector.broadcast %sign3A_121 : i32 to vector<200x4096xi32>
      %sign3A_123 = arith.cmpi sgt, %select_n3A_89, %sign3A_122 : vector<200x4096xi32>
      %sign3A_124 = arith.extui %sign3A_123 : vector<200x4096xi1> to vector<200x4096xi32>
      %sign3A_125 = arith.constant 0 : i32
      %sign3A_126 = vector.broadcast %sign3A_125 : i32 to vector<200x4096xi32>
      %sign3A_127 = arith.cmpi slt, %select_n3A_89, %sign3A_126 : vector<200x4096xi32>
      %sign3A_128 = arith.extui %sign3A_127 : vector<200x4096xi1> to vector<200x4096xi32>
      %sign3A_129 = arith.subi %sign3A_124, %sign3A_128 : vector<200x4096xi32>
      %sign3A_130 = arith.constant 0 : i32
      %sign3A_131 = arith.cmpi sgt, %jit3A_118, %sign3A_130 : i32
      %sign3A_132 = arith.extui %sign3A_131 : i1 to i32
      %sign3A_133 = arith.constant 0 : i32
      %sign3A_134 = arith.cmpi slt, %jit3A_118, %sign3A_133 : i32
      %sign3A_135 = arith.extui %sign3A_134 : i1 to i32
      %sign3A_136 = arith.subi %sign3A_132, %sign3A_135 : i32
      %ne3A_137 = vector.broadcast %sign3A_136 : i32 to vector<200x4096xi32>
      %ne3A_138 = arith.cmpi ne, %sign3A_129, %ne3A_137 : vector<200x4096xi32>
      %rem3A_139 = vector.broadcast %jit3A_118 : i32 to vector<200x4096xi32>
      %rem3A_140 = arith.remsi %select_n3A_89, %rem3A_139 : vector<200x4096xi32>
      %ne3A_141 = arith.constant 0 : i32
      %ne3A_142 = vector.broadcast %ne3A_141 : i32 to vector<200x4096xi32>
      %ne3A_143 = arith.cmpi ne, %rem3A_140, %ne3A_142 : vector<200x4096xi32>
      %and3A_144 = arith.andi %ne3A_138, %ne3A_143 : vector<200x4096xi1>
      %sub3A_145 = arith.constant 1 : i32
      %sub3A_146 = vector.broadcast %sub3A_145 : i32 to vector<200x4096xi32>
      %sub3A_147 = arith.subi %div3A_120, %sub3A_146 : vector<200x4096xi32>
      %select_n3A_148 = arith.select %and3A_144, %sub3A_147, %div3A_120 : vector<200x4096xi1>, vector<200x4096xi32>
      %add3A_149 = arith.addi %mul3A_117, %select_n3A_148 : vector<200x4096xi32>
      %swap3A_150 = arith.constant 0 : index
      %swap3A_151 = arith.constant 0 : index
      %swap3A_152 = vector.load %arg4[%swap3A_150, %swap3A_151] : memref<200x4096xi32, #tpu.memory_space<vmem>>, vector<200x4096xi32>
      tpu.vector_store %arg4[%swap3A_150, %swap3A_151], %add3A_149 {strides = array<i32>} : memref<200x4096xi32, #tpu.memory_space<vmem>>, vector<200x4096xi32>,
    } else {
    }
    %get3A = arith.constant 0 : index
    %get3A_2 = arith.constant 0 : index
    %get3A_3 = vector.load %arg1[%get3A, %get3A_2] : memref<64x32768xf32, #tpu.memory_space<vmem>>, vector<64x32768xf32>
    %bitcast_convert_type3A = tpu.bitcast %get3A_3 : vector<64x32768xf32> -> vector<64x32768xi32>
    %add3A = arith.constant 32767 : i32
    %add3A_4 = vector.broadcast %add3A : i32 to vector<64x32768xi32>
    %add3A_5 = arith.addi %bitcast_convert_type3A, %add3A_4 : vector<64x32768xi32>
    %shift_right_logical3A = arith.constant 16 : i32
    %shift_right_logical3A_6 = vector.broadcast %shift_right_logical3A : i32 to vector<64x32768xi32>
    %shift_right_logical3A_7 = arith.shrui %bitcast_convert_type3A, %shift_right_logical3A_6 : vector<64x32768xi32>
    %and3A = arith.constant 1 : i32
    %and3A_8 = vector.broadcast %and3A : i32 to vector<64x32768xi32>
    %and3A_9 = arith.andi %shift_right_logical3A_7, %and3A_8 : vector<64x32768xi32>
    %add3A_10 = arith.addi %add3A_5, %and3A_9 : vector<64x32768xi32>
    %shift_right_logical3A_11 = arith.constant 16 : i32
    %shift_right_logical3A_12 = vector.broadcast %shift_right_logical3A_11 : i32 to vector<64x32768xi32>
    %shift_right_logical3A_13 = arith.shrui %add3A_10, %shift_right_logical3A_12 : vector<64x32768xi32>
    %slice3A = vector.extract_strided_slice %shift_right_logical3A_13 {offsets = [0, 0], sizes = [64, 8192], strides = [1, 1]} : vector<64x32768xi32> to vector<64x8192xi32>
    %slice3A_14 = vector.extract_strided_slice %slice3A {offsets = [32, 0], sizes = [32, 8192], strides = [1, 1]} : vector<64x8192xi32> to vector<32x8192xi32>
    %shift_left3A = arith.constant 16 : i32
    %shift_left3A_15 = vector.broadcast %shift_left3A : i32 to vector<32x8192xi32>
    %shift_left3A_16 = arith.shli %slice3A_14, %shift_left3A_15 : vector<32x8192xi32>
    %slice3A_17 = vector.extract_strided_slice %slice3A {offsets = [0, 0], sizes = [32, 8192], strides = [1, 1]} : vector<64x8192xi32> to vector<32x8192xi32>
    %or3A = arith.ori %shift_left3A_16, %slice3A_17 : vector<32x8192xi32>
    %slice3A_18 = vector.extract_strided_slice %shift_right_logical3A_13 {offsets = [0, 8192], sizes = [64, 8192], strides = [1, 1]} : vector<64x32768xi32> to vector<64x8192xi32>
    %slice3A_19 = vector.extract_strided_slice %slice3A_18 {offsets = [32, 0], sizes = [32, 8192], strides = [1, 1]} : vector<64x8192xi32> to vector<32x8192xi32>
    %shift_left3A_20 = arith.constant 16 : i32
    %shift_left3A_21 = vector.broadcast %shift_left3A_20 : i32 to vector<32x8192xi32>
    %shift_left3A_22 = arith.shli %slice3A_19, %shift_left3A_21 : vector<32x8192xi32>
    %slice3A_23 = vector.extract_strided_slice %slice3A_18 {offsets = [0, 0], sizes = [32, 8192], strides = [1, 1]} : vector<64x8192xi32> to vector<32x8192xi32>
    %or3A_24 = arith.ori %shift_left3A_22, %slice3A_23 : vector<32x8192xi32>
    %slice3A_25 = vector.extract_strided_slice %shift_right_logical3A_13 {offsets = [0, 16384], sizes = [64, 8192], strides = [1, 1]} : vector<64x32768xi32> to vector<64x8192xi32>
    %slice3A_26 = vector.extract_strided_slice %slice3A_25 {offsets = [32, 0], sizes = [32, 8192], strides = [1, 1]} : vector<64x8192xi32> to vector<32x8192xi32>
    %shift_left3A_27 = arith.constant 16 : i32
    %shift_left3A_28 = vector.broadcast %shift_left3A_27 : i32 to vector<32x8192xi32>
    %shift_left3A_29 = arith.shli %slice3A_26, %shift_left3A_28 : vector<32x8192xi32>
    %slice3A_30 = vector.extract_strided_slice %slice3A_25 {offsets = [0, 0], sizes = [32, 8192], strides = [1, 1]} : vector<64x8192xi32> to vector<32x8192xi32>
    %or3A_31 = arith.ori %shift_left3A_29, %slice3A_30 : vector<32x8192xi32>
    %slice3A_32 = vector.extract_strided_slice %shift_right_logical3A_13 {offsets = [0, 24576], sizes = [64, 8192], strides = [1, 1]} : vector<64x32768xi32> to vector<64x8192xi32>
    %slice3A_33 = vector.extract_strided_slice %slice3A_32 {offsets = [32, 0], sizes = [32, 8192], strides = [1, 1]} : vector<64x8192xi32> to vector<32x8192xi32>
    %shift_left3A_34 = arith.constant 16 : i32
    %shift_left3A_35 = vector.broadcast %shift_left3A_34 : i32 to vector<32x8192xi32>
    %shift_left3A_36 = arith.shli %slice3A_33, %shift_left3A_35 : vector<32x8192xi32>
    %slice3A_37 = vector.extract_strided_slice %slice3A_32 {offsets = [0, 0], sizes = [32, 8192], strides = [1, 1]} : vector<64x8192xi32> to vector<32x8192xi32>
    %or3A_38 = arith.ori %shift_left3A_36, %slice3A_37 : vector<32x8192xi32>
    %concatenate3A = tpu.concatenate %or3A, %or3A_24, %or3A_31, %or3A_38 in 0 : vector<32x8192xi32>, vector<32x8192xi32>, vector<32x8192xi32>, vector<32x8192xi32> -> vector<128x8192xi32>
    %bitcast_convert_type3A_39 = tpu.bitcast %concatenate3A : vector<128x8192xi32> -> vector<128x8192xf32>
    %transpose3A = tpu.transpose %bitcast_convert_type3A_39, [1, 0] : vector<128x8192xf32> -> vector<8192x128xf32>
    %swap3A = arith.constant 0 : index
    %swap3A_40 = arith.constant 0 : index
    %swap3A_41 = vector.load %arg3[%swap3A, %swap3A_40] : memref<8192x128xf32, #tpu.memory_space<vmem>>, vector<8192x128xf32>
    tpu.vector_store %arg3[%swap3A, %swap3A_40], %transpose3A {strides = array<i32>} : memref<8192x128xf32, #tpu.memory_space<vmem>>, vector<8192x128xf32>,
    return
  }
  func.func @transform_0(%arg0: i32) -> (i32, i32) {
    %c0_i32 = arith.constant 0 : i32
    %c0_i32_0 = arith.constant 0 : i32
    return %c0_i32, %arg0 : i32, i32
  }
  func.func @transform_1(%arg0: i32) -> (i32, i32) {
    %c0_i32 = arith.constant 0 : i32
    %c0_i32_0 = arith.constant 0 : i32
    %c0_i32_1 = arith.constant 0 : i32
    return %c0_i32, %c0_i32_0 : i32, i32
  }
  func.func @transform_2(%arg0: i32) -> (i32, i32) {
    %c0_i32 = arith.constant 0 : i32
    %c0_i32_0 = arith.constant 0 : i32
    return %arg0, %c0_i32 : i32, i32
  }
  func.func @transform_3(%arg0: i32) -> (i32, i32) {
    %c0_i32 = arith.constant 0 : i32
    %c0_i32_0 = arith.constant 0 : i32
    %c0_i32_1 = arith.constant 0 : i32
    return %c0_i32, %c0_i32_0 : i32, i32
  }
}

module attributes {stable_mosaic.version = 14 : i64} {
  func.func @body(%arg0: memref<4096x64xf32, #tpu.memory_space<vmem>>, %arg1: memref<200x4096xf32, #tpu.memory_space<vmem>>, %arg2: memref<3x4096xi32, #tpu.memory_space<vmem>>, %arg3: memref<10x64xf32, #tpu.memory_space<vmem>>, %arg4: memref<50x64xf32, #tpu.memory_space<vmem>>, %arg5: memref<100x64xf32, #tpu.memory_space<vmem>>, %arg6: memref<64x732xf32, #tpu.memory_space<vmem>>, %arg7: memref<1x732xf32, #tpu.memory_space<vmem>>, %arg8: memref<732x4096xf32, #tpu.memory_space<vmem>>) attributes {dimension_semantics = [], scalar_prefetch = 0 : i64, scratch_operands = 0 : i64, tpu.core_type = #tpu.core_type<tc>} {
    %get3A = arith.constant 0 : index
    %get3A_0 = arith.constant 0 : index
    %get3A_1 = vector.load %arg1[%get3A, %get3A_0] : memref<200x4096xf32, #tpu.memory_space<vmem>>, vector<200x4096xf32>
    %reduce_sum3A = arith.constant dense<0.000000e+00> : vector<4096xf32>
    %reduce_sum3A_2 = vector.multi_reduction <add>, %get3A_1, %reduce_sum3A [0] : vector<200x4096xf32> to vector<4096xf32>
    %broadcast_in_dim3A = vector.shape_cast %reduce_sum3A_2 : vector<4096xf32> to vector<1x4096xf32>
    %jit3A = arith.constant 1.000000e+00 : f32
    %max3A = vector.broadcast %jit3A : f32 to vector<1x4096xf32>
    %max3A_3 = arith.maximumf %max3A, %broadcast_in_dim3A : vector<1x4096xf32>
    %get3A_4 = arith.constant 0 : index
    %get3A_5 = arith.constant 0 : index
    %get3A_6 = vector.load %arg0[%get3A_4, %get3A_5] : memref<4096x64xf32, #tpu.memory_space<vmem>>, vector<4096x64xf32>
    %transpose3A = tpu.transpose %get3A_6, [1, 0] : vector<4096x64xf32> -> vector<64x4096xf32>
    %div3A = vector.broadcast %max3A_3 : vector<1x4096xf32> to vector<64x4096xf32>
    %div3A_7 = arith.divf %transpose3A, %div3A : vector<64x4096xf32>
    %get3A_8 = arith.constant 0 : index
    %get3A_9 = arith.constant 0 : index
    %get3A_10 = vector.load %arg2[%get3A_8, %get3A_9] : memref<3x4096xi32, #tpu.memory_space<vmem>>, vector<3x4096xi32>
    %iota3A = tpu.iota {dimensions = array<i32: 0>} : vector<10x4096xi32>
    %slice3A = vector.extract_strided_slice %get3A_10 {offsets = [0, 0], sizes = [1, 4096], strides = [1, 1]} : vector<3x4096xi32> to vector<1x4096xi32>
    %eq3A = vector.broadcast %slice3A : vector<1x4096xi32> to vector<10x4096xi32>
    %eq3A_11 = arith.cmpi eq, %iota3A, %eq3A : vector<10x4096xi32>
    %convert_element_type3A = arith.extui %eq3A_11 : vector<10x4096xi1> to vector<10x4096xi32>
    %convert_element_type3A_12 = arith.sitofp %convert_element_type3A : vector<10x4096xi32> to vector<10x4096xf32>
    %get3A_13 = arith.constant 0 : index
    %get3A_14 = arith.constant 0 : index
    %get3A_15 = vector.load %arg3[%get3A_13, %get3A_14] : memref<10x64xf32, #tpu.memory_space<vmem>>, vector<10x64xf32>
    %transpose3A_16 = tpu.transpose %get3A_15, [1, 0] : vector<10x64xf32> -> vector<64x10xf32>
    %dot_general3A = arith.constant dense<0.000000e+00> : vector<64x4096xf32>
    %dot_general3A_17 = tpu.matmul %transpose3A_16, %convert_element_type3A_12, %dot_general3A {dimension_numbers = #tpu.dot_dimension_numbers<[1], [0], [0], [1], [0, 0, 1, 1], [], []>, transpose_lhs_hint = false} : vector<64x10xf32>, vector<10x4096xf32>, vector<64x4096xf32> -> vector<64x4096xf32>
    %add3A = arith.addf %div3A_7, %dot_general3A_17 : vector<64x4096xf32>
    %iota3A_18 = tpu.iota {dimensions = array<i32: 0>} : vector<50x4096xi32>
    %slice3A_19 = vector.extract_strided_slice %get3A_10 {offsets = [1, 0], sizes = [1, 4096], strides = [1, 1]} : vector<3x4096xi32> to vector<1x4096xi32>
    %eq3A_20 = vector.broadcast %slice3A_19 : vector<1x4096xi32> to vector<50x4096xi32>
    %eq3A_21 = arith.cmpi eq, %iota3A_18, %eq3A_20 : vector<50x4096xi32>
    %convert_element_type3A_22 = arith.extui %eq3A_21 : vector<50x4096xi1> to vector<50x4096xi32>
    %convert_element_type3A_23 = arith.sitofp %convert_element_type3A_22 : vector<50x4096xi32> to vector<50x4096xf32>
    %get3A_24 = arith.constant 0 : index
    %get3A_25 = arith.constant 0 : index
    %get3A_26 = vector.load %arg4[%get3A_24, %get3A_25] : memref<50x64xf32, #tpu.memory_space<vmem>>, vector<50x64xf32>
    %transpose3A_27 = tpu.transpose %get3A_26, [1, 0] : vector<50x64xf32> -> vector<64x50xf32>
    %dot_general3A_28 = arith.constant dense<0.000000e+00> : vector<64x4096xf32>
    %dot_general3A_29 = tpu.matmul %transpose3A_27, %convert_element_type3A_23, %dot_general3A_28 {dimension_numbers = #tpu.dot_dimension_numbers<[1], [0], [0], [1], [0, 0, 1, 1], [], []>, transpose_lhs_hint = false} : vector<64x50xf32>, vector<50x4096xf32>, vector<64x4096xf32> -> vector<64x4096xf32>
    %add3A_30 = arith.addf %add3A, %dot_general3A_29 : vector<64x4096xf32>
    %iota3A_31 = tpu.iota {dimensions = array<i32: 0>} : vector<100x4096xi32>
    %slice3A_32 = vector.extract_strided_slice %get3A_10 {offsets = [2, 0], sizes = [1, 4096], strides = [1, 1]} : vector<3x4096xi32> to vector<1x4096xi32>
    %eq3A_33 = vector.broadcast %slice3A_32 : vector<1x4096xi32> to vector<100x4096xi32>
    %eq3A_34 = arith.cmpi eq, %iota3A_31, %eq3A_33 : vector<100x4096xi32>
    %convert_element_type3A_35 = arith.extui %eq3A_34 : vector<100x4096xi1> to vector<100x4096xi32>
    %convert_element_type3A_36 = arith.sitofp %convert_element_type3A_35 : vector<100x4096xi32> to vector<100x4096xf32>
    %get3A_37 = arith.constant 0 : index
    %get3A_38 = arith.constant 0 : index
    %get3A_39 = vector.load %arg5[%get3A_37, %get3A_38] : memref<100x64xf32, #tpu.memory_space<vmem>>, vector<100x64xf32>
    %transpose3A_40 = tpu.transpose %get3A_39, [1, 0] : vector<100x64xf32> -> vector<64x100xf32>
    %dot_general3A_41 = arith.constant dense<0.000000e+00> : vector<64x4096xf32>
    %dot_general3A_42 = tpu.matmul %transpose3A_40, %convert_element_type3A_36, %dot_general3A_41 {dimension_numbers = #tpu.dot_dimension_numbers<[1], [0], [0], [1], [0, 0, 1, 1], [], []>, transpose_lhs_hint = false} : vector<64x100xf32>, vector<100x4096xf32>, vector<64x4096xf32> -> vector<64x4096xf32>
    %add3A_43 = arith.addf %add3A_30, %dot_general3A_42 : vector<64x4096xf32>
    %get3A_44 = arith.constant 0 : index
    %get3A_45 = arith.constant 0 : index
    %get3A_46 = vector.load %arg6[%get3A_44, %get3A_45] : memref<64x732xf32, #tpu.memory_space<vmem>>, vector<64x732xf32>
    %transpose3A_47 = tpu.transpose %get3A_46, [1, 0] : vector<64x732xf32> -> vector<732x64xf32>
    %dot_general3A_48 = arith.constant dense<0.000000e+00> : vector<732x4096xf32>
    %dot_general3A_49 = tpu.matmul %transpose3A_47, %add3A_43, %dot_general3A_48 {dimension_numbers = #tpu.dot_dimension_numbers<[1], [0], [0], [1], [0, 0, 1, 1], [], []>, transpose_lhs_hint = false} : vector<732x64xf32>, vector<64x4096xf32>, vector<732x4096xf32> -> vector<732x4096xf32>
    %get3A_50 = arith.constant 0 : index
    %get3A_51 = arith.constant 0 : index
    %get3A_52 = vector.load %arg7[%get3A_50, %get3A_51] : memref<1x732xf32, #tpu.memory_space<vmem>>, vector<1x732xf32>
    %transpose3A_53 = tpu.transpose %get3A_52, [1, 0] : vector<1x732xf32> -> vector<732x1xf32>
    %add3A_54 = vector.broadcast %transpose3A_53 : vector<732x1xf32> to vector<732x4096xf32>
    %add3A_55 = arith.addf %dot_general3A_49, %add3A_54 : vector<732x4096xf32>
    %swap3A = arith.constant 0 : index
    %swap3A_56 = arith.constant 0 : index
    %swap3A_57 = vector.load %arg8[%swap3A, %swap3A_56] : memref<732x4096xf32, #tpu.memory_space<vmem>>, vector<732x4096xf32>
    tpu.vector_store %arg8[%swap3A, %swap3A_56], %add3A_55 {strides = array<i32>} : memref<732x4096xf32, #tpu.memory_space<vmem>>, vector<732x4096xf32>,
    return
  }
}

</mosaic_0001>

<sc_bundles>
// kernel: kernel.5.cloned.1.call-start
scs
__scs_entry_jumppad:
0x0: {  	(pc) =	sbr.rel $0x88, $3  }
0x1: {  	(tag) =	ssettag $0x0;
	lr =	simm.s32 $0x1  }
0x2: {  	[smem:$0x3F98] =	sst lr;
	_ =	strace $0xD0000000  }
0x3: {  	_ = 	snop  }
0x4: {  	_ = 	snop  }
0x5: {  	_ = 	snop  }
0x6: {  	_ = 	snop  }
0x7: {  	_ = 	snop  }
__scs_overlays_trampoline_lowered:
0x8: {  	[smem:$0x3FA7] =	sst s0  }
0x9: {  	[smem:$0x3FA8] =	sst s1  }
0xa: {  	[smem:$0x3FA9] =	sst s2  }
0xb: {  	[smem:$0x3FAA] =	sst s3  }
0xc: {  	[smem:$0x3FAB] =	sst s4  }
0xd: {  	[smem:$0x3FAC] =	sst s5  }
0xe: {  	[smem:$0x3FAD] =	sst s6  }
0xf: {  	[smem:$0x3FAE] =	sst s7  }
0x10: {  	[smem:$0x3FAF] =	sst s8  }
0x11: {  	[smem:$0x3FB0] =	sst s9;
	s0 =	simm.s32 @!p0 $0x0  }
0x12: {  	s1 =	sld [smem:$0x3F96];
	s0 =	simm.s32 @p0 $0x1  }
0x13: {  	[smem:$0x3FB1] =	sst s0;
	s0 =	simm.s32 @!p1 $0x0  }
0x14: {  	s2 =	sld [smem:$0x3F95];
	s0 =	simm.s32 @p1 $0x1  }
0x15: {  	[smem:$0x3FB2] =	sst s0;
	s0 =	simm.s32 @!p2 $0x0  }
0x16: {  	s3 =	sld [smem:$0x3FDB];
	s0 =	simm.s32 @p2 $0x1  }
0x17: {  	s4 =	simm.s32 $0x1BF5;
	[smem:$0x3FB4] =	sst s0  }
0x18: {  	s0 =	sld [smem:$0x3F97];
	_ =	swait.ge [sflag:s4], $0x0  }
0x19: {  	s7 =	sld [smem:$0x3F98]  }
0x1a: {  	s8 =	sadd.s32 $0xFFFFE003, lr  }
0x1b: {  	s9 =	sadd.s32 $0xFFFFFEF7, lr;
	s5 =	simm.s32 $0xFFFFFFFF;
	p2 =	slt.u32 s8, $0xFFFFF086  }
0x1c: {  	p1 =	slt.u32 s9, $0xF7A;
	s5 =	simm.s32 @!p2 $0x0  }
0x1d: {  	s5 =	simm.s32 @p1 $0x1;
	p0 =	seq.s32 s7, s2  }
0x1e: {  	s7 =	smul.u32 @!p0 $0xF7A, s2;
	p2 =	seq.s32 @!p0 s5, $0x0  }
0x1f: {  	s9 =	smul.u32 $0xF7A, s1;
	s8 =	simm.s32 @!p0 $0x1BF5;
	p2 =	por !p2, p0  }
0x20: {  	[sflag:s8] =	ssyncset.s32 @!p0 $0xFFFFF086;
	s6 =	sadd.s32 @!p0 s3, s7;
	s7 =	simm.s32 @!p0 $0x108  }
0x21: {  	s3 =	sadd.s32 s3, s9;
	s6 =	sadd.s32 @!p0 $0x88, s6;
	s7 =	simm.s32 @p2 $0x1082  }
0x22: {  	[simem:s7], [sflag:s8] =	dma.local @!p0 [hbm:s6], $0xF7A  }
0x23: {  	s9 =	sor.u32 $0xD0000000, s2;
	s6 =	simm.s32 $0x108;
	_ =	swait.ge @!p0 [sflag:s8], $0x0  }
0x24: {  	s3 =	sadd.s32 $0x88, s3;
	s6 =	simm.s32 @!p1 $0x1082;
	[sflag:s4] =	ssyncset.s32 $0xFFFFF086  }
0x25: {  	[simem:s6], [sflag:s4] =	dma.local [hbm:s3], $0xF7A  }
0x26: {  	[smem:$0x3F98] =	sst s1;
	(tag) =	ssettag s2;
	_ =	strace s9  }
0x27: {  	s1 =	sld [smem:$0x3FA8]  }
0x28: {  	s2 =	sld [smem:$0x3FA9]  }
0x29: {  	s4 =	sld [smem:$0x3FAB]  }
0x2a: {  	p0 =	seq.s32 s5, $0x0;
	s5 =	sld [smem:$0x3FAC]  }
0x2b: {  	s6 =	sld [smem:$0x3FAD]  }
0x2c: {  	s7 =	sld [smem:$0x3FAE]  }
0x2d: {  	s3 =	simm.s32 $0x108;
	s8 =	sld [smem:$0x3FAF]  }
0x2e: {  	s3 =	simm.s32 @!p0 $0x1082;
	s9 =	sld [smem:$0x3FB0]  }
0x2f: {  	lr =	sadd.s32 s0, s3;
	s0 =	sld [smem:$0x3FA7]  }
0x30: {  	s3 =	sld [smem:$0x3FAA]  }
0x31: {  	[smem:$0x3FB3] =	sst s10  }
0x32: {  	s10 =	sld [smem:$0x3FB1];
	_ =	sdelay $0x3  }
0x33: {  	p0 =	seq.s32 s10, $0x1;
	s10 =	sld [smem:$0x3FB3];
	_ =	sdelay $0x3  }
0x34: {  	[smem:$0x3FB3] =	sst s10  }
0x35: {  	s10 =	sld [smem:$0x3FB2];
	_ =	sdelay $0x3  }
0x36: {  	p1 =	seq.s32 s10, $0x1;
	s10 =	sld [smem:$0x3FB3];
	_ =	sdelay $0x3  }
0x37: {  	[smem:$0x3FB3] =	sst s10  }
0x38: {  	s10 =	sld [smem:$0x3FB4]  }
0x39: {  	_ = 	snop;
	(pc) =	sbr.ind lr, $3  }
0x3a: {  	_ = 	snop  }
0x3b: {  	_ = 	snop  }
0x3c: {  	p2 =	seq.s32 s10, $0x1;
	s10 =	sld [smem:$0x3FB3]  }
0x3d: {  	_ =	shalt  }
0x3e: {  	_ =	shalt  }
0x3f: {  	_ =	shalt  }
0x40: {  	_ =	shalt  }
0x41: {  	_ =	shalt  }
0x42: {  	_ =	shalt  }
0x43: {  	_ =	shalt  }
0x44: {  	_ =	shalt  }
0x45: {  	_ =	shalt  }
0x46: {  	_ =	shalt  }
0x47: {  	_ =	shalt  }
0x48: {  	_ =	shalt  }
0x49: {  	_ =	shalt  }
0x4a: {  	_ =	shalt  }
0x4b: {  	_ =	shalt  }
0x4c: {  	_ =	shalt  }
0x4d: {  	_ =	shalt  }
0x4e: {  	_ =	shalt  }
0x4f: {  	_ =	shalt  }
0x50: {  	_ =	shalt  }
0x51: {  	_ =	shalt  }
0x52: {  	_ =	shalt  }
0x53: {  	_ =	shalt  }
0x54: {  	_ =	shalt  }
0x55: {  	_ =	shalt  }
0x56: {  	_ =	shalt  }
0x57: {  	_ =	shalt  }
0x58: {  	_ =	shalt  }
0x59: {  	_ =	shalt  }
0x5a: {  	_ =	shalt  }
0x5b: {  	_ =	shalt  }
0x5c: {  	_ =	shalt  }
0x5d: {  	_ =	shalt  }
0x5e: {  	_ =	shalt  }
0x5f: {  	_ =	shalt  }
0x60: {  	_ =	shalt  }
0x61: {  	_ =	shalt  }
0x62: {  	_ =	shalt  }
0x63: {  	_ =	shalt  }
0x64: {  	_ =	shalt  }
0x65: {  	_ =	shalt  }
0x66: {  	_ =	shalt  }
0x67: {  	_ =	shalt  }
0x68: {  	_ =	shalt  }
0x69: {  	_ =	shalt  }
0x6a: {  	_ =	shalt  }
0x6b: {  	_ =	shalt  }
0x6c: {  	_ =	shalt  }
0x6d: {  	_ =	shalt  }
0x6e: {  	_ =	shalt  }
0x6f: {  	_ =	shalt  }
0x70: {  	_ =	shalt  }
0x71: {  	_ =	shalt  }
0x72: {  	_ =	shalt  }
0x73: {  	_ =	shalt  }
0x74: {  	_ =	shalt  }
0x75: {  	_ =	shalt  }
0x76: {  	_ =	shalt  }
0x77: {  	_ =	shalt  }
0x78: {  	_ =	shalt  }
0x79: {  	_ =	shalt  }
0x7a: {  	_ =	shalt  }
0x7b: {  	_ =	shalt  }
0x7c: {  	_ =	shalt  }
0x7d: {  	_ =	shalt  }
0x7e: {  	_ =	shalt  }
0x7f: {  	_ =	shalt  }
0x80: {  	_ =	shalt  }
0x81: {  	_ =	shalt  }
0x82: {  	_ =	shalt  }
0x83: {  	_ =	shalt  }
0x84: {  	_ =	shalt  }
0x85: {  	_ =	shalt  }
0x86: {  	_ =	shalt  }
0x87: {  	_ =	shalt  }
.Lfunc_end0:
.L_simem_size_0:
called_computation_lowered:
.L_overlay_start_0:
0x88: {  	s2 =	sld [smem:$0x3FD9]  }
0x89: {  	s3 =	sld [smem:$0x3FFE];
	_ =	sdelay $0x1  }
0x8a: {  	s1 =	srdreg.scid  }
0x8b: {  	s0 =	sand.u32 $0x1, s1  }
0x8c: {  	s17 =	sshll.u32 s0, $0xA;
	s2 =	sadd.s32 s3, s2  }
0x8d: {  	s2 =	sadd.s32 s2, s17  }
0x8e: {  	[smem:$0x3FBF] =	sst s2  }
0x8f: {  	_ = 	snop  }
0x90: {  	s2 =	sld [smem:$0x3FD0];
	(tm) =	ssettm $0x1  }
0x91: {  	s18 =	sld [smem:$0x3FFB];
	_ =	sdelay $0x3  }
0x92: {  	_ =	strace s18  }
0x93: {  	s3 =	sld [smem:$0x3FFC];
	_ =	sdelay $0x3  }
0x94: {  	_ =	strace s3  }
0x95: {  	s3 =	sld [smem:$0x3FFD];
	_ =	sdelay $0x3  }
0x96: {  	_ =	strace s3  }
0x97: {  	_ =	strace $0x8FFFFFFF  }
0x98: {  	s19 =	sld [smem:$0x3FDB];
	_ =	sdelay $0x1  }
0x99: {  	s4 =	simm.s32 $_scs_section_size  }
0x9a: {  	s5 =	simm.s32 $_size__tile_overlayer_lowered;
	s6 =	simm.s32 $_tile_overlayer_lowered  }
0x9b: {  	s22 =	simm.s32 $0x1BFF;
	s21 =	sshll.u32 s6, $0x1;
	s3 =	sadd.s32 s4, s19  }
0x9c: {  	s7 =	simm.s32 $0x0;
	s20 =	sshll.u32 s5, $0x1;
	s5 =	sadd.s32 s21, s3  }
0x9d: {  	[timem:s7], [sflag:s22] =	dma.local [hbm:s5], s20  }
0x9e: {  	_ =	swait.ge [sflag:s22], s20  }
0x9f: {  	s4 =	ssub.s32 $0x0, s20;
	[sflag:s22] =	ssyncset.done $0x0  }
0xa0: {  	[sflag:s22] =	ssyncadd.s32 s4;
	_ =	sdelay $0x1  }
0xa1: {  	s23 =	simm.s32 $0x1B8B  }
0xa2: {  	_ =	swait.ge [sflag:s23], $0x1  }
0xa3: {  	[sflag:s23] =	ssyncset.done $0x0  }
0xa4: {  	s25 =	simm.s32 $0x1B8E;
	s24 =	sld [smem:$0x3FFE];
	[sflag:s23] =	ssyncadd.s32 $0xFFFFFFFF  }
0xa5: {  	s26 =	simm.s32 $execute0_lowered;
	[smem:$0x3FD2] =	sst s25  }
0xa6: {  	s5 =	sshll.u32 s26, $0x1;
	_ =	strace $0x80000046;
	[dreg:$0x1] =	wrdreg $0xFFFFFFFF  }
0xa7: {  	s28 =	simm.s32 $_size_execute0_lowered;
	s3 =	sadd.s32 s3, s5;
	[dreg:$0x0] =	wrdreg $0x0  }
0xa8: {  	s5 =	sshll.u32 s28, $0x1;
	[dreg:$0x2] =	wrdreg s3  }
0xa9: {  	[dreg:$0x3] =	wrdreg s5  }
0xaa: {  	[dreg:$0x4] =	wrdreg $0xC0  }
0xab: {  	_ =	task [dreg:s7], $0x5FFFF  }
0xac: {  	[dreg:$0x1] =	wrdreg $0xFFFFFFFF  }
0xad: {  	[dreg:$0x0] =	wrdreg $0x60  }
0xae: {  	[dreg:$0x2] =	wrdreg s2  }
0xaf: {  	[dreg:$0x3] =	wrdreg s24  }
0xb0: {  	[dreg:$0x4] =	wrdreg $0x9  }
0xb1: {  	_ =	task.clear_ibuf [dreg:s7], $0x5FFFF;
	_ =	strace $0x90000046  }
0xb2: {  	s29 =	simm.s32 $0x9;
	_ =	strace $0x80000048  }
0xb3: {  	_ =	swait.ge [sflag:s29], $0x1  }
0xb4: {  	[sflag:s29] =	ssyncadd.s32 $0xFFFFFFFF  }
0xb5: {  	_ =	strace $0x90000048  }
0xb6: {  	_ =	sfence  }
0xb7: {  	s30 =	sld [smem:$0x0];
	_ =	sdelay $0x2  }
0xb8: {  	s31 =	sshll.u32 s1, $0xD;
	s1 =	sshrl.u32 s1, $0x2  }
0xb9: {  	s3 =	sand.u32 $0x4000, s31;
	s1 =	sadd.s32 s1, s30  }
0xba: {  	s0 =	sor.u32 s3, s0;
	s1 =	sshll.u32 s1, $0x11  }
0xbb: {  	s0 =	sor.u32 s1, s0  }
0xbc: {  	s0 =	sadd.s32 $0x8F2B, s0  }
0xbd: {  	[sflag:s0] =	ssyncadd.remote.s32 $0x1  }
0xbe: {  	_ =	sfence.sel $0xFFFF  }
0xbf: {  	[dreg:$0x0] =	wrdreg $0xFFFFFFFF;
	(pc) =	sbr.abs _section_cstart, $3  }
0xc0: {  	[dreg:$0x1] =	wrdreg $0xFFFFFFFF  }
0xc1: {  	_ =	task.clear_ibuf [dreg:s7], $0x2FFFF;
	_ =	strace $0x9FFFFFFF  }
0xc2: {  	(tm) =	ssettm $0x7FFFFFFF  }
0xc3: {  	_ =	shalt  }
tec
execute0_lowered:
.L_overlay_start_1:
0x0: {  	(tag) =	ssettag $0x1  }
0x1: {  	s0 =	rddreg [dreg:$0x0]  }
0x2: {  	s1 =	rddreg [dreg:$0x1]  }
0x3: {  	s2 =	simm.s32 $0x0;
	s3 =	srdreg.scid;
	s4 =	stileid.u32  }
0x4: {  	s8 =	simm.s32 $0x64;
	s16 =	simm.s32 $0x1A0;
	s17 =	simm.s32 $0x9A00  }
0x5: {  	s18 =	simm.s32 $0x208;
	s19 =	simm.s32 $0xA680;
	s20 =	simm.s32 $0x270  }
0x6: {  	s21 =	simm.s32 $0xB300;
	s22 =	simm.s32 $0x2D8;
	s23 =	simm.s32 $0xBF80  }
0x7: {  	s24 =	simm.s32 $0x1;
	s25 =	simm.s32 $0x2;
	s28 =	simm.s32 $0x4  }
0x8: {  	s29 =	simm.s32 $0x5;
	s30 =	simm.s32 $0x6;
	s31 =	simm.s32 $0x7  }
0x9: {  	[smem:$0x7FF] =	sst s2;
	s3 =	sand.u32 $0x1, s3;
	s4 =	sshll.u32 s4, $0x1  }
0xa: {  	s9 =	simm.s32 $0x0;
	_ =	strace $0x80000047;
	s4 =	sor.u32 s3, s4  }
.Ltmp0:
0xb: {  	s5 =	ssub.s32 $0x2, s3;
	s3 =	sadd.s32 $0x1600, s1;
	(pc) =	sbr.rel .LBB2_1-.Ltmp0, $4  }
0xc: {  	s6 =	sshll.u32 s4, $0xA;
	s7 =	sshrl.u32 s5, $0x1;
	s4 =	smul.u32 $0xD00, s4  }
0xd: {  	s1 =	sadd.s32 s6, s1;
	s26 =	ssub.s32 s5, s7;
	s7 =	simm.s32 $0x9  }
0xe: {  	s4 =	sadd.s32 s0, s4;
	s5 =	sadd.s32 $0x3E1600, s1;
	s6 =	smax.u32 s26, $0x1  }
0xf: {  	s26 =	simm.s32 $0x3;
	s0 =	simm.s32 $0x8;
	s1 =	simm.s32 $0xCC00  }
.LBB2_20:
0x10: {  	[tilespmem:s11+$0xCCC0] =	vst v2  }
0x11: {  	[tilespmem:s11+$0xCCD0] =	vst v3;
	s9 =	sadd.s32 $0x1, s9  }
0x12: {  	[tilespmem:s11+$0xCCE0] =	vst v0;
	p0 =	sne.s32 s9, s6  }
.Ltmp1:
0x13: {  	[tilespmem:s11+$0xCCF0] =	vst v1;
	(pc) =	sbr.rel @!p0 .LBB2_21-.Ltmp1, $4  }
0x14: {  	[hbm4b:s5+s2] =	stream.linear.scatter [tilespmem:s1], [sflag:$0x9], $0x2000, $0x38;
	[tilespmem:$0xEC00] =	vst v63  }
0x15: {  	_ =	swait.ge [sflag:s7], $0x2000  }
0x16: {  	[sflag:s7] =	ssyncset.done $0x0  }
0x17: {  	[sflag:s7] =	ssyncadd.s32 $0xFFFFE000  }
.LBB2_1:
0x18: {  	[tilespmem:s2], [sflag:$0x9] =	stream.linear.gather [hbm4b:s4+s2], $0x6800, $0x38;
	[tilespmem:$0xEC00] =	vst v63  }
0x19: {  	_ =	swait.ge [sflag:s7], $0x6800  }
0x1a: {  	[sflag:s7] =	ssyncset.done $0x0  }
0x1b: {  	s10 =	simm.s32 $0x6800;
	[sflag:s7] =	ssyncadd.s32 $0xFFFF9800  }
0x1c: {  	[tilespmem:s10], [sflag:$0x1] =	stream.indirect.gather [hbm4b:s3+s8], $0x20, s2, s8, $0xb8;
	[tilespmem:$0xEC00] =	vst v63  }
0x1d: {  	s15 =	simm.s32 $0x68;
	s11 =	simm.s32 $0x7480  }
0x1e: {  	[tilespmem:s11], [sflag:$0x2] =	stream.indirect.gather [hbm4b:s3+s8], $0x20, s15, s8, $0xb8;
	[tilespmem:$0xEC00] =	vst v63  }
0x1f: {  	s12 =	simm.s32 $0xD0;
	s13 =	simm.s32 $0x8100  }
0x20: {  	[tilespmem:s13], [sflag:$0x3] =	stream.indirect.gather [hbm4b:s3+s8], $0x20, s12, s8, $0xb8;
	[tilespmem:$0xEC00] =	vst v63  }
0x21: {  	s14 =	simm.s32 $0x138;
	s15 =	simm.s32 $0x8D80  }
0x22: {  	[tilespmem:s15], [sflag:$0x4] =	stream.indirect.gather [hbm4b:s3+s8], $0x20, s14, s8, $0xb8;
	[tilespmem:$0xEC00] =	vst v63  }
0x23: {  	_ = 	snop  }
0x24: {  	[tilespmem:s17], [sflag:$0x5] =	stream.indirect.gather [hbm4b:s3+s8], $0x20, s16, s8, $0xb8;
	[tilespmem:$0xEC00] =	vst v63  }
0x25: {  	_ = 	snop  }
0x26: {  	[tilespmem:s19], [sflag:$0x6] =	stream.indirect.gather [hbm4b:s3+s8], $0x20, s18, s8, $0xb8;
	[tilespmem:$0xEC00] =	vst v63  }
0x27: {  	_ = 	snop  }
0x28: {  	[tilespmem:s21], [sflag:$0x7] =	stream.indirect.gather [hbm4b:s3+s8], $0x20, s20, s8, $0xb8;
	[tilespmem:$0xEC00] =	vst v63  }
0x29: {  	s10 =	simm.s32 $0x0  }
0x2a: {  	[tilespmem:s23], [sflag:$0x8] =	stream.indirect.gather [hbm4b:s3+s8], $0x20, s22, s8, $0xb8;
	[tilespmem:$0xEC00] =	vst v63  }
.LBB2_2:
0x2b: {  	_ =	swait.ge [sflag:s24], $0xC80  }
0x2c: {  	[sflag:s24] =	ssyncset.done $0x0  }
0x2d: {  	s11 =	simm.s32 $0x68A0;
	[sflag:s24] =	ssyncadd.s32 $0xFFFFF380  }
0x2e: {  	v1 =	vld [tilespmem:s11+$0x80]  }
0x2f: {  	v3 =	vld [tilespmem:s11+$0x60]  }
0x30: {  	v5 =	vld [tilespmem:s11+$0x40]  }
0x31: {  	v7 =	vld [tilespmem:s11+$0x20]  }
0x32: {  	v9 =	vld [tilespmem:s11+$0x0]  }
0x33: {  	v10 =	vld [tilespmem:s11+$0xFFFFFFE0]  }
0x34: {  	v12 =	vld [tilespmem:s11+$0xFFFFFFA0]  }
0x35: {  	v14 =	vld [tilespmem:s11+$0xFFFFFF80]  }
0x36: {  	v13 =	vimm.f32 $0.0e+00;
	v15 =	vld [tilespmem:s11+$0xFFFFFF60]  }
0x37: {  	v16 =	vld [tilespmem:s11+$0xFFFFFF70];
	v2 =	vshll.u32 v3, $0x10;
	v0 =	vshll.u32 v1, $0x10;
	v1 =	vand.u32 $0xFFFF0000, v1  }
0x38: {  	v4 =	vshll.u32 v5, $0x10;
	v5 =	vand.u32 $0xFFFF0000, v5;
	v3 =	vand.u32 $0xFFFF0000, v3  }
0x39: {  	v17 =	vld [tilespmem:s11+$0xFFFFFF90];
	v8 =	vshll.u32 v9, $0x10;
	v6 =	vshll.u32 v7, $0x10;
	v7 =	vand.u32 $0xFFFF0000, v7  }
0x3a: {  	v18 =	vshll.u32 v10, $0x10;
	v10 =	vand.u32 $0xFFFF0000, v10;
	v19 =	vshll.u32 v12, $0x10  }
0x3b: {  	v22 =	vld [tilespmem:s11+$0xFFFFFFB0];
	v21 =	vshll.u32 v14, $0x10;
	v14 =	vand.u32 $0xFFFF0000, v14;
	v12 =	vand.u32 $0xFFFF0000, v12  }
0x3c: {  	v23 =	vshll.u32 v15, $0x10;
	v15 =	vand.u32 $0xFFFF0000, v15;
	v24 =	vshll.u32 v16, $0x10  }
0x3d: {  	v11 =	vld [tilespmem:s11+$0xFFFFFFC0];
	v16 =	vand.u32 $0xFFFF0000, v16;
	v23 =	vadd.f32 v23, v13;
	v15 =	vadd.f32 v15, v13  }
0x3e: {  	v25 =	vld [tilespmem:s11+$0xFFFFFFD0];
	v24 =	vadd.f32 v24, v13;
	v13 =	vadd.f32 v16, v13;
	v16 =	vshll.u32 v17, $0x10  }
0x3f: {  	v21 =	vadd.f32 v21, v23;
	v14 =	vadd.f32 v14, v15;
	v15 =	vand.u32 $0xFFFF0000, v17  }
0x40: {  	v63 =	vld [tilespmem:s11+$0xFFFFFFF0];
	v16 =	vadd.f32 v16, v24;
	v13 =	vadd.f32 v15, v13;
	v15 =	vshll.u32 v22, $0x10  }
0x41: {  	v17 =	vadd.f32 v19, v21;
	v14 =	vadd.f32 v12, v14;
	v12 =	vand.u32 $0xFFFF0000, v22  }
0x42: {  	v9 =	vand.u32 $0xFFFF0000, v9;
	v15 =	vadd.f32 v15, v16;
	v16 =	vadd.f32 v12, v13;
	v12 =	vld [tilespmem:s11+$0x10]  }
0x43: {  	v20 =	vshll.u32 v11, $0x10;
	v11 =	vand.u32 $0xFFFF0000, v11;
	v13 =	vshll.u32 v25, $0x10  }
0x44: {  	v19 =	vadd.f32 v20, v17;
	v20 =	vadd.f32 v11, v14;
	v14 =	vand.u32 $0xFFFF0000, v25;
	v11 =	vld [tilespmem:s11+$0x30]  }
0x45: {  	v13 =	vadd.f32 v13, v15;
	v17 =	vshll.u32 v63, $0x10;
	v14 =	vadd.f32 v14, v16  }
0x46: {  	s12 =	simm.s32 $0x0;
	s13 =	simm.s32 $0x69E0;
	v15 =	vadd.f32 v18, v19;
	v16 =	vadd.f32 v10, v20;
	v18 =	vand.u32 $0xFFFF0000, v63;
	v10 =	vld [tilespmem:s11+$0x50]  }
.LBB2_3:
0x47: {  	v19 =	vld [tilespmem:s13+$0x80];
	v13 =	vadd.f32 v17, v13;
	v14 =	vadd.f32 v18, v14;
	v17 =	vshll.u32 v12, $0x10  }
0x48: {  	v12 =	vand.u32 $0xFFFF0000, v12;
	v8 =	vadd.f32 v8, v15;
	v9 =	vadd.f32 v9, v16;
	v15 =	vld [tilespmem:s11+$0x70]  }
0x49: {  	v13 =	vadd.f32 v17, v13;
	v12 =	vadd.f32 v12, v14;
	v14 =	vshll.u32 v11, $0x10;
	v16 =	vld [tilespmem:s11+$0x90];
	s11 =	smov.u32 s13  }
0x4a: {  	v17 =	vld [tilespmem:s13+$0x60];
	v6 =	vadd.f32 v6, v8;
	v7 =	vadd.f32 v7, v9;
	v8 =	vand.u32 $0xFFFF0000, v11  }
0x4b: {  	v9 =	vld [tilespmem:s13+$0x40];
	v11 =	vadd.f32 v14, v13;
	v8 =	vadd.f32 v8, v12;
	v12 =	vshll.u32 v10, $0x10  }
0x4c: {  	v13 =	vld [tilespmem:s13+$0x20];
	v4 =	vadd.f32 v4, v6;
	v5 =	vadd.f32 v5, v7;
	v6 =	vand.u32 $0xFFFF0000, v10  }
0x4d: {  	v10 =	vld [tilespmem:s13+$0x0];
	v7 =	vadd.f32 v12, v11;
	v6 =	vadd.f32 v6, v8;
	v8 =	vshll.u32 v15, $0x10  }
0x4e: {  	v11 =	vld [tilespmem:s13+$0xFFFFFFE0];
	v2 =	vadd.f32 v2, v4;
	v3 =	vadd.f32 v3, v5;
	v4 =	vand.u32 $0xFFFF0000, v15  }
0x4f: {  	v12 =	vld [tilespmem:s13+$0xFFFFFFC0];
	v5 =	vadd.f32 v8, v7;
	v4 =	vadd.f32 v4, v6;
	v6 =	vshll.u32 v16, $0x10  }
0x50: {  	v14 =	vld [tilespmem:s13+$0xFFFFFFA0];
	v15 =	vadd.f32 v0, v2;
	v18 =	vadd.f32 v1, v3;
	v0 =	vand.u32 $0xFFFF0000, v16  }
0x51: {  	v16 =	vld [tilespmem:s13+$0xFFFFFF80];
	v20 =	vadd.f32 v6, v5;
	v21 =	vadd.f32 v0, v4  }
0x52: {  	v2 =	vshll.u32 v17, $0x10;
	v1 =	vand.u32 $0xFFFF0000, v19;
	v0 =	vshll.u32 v19, $0x10;
	v22 =	vld [tilespmem:s13+$0xFFFFFF60]  }
0x53: {  	v3 =	vand.u32 $0xFFFF0000, v17;
	v4 =	vshll.u32 v9, $0x10;
	v5 =	vand.u32 $0xFFFF0000, v9;
	v19 =	vld [tilespmem:s13+$0xFFFFFF70]  }
0x54: {  	s12 =	sadd.s32 $0xA, s12;
	v6 =	vshll.u32 v13, $0x10;
	v7 =	vand.u32 $0xFFFF0000, v13;
	v8 =	vshll.u32 v10, $0x10  }
0x55: {  	p0 =	slt.u32 s12, $0x5A;
	v9 =	vand.u32 $0xFFFF0000, v10;
	v23 =	vshll.u32 v11, $0x10;
	v24 =	vand.u32 $0xFFFF0000, v11;
	v13 =	vld [tilespmem:s13+$0xFFFFFF90]  }
0x56: {  	v11 =	vshll.u32 v12, $0x10;
	v17 =	vand.u32 $0xFFFF0000, v12;
	v10 =	vshll.u32 v14, $0x10  }
0x57: {  	v14 =	vand.u32 $0xFFFF0000, v14;
	v12 =	vshll.u32 v16, $0x10;
	v16 =	vand.u32 $0xFFFF0000, v16;
	v25 =	vld [tilespmem:s13+$0xFFFFFFB0]  }
0x58: {  	v26 =	vshll.u32 v22, $0x10;
	v22 =	vand.u32 $0xFFFF0000, v22;
	v27 =	vshll.u32 v19, $0x10  }
0x59: {  	v15 =	vadd.f32 v26, v15;
	v18 =	vadd.f32 v22, v18;
	v19 =	vand.u32 $0xFFFF0000, v19;
	v22 =	vld [tilespmem:s13+$0xFFFFFFD0]  }
0x5a: {  	v20 =	vadd.f32 v27, v20;
	v19 =	vadd.f32 v19, v21;
	v21 =	vshll.u32 v13, $0x10  }
0x5b: {  	v12 =	vadd.f32 v12, v15;
	v15 =	vadd.f32 v16, v18;
	v13 =	vand.u32 $0xFFFF0000, v13;
	v18 =	vld [tilespmem:s13+$0xFFFFFFF0]  }
0x5c: {  	v16 =	vadd.f32 v21, v20;
	v13 =	vadd.f32 v13, v19;
	v19 =	vshll.u32 v25, $0x10  }
.Ltmp2:
0x5d: {  	v10 =	vadd.f32 v10, v12;
	v14 =	vadd.f32 v14, v15;
	v15 =	vand.u32 $0xFFFF0000, v25;
	v12 =	vld [tilespmem:s13+$0x10];
	(pc) =	sbr.rel @p0 .LBB2_3-.Ltmp2, $4  }
0x5e: {  	v16 =	vadd.f32 v19, v16;
	v15 =	vadd.f32 v15, v13;
	v13 =	vshll.u32 v22, $0x10  }
0x5f: {  	v10 =	vadd.f32 v11, v10;
	v19 =	vadd.f32 v17, v14;
	v14 =	vand.u32 $0xFFFF0000, v22;
	v11 =	vld [tilespmem:s13+$0x30]  }
0x60: {  	v13 =	vadd.f32 v13, v16;
	v14 =	vadd.f32 v14, v15;
	v17 =	vshll.u32 v18, $0x10  }
0x61: {  	s13 =	sadd.s32 $0x140, s13;
	v15 =	vadd.f32 v23, v10;
	v16 =	vadd.f32 v24, v19;
	v18 =	vand.u32 $0xFFFF0000, v18;
	v10 =	vld [tilespmem:s11+$0x50]  }
0x62: {  	p0 =	seq.s32 s10, $0x1F  }
0x63: {  	s12 =	smul.u32 @!p0 $0xD00, s10;
	_ =	sdelay $0x1  }
0x64: {  	v19 =	vld [tilespmem:s11+$0x70];
	s12 =	sshra.s32 @!p0 s12, $0x2  }
0x65: {  	v20 =	vld [tilespmem:s11+$0x90];
	s13 =	simm.s32 @!p0 $0x64;
	s14 =	simm.s32 @!p0 $0x6800;
	s11 =	sadd.s32 @!p0 $0x340, s12  }
0x66: {  	[tilespmem:s14], [sflag:$0x1] =	stream.indirect.gather @!p0 [hbm4b:s3+s13], $0x20, s11, s13, $0xb8;
	[tilespmem:$0xEC00] =	vst v63  }
0x67: {  	v13 =	vadd.f32 v17, v13;
	v14 =	vadd.f32 v18, v14;
	v17 =	vshll.u32 v12, $0x10;
	_ =	swait.ge [sflag:s25], $0xC80  }
0x68: {  	v12 =	vand.u32 $0xFFFF0000, v12;
	v8 =	vadd.f32 v8, v15;
	v9 =	vadd.f32 v9, v16;
	[sflag:s25] =	ssyncset.done $0x0  }
0x69: {  	v13 =	vadd.f32 v17, v13;
	v12 =	vadd.f32 v12, v14;
	v14 =	vshll.u32 v11, $0x10;
	s11 =	simm.s32 $0x75B0;
	[sflag:s25] =	ssyncadd.s32 $0xFFFFF380  }
0x6a: {  	v6 =	vadd.f32 v6, v8;
	v7 =	vadd.f32 v7, v9;
	v8 =	vand.u32 $0xFFFF0000, v11;
	v15 =	vld [tilespmem:s11+$0xFFFFFFF0]  }
0x6b: {  	v11 =	vadd.f32 v14, v13;
	v8 =	vadd.f32 v8, v12;
	v12 =	vshll.u32 v10, $0x10;
	v9 =	vld [tilespmem:s11+$0xFFFFFFD0]  }
0x6c: {  	v4 =	vadd.f32 v4, v6;
	v5 =	vadd.f32 v5, v7;
	v6 =	vand.u32 $0xFFFF0000, v10;
	v13 =	vld [tilespmem:s11+$0xFFFFFFB0]  }
0x6d: {  	v7 =	vadd.f32 v12, v11;
	v6 =	vadd.f32 v6, v8;
	v8 =	vshll.u32 v19, $0x10;
	v10 =	vld [tilespmem:s11+$0xFFFFFF90]  }
0x6e: {  	v2 =	vadd.f32 v2, v4;
	v3 =	vadd.f32 v3, v5;
	v4 =	vand.u32 $0xFFFF0000, v19;
	v11 =	vld [tilespmem:s11+$0xFFFFFF70]  }
0x6f: {  	v5 =	vadd.f32 v8, v7;
	v4 =	vadd.f32 v4, v6;
	v6 =	vshll.u32 v20, $0x10;
	v22 =	vld [tilespmem:s11+$0xFFFFFED0]  }
0x70: {  	v12 =	vld [tilespmem:s11+$0xFFFFFF50];
	v16 =	vadd.f32 v0, v2;
	v17 =	vadd.f32 v1, v3;
	v0 =	vand.u32 $0xFFFF0000, v20  }
0x71: {  	v21 =	vld [tilespmem:s11+$0xFFFFFEF0];
	v19 =	vadd.f32 v6, v5;
	v20 =	vadd.f32 v0, v4;
	v2 =	vshll.u32 v9, $0x10  }
0x72: {  	v14 =	vld [tilespmem:s11+$0xFFFFFF30];
	v1 =	vshll.u32 v15, $0x10;
	v0 =	vand.u32 $0xFFFF0000, v15;
	v4 =	vshll.u32 v13, $0x10  }
0x73: {  	v18 =	vld [tilespmem:s11+$0xFFFFFF10];
	v5 =	vand.u32 $0xFFFF0000, v13;
	v3 =	vand.u32 $0xFFFF0000, v9;
	v8 =	vshll.u32 v11, $0x10  }
0x74: {  	v15 =	vld [tilespmem:s11+$0xFFFFFEE0];
	v7 =	vshll.u32 v10, $0x10;
	v6 =	vand.u32 $0xFFFF0000, v10;
	v26 =	vshll.u32 v22, $0x10  }
0x75: {  	v23 =	vshll.u32 v12, $0x10;
	v22 =	vand.u32 $0xFFFF0000, v22;
	v16 =	vadd.f32 v26, v16  }
0x76: {  	v10 =	vld [tilespmem:s11+$0xFFFFFF00];
	v24 =	vand.u32 $0xFFFF0000, v12;
	v12 =	vshll.u32 v21, $0x10;
	v17 =	vadd.f32 v22, v17  }
0x77: {  	v9 =	vand.u32 $0xFFFF0000, v11;
	v21 =	vand.u32 $0xFFFF0000, v21;
	v12 =	vadd.f32 v12, v16  }
0x78: {  	v25 =	vld [tilespmem:s11+$0xFFFFFF20];
	v11 =	vshll.u32 v18, $0x10;
	v13 =	vshll.u32 v14, $0x10;
	v16 =	vadd.f32 v21, v17  }
0x79: {  	v27 =	vshll.u32 v15, $0x10;
	v15 =	vand.u32 $0xFFFF0000, v15;
	v11 =	vadd.f32 v11, v12  }
0x7a: {  	v62 =	vld [tilespmem:s11+$0xFFFFFF40];
	v18 =	vand.u32 $0xFFFF0000, v18;
	v19 =	vadd.f32 v27, v19;
	v15 =	vadd.f32 v15, v20  }
0x7b: {  	v16 =	vadd.f32 v18, v16;
	v20 =	vshll.u32 v10, $0x10;
	v10 =	vand.u32 $0xFFFF0000, v10  }
0x7c: {  	v14 =	vand.u32 $0xFFFF0000, v14;
	v17 =	vadd.f32 v20, v19;
	v10 =	vadd.f32 v10, v15  }
0x7d: {  	v63 =	vld [tilespmem:s11+$0xFFFFFF60];
	v12 =	vand.u32 $0xFFFF0000, v25;
	v16 =	vadd.f32 v14, v16;
	v15 =	vshll.u32 v25, $0x10  }
0x7e: {  	v15 =	vadd.f32 v15, v17;
	v17 =	vadd.f32 v12, v10;
	v12 =	vld [tilespmem:s11+$0xFFFFFF80]  }
0x7f: {  	v18 =	vshll.u32 v62, $0x10  }
0x80: {  	v11 =	vadd.f32 v13, v11;
	v14 =	vand.u32 $0xFFFF0000, v62;
	v16 =	vadd.f32 v24, v16;
	v10 =	vld [tilespmem:s11+$0xFFFFFFA0]  }
0x81: {  	v13 =	vadd.f32 v18, v15;
	v14 =	vadd.f32 v14, v17  }
0x82: {  	s13 =	simm.s32 $0x0;
	s14 =	simm.s32 $0x76F0;
	v17 =	vshll.u32 v63, $0x10;
	v15 =	vadd.f32 v23, v11;
	v18 =	vand.u32 $0xFFFF0000, v63;
	v11 =	vld [tilespmem:s11+$0xFFFFFFC0]  }
.LBB2_5:
0x83: {  	v19 =	vld [tilespmem:s14+$0xFFFFFFF0];
	v13 =	vadd.f32 v17, v13;
	v14 =	vadd.f32 v18, v14;
	v17 =	vshll.u32 v12, $0x10  }
0x84: {  	v12 =	vand.u32 $0xFFFF0000, v12;
	v8 =	vadd.f32 v8, v15;
	v9 =	vadd.f32 v9, v16;
	v15 =	vld [tilespmem:s11+$0xFFFFFFE0]  }
0x85: {  	v13 =	vadd.f32 v17, v13;
	v12 =	vadd.f32 v12, v14;
	v14 =	vshll.u32 v10, $0x10;
	v16 =	vld [tilespmem:s11+$0x0];
	s11 =	smov.u32 s14  }
0x86: {  	v17 =	vld [tilespmem:s14+$0xFFFFFFD0];
	v7 =	vadd.f32 v7, v8;
	v6 =	vadd.f32 v6, v9;
	v8 =	vand.u32 $0xFFFF0000, v10  }
0x87: {  	v9 =	vld [tilespmem:s14+$0xFFFFFFB0];
	v10 =	vadd.f32 v14, v13;
	v8 =	vadd.f32 v8, v12;
	v12 =	vshll.u32 v11, $0x10  }
0x88: {  	v13 =	vld [tilespmem:s14+$0xFFFFFF90];
	v4 =	vadd.f32 v4, v7;
	v5 =	vadd.f32 v5, v6;
	v6 =	vand.u32 $0xFFFF0000, v11  }
0x89: {  	v11 =	vld [tilespmem:s14+$0xFFFFFF70];
	v7 =	vadd.f32 v12, v10;
	v6 =	vadd.f32 v6, v8;
	v8 =	vshll.u32 v15, $0x10  }
0x8a: {  	v10 =	vld [tilespmem:s14+$0xFFFFFF50];
	v2 =	vadd.f32 v2, v4;
	v3 =	vadd.f32 v3, v5;
	v4 =	vand.u32 $0xFFFF0000, v15  }
0x8b: {  	v12 =	vld [tilespmem:s14+$0xFFFFFF30];
	v5 =	vadd.f32 v8, v7;
	v4 =	vadd.f32 v4, v6;
	v6 =	vshll.u32 v16, $0x10  }
0x8c: {  	v14 =	vld [tilespmem:s14+$0xFFFFFF10];
	v15 =	vadd.f32 v1, v2;
	v18 =	vadd.f32 v0, v3;
	v0 =	vand.u32 $0xFFFF0000, v16  }
0x8d: {  	v16 =	vld [tilespmem:s14+$0xFFFFFEF0];
	v20 =	vadd.f32 v6, v5;
	v21 =	vadd.f32 v0, v4  }
0x8e: {  	v2 =	vshll.u32 v17, $0x10;
	v1 =	vshll.u32 v19, $0x10;
	v0 =	vand.u32 $0xFFFF0000, v19;
	v22 =	vld [tilespmem:s14+$0xFFFFFED0]  }
0x8f: {  	v3 =	vand.u32 $0xFFFF0000, v17;
	v4 =	vshll.u32 v9, $0x10;
	v5 =	vand.u32 $0xFFFF0000, v9;
	v19 =	vld [tilespmem:s14+$0xFFFFFEE0]  }
0x90: {  	s13 =	sadd.s32 $0xA, s13;
	v7 =	vshll.u32 v13, $0x10;
	v6 =	vand.u32 $0xFFFF0000, v13;
	v8 =	vshll.u32 v11, $0x10  }
0x91: {  	p1 =	slt.u32 s13, $0x5A;
	v9 =	vand.u32 $0xFFFF0000, v11;
	v23 =	vshll.u32 v10, $0x10;
	v24 =	vand.u32 $0xFFFF0000, v10;
	v13 =	vld [tilespmem:s14+$0xFFFFFF00]  }
0x92: {  	v11 =	vshll.u32 v12, $0x10;
	v17 =	vand.u32 $0xFFFF0000, v12;
	v10 =	vshll.u32 v14, $0x10  }
0x93: {  	v14 =	vand.u32 $0xFFFF0000, v14;
	v12 =	vshll.u32 v16, $0x10;
	v16 =	vand.u32 $0xFFFF0000, v16;
	v25 =	vld [tilespmem:s14+$0xFFFFFF20]  }
0x94: {  	v26 =	vshll.u32 v22, $0x10;
	v22 =	vand.u32 $0xFFFF0000, v22;
	v27 =	vshll.u32 v19, $0x10  }
0x95: {  	v15 =	vadd.f32 v26, v15;
	v18 =	vadd.f32 v22, v18;
	v19 =	vand.u32 $0xFFFF0000, v19;
	v22 =	vld [tilespmem:s14+$0xFFFFFF40]  }
0x96: {  	v20 =	vadd.f32 v27, v20;
	v19 =	vadd.f32 v19, v21;
	v21 =	vshll.u32 v13, $0x10  }
0x97: {  	v12 =	vadd.f32 v12, v15;
	v15 =	vadd.f32 v16, v18;
	v13 =	vand.u32 $0xFFFF0000, v13;
	v18 =	vld [tilespmem:s14+$0xFFFFFF60]  }
0x98: {  	v16 =	vadd.f32 v21, v20;
	v13 =	vadd.f32 v13, v19;
	v19 =	vshll.u32 v25, $0x10  }
.Ltmp3:
0x99: {  	v10 =	vadd.f32 v10, v12;
	v14 =	vadd.f32 v14, v15;
	v15 =	vand.u32 $0xFFFF0000, v25;
	v12 =	vld [tilespmem:s14+$0xFFFFFF80];
	(pc) =	sbr.rel @p1 .LBB2_5-.Ltmp3, $4  }
0x9a: {  	v16 =	vadd.f32 v19, v16;
	v15 =	vadd.f32 v15, v13;
	v13 =	vshll.u32 v22, $0x10  }
0x9b: {  	v11 =	vadd.f32 v11, v10;
	v19 =	vadd.f32 v17, v14;
	v14 =	vand.u32 $0xFFFF0000, v22;
	v10 =	vld [tilespmem:s14+$0xFFFFFFA0]  }
0x9c: {  	v13 =	vadd.f32 v13, v16;
	v14 =	vadd.f32 v14, v15;
	v17 =	vshll.u32 v18, $0x10  }
0x9d: {  	s14 =	sadd.s32 $0x140, s14;
	v15 =	vadd.f32 v23, v11;
	v16 =	vadd.f32 v24, v19;
	v18 =	vand.u32 $0xFFFF0000, v18;
	v11 =	vld [tilespmem:s11+$0xFFFFFFC0]  }
0x9e: {  	_ = 	snop  }
0x9f: {  	v13 =	vadd.f32 v17, v13;
	v8 =	vadd.f32 v8, v15  }
0xa0: {  	v14 =	vadd.f32 v18, v14;
	v17 =	vshll.u32 v12, $0x10;
	v9 =	vadd.f32 v9, v16  }
0xa1: {  	v12 =	vand.u32 $0xFFFF0000, v12;
	v15 =	vld [tilespmem:s11+$0xFFFFFFE0];
	v13 =	vadd.f32 v17, v13;
	v7 =	vadd.f32 v7, v8  }
0xa2: {  	v12 =	vadd.f32 v12, v14;
	v14 =	vshll.u32 v10, $0x10;
	v6 =	vadd.f32 v6, v9  }
0xa3: {  	v8 =	vld [tilespmem:s11+$0x0];
	v9 =	vand.u32 $0xFFFF0000, v10;
	v10 =	vadd.f32 v14, v13;
	v4 =	vadd.f32 v4, v7  }
0xa4: {  	v9 =	vadd.f32 v9, v12;
	v12 =	vshll.u32 v11, $0x10;
	v5 =	vadd.f32 v5, v6  }
0xa5: {  	s13 =	simm.s32 @!p0 $0x64;
	v6 =	vand.u32 $0xFFFF0000, v11;
	v7 =	vadd.f32 v12, v10;
	v2 =	vadd.f32 v2, v4  }
0xa6: {  	s14 =	simm.s32 @!p0 $0x7480;
	s15 =	sshll.u32 s10, $0x8;
	s11 =	sadd.s32 @!p0 $0x3A8, s12;
	v6 =	vadd.f32 v6, v9;
	v9 =	vshll.u32 v15, $0x10;
	v3 =	vadd.f32 v3, v5  }
0xa7: {  	[tilespmem:s14], [sflag:$0x2] =	stream.indirect.gather @!p0 [hbm4b:s3+s13], $0x20, s11, s13, $0xb8;
	v5 =	vand.u32 $0xFFFF0000, v15;
	v4 =	vadd.f32 v9, v7;
	v1 =	vadd.f32 v1, v2;
	[tilespmem:$0xEC00] =	vst v63  }
0xa8: {  	s11 =	sand.u32 $0x3FFFFF00, s15;
	v7 =	vshll.u32 v8, $0x10;
	v2 =	vadd.f32 v5, v6;
	v0 =	vadd.f32 v0, v3  }
0xa9: {  	v3 =	vand.u32 $0xFFFF0000, v8;
	v4 =	vadd.f32 v7, v4;
	[tilespmem:s11+$0xCC00] =	vst v1  }
0xaa: {  	v1 =	vadd.f32 v3, v2;
	[tilespmem:s11+$0xCC20] =	vst v0  }
0xab: {  	[tilespmem:s11+$0xCC10] =	vst v4  }
0xac: {  	[tilespmem:s11+$0xCC30] =	vst v1  }
0xad: {  	_ =	swait.ge [sflag:s26], $0xC80  }
0xae: {  	[sflag:s26] =	ssyncset.done $0x0  }
0xaf: {  	s13 =	simm.s32 $0x8230;
	[sflag:s26] =	ssyncadd.s32 $0xFFFFF380  }
0xb0: {  	v1 =	vld [tilespmem:s13+$0xFFFFFFF0]  }
0xb1: {  	v3 =	vld [tilespmem:s13+$0xFFFFFFD0]  }
0xb2: {  	v5 =	vld [tilespmem:s13+$0xFFFFFFB0]  }
0xb3: {  	v7 =	vld [tilespmem:s13+$0xFFFFFF90]  }
0xb4: {  	v9 =	vld [tilespmem:s13+$0xFFFFFF70]  }
0xb5: {  	v10 =	vld [tilespmem:s13+$0xFFFFFF50]  }
0xb6: {  	v12 =	vld [tilespmem:s13+$0xFFFFFF10]  }
0xb7: {  	v14 =	vld [tilespmem:s13+$0xFFFFFEF0]  }
0xb8: {  	v13 =	vimm.f32 $0.0e+00;
	v15 =	vld [tilespmem:s13+$0xFFFFFED0]  }
0xb9: {  	v16 =	vld [tilespmem:s13+$0xFFFFFEE0];
	v2 =	vshll.u32 v3, $0x10;
	v0 =	vshll.u32 v1, $0x10;
	v1 =	vand.u32 $0xFFFF0000, v1  }
0xba: {  	v4 =	vshll.u32 v5, $0x10;
	v5 =	vand.u32 $0xFFFF0000, v5;
	v3 =	vand.u32 $0xFFFF0000, v3  }
0xbb: {  	v17 =	vld [tilespmem:s13+$0xFFFFFF00];
	v8 =	vshll.u32 v9, $0x10;
	v6 =	vshll.u32 v7, $0x10;
	v7 =	vand.u32 $0xFFFF0000, v7  }
0xbc: {  	v18 =	vshll.u32 v10, $0x10;
	v10 =	vand.u32 $0xFFFF0000, v10;
	v19 =	vshll.u32 v12, $0x10  }
0xbd: {  	v22 =	vld [tilespmem:s13+$0xFFFFFF20];
	v21 =	vshll.u32 v14, $0x10;
	v14 =	vand.u32 $0xFFFF0000, v14;
	v12 =	vand.u32 $0xFFFF0000, v12  }
0xbe: {  	v23 =	vshll.u32 v15, $0x10;
	v15 =	vand.u32 $0xFFFF0000, v15;
	v24 =	vshll.u32 v16, $0x10  }
0xbf: {  	v11 =	vld [tilespmem:s13+$0xFFFFFF30];
	v16 =	vand.u32 $0xFFFF0000, v16;
	v23 =	vadd.f32 v23, v13;
	v15 =	vadd.f32 v15, v13  }
0xc0: {  	v25 =	vld [tilespmem:s13+$0xFFFFFF40];
	v24 =	vadd.f32 v24, v13;
	v13 =	vadd.f32 v16, v13;
	v16 =	vshll.u32 v17, $0x10  }
0xc1: {  	v21 =	vadd.f32 v21, v23;
	v14 =	vadd.f32 v14, v15;
	v15 =	vand.u32 $0xFFFF0000, v17  }
0xc2: {  	v63 =	vld [tilespmem:s13+$0xFFFFFF60];
	v16 =	vadd.f32 v16, v24;
	v13 =	vadd.f32 v15, v13;
	v15 =	vshll.u32 v22, $0x10  }
0xc3: {  	v17 =	vadd.f32 v19, v21;
	v14 =	vadd.f32 v12, v14;
	v12 =	vand.u32 $0xFFFF0000, v22  }
0xc4: {  	v9 =	vand.u32 $0xFFFF0000, v9;
	v15 =	vadd.f32 v15, v16;
	v16 =	vadd.f32 v12, v13;
	v12 =	vld [tilespmem:s13+$0xFFFFFF80]  }
0xc5: {  	v20 =	vshll.u32 v11, $0x10;
	v11 =	vand.u32 $0xFFFF0000, v11;
	v13 =	vshll.u32 v25, $0x10  }
0xc6: {  	v19 =	vadd.f32 v20, v17;
	v20 =	vadd.f32 v11, v14;
	v14 =	vand.u32 $0xFFFF0000, v25;
	v11 =	vld [tilespmem:s13+$0xFFFFFFA0]  }
0xc7: {  	v13 =	vadd.f32 v13, v15;
	v17 =	vshll.u32 v63, $0x10;
	v14 =	vadd.f32 v14, v16  }
0xc8: {  	s14 =	simm.s32 $0x0;
	s15 =	simm.s32 $0x8370;
	v15 =	vadd.f32 v18, v19;
	v16 =	vadd.f32 v10, v20;
	v18 =	vand.u32 $0xFFFF0000, v63;
	v10 =	vld [tilespmem:s13+$0xFFFFFFC0]  }
.LBB2_7:
0xc9: {  	v19 =	vld [tilespmem:s15+$0xFFFFFFF0];
	v13 =	vadd.f32 v17, v13;
	v14 =	vadd.f32 v18, v14;
	v17 =	vshll.u32 v12, $0x10  }
0xca: {  	v12 =	vand.u32 $0xFFFF0000, v12;
	v8 =	vadd.f32 v8, v15;
	v9 =	vadd.f32 v9, v16;
	v15 =	vld [tilespmem:s13+$0xFFFFFFE0]  }
0xcb: {  	v13 =	vadd.f32 v17, v13;
	v12 =	vadd.f32 v12, v14;
	v14 =	vshll.u32 v11, $0x10;
	v16 =	vld [tilespmem:s13+$0x0];
	s13 =	smov.u32 s15  }
0xcc: {  	v17 =	vld [tilespmem:s15+$0xFFFFFFD0];
	v6 =	vadd.f32 v6, v8;
	v7 =	vadd.f32 v7, v9;
	v8 =	vand.u32 $0xFFFF0000, v11  }
0xcd: {  	v9 =	vld [tilespmem:s15+$0xFFFFFFB0];
	v11 =	vadd.f32 v14, v13;
	v8 =	vadd.f32 v8, v12;
	v12 =	vshll.u32 v10, $0x10  }
0xce: {  	v13 =	vld [tilespmem:s15+$0xFFFFFF90];
	v4 =	vadd.f32 v4, v6;
	v5 =	vadd.f32 v5, v7;
	v6 =	vand.u32 $0xFFFF0000, v10  }
0xcf: {  	v10 =	vld [tilespmem:s15+$0xFFFFFF70];
	v7 =	vadd.f32 v12, v11;
	v6 =	vadd.f32 v6, v8;
	v8 =	vshll.u32 v15, $0x10  }
0xd0: {  	v11 =	vld [tilespmem:s15+$0xFFFFFF50];
	v2 =	vadd.f32 v2, v4;
	v3 =	vadd.f32 v3, v5;
	v4 =	vand.u32 $0xFFFF0000, v15  }
0xd1: {  	v12 =	vld [tilespmem:s15+$0xFFFFFF30];
	v5 =	vadd.f32 v8, v7;
	v4 =	vadd.f32 v4, v6;
	v6 =	vshll.u32 v16, $0x10  }
0xd2: {  	v14 =	vld [tilespmem:s15+$0xFFFFFF10];
	v15 =	vadd.f32 v0, v2;
	v18 =	vadd.f32 v1, v3;
	v0 =	vand.u32 $0xFFFF0000, v16  }
0xd3: {  	v16 =	vld [tilespmem:s15+$0xFFFFFEF0];
	v20 =	vadd.f32 v6, v5;
	v21 =	vadd.f32 v0, v4  }
0xd4: {  	v2 =	vshll.u32 v17, $0x10;
	v1 =	vand.u32 $0xFFFF0000, v19;
	v0 =	vshll.u32 v19, $0x10;
	v22 =	vld [tilespmem:s15+$0xFFFFFED0]  }
0xd5: {  	v3 =	vand.u32 $0xFFFF0000, v17;
	v4 =	vshll.u32 v9, $0x10;
	v5 =	vand.u32 $0xFFFF0000, v9;
	v19 =	vld [tilespmem:s15+$0xFFFFFEE0]  }
0xd6: {  	s14 =	sadd.s32 $0xA, s14;
	v6 =	vshll.u32 v13, $0x10;
	v7 =	vand.u32 $0xFFFF0000, v13;
	v8 =	vshll.u32 v10, $0x10  }
0xd7: {  	p1 =	slt.u32 s14, $0x5A;
	v9 =	vand.u32 $0xFFFF0000, v10;
	v23 =	vshll.u32 v11, $0x10;
	v24 =	vand.u32 $0xFFFF0000, v11;
	v13 =	vld [tilespmem:s15+$0xFFFFFF00]  }
0xd8: {  	v11 =	vshll.u32 v12, $0x10;
	v17 =	vand.u32 $0xFFFF0000, v12;
	v10 =	vshll.u32 v14, $0x10  }
0xd9: {  	v14 =	vand.u32 $0xFFFF0000, v14;
	v12 =	vshll.u32 v16, $0x10;
	v16 =	vand.u32 $0xFFFF0000, v16;
	v25 =	vld [tilespmem:s15+$0xFFFFFF20]  }
0xda: {  	v26 =	vshll.u32 v22, $0x10;
	v22 =	vand.u32 $0xFFFF0000, v22;
	v27 =	vshll.u32 v19, $0x10  }
0xdb: {  	v15 =	vadd.f32 v26, v15;
	v18 =	vadd.f32 v22, v18;
	v19 =	vand.u32 $0xFFFF0000, v19;
	v22 =	vld [tilespmem:s15+$0xFFFFFF40]  }
0xdc: {  	v20 =	vadd.f32 v27, v20;
	v19 =	vadd.f32 v19, v21;
	v21 =	vshll.u32 v13, $0x10  }
0xdd: {  	v12 =	vadd.f32 v12, v15;
	v15 =	vadd.f32 v16, v18;
	v13 =	vand.u32 $0xFFFF0000, v13;
	v18 =	vld [tilespmem:s15+$0xFFFFFF60]  }
0xde: {  	v16 =	vadd.f32 v21, v20;
	v13 =	vadd.f32 v13, v19;
	v19 =	vshll.u32 v25, $0x10  }
.Ltmp4:
0xdf: {  	v10 =	vadd.f32 v10, v12;
	v14 =	vadd.f32 v14, v15;
	v15 =	vand.u32 $0xFFFF0000, v25;
	v12 =	vld [tilespmem:s15+$0xFFFFFF80];
	(pc) =	sbr.rel @p1 .LBB2_7-.Ltmp4, $4  }
0xe0: {  	v16 =	vadd.f32 v19, v16;
	v15 =	vadd.f32 v15, v13;
	v13 =	vshll.u32 v22, $0x10  }
0xe1: {  	v10 =	vadd.f32 v11, v10;
	v19 =	vadd.f32 v17, v14;
	v14 =	vand.u32 $0xFFFF0000, v22;
	v11 =	vld [tilespmem:s15+$0xFFFFFFA0]  }
0xe2: {  	v13 =	vadd.f32 v13, v16;
	v14 =	vadd.f32 v14, v15;
	v17 =	vshll.u32 v18, $0x10  }
0xe3: {  	s15 =	sadd.s32 $0x140, s15;
	v15 =	vadd.f32 v23, v10;
	v16 =	vadd.f32 v24, v19;
	v18 =	vand.u32 $0xFFFF0000, v18;
	v10 =	vld [tilespmem:s13+$0xFFFFFFC0]  }
0xe4: {  	v19 =	vld [tilespmem:s13+$0xFFFFFFE0]  }
0xe5: {  	v20 =	vld [tilespmem:s13+$0x0];
	s13 =	sadd.s32 @!p0 $0x410, s12;
	s14 =	simm.s32 @!p0 $0x64;
	s15 =	simm.s32 @!p0 $0x8100  }
0xe6: {  	[tilespmem:s15], [sflag:$0x3] =	stream.indirect.gather @!p0 [hbm4b:s3+s14], $0x20, s13, s14, $0xb8;
	[tilespmem:$0xEC00] =	vst v63  }
0xe7: {  	v13 =	vadd.f32 v17, v13;
	v14 =	vadd.f32 v18, v14;
	v17 =	vshll.u32 v12, $0x10;
	_ =	swait.ge [sflag:s28], $0xC80  }
0xe8: {  	v12 =	vand.u32 $0xFFFF0000, v12;
	v8 =	vadd.f32 v8, v15;
	v9 =	vadd.f32 v9, v16;
	[sflag:s28] =	ssyncset.done $0x0  }
0xe9: {  	s13 =	simm.s32 $0x8EB0;
	v13 =	vadd.f32 v17, v13;
	v12 =	vadd.f32 v12, v14;
	v14 =	vshll.u32 v11, $0x10;
	[sflag:s28] =	ssyncadd.s32 $0xFFFFF380  }
0xea: {  	v6 =	vadd.f32 v6, v8;
	v7 =	vadd.f32 v7, v9;
	v8 =	vand.u32 $0xFFFF0000, v11;
	v15 =	vld [tilespmem:s13+$0xFFFFFFF0]  }
0xeb: {  	v11 =	vadd.f32 v14, v13;
	v8 =	vadd.f32 v8, v12;
	v12 =	vshll.u32 v10, $0x10;
	v9 =	vld [tilespmem:s13+$0xFFFFFFD0]  }
0xec: {  	v13 =	vld [tilespmem:s13+$0xFFFFFFB0];
	v4 =	vadd.f32 v4, v6;
	v5 =	vadd.f32 v5, v7;
	v6 =	vand.u32 $0xFFFF0000, v10  }
0xed: {  	v10 =	vld [tilespmem:s13+$0xFFFFFF90];
	v7 =	vadd.f32 v12, v11;
	v6 =	vadd.f32 v6, v8;
	v8 =	vshll.u32 v19, $0x10  }
0xee: {  	v14 =	vld [tilespmem:s13+$0xFFFFFF30];
	v2 =	vadd.f32 v2, v4;
	v3 =	vadd.f32 v3, v5;
	v4 =	vand.u32 $0xFFFF0000, v19  }
0xef: {  	v22 =	vld [tilespmem:s13+$0xFFFFFED0];
	v5 =	vadd.f32 v8, v7;
	v4 =	vadd.f32 v4, v6;
	v6 =	vshll.u32 v20, $0x10  }
0xf0: {  	v12 =	vld [tilespmem:s13+$0xFFFFFF50];
	v16 =	vadd.f32 v0, v2;
	v17 =	vadd.f32 v1, v3;
	v0 =	vand.u32 $0xFFFF0000, v20  }
0xf1: {  	v21 =	vld [tilespmem:s13+$0xFFFFFEF0];
	v19 =	vadd.f32 v6, v5;
	v20 =	vadd.f32 v0, v4;
	v2 =	vshll.u32 v9, $0x10  }
0xf2: {  	v11 =	vld [tilespmem:s13+$0xFFFFFF70];
	v1 =	vshll.u32 v15, $0x10;
	v0 =	vand.u32 $0xFFFF0000, v15;
	v4 =	vshll.u32 v13, $0x10  }
0xf3: {  	v18 =	vld [tilespmem:s13+$0xFFFFFF10];
	v5 =	vand.u32 $0xFFFF0000, v13;
	v3 =	vand.u32 $0xFFFF0000, v9;
	v7 =	vshll.u32 v10, $0x10  }
0xf4: {  	v15 =	vld [tilespmem:s13+$0xFFFFFEE0];
	v6 =	vand.u32 $0xFFFF0000, v10;
	v13 =	vshll.u32 v14, $0x10;
	v26 =	vshll.u32 v22, $0x10  }
0xf5: {  	v22 =	vand.u32 $0xFFFF0000, v22;
	v23 =	vshll.u32 v12, $0x10;
	v16 =	vadd.f32 v26, v16  }
0xf6: {  	v10 =	vld [tilespmem:s13+$0xFFFFFF00];
	v24 =	vand.u32 $0xFFFF0000, v12;
	v12 =	vshll.u32 v21, $0x10;
	v17 =	vadd.f32 v22, v17  }
0xf7: {  	v8 =	vshll.u32 v11, $0x10;
	v21 =	vand.u32 $0xFFFF0000, v21;
	v12 =	vadd.f32 v12, v16  }
0xf8: {  	v25 =	vld [tilespmem:s13+$0xFFFFFF20];
	v9 =	vand.u32 $0xFFFF0000, v11;
	v11 =	vshll.u32 v18, $0x10;
	v16 =	vadd.f32 v21, v17  }
0xf9: {  	v27 =	vshll.u32 v15, $0x10;
	v15 =	vand.u32 $0xFFFF0000, v15;
	v11 =	vadd.f32 v11, v12  }
0xfa: {  	v62 =	vld [tilespmem:s13+$0xFFFFFF40];
	v18 =	vand.u32 $0xFFFF0000, v18;
	v19 =	vadd.f32 v27, v19;
	v15 =	vadd.f32 v15, v20  }
0xfb: {  	v16 =	vadd.f32 v18, v16;
	v20 =	vshll.u32 v10, $0x10;
	v10 =	vand.u32 $0xFFFF0000, v10  }
0xfc: {  	v14 =	vand.u32 $0xFFFF0000, v14;
	v17 =	vadd.f32 v20, v19;
	v10 =	vadd.f32 v10, v15  }
0xfd: {  	v63 =	vld [tilespmem:s13+$0xFFFFFF60];
	v12 =	vand.u32 $0xFFFF0000, v25;
	v16 =	vadd.f32 v14, v16;
	v15 =	vshll.u32 v25, $0x10  }
0xfe: {  	v15 =	vadd.f32 v15, v17;
	v17 =	vadd.f32 v12, v10;
	v12 =	vld [tilespmem:s13+$0xFFFFFF80]  }
0xff: {  	v18 =	vshll.u32 v62, $0x10  }
0x100: {  	v11 =	vadd.f32 v13, v11;
	v14 =	vand.u32 $0xFFFF0000, v62;
	v16 =	vadd.f32 v24, v16;
	v10 =	vld [tilespmem:s13+$0xFFFFFFA0]  }
0x101: {  	v13 =	vadd.f32 v18, v15;
	v14 =	vadd.f32 v14, v17  }
0x102: {  	s14 =	simm.s32 $0x0;
	s15 =	simm.s32 $0x8FF0;
	v17 =	vshll.u32 v63, $0x10;
	v15 =	vadd.f32 v23, v11;
	v18 =	vand.u32 $0xFFFF0000, v63;
	v11 =	vld [tilespmem:s13+$0xFFFFFFC0]  }
.LBB2_9:
0x103: {  	v19 =	vld [tilespmem:s15+$0xFFFFFFF0];
	v13 =	vadd.f32 v17, v13;
	v14 =	vadd.f32 v18, v14;
	v17 =	vshll.u32 v12, $0x10  }
0x104: {  	v12 =	vand.u32 $0xFFFF0000, v12;
	v8 =	vadd.f32 v8, v15;
	v9 =	vadd.f32 v9, v16;
	v15 =	vld [tilespmem:s13+$0xFFFFFFE0]  }
0x105: {  	v13 =	vadd.f32 v17, v13;
	v12 =	vadd.f32 v12, v14;
	v14 =	vshll.u32 v10, $0x10;
	v16 =	vld [tilespmem:s13+$0x0];
	s13 =	smov.u32 s15  }
0x106: {  	v17 =	vld [tilespmem:s15+$0xFFFFFFD0];
	v7 =	vadd.f32 v7, v8;
	v6 =	vadd.f32 v6, v9;
	v8 =	vand.u32 $0xFFFF0000, v10  }
0x107: {  	v9 =	vld [tilespmem:s15+$0xFFFFFFB0];
	v10 =	vadd.f32 v14, v13;
	v8 =	vadd.f32 v8, v12;
	v12 =	vshll.u32 v11, $0x10  }
0x108: {  	v13 =	vld [tilespmem:s15+$0xFFFFFF90];
	v4 =	vadd.f32 v4, v7;
	v5 =	vadd.f32 v5, v6;
	v6 =	vand.u32 $0xFFFF0000, v11  }
0x109: {  	v11 =	vld [tilespmem:s15+$0xFFFFFF70];
	v7 =	vadd.f32 v12, v10;
	v6 =	vadd.f32 v6, v8;
	v8 =	vshll.u32 v15, $0x10  }
0x10a: {  	v10 =	vld [tilespmem:s15+$0xFFFFFF50];
	v2 =	vadd.f32 v2, v4;
	v3 =	vadd.f32 v3, v5;
	v4 =	vand.u32 $0xFFFF0000, v15  }
0x10b: {  	v12 =	vld [tilespmem:s15+$0xFFFFFF30];
	v5 =	vadd.f32 v8, v7;
	v4 =	vadd.f32 v4, v6;
	v6 =	vshll.u32 v16, $0x10  }
0x10c: {  	v14 =	vld [tilespmem:s15+$0xFFFFFF10];
	v15 =	vadd.f32 v1, v2;
	v18 =	vadd.f32 v0, v3;
	v0 =	vand.u32 $0xFFFF0000, v16  }
0x10d: {  	v16 =	vld [tilespmem:s15+$0xFFFFFEF0];
	v20 =	vadd.f32 v6, v5;
	v21 =	vadd.f32 v0, v4  }
0x10e: {  	v2 =	vshll.u32 v17, $0x10;
	v1 =	vshll.u32 v19, $0x10;
	v0 =	vand.u32 $0xFFFF0000, v19;
	v22 =	vld [tilespmem:s15+$0xFFFFFED0]  }
0x10f: {  	v3 =	vand.u32 $0xFFFF0000, v17;
	v4 =	vshll.u32 v9, $0x10;
	v5 =	vand.u32 $0xFFFF0000, v9;
	v19 =	vld [tilespmem:s15+$0xFFFFFEE0]  }
0x110: {  	s14 =	sadd.s32 $0xA, s14;
	v7 =	vshll.u32 v13, $0x10;
	v6 =	vand.u32 $0xFFFF0000, v13;
	v8 =	vshll.u32 v11, $0x10  }
0x111: {  	p1 =	slt.u32 s14, $0x5A;
	v9 =	vand.u32 $0xFFFF0000, v11;
	v23 =	vshll.u32 v10, $0x10;
	v24 =	vand.u32 $0xFFFF0000, v10;
	v13 =	vld [tilespmem:s15+$0xFFFFFF00]  }
0x112: {  	v11 =	vshll.u32 v12, $0x10;
	v17 =	vand.u32 $0xFFFF0000, v12;
	v10 =	vshll.u32 v14, $0x10  }
0x113: {  	v14 =	vand.u32 $0xFFFF0000, v14;
	v12 =	vshll.u32 v16, $0x10;
	v16 =	vand.u32 $0xFFFF0000, v16;
	v25 =	vld [tilespmem:s15+$0xFFFFFF20]  }
0x114: {  	v26 =	vshll.u32 v22, $0x10;
	v22 =	vand.u32 $0xFFFF0000, v22;
	v27 =	vshll.u32 v19, $0x10  }
0x115: {  	v15 =	vadd.f32 v26, v15;
	v18 =	vadd.f32 v22, v18;
	v19 =	vand.u32 $0xFFFF0000, v19;
	v22 =	vld [tilespmem:s15+$0xFFFFFF40]  }
0x116: {  	v20 =	vadd.f32 v27, v20;
	v19 =	vadd.f32 v19, v21;
	v21 =	vshll.u32 v13, $0x10  }
0x117: {  	v12 =	vadd.f32 v12, v15;
	v15 =	vadd.f32 v16, v18;
	v13 =	vand.u32 $0xFFFF0000, v13;
	v18 =	vld [tilespmem:s15+$0xFFFFFF60]  }
0x118: {  	v16 =	vadd.f32 v21, v20;
	v13 =	vadd.f32 v13, v19;
	v19 =	vshll.u32 v25, $0x10  }
.Ltmp5:
0x119: {  	v10 =	vadd.f32 v10, v12;
	v14 =	vadd.f32 v14, v15;
	v15 =	vand.u32 $0xFFFF0000, v25;
	v12 =	vld [tilespmem:s15+$0xFFFFFF80];
	(pc) =	sbr.rel @p1 .LBB2_9-.Ltmp5, $4  }
0x11a: {  	v16 =	vadd.f32 v19, v16;
	v15 =	vadd.f32 v15, v13;
	v13 =	vshll.u32 v22, $0x10  }
0x11b: {  	v11 =	vadd.f32 v11, v10;
	v19 =	vadd.f32 v17, v14;
	v14 =	vand.u32 $0xFFFF0000, v22;
	v10 =	vld [tilespmem:s15+$0xFFFFFFA0]  }
0x11c: {  	v13 =	vadd.f32 v13, v16;
	v14 =	vadd.f32 v14, v15;
	v17 =	vshll.u32 v18, $0x10  }
0x11d: {  	s15 =	sadd.s32 $0x140, s15;
	v15 =	vadd.f32 v23, v11;
	v16 =	vadd.f32 v24, v19;
	v18 =	vand.u32 $0xFFFF0000, v18;
	v11 =	vld [tilespmem:s13+$0xFFFFFFC0]  }
0x11e: {  	_ = 	snop  }
0x11f: {  	v13 =	vadd.f32 v17, v13;
	v8 =	vadd.f32 v8, v15  }
0x120: {  	v14 =	vadd.f32 v18, v14;
	v17 =	vshll.u32 v12, $0x10;
	v9 =	vadd.f32 v9, v16  }
0x121: {  	v12 =	vand.u32 $0xFFFF0000, v12;
	v15 =	vld [tilespmem:s13+$0xFFFFFFE0];
	v13 =	vadd.f32 v17, v13;
	v7 =	vadd.f32 v7, v8  }
0x122: {  	v12 =	vadd.f32 v12, v14;
	v14 =	vshll.u32 v10, $0x10;
	v6 =	vadd.f32 v6, v9  }
0x123: {  	v8 =	vld [tilespmem:s13+$0x0];
	v9 =	vand.u32 $0xFFFF0000, v10;
	v10 =	vadd.f32 v14, v13;
	v4 =	vadd.f32 v4, v7  }
0x124: {  	v9 =	vadd.f32 v9, v12;
	v12 =	vshll.u32 v11, $0x10;
	v5 =	vadd.f32 v5, v6  }
0x125: {  	v6 =	vand.u32 $0xFFFF0000, v11;
	v7 =	vadd.f32 v12, v10;
	v2 =	vadd.f32 v2, v4  }
0x126: {  	v6 =	vadd.f32 v6, v9;
	v9 =	vshll.u32 v15, $0x10;
	v3 =	vadd.f32 v3, v5  }
0x127: {  	s14 =	simm.s32 @!p0 $0x64;
	s15 =	simm.s32 @!p0 $0x8D80;
	s13 =	sadd.s32 @!p0 $0x478, s12;
	v5 =	vand.u32 $0xFFFF0000, v15;
	v4 =	vadd.f32 v9, v7;
	v1 =	vadd.f32 v1, v2  }
0x128: {  	[tilespmem:s15], [sflag:$0x4] =	stream.indirect.gather @!p0 [hbm4b:s3+s14], $0x20, s13, s14, $0xb8;
	v7 =	vshll.u32 v8, $0x10;
	v2 =	vadd.f32 v5, v6;
	v0 =	vadd.f32 v0, v3;
	[tilespmem:$0xEC00] =	vst v63  }
0x129: {  	v3 =	vand.u32 $0xFFFF0000, v8;
	v4 =	vadd.f32 v7, v4;
	[tilespmem:s11+$0xCC40] =	vst v1  }
0x12a: {  	v1 =	vadd.f32 v3, v2;
	[tilespmem:s11+$0xCC60] =	vst v0  }
0x12b: {  	[tilespmem:s11+$0xCC50] =	vst v4  }
0x12c: {  	[tilespmem:s11+$0xCC70] =	vst v1  }
0x12d: {  	_ =	swait.ge [sflag:s29], $0xC80  }
0x12e: {  	[sflag:s29] =	ssyncset.done $0x0  }
0x12f: {  	s13 =	simm.s32 $0x9B30;
	[sflag:s29] =	ssyncadd.s32 $0xFFFFF380  }
0x130: {  	v1 =	vld [tilespmem:s13+$0xFFFFFFF0]  }
0x131: {  	v3 =	vld [tilespmem:s13+$0xFFFFFFD0]  }
0x132: {  	v5 =	vld [tilespmem:s13+$0xFFFFFFB0]  }
0x133: {  	v7 =	vld [tilespmem:s13+$0xFFFFFF90]  }
0x134: {  	v9 =	vld [tilespmem:s13+$0xFFFFFF70]  }
0x135: {  	v10 =	vld [tilespmem:s13+$0xFFFFFF50]  }
0x136: {  	v12 =	vld [tilespmem:s13+$0xFFFFFF10]  }
0x137: {  	v14 =	vld [tilespmem:s13+$0xFFFFFEF0]  }
0x138: {  	v13 =	vimm.f32 $0.0e+00;
	v15 =	vld [tilespmem:s13+$0xFFFFFED0]  }
0x139: {  	v16 =	vld [tilespmem:s13+$0xFFFFFEE0];
	v2 =	vshll.u32 v3, $0x10;
	v0 =	vshll.u32 v1, $0x10;
	v1 =	vand.u32 $0xFFFF0000, v1  }
0x13a: {  	v4 =	vshll.u32 v5, $0x10;
	v5 =	vand.u32 $0xFFFF0000, v5;
	v3 =	vand.u32 $0xFFFF0000, v3  }
0x13b: {  	v17 =	vld [tilespmem:s13+$0xFFFFFF00];
	v8 =	vshll.u32 v9, $0x10;
	v6 =	vshll.u32 v7, $0x10;
	v7 =	vand.u32 $0xFFFF0000, v7  }
0x13c: {  	v18 =	vshll.u32 v10, $0x10;
	v10 =	vand.u32 $0xFFFF0000, v10;
	v19 =	vshll.u32 v12, $0x10  }
0x13d: {  	v22 =	vld [tilespmem:s13+$0xFFFFFF20];
	v21 =	vshll.u32 v14, $0x10;
	v14 =	vand.u32 $0xFFFF0000, v14;
	v12 =	vand.u32 $0xFFFF0000, v12  }
0x13e: {  	v23 =	vshll.u32 v15, $0x10;
	v15 =	vand.u32 $0xFFFF0000, v15;
	v24 =	vshll.u32 v16, $0x10  }
0x13f: {  	v11 =	vld [tilespmem:s13+$0xFFFFFF30];
	v16 =	vand.u32 $0xFFFF0000, v16;
	v23 =	vadd.f32 v23, v13;
	v15 =	vadd.f32 v15, v13  }
0x140: {  	v25 =	vld [tilespmem:s13+$0xFFFFFF40];
	v24 =	vadd.f32 v24, v13;
	v13 =	vadd.f32 v16, v13;
	v16 =	vshll.u32 v17, $0x10  }
0x141: {  	v21 =	vadd.f32 v21, v23;
	v14 =	vadd.f32 v14, v15;
	v15 =	vand.u32 $0xFFFF0000, v17  }
0x142: {  	v63 =	vld [tilespmem:s13+$0xFFFFFF60];
	v16 =	vadd.f32 v16, v24;
	v13 =	vadd.f32 v15, v13;
	v15 =	vshll.u32 v22, $0x10  }
0x143: {  	v17 =	vadd.f32 v19, v21;
	v14 =	vadd.f32 v12, v14;
	v12 =	vand.u32 $0xFFFF0000, v22  }
0x144: {  	v9 =	vand.u32 $0xFFFF0000, v9;
	v15 =	vadd.f32 v15, v16;
	v16 =	vadd.f32 v12, v13;
	v12 =	vld [tilespmem:s13+$0xFFFFFF80]  }
0x145: {  	v20 =	vshll.u32 v11, $0x10;
	v11 =	vand.u32 $0xFFFF0000, v11;
	v13 =	vshll.u32 v25, $0x10  }
0x146: {  	v19 =	vadd.f32 v20, v17;
	v20 =	vadd.f32 v11, v14;
	v14 =	vand.u32 $0xFFFF0000, v25;
	v11 =	vld [tilespmem:s13+$0xFFFFFFA0]  }
0x147: {  	v13 =	vadd.f32 v13, v15;
	v17 =	vshll.u32 v63, $0x10;
	v14 =	vadd.f32 v14, v16  }
0x148: {  	s14 =	simm.s32 $0x0;
	s15 =	simm.s32 $0x9C70;
	v15 =	vadd.f32 v18, v19;
	v16 =	vadd.f32 v10, v20;
	v18 =	vand.u32 $0xFFFF0000, v63;
	v10 =	vld [tilespmem:s13+$0xFFFFFFC0]  }
.LBB2_11:
0x149: {  	v19 =	vld [tilespmem:s15+$0xFFFFFFF0];
	v13 =	vadd.f32 v17, v13;
	v14 =	vadd.f32 v18, v14;
	v17 =	vshll.u32 v12, $0x10  }
0x14a: {  	v12 =	vand.u32 $0xFFFF0000, v12;
	v8 =	vadd.f32 v8, v15;
	v9 =	vadd.f32 v9, v16;
	v15 =	vld [tilespmem:s13+$0xFFFFFFE0]  }
0x14b: {  	v13 =	vadd.f32 v17, v13;
	v12 =	vadd.f32 v12, v14;
	v14 =	vshll.u32 v11, $0x10;
	v16 =	vld [tilespmem:s13+$0x0];
	s13 =	smov.u32 s15  }
0x14c: {  	v17 =	vld [tilespmem:s15+$0xFFFFFFD0];
	v6 =	vadd.f32 v6, v8;
	v7 =	vadd.f32 v7, v9;
	v8 =	vand.u32 $0xFFFF0000, v11  }
0x14d: {  	v9 =	vld [tilespmem:s15+$0xFFFFFFB0];
	v11 =	vadd.f32 v14, v13;
	v8 =	vadd.f32 v8, v12;
	v12 =	vshll.u32 v10, $0x10  }
0x14e: {  	v13 =	vld [tilespmem:s15+$0xFFFFFF90];
	v4 =	vadd.f32 v4, v6;
	v5 =	vadd.f32 v5, v7;
	v6 =	vand.u32 $0xFFFF0000, v10  }
0x14f: {  	v10 =	vld [tilespmem:s15+$0xFFFFFF70];
	v7 =	vadd.f32 v12, v11;
	v6 =	vadd.f32 v6, v8;
	v8 =	vshll.u32 v15, $0x10  }
0x150: {  	v11 =	vld [tilespmem:s15+$0xFFFFFF50];
	v2 =	vadd.f32 v2, v4;
	v3 =	vadd.f32 v3, v5;
	v4 =	vand.u32 $0xFFFF0000, v15  }
0x151: {  	v12 =	vld [tilespmem:s15+$0xFFFFFF30];
	v5 =	vadd.f32 v8, v7;
	v4 =	vadd.f32 v4, v6;
	v6 =	vshll.u32 v16, $0x10  }
0x152: {  	v14 =	vld [tilespmem:s15+$0xFFFFFF10];
	v15 =	vadd.f32 v0, v2;
	v18 =	vadd.f32 v1, v3;
	v0 =	vand.u32 $0xFFFF0000, v16  }
0x153: {  	v16 =	vld [tilespmem:s15+$0xFFFFFEF0];
	v20 =	vadd.f32 v6, v5;
	v21 =	vadd.f32 v0, v4  }
0x154: {  	v2 =	vshll.u32 v17, $0x10;
	v1 =	vand.u32 $0xFFFF0000, v19;
	v0 =	vshll.u32 v19, $0x10;
	v22 =	vld [tilespmem:s15+$0xFFFFFED0]  }
0x155: {  	v3 =	vand.u32 $0xFFFF0000, v17;
	v4 =	vshll.u32 v9, $0x10;
	v5 =	vand.u32 $0xFFFF0000, v9;
	v19 =	vld [tilespmem:s15+$0xFFFFFEE0]  }
0x156: {  	s14 =	sadd.s32 $0xA, s14;
	v6 =	vshll.u32 v13, $0x10;
	v7 =	vand.u32 $0xFFFF0000, v13;
	v8 =	vshll.u32 v10, $0x10  }
0x157: {  	p1 =	slt.u32 s14, $0x5A;
	v9 =	vand.u32 $0xFFFF0000, v10;
	v23 =	vshll.u32 v11, $0x10;
	v24 =	vand.u32 $0xFFFF0000, v11;
	v13 =	vld [tilespmem:s15+$0xFFFFFF00]  }
0x158: {  	v11 =	vshll.u32 v12, $0x10;
	v17 =	vand.u32 $0xFFFF0000, v12;
	v10 =	vshll.u32 v14, $0x10  }
0x159: {  	v14 =	vand.u32 $0xFFFF0000, v14;
	v12 =	vshll.u32 v16, $0x10;
	v16 =	vand.u32 $0xFFFF0000, v16;
	v25 =	vld [tilespmem:s15+$0xFFFFFF20]  }
0x15a: {  	v26 =	vshll.u32 v22, $0x10;
	v22 =	vand.u32 $0xFFFF0000, v22;
	v27 =	vshll.u32 v19, $0x10  }
0x15b: {  	v15 =	vadd.f32 v26, v15;
	v18 =	vadd.f32 v22, v18;
	v19 =	vand.u32 $0xFFFF0000, v19;
	v22 =	vld [tilespmem:s15+$0xFFFFFF40]  }
0x15c: {  	v20 =	vadd.f32 v27, v20;
	v19 =	vadd.f32 v19, v21;
	v21 =	vshll.u32 v13, $0x10  }
0x15d: {  	v12 =	vadd.f32 v12, v15;
	v15 =	vadd.f32 v16, v18;
	v13 =	vand.u32 $0xFFFF0000, v13;
	v18 =	vld [tilespmem:s15+$0xFFFFFF60]  }
0x15e: {  	v16 =	vadd.f32 v21, v20;
	v13 =	vadd.f32 v13, v19;
	v19 =	vshll.u32 v25, $0x10  }
.Ltmp6:
0x15f: {  	v10 =	vadd.f32 v10, v12;
	v14 =	vadd.f32 v14, v15;
	v15 =	vand.u32 $0xFFFF0000, v25;
	v12 =	vld [tilespmem:s15+$0xFFFFFF80];
	(pc) =	sbr.rel @p1 .LBB2_11-.Ltmp6, $4  }
0x160: {  	v16 =	vadd.f32 v19, v16;
	v15 =	vadd.f32 v15, v13;
	v13 =	vshll.u32 v22, $0x10  }
0x161: {  	v10 =	vadd.f32 v11, v10;
	v19 =	vadd.f32 v17, v14;
	v14 =	vand.u32 $0xFFFF0000, v22;
	v11 =	vld [tilespmem:s15+$0xFFFFFFA0]  }
0x162: {  	v13 =	vadd.f32 v13, v16;
	v14 =	vadd.f32 v14, v15;
	v17 =	vshll.u32 v18, $0x10  }
0x163: {  	s15 =	sadd.s32 $0x140, s15;
	v15 =	vadd.f32 v23, v10;
	v16 =	vadd.f32 v24, v19;
	v18 =	vand.u32 $0xFFFF0000, v18;
	v10 =	vld [tilespmem:s13+$0xFFFFFFC0]  }
0x164: {  	v19 =	vld [tilespmem:s13+$0xFFFFFFE0]  }
0x165: {  	v20 =	vld [tilespmem:s13+$0x0];
	s13 =	sadd.s32 @!p0 $0x4E0, s12;
	s14 =	simm.s32 @!p0 $0x64;
	s15 =	simm.s32 @!p0 $0x9A00  }
0x166: {  	[tilespmem:s15], [sflag:$0x5] =	stream.indirect.gather @!p0 [hbm4b:s3+s14], $0x20, s13, s14, $0xb8;
	[tilespmem:$0xEC00] =	vst v63  }
0x167: {  	v13 =	vadd.f32 v17, v13;
	v14 =	vadd.f32 v18, v14;
	v17 =	vshll.u32 v12, $0x10;
	_ =	swait.ge [sflag:s30], $0xC80  }
0x168: {  	v12 =	vand.u32 $0xFFFF0000, v12;
	v8 =	vadd.f32 v8, v15;
	v9 =	vadd.f32 v9, v16;
	[sflag:s30] =	ssyncset.done $0x0  }
0x169: {  	s13 =	simm.s32 $0xA7B0;
	v13 =	vadd.f32 v17, v13;
	v12 =	vadd.f32 v12, v14;
	v14 =	vshll.u32 v11, $0x10;
	[sflag:s30] =	ssyncadd.s32 $0xFFFFF380  }
0x16a: {  	v6 =	vadd.f32 v6, v8;
	v7 =	vadd.f32 v7, v9;
	v8 =	vand.u32 $0xFFFF0000, v11;
	v15 =	vld [tilespmem:s13+$0xFFFFFFF0]  }
0x16b: {  	v11 =	vadd.f32 v14, v13;
	v8 =	vadd.f32 v8, v12;
	v12 =	vshll.u32 v10, $0x10;
	v9 =	vld [tilespmem:s13+$0xFFFFFFD0]  }
0x16c: {  	v13 =	vld [tilespmem:s13+$0xFFFFFFB0];
	v4 =	vadd.f32 v4, v6;
	v5 =	vadd.f32 v5, v7;
	v6 =	vand.u32 $0xFFFF0000, v10  }
0x16d: {  	v10 =	vld [tilespmem:s13+$0xFFFFFF90];
	v7 =	vadd.f32 v12, v11;
	v6 =	vadd.f32 v6, v8;
	v8 =	vshll.u32 v19, $0x10  }
0x16e: {  	v14 =	vld [tilespmem:s13+$0xFFFFFF30];
	v2 =	vadd.f32 v2, v4;
	v3 =	vadd.f32 v3, v5;
	v4 =	vand.u32 $0xFFFF0000, v19  }
0x16f: {  	v22 =	vld [tilespmem:s13+$0xFFFFFED0];
	v5 =	vadd.f32 v8, v7;
	v4 =	vadd.f32 v4, v6;
	v6 =	vshll.u32 v20, $0x10  }
0x170: {  	v12 =	vld [tilespmem:s13+$0xFFFFFF50];
	v16 =	vadd.f32 v0, v2;
	v17 =	vadd.f32 v1, v3;
	v0 =	vand.u32 $0xFFFF0000, v20  }
0x171: {  	v21 =	vld [tilespmem:s13+$0xFFFFFEF0];
	v19 =	vadd.f32 v6, v5;
	v20 =	vadd.f32 v0, v4;
	v2 =	vshll.u32 v9, $0x10  }
0x172: {  	v11 =	vld [tilespmem:s13+$0xFFFFFF70];
	v1 =	vshll.u32 v15, $0x10;
	v0 =	vand.u32 $0xFFFF0000, v15;
	v4 =	vshll.u32 v13, $0x10  }
0x173: {  	v18 =	vld [tilespmem:s13+$0xFFFFFF10];
	v5 =	vand.u32 $0xFFFF0000, v13;
	v3 =	vand.u32 $0xFFFF0000, v9;
	v7 =	vshll.u32 v10, $0x10  }
0x174: {  	v15 =	vld [tilespmem:s13+$0xFFFFFEE0];
	v6 =	vand.u32 $0xFFFF0000, v10;
	v13 =	vshll.u32 v14, $0x10;
	v26 =	vshll.u32 v22, $0x10  }
0x175: {  	v22 =	vand.u32 $0xFFFF0000, v22;
	v23 =	vshll.u32 v12, $0x10;
	v16 =	vadd.f32 v26, v16  }
0x176: {  	v10 =	vld [tilespmem:s13+$0xFFFFFF00];
	v24 =	vand.u32 $0xFFFF0000, v12;
	v12 =	vshll.u32 v21, $0x10;
	v17 =	vadd.f32 v22, v17  }
0x177: {  	v8 =	vshll.u32 v11, $0x10;
	v21 =	vand.u32 $0xFFFF0000, v21;
	v12 =	vadd.f32 v12, v16  }
0x178: {  	v25 =	vld [tilespmem:s13+$0xFFFFFF20];
	v9 =	vand.u32 $0xFFFF0000, v11;
	v11 =	vshll.u32 v18, $0x10;
	v16 =	vadd.f32 v21, v17  }
0x179: {  	v27 =	vshll.u32 v15, $0x10;
	v15 =	vand.u32 $0xFFFF0000, v15;
	v11 =	vadd.f32 v11, v12  }
0x17a: {  	v62 =	vld [tilespmem:s13+$0xFFFFFF40];
	v18 =	vand.u32 $0xFFFF0000, v18;
	v19 =	vadd.f32 v27, v19;
	v15 =	vadd.f32 v15, v20  }
0x17b: {  	v16 =	vadd.f32 v18, v16;
	v20 =	vshll.u32 v10, $0x10;
	v10 =	vand.u32 $0xFFFF0000, v10  }
0x17c: {  	v14 =	vand.u32 $0xFFFF0000, v14;
	v17 =	vadd.f32 v20, v19;
	v10 =	vadd.f32 v10, v15  }
0x17d: {  	v63 =	vld [tilespmem:s13+$0xFFFFFF60];
	v12 =	vand.u32 $0xFFFF0000, v25;
	v16 =	vadd.f32 v14, v16;
	v15 =	vshll.u32 v25, $0x10  }
0x17e: {  	v15 =	vadd.f32 v15, v17;
	v17 =	vadd.f32 v12, v10;
	v12 =	vld [tilespmem:s13+$0xFFFFFF80]  }
0x17f: {  	v18 =	vshll.u32 v62, $0x10  }
0x180: {  	v11 =	vadd.f32 v13, v11;
	v14 =	vand.u32 $0xFFFF0000, v62;
	v16 =	vadd.f32 v24, v16;
	v10 =	vld [tilespmem:s13+$0xFFFFFFA0]  }
0x181: {  	v13 =	vadd.f32 v18, v15;
	v14 =	vadd.f32 v14, v17  }
0x182: {  	s14 =	simm.s32 $0x0;
	s15 =	simm.s32 $0xA8F0;
	v17 =	vshll.u32 v63, $0x10;
	v15 =	vadd.f32 v23, v11;
	v18 =	vand.u32 $0xFFFF0000, v63;
	v11 =	vld [tilespmem:s13+$0xFFFFFFC0]  }
.LBB2_13:
0x183: {  	v19 =	vld [tilespmem:s15+$0xFFFFFFF0];
	v13 =	vadd.f32 v17, v13;
	v14 =	vadd.f32 v18, v14;
	v17 =	vshll.u32 v12, $0x10  }
0x184: {  	v12 =	vand.u32 $0xFFFF0000, v12;
	v8 =	vadd.f32 v8, v15;
	v9 =	vadd.f32 v9, v16;
	v15 =	vld [tilespmem:s13+$0xFFFFFFE0]  }
0x185: {  	v13 =	vadd.f32 v17, v13;
	v12 =	vadd.f32 v12, v14;
	v14 =	vshll.u32 v10, $0x10;
	v16 =	vld [tilespmem:s13+$0x0];
	s13 =	smov.u32 s15  }
0x186: {  	v17 =	vld [tilespmem:s15+$0xFFFFFFD0];
	v7 =	vadd.f32 v7, v8;
	v6 =	vadd.f32 v6, v9;
	v8 =	vand.u32 $0xFFFF0000, v10  }
0x187: {  	v9 =	vld [tilespmem:s15+$0xFFFFFFB0];
	v10 =	vadd.f32 v14, v13;
	v8 =	vadd.f32 v8, v12;
	v12 =	vshll.u32 v11, $0x10  }
0x188: {  	v13 =	vld [tilespmem:s15+$0xFFFFFF90];
	v4 =	vadd.f32 v4, v7;
	v5 =	vadd.f32 v5, v6;
	v6 =	vand.u32 $0xFFFF0000, v11  }
0x189: {  	v11 =	vld [tilespmem:s15+$0xFFFFFF70];
	v7 =	vadd.f32 v12, v10;
	v6 =	vadd.f32 v6, v8;
	v8 =	vshll.u32 v15, $0x10  }
0x18a: {  	v10 =	vld [tilespmem:s15+$0xFFFFFF50];
	v2 =	vadd.f32 v2, v4;
	v3 =	vadd.f32 v3, v5;
	v4 =	vand.u32 $0xFFFF0000, v15  }
0x18b: {  	v12 =	vld [tilespmem:s15+$0xFFFFFF30];
	v5 =	vadd.f32 v8, v7;
	v4 =	vadd.f32 v4, v6;
	v6 =	vshll.u32 v16, $0x10  }
0x18c: {  	v14 =	vld [tilespmem:s15+$0xFFFFFF10];
	v15 =	vadd.f32 v1, v2;
	v18 =	vadd.f32 v0, v3;
	v0 =	vand.u32 $0xFFFF0000, v16  }
0x18d: {  	v16 =	vld [tilespmem:s15+$0xFFFFFEF0];
	v20 =	vadd.f32 v6, v5;
	v21 =	vadd.f32 v0, v4  }
0x18e: {  	v2 =	vshll.u32 v17, $0x10;
	v1 =	vshll.u32 v19, $0x10;
	v0 =	vand.u32 $0xFFFF0000, v19;
	v22 =	vld [tilespmem:s15+$0xFFFFFED0]  }
0x18f: {  	v3 =	vand.u32 $0xFFFF0000, v17;
	v4 =	vshll.u32 v9, $0x10;
	v5 =	vand.u32 $0xFFFF0000, v9;
	v19 =	vld [tilespmem:s15+$0xFFFFFEE0]  }
0x190: {  	s14 =	sadd.s32 $0xA, s14;
	v7 =	vshll.u32 v13, $0x10;
	v6 =	vand.u32 $0xFFFF0000, v13;
	v8 =	vshll.u32 v11, $0x10  }
0x191: {  	p1 =	slt.u32 s14, $0x5A;
	v9 =	vand.u32 $0xFFFF0000, v11;
	v23 =	vshll.u32 v10, $0x10;
	v24 =	vand.u32 $0xFFFF0000, v10;
	v13 =	vld [tilespmem:s15+$0xFFFFFF00]  }
0x192: {  	v11 =	vshll.u32 v12, $0x10;
	v17 =	vand.u32 $0xFFFF0000, v12;
	v10 =	vshll.u32 v14, $0x10  }
0x193: {  	v14 =	vand.u32 $0xFFFF0000, v14;
	v12 =	vshll.u32 v16, $0x10;
	v16 =	vand.u32 $0xFFFF0000, v16;
	v25 =	vld [tilespmem:s15+$0xFFFFFF20]  }
0x194: {  	v26 =	vshll.u32 v22, $0x10;
	v22 =	vand.u32 $0xFFFF0000, v22;
	v27 =	vshll.u32 v19, $0x10  }
0x195: {  	v15 =	vadd.f32 v26, v15;
	v18 =	vadd.f32 v22, v18;
	v19 =	vand.u32 $0xFFFF0000, v19;
	v22 =	vld [tilespmem:s15+$0xFFFFFF40]  }
0x196: {  	v20 =	vadd.f32 v27, v20;
	v19 =	vadd.f32 v19, v21;
	v21 =	vshll.u32 v13, $0x10  }
0x197: {  	v12 =	vadd.f32 v12, v15;
	v15 =	vadd.f32 v16, v18;
	v13 =	vand.u32 $0xFFFF0000, v13;
	v18 =	vld [tilespmem:s15+$0xFFFFFF60]  }
0x198: {  	v16 =	vadd.f32 v21, v20;
	v13 =	vadd.f32 v13, v19;
	v19 =	vshll.u32 v25, $0x10  }
.Ltmp7:
0x199: {  	v10 =	vadd.f32 v10, v12;
	v14 =	vadd.f32 v14, v15;
	v15 =	vand.u32 $0xFFFF0000, v25;
	v12 =	vld [tilespmem:s15+$0xFFFFFF80];
	(pc) =	sbr.rel @p1 .LBB2_13-.Ltmp7, $4  }
0x19a: {  	v16 =	vadd.f32 v19, v16;
	v15 =	vadd.f32 v15, v13;
	v13 =	vshll.u32 v22, $0x10  }
0x19b: {  	v11 =	vadd.f32 v11, v10;
	v19 =	vadd.f32 v17, v14;
	v14 =	vand.u32 $0xFFFF0000, v22;
	v10 =	vld [tilespmem:s15+$0xFFFFFFA0]  }
0x19c: {  	v13 =	vadd.f32 v13, v16;
	v14 =	vadd.f32 v14, v15;
	v17 =	vshll.u32 v18, $0x10  }
0x19d: {  	s15 =	sadd.s32 $0x140, s15;
	v15 =	vadd.f32 v23, v11;
	v16 =	vadd.f32 v24, v19;
	v18 =	vand.u32 $0xFFFF0000, v18;
	v11 =	vld [tilespmem:s13+$0xFFFFFFC0]  }
0x19e: {  	_ = 	snop  }
0x19f: {  	v13 =	vadd.f32 v17, v13;
	v8 =	vadd.f32 v8, v15  }
0x1a0: {  	v14 =	vadd.f32 v18, v14;
	v17 =	vshll.u32 v12, $0x10;
	v9 =	vadd.f32 v9, v16  }
0x1a1: {  	v12 =	vand.u32 $0xFFFF0000, v12;
	v15 =	vld [tilespmem:s13+$0xFFFFFFE0];
	v13 =	vadd.f32 v17, v13;
	v7 =	vadd.f32 v7, v8  }
0x1a2: {  	v12 =	vadd.f32 v12, v14;
	v14 =	vshll.u32 v10, $0x10;
	v6 =	vadd.f32 v6, v9  }
0x1a3: {  	v8 =	vld [tilespmem:s13+$0x0];
	v9 =	vand.u32 $0xFFFF0000, v10;
	v10 =	vadd.f32 v14, v13;
	v4 =	vadd.f32 v4, v7  }
0x1a4: {  	v9 =	vadd.f32 v9, v12;
	v12 =	vshll.u32 v11, $0x10;
	v5 =	vadd.f32 v5, v6  }
0x1a5: {  	v6 =	vand.u32 $0xFFFF0000, v11;
	v7 =	vadd.f32 v12, v10;
	v2 =	vadd.f32 v2, v4  }
0x1a6: {  	v6 =	vadd.f32 v6, v9;
	v9 =	vshll.u32 v15, $0x10;
	v3 =	vadd.f32 v3, v5  }
0x1a7: {  	s14 =	simm.s32 @!p0 $0x64;
	s15 =	simm.s32 @!p0 $0xA680;
	s13 =	sadd.s32 @!p0 $0x548, s12;
	v5 =	vand.u32 $0xFFFF0000, v15;
	v4 =	vadd.f32 v9, v7;
	v1 =	vadd.f32 v1, v2  }
0x1a8: {  	[tilespmem:s15], [sflag:$0x6] =	stream.indirect.gather @!p0 [hbm4b:s3+s14], $0x20, s13, s14, $0xb8;
	v7 =	vshll.u32 v8, $0x10;
	v2 =	vadd.f32 v5, v6;
	v0 =	vadd.f32 v0, v3;
	[tilespmem:$0xEC00] =	vst v63  }
0x1a9: {  	v3 =	vand.u32 $0xFFFF0000, v8;
	v4 =	vadd.f32 v7, v4;
	[tilespmem:s11+$0xCC80] =	vst v1  }
0x1aa: {  	v1 =	vadd.f32 v3, v2;
	[tilespmem:s11+$0xCCA0] =	vst v0  }
0x1ab: {  	[tilespmem:s11+$0xCC90] =	vst v4  }
0x1ac: {  	[tilespmem:s11+$0xCCB0] =	vst v1  }
0x1ad: {  	_ =	swait.ge [sflag:s31], $0xC80  }
0x1ae: {  	[sflag:s31] =	ssyncset.done $0x0  }
0x1af: {  	s13 =	simm.s32 $0xB300;
	[sflag:s31] =	ssyncadd.s32 $0xFFFFF380  }
0x1b0: {  	v1 =	vld [tilespmem:s13+$0x120]  }
0x1b1: {  	v3 =	vld [tilespmem:s13+$0x100]  }
0x1b2: {  	v5 =	vld [tilespmem:s13+$0xE0]  }
0x1b3: {  	v7 =	vld [tilespmem:s13+$0xC0]  }
0x1b4: {  	v9 =	vld [tilespmem:s13+$0xA0]  }
0x1b5: {  	v10 =	vld [tilespmem:s13+$0x80]  }
0x1b6: {  	v12 =	vld [tilespmem:s13+$0x40]  }
0x1b7: {  	v14 =	vld [tilespmem:s13+$0x20]  }
0x1b8: {  	v13 =	vimm.f32 $0.0e+00;
	v15 =	vld [tilespmem:s13+$0x0]  }
0x1b9: {  	v16 =	vld [tilespmem:s13+$0x10];
	v2 =	vshll.u32 v3, $0x10;
	v0 =	vshll.u32 v1, $0x10;
	v1 =	vand.u32 $0xFFFF0000, v1  }
0x1ba: {  	v4 =	vshll.u32 v5, $0x10;
	v5 =	vand.u32 $0xFFFF0000, v5;
	v3 =	vand.u32 $0xFFFF0000, v3  }
0x1bb: {  	v17 =	vld [tilespmem:s13+$0x30];
	v8 =	vshll.u32 v9, $0x10;
	v6 =	vshll.u32 v7, $0x10;
	v7 =	vand.u32 $0xFFFF0000, v7  }
0x1bc: {  	v18 =	vshll.u32 v10, $0x10;
	v10 =	vand.u32 $0xFFFF0000, v10;
	v19 =	vshll.u32 v12, $0x10  }
0x1bd: {  	v22 =	vld [tilespmem:s13+$0x50];
	v21 =	vshll.u32 v14, $0x10;
	v14 =	vand.u32 $0xFFFF0000, v14;
	v12 =	vand.u32 $0xFFFF0000, v12  }
0x1be: {  	v23 =	vshll.u32 v15, $0x10;
	v15 =	vand.u32 $0xFFFF0000, v15;
	v24 =	vshll.u32 v16, $0x10  }
0x1bf: {  	v11 =	vld [tilespmem:s13+$0x60];
	v16 =	vand.u32 $0xFFFF0000, v16;
	v23 =	vadd.f32 v23, v13;
	v15 =	vadd.f32 v15, v13  }
0x1c0: {  	v25 =	vld [tilespmem:s13+$0x70];
	v24 =	vadd.f32 v24, v13;
	v13 =	vadd.f32 v16, v13;
	v16 =	vshll.u32 v17, $0x10  }
0x1c1: {  	v21 =	vadd.f32 v21, v23;
	v14 =	vadd.f32 v14, v15;
	v15 =	vand.u32 $0xFFFF0000, v17  }
0x1c2: {  	v63 =	vld [tilespmem:s13+$0x90];
	v16 =	vadd.f32 v16, v24;
	v13 =	vadd.f32 v15, v13;
	v15 =	vshll.u32 v22, $0x10  }
0x1c3: {  	v17 =	vadd.f32 v19, v21;
	v14 =	vadd.f32 v12, v14;
	v12 =	vand.u32 $0xFFFF0000, v22  }
0x1c4: {  	v9 =	vand.u32 $0xFFFF0000, v9;
	v15 =	vadd.f32 v15, v16;
	v16 =	vadd.f32 v12, v13;
	v12 =	vld [tilespmem:s13+$0xB0]  }
0x1c5: {  	v20 =	vshll.u32 v11, $0x10;
	v11 =	vand.u32 $0xFFFF0000, v11;
	v13 =	vshll.u32 v25, $0x10  }
0x1c6: {  	v19 =	vadd.f32 v20, v17;
	v20 =	vadd.f32 v11, v14;
	v14 =	vand.u32 $0xFFFF0000, v25;
	v11 =	vld [tilespmem:s13+$0xD0]  }
0x1c7: {  	v13 =	vadd.f32 v13, v15;
	v17 =	vshll.u32 v63, $0x10;
	v14 =	vadd.f32 v14, v16  }
0x1c8: {  	s14 =	simm.s32 $0x0;
	s15 =	simm.s32 $0xB440;
	v15 =	vadd.f32 v18, v19;
	v16 =	vadd.f32 v10, v20;
	v18 =	vand.u32 $0xFFFF0000, v63;
	v10 =	vld [tilespmem:s13+$0xF0]  }
.LBB2_15:
0x1c9: {  	v19 =	vld [tilespmem:s15+$0x120];
	v13 =	vadd.f32 v17, v13;
	v14 =	vadd.f32 v18, v14;
	v17 =	vshll.u32 v12, $0x10  }
0x1ca: {  	v12 =	vand.u32 $0xFFFF0000, v12;
	v8 =	vadd.f32 v8, v15;
	v9 =	vadd.f32 v9, v16;
	v15 =	vld [tilespmem:s13+$0x110]  }
0x1cb: {  	v13 =	vadd.f32 v17, v13;
	v12 =	vadd.f32 v12, v14;
	v14 =	vshll.u32 v11, $0x10;
	v16 =	vld [tilespmem:s13+$0x130];
	s13 =	smov.u32 s15  }
0x1cc: {  	v17 =	vld [tilespmem:s15+$0x100];
	v6 =	vadd.f32 v6, v8;
	v7 =	vadd.f32 v7, v9;
	v8 =	vand.u32 $0xFFFF0000, v11  }
0x1cd: {  	v9 =	vld [tilespmem:s15+$0xE0];
	v11 =	vadd.f32 v14, v13;
	v8 =	vadd.f32 v8, v12;
	v12 =	vshll.u32 v10, $0x10  }
0x1ce: {  	v13 =	vld [tilespmem:s15+$0xC0];
	v4 =	vadd.f32 v4, v6;
	v5 =	vadd.f32 v5, v7;
	v6 =	vand.u32 $0xFFFF0000, v10  }
0x1cf: {  	v10 =	vld [tilespmem:s15+$0xA0];
	v7 =	vadd.f32 v12, v11;
	v6 =	vadd.f32 v6, v8;
	v8 =	vshll.u32 v15, $0x10  }
0x1d0: {  	v11 =	vld [tilespmem:s15+$0x80];
	v2 =	vadd.f32 v2, v4;
	v3 =	vadd.f32 v3, v5;
	v4 =	vand.u32 $0xFFFF0000, v15  }
0x1d1: {  	v12 =	vld [tilespmem:s15+$0x60];
	v5 =	vadd.f32 v8, v7;
	v4 =	vadd.f32 v4, v6;
	v6 =	vshll.u32 v16, $0x10  }
0x1d2: {  	v14 =	vld [tilespmem:s15+$0x40];
	v15 =	vadd.f32 v0, v2;
	v18 =	vadd.f32 v1, v3;
	v0 =	vand.u32 $0xFFFF0000, v16  }
0x1d3: {  	v16 =	vld [tilespmem:s15+$0x20];
	v20 =	vadd.f32 v6, v5;
	v21 =	vadd.f32 v0, v4  }
0x1d4: {  	v2 =	vshll.u32 v17, $0x10;
	v1 =	vand.u32 $0xFFFF0000, v19;
	v0 =	vshll.u32 v19, $0x10;
	v22 =	vld [tilespmem:s15+$0x0]  }
0x1d5: {  	v3 =	vand.u32 $0xFFFF0000, v17;
	v4 =	vshll.u32 v9, $0x10;
	v5 =	vand.u32 $0xFFFF0000, v9;
	v19 =	vld [tilespmem:s15+$0x10]  }
0x1d6: {  	s14 =	sadd.s32 $0xA, s14;
	v6 =	vshll.u32 v13, $0x10;
	v7 =	vand.u32 $0xFFFF0000, v13;
	v8 =	vshll.u32 v10, $0x10  }
0x1d7: {  	p1 =	slt.u32 s14, $0x5A;
	v9 =	vand.u32 $0xFFFF0000, v10;
	v23 =	vshll.u32 v11, $0x10;
	v24 =	vand.u32 $0xFFFF0000, v11;
	v13 =	vld [tilespmem:s15+$0x30]  }
0x1d8: {  	v11 =	vshll.u32 v12, $0x10;
	v17 =	vand.u32 $0xFFFF0000, v12;
	v10 =	vshll.u32 v14, $0x10  }
0x1d9: {  	v14 =	vand.u32 $0xFFFF0000, v14;
	v12 =	vshll.u32 v16, $0x10;
	v16 =	vand.u32 $0xFFFF0000, v16;
	v25 =	vld [tilespmem:s15+$0x50]  }
0x1da: {  	v26 =	vshll.u32 v22, $0x10;
	v22 =	vand.u32 $0xFFFF0000, v22;
	v27 =	vshll.u32 v19, $0x10  }
0x1db: {  	v15 =	vadd.f32 v26, v15;
	v18 =	vadd.f32 v22, v18;
	v19 =	vand.u32 $0xFFFF0000, v19;
	v22 =	vld [tilespmem:s15+$0x70]  }
0x1dc: {  	v20 =	vadd.f32 v27, v20;
	v19 =	vadd.f32 v19, v21;
	v21 =	vshll.u32 v13, $0x10  }
0x1dd: {  	v12 =	vadd.f32 v12, v15;
	v15 =	vadd.f32 v16, v18;
	v13 =	vand.u32 $0xFFFF0000, v13;
	v18 =	vld [tilespmem:s15+$0x90]  }
0x1de: {  	v16 =	vadd.f32 v21, v20;
	v13 =	vadd.f32 v13, v19;
	v19 =	vshll.u32 v25, $0x10  }
.Ltmp8:
0x1df: {  	v10 =	vadd.f32 v10, v12;
	v14 =	vadd.f32 v14, v15;
	v15 =	vand.u32 $0xFFFF0000, v25;
	v12 =	vld [tilespmem:s15+$0xB0];
	(pc) =	sbr.rel @p1 .LBB2_15-.Ltmp8, $4  }
0x1e0: {  	v16 =	vadd.f32 v19, v16;
	v15 =	vadd.f32 v15, v13;
	v13 =	vshll.u32 v22, $0x10  }
0x1e1: {  	v10 =	vadd.f32 v11, v10;
	v19 =	vadd.f32 v17, v14;
	v14 =	vand.u32 $0xFFFF0000, v22;
	v11 =	vld [tilespmem:s15+$0xD0]  }
0x1e2: {  	v13 =	vadd.f32 v13, v16;
	v14 =	vadd.f32 v14, v15;
	v17 =	vshll.u32 v18, $0x10  }
0x1e3: {  	s15 =	sadd.s32 $0x140, s15;
	v15 =	vadd.f32 v23, v10;
	v16 =	vadd.f32 v24, v19;
	v18 =	vand.u32 $0xFFFF0000, v18;
	v10 =	vld [tilespmem:s13+$0xF0]  }
0x1e4: {  	v19 =	vld [tilespmem:s13+$0x110]  }
0x1e5: {  	v20 =	vld [tilespmem:s13+$0x130];
	s12 =	sadd.s32 @!p0 $0x5B0, s12;
	s13 =	simm.s32 @!p0 $0x64;
	s14 =	simm.s32 @!p0 $0xB300  }
0x1e6: {  	[tilespmem:s14], [sflag:$0x7] =	stream.indirect.gather @!p0 [hbm4b:s3+s13], $0x20, s12, s13, $0xb8;
	[tilespmem:$0xEC00] =	vst v63  }
0x1e7: {  	v13 =	vadd.f32 v17, v13;
	v14 =	vadd.f32 v18, v14;
	v17 =	vshll.u32 v12, $0x10;
	_ =	swait.ge [sflag:s0], $0xC80  }
0x1e8: {  	v12 =	vand.u32 $0xFFFF0000, v12;
	v8 =	vadd.f32 v8, v15;
	v9 =	vadd.f32 v9, v16;
	[sflag:s0] =	ssyncset.done $0x0  }
0x1e9: {  	s12 =	simm.s32 $0xBF80;
	v13 =	vadd.f32 v17, v13;
	v12 =	vadd.f32 v12, v14;
	v14 =	vshll.u32 v11, $0x10;
	[sflag:s0] =	ssyncadd.s32 $0xFFFFF380  }
0x1ea: {  	v6 =	vadd.f32 v6, v8;
	v7 =	vadd.f32 v7, v9;
	v8 =	vand.u32 $0xFFFF0000, v11;
	v15 =	vld [tilespmem:s12+$0x120]  }
0x1eb: {  	v11 =	vadd.f32 v14, v13;
	v8 =	vadd.f32 v8, v12;
	v12 =	vshll.u32 v10, $0x10;
	v9 =	vld [tilespmem:s12+$0x100]  }
0x1ec: {  	v13 =	vld [tilespmem:s12+$0xE0];
	v4 =	vadd.f32 v4, v6;
	v5 =	vadd.f32 v5, v7;
	v6 =	vand.u32 $0xFFFF0000, v10  }
0x1ed: {  	v7 =	vld [tilespmem:s12+$0xC0];
	v10 =	vadd.f32 v12, v11;
	v6 =	vadd.f32 v6, v8;
	v8 =	vshll.u32 v19, $0x10  }
0x1ee: {  	v21 =	vld [tilespmem:s12+$0x0];
	v2 =	vadd.f32 v2, v4;
	v3 =	vadd.f32 v3, v5;
	v4 =	vand.u32 $0xFFFF0000, v19  }
0x1ef: {  	v11 =	vld [tilespmem:s12+$0xA0];
	v5 =	vadd.f32 v8, v10;
	v4 =	vadd.f32 v4, v6;
	v6 =	vshll.u32 v20, $0x10  }
0x1f0: {  	v12 =	vld [tilespmem:s12+$0x80];
	v14 =	vadd.f32 v0, v2;
	v16 =	vadd.f32 v1, v3;
	v0 =	vand.u32 $0xFFFF0000, v20  }
0x1f1: {  	v20 =	vld [tilespmem:s12+$0x20];
	v18 =	vadd.f32 v6, v5;
	v19 =	vadd.f32 v0, v4  }
0x1f2: {  	v2 =	vshll.u32 v9, $0x10;
	v0 =	vshll.u32 v15, $0x10;
	v1 =	vand.u32 $0xFFFF0000, v15;
	v15 =	vld [tilespmem:s12+$0x10]  }
0x1f3: {  	v4 =	vshll.u32 v13, $0x10;
	v5 =	vand.u32 $0xFFFF0000, v13;
	v3 =	vand.u32 $0xFFFF0000, v9  }
0x1f4: {  	v17 =	vld [tilespmem:s12+$0x40];
	v6 =	vshll.u32 v7, $0x10;
	v26 =	vshll.u32 v21, $0x10;
	v21 =	vand.u32 $0xFFFF0000, v21  }
0x1f5: {  	v13 =	vld [tilespmem:s12+$0x30];
	v8 =	vshll.u32 v11, $0x10;
	v22 =	vshll.u32 v12, $0x10;
	v23 =	vand.u32 $0xFFFF0000, v12  }
0x1f6: {  	v9 =	vand.u32 $0xFFFF0000, v11;
	v14 =	vadd.f32 v26, v14;
	v16 =	vadd.f32 v21, v16  }
0x1f7: {  	v25 =	vld [tilespmem:s12+$0x50];
	v12 =	vshll.u32 v20, $0x10;
	v20 =	vand.u32 $0xFFFF0000, v20;
	v27 =	vshll.u32 v15, $0x10  }
0x1f8: {  	v10 =	vld [tilespmem:s12+$0x60];
	v15 =	vand.u32 $0xFFFF0000, v15;
	v12 =	vadd.f32 v12, v14;
	v14 =	vadd.f32 v20, v16  }
0x1f9: {  	v11 =	vshll.u32 v17, $0x10;
	v18 =	vadd.f32 v27, v18;
	v15 =	vadd.f32 v15, v19  }
0x1fa: {  	v63 =	vld [tilespmem:s12+$0x70];
	v19 =	vshll.u32 v13, $0x10;
	v13 =	vand.u32 $0xFFFF0000, v13;
	v11 =	vadd.f32 v11, v12  }
0x1fb: {  	v17 =	vand.u32 $0xFFFF0000, v17;
	v20 =	vld [tilespmem:s12+$0x90];
	v16 =	vadd.f32 v19, v18;
	v13 =	vadd.f32 v13, v15  }
0x1fc: {  	v14 =	vadd.f32 v17, v14;
	v12 =	vand.u32 $0xFFFF0000, v25;
	v15 =	vshll.u32 v25, $0x10  }
0x1fd: {  	v24 =	vshll.u32 v10, $0x10;
	v15 =	vadd.f32 v15, v16;
	v16 =	vadd.f32 v12, v13;
	v12 =	vld [tilespmem:s12+$0xB0]  }
0x1fe: {  	v7 =	vand.u32 $0xFFFF0000, v7;
	v10 =	vand.u32 $0xFFFF0000, v10;
	v11 =	vadd.f32 v24, v11  }
0x1ff: {  	v18 =	vadd.f32 v10, v14;
	v14 =	vand.u32 $0xFFFF0000, v63;
	v10 =	vld [tilespmem:s12+$0xD0];
	v13 =	vshll.u32 v63, $0x10  }
0x200: {  	v17 =	vshll.u32 v20, $0x10;
	v13 =	vadd.f32 v13, v15;
	v14 =	vadd.f32 v14, v16  }
0x201: {  	s13 =	simm.s32 $0x0;
	s14 =	simm.s32 $0xC0C0;
	v15 =	vadd.f32 v22, v11;
	v16 =	vadd.f32 v23, v18;
	v18 =	vand.u32 $0xFFFF0000, v20;
	v11 =	vld [tilespmem:s12+$0xF0]  }
.LBB2_17:
0x202: {  	v19 =	vld [tilespmem:s14+$0x120];
	v13 =	vadd.f32 v17, v13;
	v14 =	vadd.f32 v18, v14;
	v17 =	vshll.u32 v12, $0x10  }
0x203: {  	v12 =	vand.u32 $0xFFFF0000, v12;
	v8 =	vadd.f32 v8, v15;
	v9 =	vadd.f32 v9, v16;
	v15 =	vld [tilespmem:s12+$0x110]  }
0x204: {  	v13 =	vadd.f32 v17, v13;
	v12 =	vadd.f32 v12, v14;
	v14 =	vshll.u32 v10, $0x10;
	v16 =	vld [tilespmem:s12+$0x130];
	s12 =	smov.u32 s14  }
0x205: {  	v17 =	vld [tilespmem:s14+$0x100];
	v6 =	vadd.f32 v6, v8;
	v7 =	vadd.f32 v7, v9;
	v8 =	vand.u32 $0xFFFF0000, v10  }
0x206: {  	v9 =	vld [tilespmem:s14+$0xE0];
	v10 =	vadd.f32 v14, v13;
	v8 =	vadd.f32 v8, v12;
	v12 =	vshll.u32 v11, $0x10  }
0x207: {  	v13 =	vld [tilespmem:s14+$0xC0];
	v4 =	vadd.f32 v4, v6;
	v5 =	vadd.f32 v5, v7;
	v6 =	vand.u32 $0xFFFF0000, v11  }
0x208: {  	v11 =	vld [tilespmem:s14+$0xA0];
	v7 =	vadd.f32 v12, v10;
	v6 =	vadd.f32 v6, v8;
	v8 =	vshll.u32 v15, $0x10  }
0x209: {  	v10 =	vld [tilespmem:s14+$0x80];
	v2 =	vadd.f32 v2, v4;
	v3 =	vadd.f32 v3, v5;
	v4 =	vand.u32 $0xFFFF0000, v15  }
0x20a: {  	v12 =	vld [tilespmem:s14+$0x60];
	v5 =	vadd.f32 v8, v7;
	v4 =	vadd.f32 v4, v6;
	v6 =	vshll.u32 v16, $0x10  }
0x20b: {  	v14 =	vld [tilespmem:s14+$0x40];
	v15 =	vadd.f32 v0, v2;
	v18 =	vadd.f32 v1, v3;
	v0 =	vand.u32 $0xFFFF0000, v16  }
0x20c: {  	v16 =	vld [tilespmem:s14+$0x20];
	v20 =	vadd.f32 v6, v5;
	v21 =	vadd.f32 v0, v4  }
0x20d: {  	v2 =	vshll.u32 v17, $0x10;
	v1 =	vand.u32 $0xFFFF0000, v19;
	v0 =	vshll.u32 v19, $0x10;
	v22 =	vld [tilespmem:s14+$0x0]  }
0x20e: {  	v3 =	vand.u32 $0xFFFF0000, v17;
	v4 =	vshll.u32 v9, $0x10;
	v5 =	vand.u32 $0xFFFF0000, v9;
	v19 =	vld [tilespmem:s14+$0x10]  }
0x20f: {  	s13 =	sadd.s32 $0xA, s13;
	v6 =	vshll.u32 v13, $0x10;
	v7 =	vand.u32 $0xFFFF0000, v13;
	v8 =	vshll.u32 v11, $0x10  }
0x210: {  	p1 =	slt.u32 s13, $0x5A;
	v9 =	vand.u32 $0xFFFF0000, v11;
	v23 =	vshll.u32 v10, $0x10;
	v24 =	vand.u32 $0xFFFF0000, v10;
	v13 =	vld [tilespmem:s14+$0x30]  }
0x211: {  	v11 =	vshll.u32 v12, $0x10;
	v17 =	vand.u32 $0xFFFF0000, v12;
	v10 =	vshll.u32 v14, $0x10  }
0x212: {  	v14 =	vand.u32 $0xFFFF0000, v14;
	v12 =	vshll.u32 v16, $0x10;
	v16 =	vand.u32 $0xFFFF0000, v16;
	v25 =	vld [tilespmem:s14+$0x50]  }
0x213: {  	v26 =	vshll.u32 v22, $0x10;
	v22 =	vand.u32 $0xFFFF0000, v22;
	v27 =	vshll.u32 v19, $0x10  }
0x214: {  	v15 =	vadd.f32 v26, v15;
	v18 =	vadd.f32 v22, v18;
	v19 =	vand.u32 $0xFFFF0000, v19;
	v22 =	vld [tilespmem:s14+$0x70]  }
0x215: {  	v20 =	vadd.f32 v27, v20;
	v19 =	vadd.f32 v19, v21;
	v21 =	vshll.u32 v13, $0x10  }
0x216: {  	v12 =	vadd.f32 v12, v15;
	v15 =	vadd.f32 v16, v18;
	v13 =	vand.u32 $0xFFFF0000, v13;
	v18 =	vld [tilespmem:s14+$0x90]  }
0x217: {  	v16 =	vadd.f32 v21, v20;
	v13 =	vadd.f32 v13, v19;
	v19 =	vshll.u32 v25, $0x10  }
.Ltmp9:
0x218: {  	v10 =	vadd.f32 v10, v12;
	v14 =	vadd.f32 v14, v15;
	v15 =	vand.u32 $0xFFFF0000, v25;
	v12 =	vld [tilespmem:s14+$0xB0];
	(pc) =	sbr.rel @p1 .LBB2_17-.Ltmp9, $4  }
0x219: {  	v16 =	vadd.f32 v19, v16;
	v15 =	vadd.f32 v15, v13;
	v13 =	vshll.u32 v22, $0x10  }
0x21a: {  	v11 =	vadd.f32 v11, v10;
	v19 =	vadd.f32 v17, v14;
	v14 =	vand.u32 $0xFFFF0000, v22;
	v10 =	vld [tilespmem:s14+$0xD0]  }
0x21b: {  	v13 =	vadd.f32 v13, v16;
	v14 =	vadd.f32 v14, v15;
	v17 =	vshll.u32 v18, $0x10  }
0x21c: {  	s14 =	sadd.s32 $0x140, s14;
	v15 =	vadd.f32 v23, v11;
	v16 =	vadd.f32 v24, v19;
	v18 =	vand.u32 $0xFFFF0000, v18;
	v11 =	vld [tilespmem:s12+$0xF0]  }
0x21d: {  	v13 =	vadd.f32 v17, v13;
	v14 =	vadd.f32 v18, v14;
	v52 =	vshll.u32 v12, $0x10  }
0x21e: {  	v53 =	vand.u32 $0xFFFF0000, v12;
	v54 =	vld [tilespmem:s12+$0x110];
	v8 =	vadd.f32 v8, v15;
	v9 =	vadd.f32 v9, v16  }
0x21f: {  	v13 =	vadd.f32 v52, v13;
	v12 =	vadd.f32 v53, v14;
	v55 =	vshll.u32 v10, $0x10  }
0x220: {  	v56 =	vld [tilespmem:s12+$0x130];
	v57 =	vand.u32 $0xFFFF0000, v10;
	v6 =	vadd.f32 v6, v8;
	v7 =	vadd.f32 v7, v9  }
0x221: {  	v58 =	vadd.f32 v55, v13;
	v8 =	vadd.f32 v57, v12;
	v59 =	vshll.u32 v11, $0x10  }
0x222: {  	v60 =	vand.u32 $0xFFFF0000, v11;
	v4 =	vadd.f32 v4, v6;
	v5 =	vadd.f32 v5, v7  }
.Ltmp10:
0x223: {  	v62 =	vshll.u32 v54, $0x10;
	v61 =	vadd.f32 v59, v58;
	v6 =	vadd.f32 v60, v8;
	(pc) =	sbr.rel @p0 .LBB2_20-.Ltmp10, $4  }
0x224: {  	v2 =	vadd.f32 v2, v4;
	v3 =	vadd.f32 v3, v5;
	v4 =	vand.u32 $0xFFFF0000, v54  }
0x225: {  	v63 =	vshll.u32 v56, $0x10;
	v5 =	vadd.f32 v62, v61;
	v4 =	vadd.f32 v4, v6  }
0x226: {  	v2 =	vadd.f32 v0, v2;
	v0 =	vadd.f32 v1, v3;
	v1 =	vand.u32 $0xFFFF0000, v56  }
0x227: {  	v3 =	vadd.f32 v63, v5;
	v1 =	vadd.f32 v1, v4  }
0x228: {  	s12 =	smul.u32 $0xD00, s10;
	_ =	sdelay $0x1  }
0x229: {  	s12 =	sshra.s32 s12, $0x2  }
0x22a: {  	s12 =	sadd.s32 $0x618, s12  }
0x22b: {  	[tilespmem:s23], [sflag:$0x8] =	stream.indirect.gather [hbm4b:s3+s8], $0x20, s12, s8, $0xb8;
	[tilespmem:$0xEC00] =	vst v63  }
.Ltmp11:
0x22c: {  	_ = 	snop;
	(pc) =	sbr.rel .LBB2_2-.Ltmp11, $4  }
0x22d: {  	[tilespmem:s11+$0xCCC0] =	vst v2  }
0x22e: {  	[tilespmem:s11+$0xCCD0] =	vst v3  }
0x22f: {  	[tilespmem:s11+$0xCCE0] =	vst v0  }
0x230: {  	s10 =	sadd.s32 $0x1, s10;
	[tilespmem:s11+$0xCCF0] =	vst v1  }
.LBB2_21:
0x231: {  	_ =	sfence.sel $0x180000  }
0x232: {  	[bflag:$0x0] =	sbarrier.arrive $0xFFFF  }
0x233: {  	_ =	strace $0x90000047  }
0x234: {  	s0 =	stileid.u32;
	[bflag:$0x2] =	sbarrier.arrive $0xFFFF  }
0x235: {  	p0 =	sne.s32 s0, $0x0;
	s0 =	rddreg [dreg:$0x2]  }
0x236: {  	s0 =	sadd.s32 @!p0 $0x100000, s0  }
0x237: {  	[sflag:s0] =	ssyncadd.tile.s32 @!p0 $0x1;
	_ =	shalt  }
.Lfunc_end2:
_tile_overlayer_lowered:
.L_overlay_start_2:
0x238: {  	(tag) =	ssettag $0x2  }
0x239: {  	s0 =	rddreg [dreg:$0x0];
	s2 =	stileid.u32  }
0x23a: {  	s1 =	rddreg [dreg:$0x1];
	p0 =	sne.s32 s2, $0x0  }
0x23b: {  	s3 =	rddreg [dreg:$0x2];
	[bflag:$0x3] =	sbarrier.arrive $0xFFFF;
	s2 =	simm.s32 @!p0 $0x1C09  }
0x23c: {  	[timem:s3], [sflag:s2] =	dma.local @!p0 [hbm:s0], s1  }
0x23d: {  	s0 =	simm.s32 @!p0 $0x9  }
0x23e: {  	_ =	swait.ge @!p0 [sflag:s0], s1  }
0x23f: {  	s1 =	ssub.s32 @!p0 $0x0, s1;
	[sflag:s0] =	ssyncset.done @!p0 $0x0  }
0x240: {  	[sflag:s0] =	ssyncadd.s32 @!p0 s1  }
0x241: {  	[bflag:$0x3] =	sbarrier.arrive $0xFFFF  }
0x242: {  	_ =	shalt  }

</sc_bundles>
